<compile_context>
chip_gen: v7x
topology: tpu7x:2x2x1
jax: 0.10.2.dev20260603
libtpu: 0.0.44.dev20260713+nightly
codegen_flags: <defaults>
</compile_context>

<pallas_src>
import jax
import jax.numpy as jnp
from jax import lax
from jax.experimental import pallas as pl
from jax.experimental.pallas import tpu as pltpu
from jax.experimental.pallas import tpu_sc as plsc

N = 10000
E = 320000
D = 128
D2 = 64
NP = 10112
G = 128
NC = 2
NS = 16
KG_PROP = 160
KG_DEG = 80
EP = NC * NS * KG_DEG * G
NGRP = EP // G
RPT = NP // NS

_mesh = plsc.VectorSubcoreMesh(core_axis_name="c", subcore_axis_name="s")
_sc_params = pltpu.CompilerParams(use_tc_tiling_on_sc=False)



def _deg_body(col_hbm, zeros_hbm, ones_hbm, out_hbm, cbuf, obuf, acc):
    c = lax.axis_index("c")
    s = lax.axis_index("s")
    w = s * NC + c
    pltpu.sync_copy(col_hbm.at[pl.ds(w * KG_DEG, KG_DEG)], cbuf)
    pltpu.sync_copy(ones_hbm, obuf)
    pltpu.sync_copy(zeros_hbm.at[pl.ds(s * RPT, RPT)], acc.at[pl.ds(s * RPT, RPT)])
    plsc.subcore_barrier()

    def step(g):
        pltpu.sync_copy(obuf, acc.at[cbuf.at[g]], add=True)

    lax.fori_loop(0, KG_DEG, lambda g, _: (step(g), 0)[1], 0)
    plsc.subcore_barrier()
    pltpu.sync_copy(acc.at[pl.ds(s * RPT, RPT)], out_hbm.at[c, pl.ds(s * RPT, RPT)])


_deg_call = pl.kernel(
    _deg_body,
    out_type=jax.ShapeDtypeStruct((NC, NP, 8), jnp.float32),
    mesh=_mesh,
    scratch_types=[
        pltpu.VMEM((KG_DEG, G), jnp.int32),
        pltpu.VMEM((G, 8), jnp.float32),
        pltpu.VMEM_SHARED((NP, 8), jnp.float32),
    ],
    compiler_params=_sc_params,
)


RING = 4


def _prop_body(u_hbm, row_hbm, col_hbm, out_hbm, rbuf, cbuf, gbuf, acc, sem):
    c = lax.axis_index("c")
    s = lax.axis_index("s")
    uc = u_hbm.at[c]
    pltpu.sync_copy(row_hbm.at[pl.ds(s * KG_PROP, KG_PROP)], rbuf)
    pltpu.sync_copy(col_hbm.at[pl.ds(s * KG_PROP, KG_PROP)], cbuf)
    pltpu.sync_copy(uc.at[pl.ds(s * RPT, RPT)], acc.at[pl.ds(s * RPT, RPT)])
    plsc.subcore_barrier()

    def _fire(b, g):
        pltpu.async_copy(uc.at[rbuf.at[g]], gbuf.at[b], sem.at[b])

    def _drain(b, g):
        pltpu.make_async_copy(uc.at[rbuf.at[g]], gbuf.at[b], sem.at[b]).wait()

    for b in range(RING):
        _fire(b, b)

    def outer(i, _):
        g0 = i * RING
        for b in range(RING):
            g = g0 + b
            _drain(b, g)
            pltpu.sync_copy(gbuf.at[b], acc.at[cbuf.at[g]], add=True)
            _fire(b, g + RING)
        return 0

    lax.fori_loop(0, KG_PROP // RING - 1, outer, 0)
    for b in range(RING):
        g = KG_PROP - RING + b
        _drain(b, g)
        pltpu.sync_copy(gbuf.at[b], acc.at[cbuf.at[g]], add=True)

    plsc.subcore_barrier()
    pltpu.sync_copy(acc.at[pl.ds(s * RPT, RPT)], out_hbm.at[c, pl.ds(s * RPT, RPT)])


_prop_call = pl.kernel(
    _prop_body,
    out_type=jax.ShapeDtypeStruct((NC, NP, D2), jnp.float32),
    mesh=_mesh,
    scratch_types=[
        pltpu.VMEM((KG_PROP, G), jnp.int32),
        pltpu.VMEM((KG_PROP, G), jnp.int32),
        pltpu.VMEM((RING, G, D2), jnp.float32),
        pltpu.VMEM_SHARED((NP, D2), jnp.float32),
        pltpu.SemaphoreType.DMA((RING,)),
    ],
    compiler_params=_sc_params,
)



def _pre_body(x_ref, dg_ref, u_ref, dinv_ref, dinv2_ref):
    deg = dg_ref[0, :, 0:1] + dg_ref[1, :, 0:1] + 1.0
    dinv = jnp.where(deg > 0, lax.rsqrt(deg), 0.0)
    dinv_ref[...] = dinv
    dinv2_ref[...] = dinv * dinv
    u = x_ref[...] * dinv[:N]
    u_ref[0, :N, :] = u[:, :D2]
    u_ref[1, :N, :] = u[:, D2:]
    u_ref[0, N:, :] = jnp.zeros((NP - N, D2), jnp.float32)
    u_ref[1, N:, :] = jnp.zeros((NP - N, D2), jnp.float32)


def _mid_body(v_ref, dinv2_ref, o_ref):
    o_ref[0] = v_ref[0] * dinv2_ref[...]
    o_ref[1] = v_ref[1] * dinv2_ref[...]


def _mm1_body(w_ref, dinv_ref, w1_ref, b1_ref, o_ref):
    full = jnp.concatenate([w_ref[0], w_ref[1]], axis=1)
    y = jnp.dot(full * dinv_ref[...], w1_ref[...],
                preferred_element_type=jnp.float32) + b1_ref[...]
    h = jnp.maximum(y, 0.0) * dinv_ref[...]
    o_ref[0] = h[:, :D2]
    o_ref[1] = h[:, D2:]


def _mm2_body(w_ref, dinv_ref, w2_ref, b2_ref, o_ref):
    full = jnp.concatenate([w_ref[0][:N], w_ref[1][:N]], axis=1)
    o_ref[...] = jnp.dot(full * dinv_ref[:N], w2_ref[...],
                         preferred_element_type=jnp.float32) + b2_ref[...]


_pre_call = pl.pallas_call(
    _pre_body,
    out_shape=[
        jax.ShapeDtypeStruct((NC, NP, D2), jnp.float32),
        jax.ShapeDtypeStruct((NP, 1), jnp.float32),
        jax.ShapeDtypeStruct((NP, 1), jnp.float32),
    ],
)

_mid_call = pl.pallas_call(
    _mid_body,
    out_shape=jax.ShapeDtypeStruct((NC, NP, D2), jnp.float32),
)

_mm1_call = pl.pallas_call(
    _mm1_body,
    out_shape=jax.ShapeDtypeStruct((NC, NP, D2), jnp.float32),
)

_mm2_call = pl.pallas_call(
    _mm2_body,
    out_shape=jax.ShapeDtypeStruct((N, D), jnp.float32),
)



@jax.jit
def kernel(x, edge_index, W1, b1, W2, b2):
    row = edge_index[0].astype(jnp.int32)
    col = edge_index[1].astype(jnp.int32)
    pad = EP - E
    rowp = jnp.concatenate([row, jnp.zeros((pad,), jnp.int32)])
    colp = jnp.concatenate([col, jnp.full((pad,), N, jnp.int32)])
    rowg = rowp.reshape(NGRP, G)
    colg = colp.reshape(NGRP, G)

    zeros16 = jnp.zeros((NP, 8), jnp.float32)
    ones16 = jnp.ones((G, 8), jnp.float32)

    deg16 = _deg_call(colg, zeros16, ones16)
    u, dinv, dinv2 = _pre_call(x, deg16)

    v1 = _prop_call(u, rowg, colg)
    u2 = _mid_call(v1, dinv2)
    w1 = _prop_call(u2, rowg, colg)
    u3 = _mm1_call(w1, dinv, W1, b1.reshape(1, D))
    v2 = _prop_call(u3, rowg, colg)
    u4 = _mid_call(v2, dinv2)
    w2 = _prop_call(u4, rowg, colg)
    return _mm2_call(w2, dinv, W2, b2.reshape(1, D))

# --- scband reference (transcript-rebuilt; emitter-appended) ---
"""Pipeline reference for scband-sgc-7327214207518 (READ-ONLY COPY).

The authoritative reference and input builder live on the scoring server;
editing this copy changes nothing except your own understanding.
"""

import jax, jax.numpy as jnp
import numpy as np

N_NODES = 10000
N_EDGES = 320000
D_IN = 128
D_HID = 128
K = 2


def _gcn_norm(edge_index, num_nodes):
    # PyG gcn_norm with add_self_loops=True, fill_value=1.0
    row, col = edge_index[0], edge_index[1]
    loop = jnp.arange(num_nodes, dtype=edge_index.dtype)
    row = jnp.concatenate([row, loop])
    col = jnp.concatenate([col, loop])
    edge_weight = jnp.ones(row.shape[0], dtype=jnp.float32)
    deg = jnp.zeros(num_nodes, dtype=jnp.float32).at[col].add(edge_weight)
    deg_inv_sqrt = jnp.where(deg > 0, deg ** -0.5, 0.0)
    norm = deg_inv_sqrt[row] * edge_weight * deg_inv_sqrt[col]
    return row, col, norm


def _sgconv(x, row, col, norm, W, b, K):
    # x_out = (D^-1/2 (A+I) D^-1/2)^K x, then linear
    num_nodes = x.shape[0]
    for _ in range(K):
        msg = norm[:, None] * x[row]
        x = jnp.zeros_like(x).at[col].add(msg)
    return x @ W + b


def setup_inputs(seed: int = 0) -> dict:
    key = jax.random.key(seed)
    k1, k2, k3, k4, k5 = jax.random.split(key, 5)
    x = jax.random.normal(k1, (N_NODES, D_IN), dtype=jnp.float32)
    edge_index = jax.random.randint(k2, (2, N_EDGES), 0, N_NODES, dtype=jnp.int64)
    W1 = jax.random.normal(k3, (D_IN, D_HID), dtype=jnp.float32) * (1.0 / np.sqrt(D_IN))
    b1 = jnp.zeros((D_HID,), dtype=jnp.float32)
    W2 = jax.random.normal(k4, (D_HID, D_HID), dtype=jnp.float32) * (1.0 / np.sqrt(D_HID))
    b2 = jnp.zeros((D_HID,), dtype=jnp.float32)
    return {"x": x, "edge_index": edge_index, "W1": W1, "b1": b1, "W2": W2, "b2": b2}


def reference(x, edge_index, W1, b1, W2, b2):
    row, col, norm = _gcn_norm(edge_index, x.shape[0])
    h = _sgconv(x, row, col, norm, W1, b1, K)
    h = jax.nn.relu(h)
    h = _sgconv(h, row, col, norm, W2, b2, K)
    return h

if __name__ == "__main__":
    import jax
    _d = setup_inputs()
    print(jax.jit(kernel)(*tuple(_d.values())))

</pallas_src>

<mosaic_0001>
#map = affine_map<(d0, d1) -> (0, 0, 0)>
#map1 = affine_map<(d0, d1) -> (0, 0)>
module attributes {stable_mosaic.version = 14 : i64} {
  func.func @_prop_body(%arg0: i32, %arg1: i32, %arg2: memref<2x10112x64xf32, #tpu.memory_space<hbm>>, %arg3: memref<2560x128xi32, #tpu.memory_space<hbm>>, %arg4: memref<2560x128xi32, #tpu.memory_space<hbm>>, %arg5: memref<2x10112x64xf32, #tpu.memory_space<hbm>>, %arg6: memref<160x128xi32, #tpu.memory_space<vmem>>, %arg7: memref<160x128xi32, #tpu.memory_space<vmem>>, %arg8: memref<4x128x64xf32, #tpu.memory_space<vmem>>, %arg9: memref<10112x64xf32, #tpu.memory_space<vmem_shared>>, %arg10: memref<4x!tpu.dma_semaphore, #tpu.memory_space<semaphore_mem>>) attributes {dimension_semantics = [#tpu.dimension_semantics<core_parallel>, #tpu.dimension_semantics<subcore_parallel>], iteration_bounds = array<i64: 2, 16>, scalar_prefetch = 0 : i64, scratch_operands = 5 : i64, tpu.core_type = #tpu.core_type<sc_vector_subcore>, window_params = [{transform_indices = #map}, {transform_indices = #map1}, {transform_indices = #map1}, {transform_indices = #map}]} {
    %mul3A = arith.constant 160 : i32
    %mul3A_0 = arith.muli %arg1, %mul3A : i32
    "tpu.region"() ({
      %run_scoped3A_175 = tpu.sem_alloc : memref<!tpu.dma_semaphore, #tpu.memory_space<semaphore_mem>>
      %dma_start3A_176 = arith.constant 0 : i32
      %dma_start3A_177 = tpu.memref_slice %arg3[%mul3A_0, %dma_start3A_176] : memref<2560x128xi32, #tpu.memory_space<hbm>> -> memref<160x128xi32, #tpu.memory_space<hbm>>
      %dma_start3A_178 = arith.constant 0 : i32
      %dma_start3A_179 = tpu.memref_slice %arg3[%mul3A_0, %dma_start3A_178] : memref<2560x128xi32, #tpu.memory_space<hbm>> -> memref<160x128xi32, #tpu.memory_space<hbm>>
      tpu.enqueue_dma source(%dma_start3A_179 : memref<160x128xi32, #tpu.memory_space<hbm>>) target(%arg6 : memref<160x128xi32, #tpu.memory_space<vmem>>) target_semaphore(%run_scoped3A_175 : memref<!tpu.dma_semaphore, #tpu.memory_space<semaphore_mem>>)
      %dma_wait3A_180 = arith.constant 0 : i32
      %dma_wait3A_181 = tpu.memref_slice %arg3[%mul3A_0, %dma_wait3A_180] : memref<2560x128xi32, #tpu.memory_space<hbm>> -> memref<160x128xi32, #tpu.memory_space<hbm>>
      %dma_wait3A_182 = arith.constant 0 : i32
      %dma_wait3A_183 = tpu.memref_slice %arg3[%mul3A_0, %dma_wait3A_182] : memref<2560x128xi32, #tpu.memory_space<hbm>> -> memref<160x128xi32, #tpu.memory_space<hbm>>
      tpu.wait_dma2 semaphore(%run_scoped3A_175 : memref<!tpu.dma_semaphore, #tpu.memory_space<semaphore_mem>>) src(%dma_wait3A_183 : memref<160x128xi32, #tpu.memory_space<hbm>>) dst(%arg6 : memref<160x128xi32, #tpu.memory_space<vmem>>)
      tpu.yield
    }) : () -> ()
    %mul3A_1 = arith.constant 160 : i32
    %mul3A_2 = arith.muli %arg1, %mul3A_1 : i32
    "tpu.region"() ({
      %run_scoped3A_175 = tpu.sem_alloc : memref<!tpu.dma_semaphore, #tpu.memory_space<semaphore_mem>>
      %dma_start3A_176 = arith.constant 0 : i32
      %dma_start3A_177 = tpu.memref_slice %arg4[%mul3A_2, %dma_start3A_176] : memref<2560x128xi32, #tpu.memory_space<hbm>> -> memref<160x128xi32, #tpu.memory_space<hbm>>
      %dma_start3A_178 = arith.constant 0 : i32
      %dma_start3A_179 = tpu.memref_slice %arg4[%mul3A_2, %dma_start3A_178] : memref<2560x128xi32, #tpu.memory_space<hbm>> -> memref<160x128xi32, #tpu.memory_space<hbm>>
      tpu.enqueue_dma source(%dma_start3A_179 : memref<160x128xi32, #tpu.memory_space<hbm>>) target(%arg7 : memref<160x128xi32, #tpu.memory_space<vmem>>) target_semaphore(%run_scoped3A_175 : memref<!tpu.dma_semaphore, #tpu.memory_space<semaphore_mem>>)
      %dma_wait3A_180 = arith.constant 0 : i32
      %dma_wait3A_181 = tpu.memref_slice %arg4[%mul3A_2, %dma_wait3A_180] : memref<2560x128xi32, #tpu.memory_space<hbm>> -> memref<160x128xi32, #tpu.memory_space<hbm>>
      %dma_wait3A_182 = arith.constant 0 : i32
      %dma_wait3A_183 = tpu.memref_slice %arg4[%mul3A_2, %dma_wait3A_182] : memref<2560x128xi32, #tpu.memory_space<hbm>> -> memref<160x128xi32, #tpu.memory_space<hbm>>
      tpu.wait_dma2 semaphore(%run_scoped3A_175 : memref<!tpu.dma_semaphore, #tpu.memory_space<semaphore_mem>>) src(%dma_wait3A_183 : memref<160x128xi32, #tpu.memory_space<hbm>>) dst(%arg7 : memref<160x128xi32, #tpu.memory_space<vmem>>)
      tpu.yield
    }) : () -> ()
    %mul3A_3 = arith.constant 632 : i32
    %mul3A_4 = arith.muli %arg1, %mul3A_3 : i32
    %mul3A_5 = arith.constant 632 : i32
    %mul3A_6 = arith.muli %arg1, %mul3A_5 : i32
    "tpu.region"() ({
      %run_scoped3A_175 = tpu.sem_alloc : memref<!tpu.dma_semaphore, #tpu.memory_space<semaphore_mem>>
      %dma_start3A_176 = arith.constant 0 : i32
      %dma_start3A_177 = tpu.memref_slice %arg9[%mul3A_6, %dma_start3A_176] : memref<10112x64xf32, #tpu.memory_space<vmem_shared>> -> memref<632x64xf32, #tpu.memory_space<vmem_shared>>
      %dma_start3A_178 = arith.constant 0 : i32
      %dma_start3A_179 = arith.constant 0 : i32
      %dma_start3A_180 = tpu.memref_slice %arg2[%arg0, %dma_start3A_178, %dma_start3A_179] : memref<2x10112x64xf32, #tpu.memory_space<hbm>> -> memref<1x10112x64xf32, #tpu.memory_space<hbm>>
      %dma_start3A_181 = tpu.memref_squeeze %dma_start3A_180 : memref<1x10112x64xf32, #tpu.memory_space<hbm>> -> memref<10112x64xf32, #tpu.memory_space<hbm>>
      %dma_start3A_182 = arith.constant 0 : i32
      %dma_start3A_183 = tpu.memref_slice %dma_start3A_181[%mul3A_4, %dma_start3A_182] : memref<10112x64xf32, #tpu.memory_space<hbm>> -> memref<632x64xf32, #tpu.memory_space<hbm>>
      tpu.enqueue_dma source(%dma_start3A_183 : memref<632x64xf32, #tpu.memory_space<hbm>>) target(%dma_start3A_177 : memref<632x64xf32, #tpu.memory_space<vmem_shared>>) target_semaphore(%run_scoped3A_175 : memref<!tpu.dma_semaphore, #tpu.memory_space<semaphore_mem>>)
      %dma_wait3A_184 = arith.constant 0 : i32
      %dma_wait3A_185 = tpu.memref_slice %arg9[%mul3A_6, %dma_wait3A_184] : memref<10112x64xf32, #tpu.memory_space<vmem_shared>> -> memref<632x64xf32, #tpu.memory_space<vmem_shared>>
      %dma_wait3A_186 = arith.constant 0 : i32
      %dma_wait3A_187 = arith.constant 0 : i32
      %dma_wait3A_188 = tpu.memref_slice %arg2[%arg0, %dma_wait3A_186, %dma_wait3A_187] : memref<2x10112x64xf32, #tpu.memory_space<hbm>> -> memref<1x10112x64xf32, #tpu.memory_space<hbm>>
      %dma_wait3A_189 = tpu.memref_squeeze %dma_wait3A_188 : memref<1x10112x64xf32, #tpu.memory_space<hbm>> -> memref<10112x64xf32, #tpu.memory_space<hbm>>
      %dma_wait3A_190 = arith.constant 0 : i32
      %dma_wait3A_191 = tpu.memref_slice %dma_wait3A_189[%mul3A_4, %dma_wait3A_190] : memref<10112x64xf32, #tpu.memory_space<hbm>> -> memref<632x64xf32, #tpu.memory_space<hbm>>
      tpu.wait_dma2 semaphore(%run_scoped3A_175 : memref<!tpu.dma_semaphore, #tpu.memory_space<semaphore_mem>>) src(%dma_wait3A_191 : memref<632x64xf32, #tpu.memory_space<hbm>>) dst(%dma_wait3A_185 : memref<632x64xf32, #tpu.memory_space<vmem_shared>>)
      tpu.yield
    }) : () -> ()
    %barrier3A = arith.constant 0 : index
    tpu.barrier barrier_id(%barrier3A)
    %dma_start3A = arith.constant 0 : i32
    %dma_start3A_7 = arith.constant 0 : i32
    %dma_start3A_8 = arith.constant 0 : i32
    %dma_start3A_9 = arith.constant 0 : i32
    %dma_start3A_10 = arith.constant 0 : i32
    %dma_start3A_11 = tpu.memref_slice %arg8[%dma_start3A_7, %dma_start3A_9, %dma_start3A_10] : memref<4x128x64xf32, #tpu.memory_space<vmem>> -> memref<1x128x64xf32, #tpu.memory_space<vmem>>
    %dma_start3A_12 = tpu.memref_squeeze %dma_start3A_11 : memref<1x128x64xf32, #tpu.memory_space<vmem>> -> memref<128x64xf32, #tpu.memory_space<vmem>>
    %dma_start3A_13 = arith.constant 0 : i32
    %dma_start3A_14 = tpu.memref_slice %arg6[%dma_start3A, %dma_start3A_13] : memref<160x128xi32, #tpu.memory_space<vmem>> -> memref<1x128xi32, #tpu.memory_space<vmem>>
    %dma_start3A_15 = tpu.memref_squeeze %dma_start3A_14 : memref<1x128xi32, #tpu.memory_space<vmem>> -> memref<128xi32, #tpu.memory_space<vmem>>
    %dma_start3A_16 = arith.constant 0 : i32
    %dma_start3A_17 = arith.constant 0 : i32
    %dma_start3A_18 = tpu.memref_slice %arg2[%arg0, %dma_start3A_16, %dma_start3A_17] : memref<2x10112x64xf32, #tpu.memory_space<hbm>> -> memref<1x10112x64xf32, #tpu.memory_space<hbm>>
    %dma_start3A_19 = tpu.memref_squeeze %dma_start3A_18 : memref<1x10112x64xf32, #tpu.memory_space<hbm>> -> memref<10112x64xf32, #tpu.memory_space<hbm>>
    %dma_start3A_20 = arith.constant 0 : i32
    %dma_start3A_21 = arith.constant 0 : i32
    %dma_start3A_22 = tpu.memref_slice %dma_start3A_19[%dma_start3A_20, %dma_start3A_21] : memref<10112x64xf32, #tpu.memory_space<hbm>> -> memref<10112x64xf32, #tpu.memory_space<hbm>>
    %dma_start3A_23 = tpu.memref_slice %arg10[%dma_start3A_8] : memref<4x!tpu.dma_semaphore, #tpu.memory_space<semaphore_mem>> -> memref<1x!tpu.dma_semaphore, #tpu.memory_space<semaphore_mem>>
    %dma_start3A_24 = tpu.memref_squeeze %dma_start3A_23 : memref<1x!tpu.dma_semaphore, #tpu.memory_space<semaphore_mem>> -> memref<!tpu.dma_semaphore, #tpu.memory_space<semaphore_mem>>
    tpu.enqueue_indirect_dma source(%dma_start3A_22 : memref<10112x64xf32, #tpu.memory_space<hbm>>) target(%dma_start3A_12 : memref<128x64xf32, #tpu.memory_space<vmem>>) offsets(%dma_start3A_15 : memref<128xi32, #tpu.memory_space<vmem>>) semaphore(%dma_start3A_24 : memref<!tpu.dma_semaphore, #tpu.memory_space<semaphore_mem>>)
    %dma_start3A_25 = arith.constant 1 : i32
    %dma_start3A_26 = arith.constant 1 : i32
    %dma_start3A_27 = arith.constant 1 : i32
    %dma_start3A_28 = arith.constant 0 : i32
    %dma_start3A_29 = arith.constant 0 : i32
    %dma_start3A_30 = tpu.memref_slice %arg8[%dma_start3A_26, %dma_start3A_28, %dma_start3A_29] : memref<4x128x64xf32, #tpu.memory_space<vmem>> -> memref<1x128x64xf32, #tpu.memory_space<vmem>>
    %dma_start3A_31 = tpu.memref_squeeze %dma_start3A_30 : memref<1x128x64xf32, #tpu.memory_space<vmem>> -> memref<128x64xf32, #tpu.memory_space<vmem>>
    %dma_start3A_32 = arith.constant 0 : i32
    %dma_start3A_33 = tpu.memref_slice %arg6[%dma_start3A_25, %dma_start3A_32] : memref<160x128xi32, #tpu.memory_space<vmem>> -> memref<1x128xi32, #tpu.memory_space<vmem>>
    %dma_start3A_34 = tpu.memref_squeeze %dma_start3A_33 : memref<1x128xi32, #tpu.memory_space<vmem>> -> memref<128xi32, #tpu.memory_space<vmem>>
    %dma_start3A_35 = arith.constant 0 : i32
    %dma_start3A_36 = arith.constant 0 : i32
    %dma_start3A_37 = tpu.memref_slice %arg2[%arg0, %dma_start3A_35, %dma_start3A_36] : memref<2x10112x64xf32, #tpu.memory_space<hbm>> -> memref<1x10112x64xf32, #tpu.memory_space<hbm>>
    %dma_start3A_38 = tpu.memref_squeeze %dma_start3A_37 : memref<1x10112x64xf32, #tpu.memory_space<hbm>> -> memref<10112x64xf32, #tpu.memory_space<hbm>>
    %dma_start3A_39 = arith.constant 0 : i32
    %dma_start3A_40 = arith.constant 0 : i32
    %dma_start3A_41 = tpu.memref_slice %dma_start3A_38[%dma_start3A_39, %dma_start3A_40] : memref<10112x64xf32, #tpu.memory_space<hbm>> -> memref<10112x64xf32, #tpu.memory_space<hbm>>
    %dma_start3A_42 = tpu.memref_slice %arg10[%dma_start3A_27] : memref<4x!tpu.dma_semaphore, #tpu.memory_space<semaphore_mem>> -> memref<1x!tpu.dma_semaphore, #tpu.memory_space<semaphore_mem>>
    %dma_start3A_43 = tpu.memref_squeeze %dma_start3A_42 : memref<1x!tpu.dma_semaphore, #tpu.memory_space<semaphore_mem>> -> memref<!tpu.dma_semaphore, #tpu.memory_space<semaphore_mem>>
    tpu.enqueue_indirect_dma source(%dma_start3A_41 : memref<10112x64xf32, #tpu.memory_space<hbm>>) target(%dma_start3A_31 : memref<128x64xf32, #tpu.memory_space<vmem>>) offsets(%dma_start3A_34 : memref<128xi32, #tpu.memory_space<vmem>>) semaphore(%dma_start3A_43 : memref<!tpu.dma_semaphore, #tpu.memory_space<semaphore_mem>>)
    %dma_start3A_44 = arith.constant 2 : i32
    %dma_start3A_45 = arith.constant 2 : i32
    %dma_start3A_46 = arith.constant 2 : i32
    %dma_start3A_47 = arith.constant 0 : i32
    %dma_start3A_48 = arith.constant 0 : i32
    %dma_start3A_49 = tpu.memref_slice %arg8[%dma_start3A_45, %dma_start3A_47, %dma_start3A_48] : memref<4x128x64xf32, #tpu.memory_space<vmem>> -> memref<1x128x64xf32, #tpu.memory_space<vmem>>
    %dma_start3A_50 = tpu.memref_squeeze %dma_start3A_49 : memref<1x128x64xf32, #tpu.memory_space<vmem>> -> memref<128x64xf32, #tpu.memory_space<vmem>>
    %dma_start3A_51 = arith.constant 0 : i32
    %dma_start3A_52 = tpu.memref_slice %arg6[%dma_start3A_44, %dma_start3A_51] : memref<160x128xi32, #tpu.memory_space<vmem>> -> memref<1x128xi32, #tpu.memory_space<vmem>>
    %dma_start3A_53 = tpu.memref_squeeze %dma_start3A_52 : memref<1x128xi32, #tpu.memory_space<vmem>> -> memref<128xi32, #tpu.memory_space<vmem>>
    %dma_start3A_54 = arith.constant 0 : i32
    %dma_start3A_55 = arith.constant 0 : i32
    %dma_start3A_56 = tpu.memref_slice %arg2[%arg0, %dma_start3A_54, %dma_start3A_55] : memref<2x10112x64xf32, #tpu.memory_space<hbm>> -> memref<1x10112x64xf32, #tpu.memory_space<hbm>>
    %dma_start3A_57 = tpu.memref_squeeze %dma_start3A_56 : memref<1x10112x64xf32, #tpu.memory_space<hbm>> -> memref<10112x64xf32, #tpu.memory_space<hbm>>
    %dma_start3A_58 = arith.constant 0 : i32
    %dma_start3A_59 = arith.constant 0 : i32
    %dma_start3A_60 = tpu.memref_slice %dma_start3A_57[%dma_start3A_58, %dma_start3A_59] : memref<10112x64xf32, #tpu.memory_space<hbm>> -> memref<10112x64xf32, #tpu.memory_space<hbm>>
    %dma_start3A_61 = tpu.memref_slice %arg10[%dma_start3A_46] : memref<4x!tpu.dma_semaphore, #tpu.memory_space<semaphore_mem>> -> memref<1x!tpu.dma_semaphore, #tpu.memory_space<semaphore_mem>>
    %dma_start3A_62 = tpu.memref_squeeze %dma_start3A_61 : memref<1x!tpu.dma_semaphore, #tpu.memory_space<semaphore_mem>> -> memref<!tpu.dma_semaphore, #tpu.memory_space<semaphore_mem>>
    tpu.enqueue_indirect_dma source(%dma_start3A_60 : memref<10112x64xf32, #tpu.memory_space<hbm>>) target(%dma_start3A_50 : memref<128x64xf32, #tpu.memory_space<vmem>>) offsets(%dma_start3A_53 : memref<128xi32, #tpu.memory_space<vmem>>) semaphore(%dma_start3A_62 : memref<!tpu.dma_semaphore, #tpu.memory_space<semaphore_mem>>)
    %dma_start3A_63 = arith.constant 3 : i32
    %dma_start3A_64 = arith.constant 3 : i32
    %dma_start3A_65 = arith.constant 3 : i32
    %dma_start3A_66 = arith.constant 0 : i32
    %dma_start3A_67 = arith.constant 0 : i32
    %dma_start3A_68 = tpu.memref_slice %arg8[%dma_start3A_64, %dma_start3A_66, %dma_start3A_67] : memref<4x128x64xf32, #tpu.memory_space<vmem>> -> memref<1x128x64xf32, #tpu.memory_space<vmem>>
    %dma_start3A_69 = tpu.memref_squeeze %dma_start3A_68 : memref<1x128x64xf32, #tpu.memory_space<vmem>> -> memref<128x64xf32, #tpu.memory_space<vmem>>
    %dma_start3A_70 = arith.constant 0 : i32
    %dma_start3A_71 = tpu.memref_slice %arg6[%dma_start3A_63, %dma_start3A_70] : memref<160x128xi32, #tpu.memory_space<vmem>> -> memref<1x128xi32, #tpu.memory_space<vmem>>
    %dma_start3A_72 = tpu.memref_squeeze %dma_start3A_71 : memref<1x128xi32, #tpu.memory_space<vmem>> -> memref<128xi32, #tpu.memory_space<vmem>>
    %dma_start3A_73 = arith.constant 0 : i32
    %dma_start3A_74 = arith.constant 0 : i32
    %dma_start3A_75 = tpu.memref_slice %arg2[%arg0, %dma_start3A_73, %dma_start3A_74] : memref<2x10112x64xf32, #tpu.memory_space<hbm>> -> memref<1x10112x64xf32, #tpu.memory_space<hbm>>
    %dma_start3A_76 = tpu.memref_squeeze %dma_start3A_75 : memref<1x10112x64xf32, #tpu.memory_space<hbm>> -> memref<10112x64xf32, #tpu.memory_space<hbm>>
    %dma_start3A_77 = arith.constant 0 : i32
    %dma_start3A_78 = arith.constant 0 : i32
    %dma_start3A_79 = tpu.memref_slice %dma_start3A_76[%dma_start3A_77, %dma_start3A_78] : memref<10112x64xf32, #tpu.memory_space<hbm>> -> memref<10112x64xf32, #tpu.memory_space<hbm>>
    %dma_start3A_80 = tpu.memref_slice %arg10[%dma_start3A_65] : memref<4x!tpu.dma_semaphore, #tpu.memory_space<semaphore_mem>> -> memref<1x!tpu.dma_semaphore, #tpu.memory_space<semaphore_mem>>
    %dma_start3A_81 = tpu.memref_squeeze %dma_start3A_80 : memref<1x!tpu.dma_semaphore, #tpu.memory_space<semaphore_mem>> -> memref<!tpu.dma_semaphore, #tpu.memory_space<semaphore_mem>>
    tpu.enqueue_indirect_dma source(%dma_start3A_79 : memref<10112x64xf32, #tpu.memory_space<hbm>>) target(%dma_start3A_69 : memref<128x64xf32, #tpu.memory_space<vmem>>) offsets(%dma_start3A_72 : memref<128xi32, #tpu.memory_space<vmem>>) semaphore(%dma_start3A_81 : memref<!tpu.dma_semaphore, #tpu.memory_space<semaphore_mem>>)
    %scan3A = arith.constant 0 : i32
    %scan3A_82 = arith.constant 0 : i32
    %scan3A_83 = arith.constant 39 : i32
    %scan3A_84 = arith.addi %scan3A_82, %scan3A_83 : i32
    %scan3A_85 = arith.constant 1 : i32
    %scan3A_86 = scf.for %scan3A_175 = %scan3A_82 to %scan3A_84 step %scan3A_85 iter_args(%scan3A_176 = %scan3A) -> (i32)  : i32 {
      %mul3A_177 = arith.constant 4 : i32
      %mul3A_178 = arith.muli %scan3A_175, %mul3A_177 : i32
      %add3A = arith.constant 0 : i32
      %add3A_179 = arith.addi %mul3A_178, %add3A : i32
      %dma_wait3A_180 = arith.constant 0 : i32
      %dma_wait3A_181 = arith.constant 0 : i32
      %dma_wait3A_182 = arith.constant 0 : i32
      %dma_wait3A_183 = arith.constant 0 : i32
      %dma_wait3A_184 = tpu.memref_slice %arg8[%dma_wait3A_180, %dma_wait3A_182, %dma_wait3A_183] : memref<4x128x64xf32, #tpu.memory_space<vmem>> -> memref<1x128x64xf32, #tpu.memory_space<vmem>>
      %dma_wait3A_185 = tpu.memref_squeeze %dma_wait3A_184 : memref<1x128x64xf32, #tpu.memory_space<vmem>> -> memref<128x64xf32, #tpu.memory_space<vmem>>
      %dma_wait3A_186 = arith.constant 0 : i32
      %dma_wait3A_187 = tpu.memref_slice %arg6[%add3A_179, %dma_wait3A_186] : memref<160x128xi32, #tpu.memory_space<vmem>> -> memref<1x128xi32, #tpu.memory_space<vmem>>
      %dma_wait3A_188 = tpu.memref_squeeze %dma_wait3A_187 : memref<1x128xi32, #tpu.memory_space<vmem>> -> memref<128xi32, #tpu.memory_space<vmem>>
      %dma_wait3A_189 = arith.constant 0 : i32
      %dma_wait3A_190 = arith.constant 0 : i32
      %dma_wait3A_191 = tpu.memref_slice %arg2[%arg0, %dma_wait3A_189, %dma_wait3A_190] : memref<2x10112x64xf32, #tpu.memory_space<hbm>> -> memref<1x10112x64xf32, #tpu.memory_space<hbm>>
      %dma_wait3A_192 = tpu.memref_squeeze %dma_wait3A_191 : memref<1x10112x64xf32, #tpu.memory_space<hbm>> -> memref<10112x64xf32, #tpu.memory_space<hbm>>
      %dma_wait3A_193 = arith.constant 0 : i32
      %dma_wait3A_194 = arith.constant 0 : i32
      %dma_wait3A_195 = tpu.memref_slice %dma_wait3A_192[%dma_wait3A_193, %dma_wait3A_194] : memref<10112x64xf32, #tpu.memory_space<hbm>> -> memref<10112x64xf32, #tpu.memory_space<hbm>>
      %dma_wait3A_196 = tpu.memref_slice %arg10[%dma_wait3A_181] : memref<4x!tpu.dma_semaphore, #tpu.memory_space<semaphore_mem>> -> memref<1x!tpu.dma_semaphore, #tpu.memory_space<semaphore_mem>>
      %dma_wait3A_197 = tpu.memref_squeeze %dma_wait3A_196 : memref<1x!tpu.dma_semaphore, #tpu.memory_space<semaphore_mem>> -> memref<!tpu.dma_semaphore, #tpu.memory_space<semaphore_mem>>
      tpu.wait_indirect_dma semaphore(%dma_wait3A_197 : memref<!tpu.dma_semaphore, #tpu.memory_space<semaphore_mem>>) src(%dma_wait3A_195 : memref<10112x64xf32, #tpu.memory_space<hbm>>) dst(%dma_wait3A_185 : memref<128x64xf32, #tpu.memory_space<vmem>>)
      %run_scoped3A_198 = arith.constant 0 : i32
      "tpu.region"() ({
        %run_scoped3A_343 = tpu.sem_alloc : memref<!tpu.dma_semaphore, #tpu.memory_space<semaphore_mem>>
        %dma_start3A_344 = arith.constant 0 : i32
        %dma_start3A_345 = arith.constant 0 : i32
        %dma_start3A_346 = tpu.memref_slice %arg8[%run_scoped3A_198, %dma_start3A_344, %dma_start3A_345] : memref<4x128x64xf32, #tpu.memory_space<vmem>> -> memref<1x128x64xf32, #tpu.memory_space<vmem>>
        %dma_start3A_347 = tpu.memref_squeeze %dma_start3A_346 : memref<1x128x64xf32, #tpu.memory_space<vmem>> -> memref<128x64xf32, #tpu.memory_space<vmem>>
        %dma_start3A_348 = arith.constant 0 : i32
        %dma_start3A_349 = tpu.memref_slice %arg7[%add3A_179, %dma_start3A_348] : memref<160x128xi32, #tpu.memory_space<vmem>> -> memref<1x128xi32, #tpu.memory_space<vmem>>
        %dma_start3A_350 = tpu.memref_squeeze %dma_start3A_349 : memref<1x128xi32, #tpu.memory_space<vmem>> -> memref<128xi32, #tpu.memory_space<vmem>>
        %dma_start3A_351 = arith.constant 0 : i32
        %dma_start3A_352 = arith.constant 0 : i32
        %dma_start3A_353 = tpu.memref_slice %arg9[%dma_start3A_351, %dma_start3A_352] : memref<10112x64xf32, #tpu.memory_space<vmem_shared>> -> memref<10112x64xf32, #tpu.memory_space<vmem_shared>>
        tpu.enqueue_indirect_dma source(%dma_start3A_347 : memref<128x64xf32, #tpu.memory_space<vmem>>) target(%dma_start3A_353 : memref<10112x64xf32, #tpu.memory_space<vmem_shared>>) offsets(%dma_start3A_350 : memref<128xi32, #tpu.memory_space<vmem>>) semaphore(%run_scoped3A_343 : memref<!tpu.dma_semaphore, #tpu.memory_space<semaphore_mem>>) {add = true}
        %dma_wait3A_354 = arith.constant 0 : i32
        %dma_wait3A_355 = arith.constant 0 : i32
        %dma_wait3A_356 = tpu.memref_slice %arg8[%run_scoped3A_198, %dma_wait3A_354, %dma_wait3A_355] : memref<4x128x64xf32, #tpu.memory_space<vmem>> -> memref<1x128x64xf32, #tpu.memory_space<vmem>>
        %dma_wait3A_357 = tpu.memref_squeeze %dma_wait3A_356 : memref<1x128x64xf32, #tpu.memory_space<vmem>> -> memref<128x64xf32, #tpu.memory_space<vmem>>
        %dma_wait3A_358 = arith.constant 0 : i32
        %dma_wait3A_359 = tpu.memref_slice %arg7[%add3A_179, %dma_wait3A_358] : memref<160x128xi32, #tpu.memory_space<vmem>> -> memref<1x128xi32, #tpu.memory_space<vmem>>
        %dma_wait3A_360 = tpu.memref_squeeze %dma_wait3A_359 : memref<1x128xi32, #tpu.memory_space<vmem>> -> memref<128xi32, #tpu.memory_space<vmem>>
        %dma_wait3A_361 = arith.constant 0 : i32
        %dma_wait3A_362 = arith.constant 0 : i32
        %dma_wait3A_363 = tpu.memref_slice %arg9[%dma_wait3A_361, %dma_wait3A_362] : memref<10112x64xf32, #tpu.memory_space<vmem_shared>> -> memref<10112x64xf32, #tpu.memory_space<vmem_shared>>
        tpu.wait_indirect_dma semaphore(%run_scoped3A_343 : memref<!tpu.dma_semaphore, #tpu.memory_space<semaphore_mem>>) src(%dma_wait3A_357 : memref<128x64xf32, #tpu.memory_space<vmem>>) dst(%dma_wait3A_363 : memref<10112x64xf32, #tpu.memory_space<vmem_shared>>)
        tpu.yield
      }) : () -> ()
      %add3A_199 = arith.constant 4 : i32
      %add3A_200 = arith.addi %add3A_179, %add3A_199 : i32
      %dma_start3A_201 = arith.constant 0 : i32
      %dma_start3A_202 = arith.constant 0 : i32
      %dma_start3A_203 = arith.constant 0 : i32
      %dma_start3A_204 = arith.constant 0 : i32
      %dma_start3A_205 = tpu.memref_slice %arg8[%dma_start3A_201, %dma_start3A_203, %dma_start3A_204] : memref<4x128x64xf32, #tpu.memory_space<vmem>> -> memref<1x128x64xf32, #tpu.memory_space<vmem>>
      %dma_start3A_206 = tpu.memref_squeeze %dma_start3A_205 : memref<1x128x64xf32, #tpu.memory_space<vmem>> -> memref<128x64xf32, #tpu.memory_space<vmem>>
      %dma_start3A_207 = arith.constant 0 : i32
      %dma_start3A_208 = tpu.memref_slice %arg6[%add3A_200, %dma_start3A_207] : memref<160x128xi32, #tpu.memory_space<vmem>> -> memref<1x128xi32, #tpu.memory_space<vmem>>
      %dma_start3A_209 = tpu.memref_squeeze %dma_start3A_208 : memref<1x128xi32, #tpu.memory_space<vmem>> -> memref<128xi32, #tpu.memory_space<vmem>>
      %dma_start3A_210 = arith.constant 0 : i32
      %dma_start3A_211 = arith.constant 0 : i32
      %dma_start3A_212 = tpu.memref_slice %arg2[%arg0, %dma_start3A_210, %dma_start3A_211] : memref<2x10112x64xf32, #tpu.memory_space<hbm>> -> memref<1x10112x64xf32, #tpu.memory_space<hbm>>
      %dma_start3A_213 = tpu.memref_squeeze %dma_start3A_212 : memref<1x10112x64xf32, #tpu.memory_space<hbm>> -> memref<10112x64xf32, #tpu.memory_space<hbm>>
      %dma_start3A_214 = arith.constant 0 : i32
      %dma_start3A_215 = arith.constant 0 : i32
      %dma_start3A_216 = tpu.memref_slice %dma_start3A_213[%dma_start3A_214, %dma_start3A_215] : memref<10112x64xf32, #tpu.memory_space<hbm>> -> memref<10112x64xf32, #tpu.memory_space<hbm>>
      %dma_start3A_217 = tpu.memref_slice %arg10[%dma_start3A_202] : memref<4x!tpu.dma_semaphore, #tpu.memory_space<semaphore_mem>> -> memref<1x!tpu.dma_semaphore, #tpu.memory_space<semaphore_mem>>
      %dma_start3A_218 = tpu.memref_squeeze %dma_start3A_217 : memref<1x!tpu.dma_semaphore, #tpu.memory_space<semaphore_mem>> -> memref<!tpu.dma_semaphore, #tpu.memory_space<semaphore_mem>>
      tpu.enqueue_indirect_dma source(%dma_start3A_216 : memref<10112x64xf32, #tpu.memory_space<hbm>>) target(%dma_start3A_206 : memref<128x64xf32, #tpu.memory_space<vmem>>) offsets(%dma_start3A_209 : memref<128xi32, #tpu.memory_space<vmem>>) semaphore(%dma_start3A_218 : memref<!tpu.dma_semaphore, #tpu.memory_space<semaphore_mem>>)
      %add3A_219 = arith.constant 1 : i32
      %add3A_220 = arith.addi %mul3A_178, %add3A_219 : i32
      %dma_wait3A_221 = arith.constant 1 : i32
      %dma_wait3A_222 = arith.constant 1 : i32
      %dma_wait3A_223 = arith.constant 0 : i32
      %dma_wait3A_224 = arith.constant 0 : i32
      %dma_wait3A_225 = tpu.memref_slice %arg8[%dma_wait3A_221, %dma_wait3A_223, %dma_wait3A_224] : memref<4x128x64xf32, #tpu.memory_space<vmem>> -> memref<1x128x64xf32, #tpu.memory_space<vmem>>
      %dma_wait3A_226 = tpu.memref_squeeze %dma_wait3A_225 : memref<1x128x64xf32, #tpu.memory_space<vmem>> -> memref<128x64xf32, #tpu.memory_space<vmem>>
      %dma_wait3A_227 = arith.constant 0 : i32
      %dma_wait3A_228 = tpu.memref_slice %arg6[%add3A_220, %dma_wait3A_227] : memref<160x128xi32, #tpu.memory_space<vmem>> -> memref<1x128xi32, #tpu.memory_space<vmem>>
      %dma_wait3A_229 = tpu.memref_squeeze %dma_wait3A_228 : memref<1x128xi32, #tpu.memory_space<vmem>> -> memref<128xi32, #tpu.memory_space<vmem>>
      %dma_wait3A_230 = arith.constant 0 : i32
      %dma_wait3A_231 = arith.constant 0 : i32
      %dma_wait3A_232 = tpu.memref_slice %arg2[%arg0, %dma_wait3A_230, %dma_wait3A_231] : memref<2x10112x64xf32, #tpu.memory_space<hbm>> -> memref<1x10112x64xf32, #tpu.memory_space<hbm>>
      %dma_wait3A_233 = tpu.memref_squeeze %dma_wait3A_232 : memref<1x10112x64xf32, #tpu.memory_space<hbm>> -> memref<10112x64xf32, #tpu.memory_space<hbm>>
      %dma_wait3A_234 = arith.constant 0 : i32
      %dma_wait3A_235 = arith.constant 0 : i32
      %dma_wait3A_236 = tpu.memref_slice %dma_wait3A_233[%dma_wait3A_234, %dma_wait3A_235] : memref<10112x64xf32, #tpu.memory_space<hbm>> -> memref<10112x64xf32, #tpu.memory_space<hbm>>
      %dma_wait3A_237 = tpu.memref_slice %arg10[%dma_wait3A_222] : memref<4x!tpu.dma_semaphore, #tpu.memory_space<semaphore_mem>> -> memref<1x!tpu.dma_semaphore, #tpu.memory_space<semaphore_mem>>
      %dma_wait3A_238 = tpu.memref_squeeze %dma_wait3A_237 : memref<1x!tpu.dma_semaphore, #tpu.memory_space<semaphore_mem>> -> memref<!tpu.dma_semaphore, #tpu.memory_space<semaphore_mem>>
      tpu.wait_indirect_dma semaphore(%dma_wait3A_238 : memref<!tpu.dma_semaphore, #tpu.memory_space<semaphore_mem>>) src(%dma_wait3A_236 : memref<10112x64xf32, #tpu.memory_space<hbm>>) dst(%dma_wait3A_226 : memref<128x64xf32, #tpu.memory_space<vmem>>)
      %run_scoped3A_239 = arith.constant 1 : i32
      "tpu.region"() ({
        %run_scoped3A_343 = tpu.sem_alloc : memref<!tpu.dma_semaphore, #tpu.memory_space<semaphore_mem>>
        %dma_start3A_344 = arith.constant 0 : i32
        %dma_start3A_345 = arith.constant 0 : i32
        %dma_start3A_346 = tpu.memref_slice %arg8[%run_scoped3A_239, %dma_start3A_344, %dma_start3A_345] : memref<4x128x64xf32, #tpu.memory_space<vmem>> -> memref<1x128x64xf32, #tpu.memory_space<vmem>>
        %dma_start3A_347 = tpu.memref_squeeze %dma_start3A_346 : memref<1x128x64xf32, #tpu.memory_space<vmem>> -> memref<128x64xf32, #tpu.memory_space<vmem>>
        %dma_start3A_348 = arith.constant 0 : i32
        %dma_start3A_349 = tpu.memref_slice %arg7[%add3A_220, %dma_start3A_348] : memref<160x128xi32, #tpu.memory_space<vmem>> -> memref<1x128xi32, #tpu.memory_space<vmem>>
        %dma_start3A_350 = tpu.memref_squeeze %dma_start3A_349 : memref<1x128xi32, #tpu.memory_space<vmem>> -> memref<128xi32, #tpu.memory_space<vmem>>
        %dma_start3A_351 = arith.constant 0 : i32
        %dma_start3A_352 = arith.constant 0 : i32
        %dma_start3A_353 = tpu.memref_slice %arg9[%dma_start3A_351, %dma_start3A_352] : memref<10112x64xf32, #tpu.memory_space<vmem_shared>> -> memref<10112x64xf32, #tpu.memory_space<vmem_shared>>
        tpu.enqueue_indirect_dma source(%dma_start3A_347 : memref<128x64xf32, #tpu.memory_space<vmem>>) target(%dma_start3A_353 : memref<10112x64xf32, #tpu.memory_space<vmem_shared>>) offsets(%dma_start3A_350 : memref<128xi32, #tpu.memory_space<vmem>>) semaphore(%run_scoped3A_343 : memref<!tpu.dma_semaphore, #tpu.memory_space<semaphore_mem>>) {add = true}
        %dma_wait3A_354 = arith.constant 0 : i32
        %dma_wait3A_355 = arith.constant 0 : i32
        %dma_wait3A_356 = tpu.memref_slice %arg8[%run_scoped3A_239, %dma_wait3A_354, %dma_wait3A_355] : memref<4x128x64xf32, #tpu.memory_space<vmem>> -> memref<1x128x64xf32, #tpu.memory_space<vmem>>
        %dma_wait3A_357 = tpu.memref_squeeze %dma_wait3A_356 : memref<1x128x64xf32, #tpu.memory_space<vmem>> -> memref<128x64xf32, #tpu.memory_space<vmem>>
        %dma_wait3A_358 = arith.constant 0 : i32
        %dma_wait3A_359 = tpu.memref_slice %arg7[%add3A_220, %dma_wait3A_358] : memref<160x128xi32, #tpu.memory_space<vmem>> -> memref<1x128xi32, #tpu.memory_space<vmem>>
        %dma_wait3A_360 = tpu.memref_squeeze %dma_wait3A_359 : memref<1x128xi32, #tpu.memory_space<vmem>> -> memref<128xi32, #tpu.memory_space<vmem>>
        %dma_wait3A_361 = arith.constant 0 : i32
        %dma_wait3A_362 = arith.constant 0 : i32
        %dma_wait3A_363 = tpu.memref_slice %arg9[%dma_wait3A_361, %dma_wait3A_362] : memref<10112x64xf32, #tpu.memory_space<vmem_shared>> -> memref<10112x64xf32, #tpu.memory_space<vmem_shared>>
        tpu.wait_indirect_dma semaphore(%run_scoped3A_343 : memref<!tpu.dma_semaphore, #tpu.memory_space<semaphore_mem>>) src(%dma_wait3A_357 : memref<128x64xf32, #tpu.memory_space<vmem>>) dst(%dma_wait3A_363 : memref<10112x64xf32, #tpu.memory_space<vmem_shared>>)
        tpu.yield
      }) : () -> ()
      %add3A_240 = arith.constant 4 : i32
      %add3A_241 = arith.addi %add3A_220, %add3A_240 : i32
      %dma_start3A_242 = arith.constant 1 : i32
      %dma_start3A_243 = arith.constant 1 : i32
      %dma_start3A_244 = arith.constant 0 : i32
      %dma_start3A_245 = arith.constant 0 : i32
      %dma_start3A_246 = tpu.memref_slice %arg8[%dma_start3A_242, %dma_start3A_244, %dma_start3A_245] : memref<4x128x64xf32, #tpu.memory_space<vmem>> -> memref<1x128x64xf32, #tpu.memory_space<vmem>>
      %dma_start3A_247 = tpu.memref_squeeze %dma_start3A_246 : memref<1x128x64xf32, #tpu.memory_space<vmem>> -> memref<128x64xf32, #tpu.memory_space<vmem>>
      %dma_start3A_248 = arith.constant 0 : i32
      %dma_start3A_249 = tpu.memref_slice %arg6[%add3A_241, %dma_start3A_248] : memref<160x128xi32, #tpu.memory_space<vmem>> -> memref<1x128xi32, #tpu.memory_space<vmem>>
      %dma_start3A_250 = tpu.memref_squeeze %dma_start3A_249 : memref<1x128xi32, #tpu.memory_space<vmem>> -> memref<128xi32, #tpu.memory_space<vmem>>
      %dma_start3A_251 = arith.constant 0 : i32
      %dma_start3A_252 = arith.constant 0 : i32
      %dma_start3A_253 = tpu.memref_slice %arg2[%arg0, %dma_start3A_251, %dma_start3A_252] : memref<2x10112x64xf32, #tpu.memory_space<hbm>> -> memref<1x10112x64xf32, #tpu.memory_space<hbm>>
      %dma_start3A_254 = tpu.memref_squeeze %dma_start3A_253 : memref<1x10112x64xf32, #tpu.memory_space<hbm>> -> memref<10112x64xf32, #tpu.memory_space<hbm>>
      %dma_start3A_255 = arith.constant 0 : i32
      %dma_start3A_256 = arith.constant 0 : i32
      %dma_start3A_257 = tpu.memref_slice %dma_start3A_254[%dma_start3A_255, %dma_start3A_256] : memref<10112x64xf32, #tpu.memory_space<hbm>> -> memref<10112x64xf32, #tpu.memory_space<hbm>>
      %dma_start3A_258 = tpu.memref_slice %arg10[%dma_start3A_243] : memref<4x!tpu.dma_semaphore, #tpu.memory_space<semaphore_mem>> -> memref<1x!tpu.dma_semaphore, #tpu.memory_space<semaphore_mem>>
      %dma_start3A_259 = tpu.memref_squeeze %dma_start3A_258 : memref<1x!tpu.dma_semaphore, #tpu.memory_space<semaphore_mem>> -> memref<!tpu.dma_semaphore, #tpu.memory_space<semaphore_mem>>
      tpu.enqueue_indirect_dma source(%dma_start3A_257 : memref<10112x64xf32, #tpu.memory_space<hbm>>) target(%dma_start3A_247 : memref<128x64xf32, #tpu.memory_space<vmem>>) offsets(%dma_start3A_250 : memref<128xi32, #tpu.memory_space<vmem>>) semaphore(%dma_start3A_259 : memref<!tpu.dma_semaphore, #tpu.memory_space<semaphore_mem>>)
      %add3A_260 = arith.constant 2 : i32
      %add3A_261 = arith.addi %mul3A_178, %add3A_260 : i32
      %dma_wait3A_262 = arith.constant 2 : i32
      %dma_wait3A_263 = arith.constant 2 : i32
      %dma_wait3A_264 = arith.constant 0 : i32
      %dma_wait3A_265 = arith.constant 0 : i32
      %dma_wait3A_266 = tpu.memref_slice %arg8[%dma_wait3A_262, %dma_wait3A_264, %dma_wait3A_265] : memref<4x128x64xf32, #tpu.memory_space<vmem>> -> memref<1x128x64xf32, #tpu.memory_space<vmem>>
      %dma_wait3A_267 = tpu.memref_squeeze %dma_wait3A_266 : memref<1x128x64xf32, #tpu.memory_space<vmem>> -> memref<128x64xf32, #tpu.memory_space<vmem>>
      %dma_wait3A_268 = arith.constant 0 : i32
      %dma_wait3A_269 = tpu.memref_slice %arg6[%add3A_261, %dma_wait3A_268] : memref<160x128xi32, #tpu.memory_space<vmem>> -> memref<1x128xi32, #tpu.memory_space<vmem>>
      %dma_wait3A_270 = tpu.memref_squeeze %dma_wait3A_269 : memref<1x128xi32, #tpu.memory_space<vmem>> -> memref<128xi32, #tpu.memory_space<vmem>>
      %dma_wait3A_271 = arith.constant 0 : i32
      %dma_wait3A_272 = arith.constant 0 : i32
      %dma_wait3A_273 = tpu.memref_slice %arg2[%arg0, %dma_wait3A_271, %dma_wait3A_272] : memref<2x10112x64xf32, #tpu.memory_space<hbm>> -> memref<1x10112x64xf32, #tpu.memory_space<hbm>>
      %dma_wait3A_274 = tpu.memref_squeeze %dma_wait3A_273 : memref<1x10112x64xf32, #tpu.memory_space<hbm>> -> memref<10112x64xf32, #tpu.memory_space<hbm>>
      %dma_wait3A_275 = arith.constant 0 : i32
      %dma_wait3A_276 = arith.constant 0 : i32
      %dma_wait3A_277 = tpu.memref_slice %dma_wait3A_274[%dma_wait3A_275, %dma_wait3A_276] : memref<10112x64xf32, #tpu.memory_space<hbm>> -> memref<10112x64xf32, #tpu.memory_space<hbm>>
      %dma_wait3A_278 = tpu.memref_slice %arg10[%dma_wait3A_263] : memref<4x!tpu.dma_semaphore, #tpu.memory_space<semaphore_mem>> -> memref<1x!tpu.dma_semaphore, #tpu.memory_space<semaphore_mem>>
      %dma_wait3A_279 = tpu.memref_squeeze %dma_wait3A_278 : memref<1x!tpu.dma_semaphore, #tpu.memory_space<semaphore_mem>> -> memref<!tpu.dma_semaphore, #tpu.memory_space<semaphore_mem>>
      tpu.wait_indirect_dma semaphore(%dma_wait3A_279 : memref<!tpu.dma_semaphore, #tpu.memory_space<semaphore_mem>>) src(%dma_wait3A_277 : memref<10112x64xf32, #tpu.memory_space<hbm>>) dst(%dma_wait3A_267 : memref<128x64xf32, #tpu.memory_space<vmem>>)
      %run_scoped3A_280 = arith.constant 2 : i32
      "tpu.region"() ({
        %run_scoped3A_343 = tpu.sem_alloc : memref<!tpu.dma_semaphore, #tpu.memory_space<semaphore_mem>>
        %dma_start3A_344 = arith.constant 0 : i32
        %dma_start3A_345 = arith.constant 0 : i32
        %dma_start3A_346 = tpu.memref_slice %arg8[%run_scoped3A_280, %dma_start3A_344, %dma_start3A_345] : memref<4x128x64xf32, #tpu.memory_space<vmem>> -> memref<1x128x64xf32, #tpu.memory_space<vmem>>
        %dma_start3A_347 = tpu.memref_squeeze %dma_start3A_346 : memref<1x128x64xf32, #tpu.memory_space<vmem>> -> memref<128x64xf32, #tpu.memory_space<vmem>>
        %dma_start3A_348 = arith.constant 0 : i32
        %dma_start3A_349 = tpu.memref_slice %arg7[%add3A_261, %dma_start3A_348] : memref<160x128xi32, #tpu.memory_space<vmem>> -> memref<1x128xi32, #tpu.memory_space<vmem>>
        %dma_start3A_350 = tpu.memref_squeeze %dma_start3A_349 : memref<1x128xi32, #tpu.memory_space<vmem>> -> memref<128xi32, #tpu.memory_space<vmem>>
        %dma_start3A_351 = arith.constant 0 : i32
        %dma_start3A_352 = arith.constant 0 : i32
        %dma_start3A_353 = tpu.memref_slice %arg9[%dma_start3A_351, %dma_start3A_352] : memref<10112x64xf32, #tpu.memory_space<vmem_shared>> -> memref<10112x64xf32, #tpu.memory_space<vmem_shared>>
        tpu.enqueue_indirect_dma source(%dma_start3A_347 : memref<128x64xf32, #tpu.memory_space<vmem>>) target(%dma_start3A_353 : memref<10112x64xf32, #tpu.memory_space<vmem_shared>>) offsets(%dma_start3A_350 : memref<128xi32, #tpu.memory_space<vmem>>) semaphore(%run_scoped3A_343 : memref<!tpu.dma_semaphore, #tpu.memory_space<semaphore_mem>>) {add = true}
        %dma_wait3A_354 = arith.constant 0 : i32
        %dma_wait3A_355 = arith.constant 0 : i32
        %dma_wait3A_356 = tpu.memref_slice %arg8[%run_scoped3A_280, %dma_wait3A_354, %dma_wait3A_355] : memref<4x128x64xf32, #tpu.memory_space<vmem>> -> memref<1x128x64xf32, #tpu.memory_space<vmem>>
        %dma_wait3A_357 = tpu.memref_squeeze %dma_wait3A_356 : memref<1x128x64xf32, #tpu.memory_space<vmem>> -> memref<128x64xf32, #tpu.memory_space<vmem>>
        %dma_wait3A_358 = arith.constant 0 : i32
        %dma_wait3A_359 = tpu.memref_slice %arg7[%add3A_261, %dma_wait3A_358] : memref<160x128xi32, #tpu.memory_space<vmem>> -> memref<1x128xi32, #tpu.memory_space<vmem>>
        %dma_wait3A_360 = tpu.memref_squeeze %dma_wait3A_359 : memref<1x128xi32, #tpu.memory_space<vmem>> -> memref<128xi32, #tpu.memory_space<vmem>>
        %dma_wait3A_361 = arith.constant 0 : i32
        %dma_wait3A_362 = arith.constant 0 : i32
        %dma_wait3A_363 = tpu.memref_slice %arg9[%dma_wait3A_361, %dma_wait3A_362] : memref<10112x64xf32, #tpu.memory_space<vmem_shared>> -> memref<10112x64xf32, #tpu.memory_space<vmem_shared>>
        tpu.wait_indirect_dma semaphore(%run_scoped3A_343 : memref<!tpu.dma_semaphore, #tpu.memory_space<semaphore_mem>>) src(%dma_wait3A_357 : memref<128x64xf32, #tpu.memory_space<vmem>>) dst(%dma_wait3A_363 : memref<10112x64xf32, #tpu.memory_space<vmem_shared>>)
        tpu.yield
      }) : () -> ()
      %add3A_281 = arith.constant 4 : i32
      %add3A_282 = arith.addi %add3A_261, %add3A_281 : i32
      %dma_start3A_283 = arith.constant 2 : i32
      %dma_start3A_284 = arith.constant 2 : i32
      %dma_start3A_285 = arith.constant 0 : i32
      %dma_start3A_286 = arith.constant 0 : i32
      %dma_start3A_287 = tpu.memref_slice %arg8[%dma_start3A_283, %dma_start3A_285, %dma_start3A_286] : memref<4x128x64xf32, #tpu.memory_space<vmem>> -> memref<1x128x64xf32, #tpu.memory_space<vmem>>
      %dma_start3A_288 = tpu.memref_squeeze %dma_start3A_287 : memref<1x128x64xf32, #tpu.memory_space<vmem>> -> memref<128x64xf32, #tpu.memory_space<vmem>>
      %dma_start3A_289 = arith.constant 0 : i32
      %dma_start3A_290 = tpu.memref_slice %arg6[%add3A_282, %dma_start3A_289] : memref<160x128xi32, #tpu.memory_space<vmem>> -> memref<1x128xi32, #tpu.memory_space<vmem>>
      %dma_start3A_291 = tpu.memref_squeeze %dma_start3A_290 : memref<1x128xi32, #tpu.memory_space<vmem>> -> memref<128xi32, #tpu.memory_space<vmem>>
      %dma_start3A_292 = arith.constant 0 : i32
      %dma_start3A_293 = arith.constant 0 : i32
      %dma_start3A_294 = tpu.memref_slice %arg2[%arg0, %dma_start3A_292, %dma_start3A_293] : memref<2x10112x64xf32, #tpu.memory_space<hbm>> -> memref<1x10112x64xf32, #tpu.memory_space<hbm>>
      %dma_start3A_295 = tpu.memref_squeeze %dma_start3A_294 : memref<1x10112x64xf32, #tpu.memory_space<hbm>> -> memref<10112x64xf32, #tpu.memory_space<hbm>>
      %dma_start3A_296 = arith.constant 0 : i32
      %dma_start3A_297 = arith.constant 0 : i32
      %dma_start3A_298 = tpu.memref_slice %dma_start3A_295[%dma_start3A_296, %dma_start3A_297] : memref<10112x64xf32, #tpu.memory_space<hbm>> -> memref<10112x64xf32, #tpu.memory_space<hbm>>
      %dma_start3A_299 = tpu.memref_slice %arg10[%dma_start3A_284] : memref<4x!tpu.dma_semaphore, #tpu.memory_space<semaphore_mem>> -> memref<1x!tpu.dma_semaphore, #tpu.memory_space<semaphore_mem>>
      %dma_start3A_300 = tpu.memref_squeeze %dma_start3A_299 : memref<1x!tpu.dma_semaphore, #tpu.memory_space<semaphore_mem>> -> memref<!tpu.dma_semaphore, #tpu.memory_space<semaphore_mem>>
      tpu.enqueue_indirect_dma source(%dma_start3A_298 : memref<10112x64xf32, #tpu.memory_space<hbm>>) target(%dma_start3A_288 : memref<128x64xf32, #tpu.memory_space<vmem>>) offsets(%dma_start3A_291 : memref<128xi32, #tpu.memory_space<vmem>>) semaphore(%dma_start3A_300 : memref<!tpu.dma_semaphore, #tpu.memory_space<semaphore_mem>>)
      %add3A_301 = arith.constant 3 : i32
      %add3A_302 = arith.addi %mul3A_178, %add3A_301 : i32
      %dma_wait3A_303 = arith.constant 3 : i32
      %dma_wait3A_304 = arith.constant 3 : i32
      %dma_wait3A_305 = arith.constant 0 : i32
      %dma_wait3A_306 = arith.constant 0 : i32
      %dma_wait3A_307 = tpu.memref_slice %arg8[%dma_wait3A_303, %dma_wait3A_305, %dma_wait3A_306] : memref<4x128x64xf32, #tpu.memory_space<vmem>> -> memref<1x128x64xf32, #tpu.memory_space<vmem>>
      %dma_wait3A_308 = tpu.memref_squeeze %dma_wait3A_307 : memref<1x128x64xf32, #tpu.memory_space<vmem>> -> memref<128x64xf32, #tpu.memory_space<vmem>>
      %dma_wait3A_309 = arith.constant 0 : i32
      %dma_wait3A_310 = tpu.memref_slice %arg6[%add3A_302, %dma_wait3A_309] : memref<160x128xi32, #tpu.memory_space<vmem>> -> memref<1x128xi32, #tpu.memory_space<vmem>>
      %dma_wait3A_311 = tpu.memref_squeeze %dma_wait3A_310 : memref<1x128xi32, #tpu.memory_space<vmem>> -> memref<128xi32, #tpu.memory_space<vmem>>
      %dma_wait3A_312 = arith.constant 0 : i32
      %dma_wait3A_313 = arith.constant 0 : i32
      %dma_wait3A_314 = tpu.memref_slice %arg2[%arg0, %dma_wait3A_312, %dma_wait3A_313] : memref<2x10112x64xf32, #tpu.memory_space<hbm>> -> memref<1x10112x64xf32, #tpu.memory_space<hbm>>
      %dma_wait3A_315 = tpu.memref_squeeze %dma_wait3A_314 : memref<1x10112x64xf32, #tpu.memory_space<hbm>> -> memref<10112x64xf32, #tpu.memory_space<hbm>>
      %dma_wait3A_316 = arith.constant 0 : i32
      %dma_wait3A_317 = arith.constant 0 : i32
      %dma_wait3A_318 = tpu.memref_slice %dma_wait3A_315[%dma_wait3A_316, %dma_wait3A_317] : memref<10112x64xf32, #tpu.memory_space<hbm>> -> memref<10112x64xf32, #tpu.memory_space<hbm>>
      %dma_wait3A_319 = tpu.memref_slice %arg10[%dma_wait3A_304] : memref<4x!tpu.dma_semaphore, #tpu.memory_space<semaphore_mem>> -> memref<1x!tpu.dma_semaphore, #tpu.memory_space<semaphore_mem>>
      %dma_wait3A_320 = tpu.memref_squeeze %dma_wait3A_319 : memref<1x!tpu.dma_semaphore, #tpu.memory_space<semaphore_mem>> -> memref<!tpu.dma_semaphore, #tpu.memory_space<semaphore_mem>>
      tpu.wait_indirect_dma semaphore(%dma_wait3A_320 : memref<!tpu.dma_semaphore, #tpu.memory_space<semaphore_mem>>) src(%dma_wait3A_318 : memref<10112x64xf32, #tpu.memory_space<hbm>>) dst(%dma_wait3A_308 : memref<128x64xf32, #tpu.memory_space<vmem>>)
      %run_scoped3A_321 = arith.constant 3 : i32
      "tpu.region"() ({
        %run_scoped3A_343 = tpu.sem_alloc : memref<!tpu.dma_semaphore, #tpu.memory_space<semaphore_mem>>
        %dma_start3A_344 = arith.constant 0 : i32
        %dma_start3A_345 = arith.constant 0 : i32
        %dma_start3A_346 = tpu.memref_slice %arg8[%run_scoped3A_321, %dma_start3A_344, %dma_start3A_345] : memref<4x128x64xf32, #tpu.memory_space<vmem>> -> memref<1x128x64xf32, #tpu.memory_space<vmem>>
        %dma_start3A_347 = tpu.memref_squeeze %dma_start3A_346 : memref<1x128x64xf32, #tpu.memory_space<vmem>> -> memref<128x64xf32, #tpu.memory_space<vmem>>
        %dma_start3A_348 = arith.constant 0 : i32
        %dma_start3A_349 = tpu.memref_slice %arg7[%add3A_302, %dma_start3A_348] : memref<160x128xi32, #tpu.memory_space<vmem>> -> memref<1x128xi32, #tpu.memory_space<vmem>>
        %dma_start3A_350 = tpu.memref_squeeze %dma_start3A_349 : memref<1x128xi32, #tpu.memory_space<vmem>> -> memref<128xi32, #tpu.memory_space<vmem>>
        %dma_start3A_351 = arith.constant 0 : i32
        %dma_start3A_352 = arith.constant 0 : i32
        %dma_start3A_353 = tpu.memref_slice %arg9[%dma_start3A_351, %dma_start3A_352] : memref<10112x64xf32, #tpu.memory_space<vmem_shared>> -> memref<10112x64xf32, #tpu.memory_space<vmem_shared>>
        tpu.enqueue_indirect_dma source(%dma_start3A_347 : memref<128x64xf32, #tpu.memory_space<vmem>>) target(%dma_start3A_353 : memref<10112x64xf32, #tpu.memory_space<vmem_shared>>) offsets(%dma_start3A_350 : memref<128xi32, #tpu.memory_space<vmem>>) semaphore(%run_scoped3A_343 : memref<!tpu.dma_semaphore, #tpu.memory_space<semaphore_mem>>) {add = true}
        %dma_wait3A_354 = arith.constant 0 : i32
        %dma_wait3A_355 = arith.constant 0 : i32
        %dma_wait3A_356 = tpu.memref_slice %arg8[%run_scoped3A_321, %dma_wait3A_354, %dma_wait3A_355] : memref<4x128x64xf32, #tpu.memory_space<vmem>> -> memref<1x128x64xf32, #tpu.memory_space<vmem>>
        %dma_wait3A_357 = tpu.memref_squeeze %dma_wait3A_356 : memref<1x128x64xf32, #tpu.memory_space<vmem>> -> memref<128x64xf32, #tpu.memory_space<vmem>>
        %dma_wait3A_358 = arith.constant 0 : i32
        %dma_wait3A_359 = tpu.memref_slice %arg7[%add3A_302, %dma_wait3A_358] : memref<160x128xi32, #tpu.memory_space<vmem>> -> memref<1x128xi32, #tpu.memory_space<vmem>>
        %dma_wait3A_360 = tpu.memref_squeeze %dma_wait3A_359 : memref<1x128xi32, #tpu.memory_space<vmem>> -> memref<128xi32, #tpu.memory_space<vmem>>
        %dma_wait3A_361 = arith.constant 0 : i32
        %dma_wait3A_362 = arith.constant 0 : i32
        %dma_wait3A_363 = tpu.memref_slice %arg9[%dma_wait3A_361, %dma_wait3A_362] : memref<10112x64xf32, #tpu.memory_space<vmem_shared>> -> memref<10112x64xf32, #tpu.memory_space<vmem_shared>>
        tpu.wait_indirect_dma semaphore(%run_scoped3A_343 : memref<!tpu.dma_semaphore, #tpu.memory_space<semaphore_mem>>) src(%dma_wait3A_357 : memref<128x64xf32, #tpu.memory_space<vmem>>) dst(%dma_wait3A_363 : memref<10112x64xf32, #tpu.memory_space<vmem_shared>>)
        tpu.yield
      }) : () -> ()
      %add3A_322 = arith.constant 4 : i32
      %add3A_323 = arith.addi %add3A_302, %add3A_322 : i32
      %dma_start3A_324 = arith.constant 3 : i32
      %dma_start3A_325 = arith.constant 3 : i32
      %dma_start3A_326 = arith.constant 0 : i32
      %dma_start3A_327 = arith.constant 0 : i32
      %dma_start3A_328 = tpu.memref_slice %arg8[%dma_start3A_324, %dma_start3A_326, %dma_start3A_327] : memref<4x128x64xf32, #tpu.memory_space<vmem>> -> memref<1x128x64xf32, #tpu.memory_space<vmem>>
      %dma_start3A_329 = tpu.memref_squeeze %dma_start3A_328 : memref<1x128x64xf32, #tpu.memory_space<vmem>> -> memref<128x64xf32, #tpu.memory_space<vmem>>
      %dma_start3A_330 = arith.constant 0 : i32
      %dma_start3A_331 = tpu.memref_slice %arg6[%add3A_323, %dma_start3A_330] : memref<160x128xi32, #tpu.memory_space<vmem>> -> memref<1x128xi32, #tpu.memory_space<vmem>>
      %dma_start3A_332 = tpu.memref_squeeze %dma_start3A_331 : memref<1x128xi32, #tpu.memory_space<vmem>> -> memref<128xi32, #tpu.memory_space<vmem>>
      %dma_start3A_333 = arith.constant 0 : i32
      %dma_start3A_334 = arith.constant 0 : i32
      %dma_start3A_335 = tpu.memref_slice %arg2[%arg0, %dma_start3A_333, %dma_start3A_334] : memref<2x10112x64xf32, #tpu.memory_space<hbm>> -> memref<1x10112x64xf32, #tpu.memory_space<hbm>>
      %dma_start3A_336 = tpu.memref_squeeze %dma_start3A_335 : memref<1x10112x64xf32, #tpu.memory_space<hbm>> -> memref<10112x64xf32, #tpu.memory_space<hbm>>
      %dma_start3A_337 = arith.constant 0 : i32
      %dma_start3A_338 = arith.constant 0 : i32
      %dma_start3A_339 = tpu.memref_slice %dma_start3A_336[%dma_start3A_337, %dma_start3A_338] : memref<10112x64xf32, #tpu.memory_space<hbm>> -> memref<10112x64xf32, #tpu.memory_space<hbm>>
      %dma_start3A_340 = tpu.memref_slice %arg10[%dma_start3A_325] : memref<4x!tpu.dma_semaphore, #tpu.memory_space<semaphore_mem>> -> memref<1x!tpu.dma_semaphore, #tpu.memory_space<semaphore_mem>>
      %dma_start3A_341 = tpu.memref_squeeze %dma_start3A_340 : memref<1x!tpu.dma_semaphore, #tpu.memory_space<semaphore_mem>> -> memref<!tpu.dma_semaphore, #tpu.memory_space<semaphore_mem>>
      tpu.enqueue_indirect_dma source(%dma_start3A_339 : memref<10112x64xf32, #tpu.memory_space<hbm>>) target(%dma_start3A_329 : memref<128x64xf32, #tpu.memory_space<vmem>>) offsets(%dma_start3A_332 : memref<128xi32, #tpu.memory_space<vmem>>) semaphore(%dma_start3A_341 : memref<!tpu.dma_semaphore, #tpu.memory_space<semaphore_mem>>)
      %scan3A_342 = arith.constant 0 : i32
      scf.yield %scan3A_342 : i32
    }
    %scan3A_87 = arith.constant 39 : i32
    %dma_wait3A = arith.constant 156 : i32
    %dma_wait3A_88 = arith.constant 0 : i32
    %dma_wait3A_89 = arith.constant 0 : i32
    %dma_wait3A_90 = arith.constant 0 : i32
    %dma_wait3A_91 = arith.constant 0 : i32
    %dma_wait3A_92 = tpu.memref_slice %arg8[%dma_wait3A_88, %dma_wait3A_90, %dma_wait3A_91] : memref<4x128x64xf32, #tpu.memory_space<vmem>> -> memref<1x128x64xf32, #tpu.memory_space<vmem>>
    %dma_wait3A_93 = tpu.memref_squeeze %dma_wait3A_92 : memref<1x128x64xf32, #tpu.memory_space<vmem>> -> memref<128x64xf32, #tpu.memory_space<vmem>>
    %dma_wait3A_94 = arith.constant 0 : i32
    %dma_wait3A_95 = tpu.memref_slice %arg6[%dma_wait3A, %dma_wait3A_94] : memref<160x128xi32, #tpu.memory_space<vmem>> -> memref<1x128xi32, #tpu.memory_space<vmem>>
    %dma_wait3A_96 = tpu.memref_squeeze %dma_wait3A_95 : memref<1x128xi32, #tpu.memory_space<vmem>> -> memref<128xi32, #tpu.memory_space<vmem>>
    %dma_wait3A_97 = arith.constant 0 : i32
    %dma_wait3A_98 = arith.constant 0 : i32
    %dma_wait3A_99 = tpu.memref_slice %arg2[%arg0, %dma_wait3A_97, %dma_wait3A_98] : memref<2x10112x64xf32, #tpu.memory_space<hbm>> -> memref<1x10112x64xf32, #tpu.memory_space<hbm>>
    %dma_wait3A_100 = tpu.memref_squeeze %dma_wait3A_99 : memref<1x10112x64xf32, #tpu.memory_space<hbm>> -> memref<10112x64xf32, #tpu.memory_space<hbm>>
    %dma_wait3A_101 = arith.constant 0 : i32
    %dma_wait3A_102 = arith.constant 0 : i32
    %dma_wait3A_103 = tpu.memref_slice %dma_wait3A_100[%dma_wait3A_101, %dma_wait3A_102] : memref<10112x64xf32, #tpu.memory_space<hbm>> -> memref<10112x64xf32, #tpu.memory_space<hbm>>
    %dma_wait3A_104 = tpu.memref_slice %arg10[%dma_wait3A_89] : memref<4x!tpu.dma_semaphore, #tpu.memory_space<semaphore_mem>> -> memref<1x!tpu.dma_semaphore, #tpu.memory_space<semaphore_mem>>
    %dma_wait3A_105 = tpu.memref_squeeze %dma_wait3A_104 : memref<1x!tpu.dma_semaphore, #tpu.memory_space<semaphore_mem>> -> memref<!tpu.dma_semaphore, #tpu.memory_space<semaphore_mem>>
    tpu.wait_indirect_dma semaphore(%dma_wait3A_105 : memref<!tpu.dma_semaphore, #tpu.memory_space<semaphore_mem>>) src(%dma_wait3A_103 : memref<10112x64xf32, #tpu.memory_space<hbm>>) dst(%dma_wait3A_93 : memref<128x64xf32, #tpu.memory_space<vmem>>)
    %run_scoped3A = arith.constant 0 : i32
    %run_scoped3A_106 = arith.constant 156 : i32
    "tpu.region"() ({
      %run_scoped3A_175 = tpu.sem_alloc : memref<!tpu.dma_semaphore, #tpu.memory_space<semaphore_mem>>
      %dma_start3A_176 = arith.constant 0 : i32
      %dma_start3A_177 = arith.constant 0 : i32
      %dma_start3A_178 = tpu.memref_slice %arg8[%run_scoped3A, %dma_start3A_176, %dma_start3A_177] : memref<4x128x64xf32, #tpu.memory_space<vmem>> -> memref<1x128x64xf32, #tpu.memory_space<vmem>>
      %dma_start3A_179 = tpu.memref_squeeze %dma_start3A_178 : memref<1x128x64xf32, #tpu.memory_space<vmem>> -> memref<128x64xf32, #tpu.memory_space<vmem>>
      %dma_start3A_180 = arith.constant 0 : i32
      %dma_start3A_181 = tpu.memref_slice %arg7[%run_scoped3A_106, %dma_start3A_180] : memref<160x128xi32, #tpu.memory_space<vmem>> -> memref<1x128xi32, #tpu.memory_space<vmem>>
      %dma_start3A_182 = tpu.memref_squeeze %dma_start3A_181 : memref<1x128xi32, #tpu.memory_space<vmem>> -> memref<128xi32, #tpu.memory_space<vmem>>
      %dma_start3A_183 = arith.constant 0 : i32
      %dma_start3A_184 = arith.constant 0 : i32
      %dma_start3A_185 = tpu.memref_slice %arg9[%dma_start3A_183, %dma_start3A_184] : memref<10112x64xf32, #tpu.memory_space<vmem_shared>> -> memref<10112x64xf32, #tpu.memory_space<vmem_shared>>
      tpu.enqueue_indirect_dma source(%dma_start3A_179 : memref<128x64xf32, #tpu.memory_space<vmem>>) target(%dma_start3A_185 : memref<10112x64xf32, #tpu.memory_space<vmem_shared>>) offsets(%dma_start3A_182 : memref<128xi32, #tpu.memory_space<vmem>>) semaphore(%run_scoped3A_175 : memref<!tpu.dma_semaphore, #tpu.memory_space<semaphore_mem>>) {add = true}
      %dma_wait3A_186 = arith.constant 0 : i32
      %dma_wait3A_187 = arith.constant 0 : i32
      %dma_wait3A_188 = tpu.memref_slice %arg8[%run_scoped3A, %dma_wait3A_186, %dma_wait3A_187] : memref<4x128x64xf32, #tpu.memory_space<vmem>> -> memref<1x128x64xf32, #tpu.memory_space<vmem>>
      %dma_wait3A_189 = tpu.memref_squeeze %dma_wait3A_188 : memref<1x128x64xf32, #tpu.memory_space<vmem>> -> memref<128x64xf32, #tpu.memory_space<vmem>>
      %dma_wait3A_190 = arith.constant 0 : i32
      %dma_wait3A_191 = tpu.memref_slice %arg7[%run_scoped3A_106, %dma_wait3A_190] : memref<160x128xi32, #tpu.memory_space<vmem>> -> memref<1x128xi32, #tpu.memory_space<vmem>>
      %dma_wait3A_192 = tpu.memref_squeeze %dma_wait3A_191 : memref<1x128xi32, #tpu.memory_space<vmem>> -> memref<128xi32, #tpu.memory_space<vmem>>
      %dma_wait3A_193 = arith.constant 0 : i32
      %dma_wait3A_194 = arith.constant 0 : i32
      %dma_wait3A_195 = tpu.memref_slice %arg9[%dma_wait3A_193, %dma_wait3A_194] : memref<10112x64xf32, #tpu.memory_space<vmem_shared>> -> memref<10112x64xf32, #tpu.memory_space<vmem_shared>>
      tpu.wait_indirect_dma semaphore(%run_scoped3A_175 : memref<!tpu.dma_semaphore, #tpu.memory_space<semaphore_mem>>) src(%dma_wait3A_189 : memref<128x64xf32, #tpu.memory_space<vmem>>) dst(%dma_wait3A_195 : memref<10112x64xf32, #tpu.memory_space<vmem_shared>>)
      tpu.yield
    }) : () -> ()
    %dma_wait3A_107 = arith.constant 157 : i32
    %dma_wait3A_108 = arith.constant 1 : i32
    %dma_wait3A_109 = arith.constant 1 : i32
    %dma_wait3A_110 = arith.constant 0 : i32
    %dma_wait3A_111 = arith.constant 0 : i32
    %dma_wait3A_112 = tpu.memref_slice %arg8[%dma_wait3A_108, %dma_wait3A_110, %dma_wait3A_111] : memref<4x128x64xf32, #tpu.memory_space<vmem>> -> memref<1x128x64xf32, #tpu.memory_space<vmem>>
    %dma_wait3A_113 = tpu.memref_squeeze %dma_wait3A_112 : memref<1x128x64xf32, #tpu.memory_space<vmem>> -> memref<128x64xf32, #tpu.memory_space<vmem>>
    %dma_wait3A_114 = arith.constant 0 : i32
    %dma_wait3A_115 = tpu.memref_slice %arg6[%dma_wait3A_107, %dma_wait3A_114] : memref<160x128xi32, #tpu.memory_space<vmem>> -> memref<1x128xi32, #tpu.memory_space<vmem>>
    %dma_wait3A_116 = tpu.memref_squeeze %dma_wait3A_115 : memref<1x128xi32, #tpu.memory_space<vmem>> -> memref<128xi32, #tpu.memory_space<vmem>>
    %dma_wait3A_117 = arith.constant 0 : i32
    %dma_wait3A_118 = arith.constant 0 : i32
    %dma_wait3A_119 = tpu.memref_slice %arg2[%arg0, %dma_wait3A_117, %dma_wait3A_118] : memref<2x10112x64xf32, #tpu.memory_space<hbm>> -> memref<1x10112x64xf32, #tpu.memory_space<hbm>>
    %dma_wait3A_120 = tpu.memref_squeeze %dma_wait3A_119 : memref<1x10112x64xf32, #tpu.memory_space<hbm>> -> memref<10112x64xf32, #tpu.memory_space<hbm>>
    %dma_wait3A_121 = arith.constant 0 : i32
    %dma_wait3A_122 = arith.constant 0 : i32
    %dma_wait3A_123 = tpu.memref_slice %dma_wait3A_120[%dma_wait3A_121, %dma_wait3A_122] : memref<10112x64xf32, #tpu.memory_space<hbm>> -> memref<10112x64xf32, #tpu.memory_space<hbm>>
    %dma_wait3A_124 = tpu.memref_slice %arg10[%dma_wait3A_109] : memref<4x!tpu.dma_semaphore, #tpu.memory_space<semaphore_mem>> -> memref<1x!tpu.dma_semaphore, #tpu.memory_space<semaphore_mem>>
    %dma_wait3A_125 = tpu.memref_squeeze %dma_wait3A_124 : memref<1x!tpu.dma_semaphore, #tpu.memory_space<semaphore_mem>> -> memref<!tpu.dma_semaphore, #tpu.memory_space<semaphore_mem>>
    tpu.wait_indirect_dma semaphore(%dma_wait3A_125 : memref<!tpu.dma_semaphore, #tpu.memory_space<semaphore_mem>>) src(%dma_wait3A_123 : memref<10112x64xf32, #tpu.memory_space<hbm>>) dst(%dma_wait3A_113 : memref<128x64xf32, #tpu.memory_space<vmem>>)
    %run_scoped3A_126 = arith.constant 1 : i32
    %run_scoped3A_127 = arith.constant 157 : i32
    "tpu.region"() ({
      %run_scoped3A_175 = tpu.sem_alloc : memref<!tpu.dma_semaphore, #tpu.memory_space<semaphore_mem>>
      %dma_start3A_176 = arith.constant 0 : i32
      %dma_start3A_177 = arith.constant 0 : i32
      %dma_start3A_178 = tpu.memref_slice %arg8[%run_scoped3A_126, %dma_start3A_176, %dma_start3A_177] : memref<4x128x64xf32, #tpu.memory_space<vmem>> -> memref<1x128x64xf32, #tpu.memory_space<vmem>>
      %dma_start3A_179 = tpu.memref_squeeze %dma_start3A_178 : memref<1x128x64xf32, #tpu.memory_space<vmem>> -> memref<128x64xf32, #tpu.memory_space<vmem>>
      %dma_start3A_180 = arith.constant 0 : i32
      %dma_start3A_181 = tpu.memref_slice %arg7[%run_scoped3A_127, %dma_start3A_180] : memref<160x128xi32, #tpu.memory_space<vmem>> -> memref<1x128xi32, #tpu.memory_space<vmem>>
      %dma_start3A_182 = tpu.memref_squeeze %dma_start3A_181 : memref<1x128xi32, #tpu.memory_space<vmem>> -> memref<128xi32, #tpu.memory_space<vmem>>
      %dma_start3A_183 = arith.constant 0 : i32
      %dma_start3A_184 = arith.constant 0 : i32
      %dma_start3A_185 = tpu.memref_slice %arg9[%dma_start3A_183, %dma_start3A_184] : memref<10112x64xf32, #tpu.memory_space<vmem_shared>> -> memref<10112x64xf32, #tpu.memory_space<vmem_shared>>
      tpu.enqueue_indirect_dma source(%dma_start3A_179 : memref<128x64xf32, #tpu.memory_space<vmem>>) target(%dma_start3A_185 : memref<10112x64xf32, #tpu.memory_space<vmem_shared>>) offsets(%dma_start3A_182 : memref<128xi32, #tpu.memory_space<vmem>>) semaphore(%run_scoped3A_175 : memref<!tpu.dma_semaphore, #tpu.memory_space<semaphore_mem>>) {add = true}
      %dma_wait3A_186 = arith.constant 0 : i32
      %dma_wait3A_187 = arith.constant 0 : i32
      %dma_wait3A_188 = tpu.memref_slice %arg8[%run_scoped3A_126, %dma_wait3A_186, %dma_wait3A_187] : memref<4x128x64xf32, #tpu.memory_space<vmem>> -> memref<1x128x64xf32, #tpu.memory_space<vmem>>
      %dma_wait3A_189 = tpu.memref_squeeze %dma_wait3A_188 : memref<1x128x64xf32, #tpu.memory_space<vmem>> -> memref<128x64xf32, #tpu.memory_space<vmem>>
      %dma_wait3A_190 = arith.constant 0 : i32
      %dma_wait3A_191 = tpu.memref_slice %arg7[%run_scoped3A_127, %dma_wait3A_190] : memref<160x128xi32, #tpu.memory_space<vmem>> -> memref<1x128xi32, #tpu.memory_space<vmem>>
      %dma_wait3A_192 = tpu.memref_squeeze %dma_wait3A_191 : memref<1x128xi32, #tpu.memory_space<vmem>> -> memref<128xi32, #tpu.memory_space<vmem>>
      %dma_wait3A_193 = arith.constant 0 : i32
      %dma_wait3A_194 = arith.constant 0 : i32
      %dma_wait3A_195 = tpu.memref_slice %arg9[%dma_wait3A_193, %dma_wait3A_194] : memref<10112x64xf32, #tpu.memory_space<vmem_shared>> -> memref<10112x64xf32, #tpu.memory_space<vmem_shared>>
      tpu.wait_indirect_dma semaphore(%run_scoped3A_175 : memref<!tpu.dma_semaphore, #tpu.memory_space<semaphore_mem>>) src(%dma_wait3A_189 : memref<128x64xf32, #tpu.memory_space<vmem>>) dst(%dma_wait3A_195 : memref<10112x64xf32, #tpu.memory_space<vmem_shared>>)
      tpu.yield
    }) : () -> ()
    %dma_wait3A_128 = arith.constant 158 : i32
    %dma_wait3A_129 = arith.constant 2 : i32
    %dma_wait3A_130 = arith.constant 2 : i32
    %dma_wait3A_131 = arith.constant 0 : i32
    %dma_wait3A_132 = arith.constant 0 : i32
    %dma_wait3A_133 = tpu.memref_slice %arg8[%dma_wait3A_129, %dma_wait3A_131, %dma_wait3A_132] : memref<4x128x64xf32, #tpu.memory_space<vmem>> -> memref<1x128x64xf32, #tpu.memory_space<vmem>>
    %dma_wait3A_134 = tpu.memref_squeeze %dma_wait3A_133 : memref<1x128x64xf32, #tpu.memory_space<vmem>> -> memref<128x64xf32, #tpu.memory_space<vmem>>
    %dma_wait3A_135 = arith.constant 0 : i32
    %dma_wait3A_136 = tpu.memref_slice %arg6[%dma_wait3A_128, %dma_wait3A_135] : memref<160x128xi32, #tpu.memory_space<vmem>> -> memref<1x128xi32, #tpu.memory_space<vmem>>
    %dma_wait3A_137 = tpu.memref_squeeze %dma_wait3A_136 : memref<1x128xi32, #tpu.memory_space<vmem>> -> memref<128xi32, #tpu.memory_space<vmem>>
    %dma_wait3A_138 = arith.constant 0 : i32
    %dma_wait3A_139 = arith.constant 0 : i32
    %dma_wait3A_140 = tpu.memref_slice %arg2[%arg0, %dma_wait3A_138, %dma_wait3A_139] : memref<2x10112x64xf32, #tpu.memory_space<hbm>> -> memref<1x10112x64xf32, #tpu.memory_space<hbm>>
    %dma_wait3A_141 = tpu.memref_squeeze %dma_wait3A_140 : memref<1x10112x64xf32, #tpu.memory_space<hbm>> -> memref<10112x64xf32, #tpu.memory_space<hbm>>
    %dma_wait3A_142 = arith.constant 0 : i32
    %dma_wait3A_143 = arith.constant 0 : i32
    %dma_wait3A_144 = tpu.memref_slice %dma_wait3A_141[%dma_wait3A_142, %dma_wait3A_143] : memref<10112x64xf32, #tpu.memory_space<hbm>> -> memref<10112x64xf32, #tpu.memory_space<hbm>>
    %dma_wait3A_145 = tpu.memref_slice %arg10[%dma_wait3A_130] : memref<4x!tpu.dma_semaphore, #tpu.memory_space<semaphore_mem>> -> memref<1x!tpu.dma_semaphore, #tpu.memory_space<semaphore_mem>>
    %dma_wait3A_146 = tpu.memref_squeeze %dma_wait3A_145 : memref<1x!tpu.dma_semaphore, #tpu.memory_space<semaphore_mem>> -> memref<!tpu.dma_semaphore, #tpu.memory_space<semaphore_mem>>
    tpu.wait_indirect_dma semaphore(%dma_wait3A_146 : memref<!tpu.dma_semaphore, #tpu.memory_space<semaphore_mem>>) src(%dma_wait3A_144 : memref<10112x64xf32, #tpu.memory_space<hbm>>) dst(%dma_wait3A_134 : memref<128x64xf32, #tpu.memory_space<vmem>>)
    %run_scoped3A_147 = arith.constant 2 : i32
    %run_scoped3A_148 = arith.constant 158 : i32
    "tpu.region"() ({
      %run_scoped3A_175 = tpu.sem_alloc : memref<!tpu.dma_semaphore, #tpu.memory_space<semaphore_mem>>
      %dma_start3A_176 = arith.constant 0 : i32
      %dma_start3A_177 = arith.constant 0 : i32
      %dma_start3A_178 = tpu.memref_slice %arg8[%run_scoped3A_147, %dma_start3A_176, %dma_start3A_177] : memref<4x128x64xf32, #tpu.memory_space<vmem>> -> memref<1x128x64xf32, #tpu.memory_space<vmem>>
      %dma_start3A_179 = tpu.memref_squeeze %dma_start3A_178 : memref<1x128x64xf32, #tpu.memory_space<vmem>> -> memref<128x64xf32, #tpu.memory_space<vmem>>
      %dma_start3A_180 = arith.constant 0 : i32
      %dma_start3A_181 = tpu.memref_slice %arg7[%run_scoped3A_148, %dma_start3A_180] : memref<160x128xi32, #tpu.memory_space<vmem>> -> memref<1x128xi32, #tpu.memory_space<vmem>>
      %dma_start3A_182 = tpu.memref_squeeze %dma_start3A_181 : memref<1x128xi32, #tpu.memory_space<vmem>> -> memref<128xi32, #tpu.memory_space<vmem>>
      %dma_start3A_183 = arith.constant 0 : i32
      %dma_start3A_184 = arith.constant 0 : i32
      %dma_start3A_185 = tpu.memref_slice %arg9[%dma_start3A_183, %dma_start3A_184] : memref<10112x64xf32, #tpu.memory_space<vmem_shared>> -> memref<10112x64xf32, #tpu.memory_space<vmem_shared>>
      tpu.enqueue_indirect_dma source(%dma_start3A_179 : memref<128x64xf32, #tpu.memory_space<vmem>>) target(%dma_start3A_185 : memref<10112x64xf32, #tpu.memory_space<vmem_shared>>) offsets(%dma_start3A_182 : memref<128xi32, #tpu.memory_space<vmem>>) semaphore(%run_scoped3A_175 : memref<!tpu.dma_semaphore, #tpu.memory_space<semaphore_mem>>) {add = true}
      %dma_wait3A_186 = arith.constant 0 : i32
      %dma_wait3A_187 = arith.constant 0 : i32
      %dma_wait3A_188 = tpu.memref_slice %arg8[%run_scoped3A_147, %dma_wait3A_186, %dma_wait3A_187] : memref<4x128x64xf32, #tpu.memory_space<vmem>> -> memref<1x128x64xf32, #tpu.memory_space<vmem>>
      %dma_wait3A_189 = tpu.memref_squeeze %dma_wait3A_188 : memref<1x128x64xf32, #tpu.memory_space<vmem>> -> memref<128x64xf32, #tpu.memory_space<vmem>>
      %dma_wait3A_190 = arith.constant 0 : i32
      %dma_wait3A_191 = tpu.memref_slice %arg7[%run_scoped3A_148, %dma_wait3A_190] : memref<160x128xi32, #tpu.memory_space<vmem>> -> memref<1x128xi32, #tpu.memory_space<vmem>>
      %dma_wait3A_192 = tpu.memref_squeeze %dma_wait3A_191 : memref<1x128xi32, #tpu.memory_space<vmem>> -> memref<128xi32, #tpu.memory_space<vmem>>
      %dma_wait3A_193 = arith.constant 0 : i32
      %dma_wait3A_194 = arith.constant 0 : i32
      %dma_wait3A_195 = tpu.memref_slice %arg9[%dma_wait3A_193, %dma_wait3A_194] : memref<10112x64xf32, #tpu.memory_space<vmem_shared>> -> memref<10112x64xf32, #tpu.memory_space<vmem_shared>>
      tpu.wait_indirect_dma semaphore(%run_scoped3A_175 : memref<!tpu.dma_semaphore, #tpu.memory_space<semaphore_mem>>) src(%dma_wait3A_189 : memref<128x64xf32, #tpu.memory_space<vmem>>) dst(%dma_wait3A_195 : memref<10112x64xf32, #tpu.memory_space<vmem_shared>>)
      tpu.yield
    }) : () -> ()
    %dma_wait3A_149 = arith.constant 159 : i32
    %dma_wait3A_150 = arith.constant 3 : i32
    %dma_wait3A_151 = arith.constant 3 : i32
    %dma_wait3A_152 = arith.constant 0 : i32
    %dma_wait3A_153 = arith.constant 0 : i32
    %dma_wait3A_154 = tpu.memref_slice %arg8[%dma_wait3A_150, %dma_wait3A_152, %dma_wait3A_153] : memref<4x128x64xf32, #tpu.memory_space<vmem>> -> memref<1x128x64xf32, #tpu.memory_space<vmem>>
    %dma_wait3A_155 = tpu.memref_squeeze %dma_wait3A_154 : memref<1x128x64xf32, #tpu.memory_space<vmem>> -> memref<128x64xf32, #tpu.memory_space<vmem>>
    %dma_wait3A_156 = arith.constant 0 : i32
    %dma_wait3A_157 = tpu.memref_slice %arg6[%dma_wait3A_149, %dma_wait3A_156] : memref<160x128xi32, #tpu.memory_space<vmem>> -> memref<1x128xi32, #tpu.memory_space<vmem>>
    %dma_wait3A_158 = tpu.memref_squeeze %dma_wait3A_157 : memref<1x128xi32, #tpu.memory_space<vmem>> -> memref<128xi32, #tpu.memory_space<vmem>>
    %dma_wait3A_159 = arith.constant 0 : i32
    %dma_wait3A_160 = arith.constant 0 : i32
    %dma_wait3A_161 = tpu.memref_slice %arg2[%arg0, %dma_wait3A_159, %dma_wait3A_160] : memref<2x10112x64xf32, #tpu.memory_space<hbm>> -> memref<1x10112x64xf32, #tpu.memory_space<hbm>>
    %dma_wait3A_162 = tpu.memref_squeeze %dma_wait3A_161 : memref<1x10112x64xf32, #tpu.memory_space<hbm>> -> memref<10112x64xf32, #tpu.memory_space<hbm>>
    %dma_wait3A_163 = arith.constant 0 : i32
    %dma_wait3A_164 = arith.constant 0 : i32
    %dma_wait3A_165 = tpu.memref_slice %dma_wait3A_162[%dma_wait3A_163, %dma_wait3A_164] : memref<10112x64xf32, #tpu.memory_space<hbm>> -> memref<10112x64xf32, #tpu.memory_space<hbm>>
    %dma_wait3A_166 = tpu.memref_slice %arg10[%dma_wait3A_151] : memref<4x!tpu.dma_semaphore, #tpu.memory_space<semaphore_mem>> -> memref<1x!tpu.dma_semaphore, #tpu.memory_space<semaphore_mem>>
    %dma_wait3A_167 = tpu.memref_squeeze %dma_wait3A_166 : memref<1x!tpu.dma_semaphore, #tpu.memory_space<semaphore_mem>> -> memref<!tpu.dma_semaphore, #tpu.memory_space<semaphore_mem>>
    tpu.wait_indirect_dma semaphore(%dma_wait3A_167 : memref<!tpu.dma_semaphore, #tpu.memory_space<semaphore_mem>>) src(%dma_wait3A_165 : memref<10112x64xf32, #tpu.memory_space<hbm>>) dst(%dma_wait3A_155 : memref<128x64xf32, #tpu.memory_space<vmem>>)
    %run_scoped3A_168 = arith.constant 3 : i32
    %run_scoped3A_169 = arith.constant 159 : i32
    "tpu.region"() ({
      %run_scoped3A_175 = tpu.sem_alloc : memref<!tpu.dma_semaphore, #tpu.memory_space<semaphore_mem>>
      %dma_start3A_176 = arith.constant 0 : i32
      %dma_start3A_177 = arith.constant 0 : i32
      %dma_start3A_178 = tpu.memref_slice %arg8[%run_scoped3A_168, %dma_start3A_176, %dma_start3A_177] : memref<4x128x64xf32, #tpu.memory_space<vmem>> -> memref<1x128x64xf32, #tpu.memory_space<vmem>>
      %dma_start3A_179 = tpu.memref_squeeze %dma_start3A_178 : memref<1x128x64xf32, #tpu.memory_space<vmem>> -> memref<128x64xf32, #tpu.memory_space<vmem>>
      %dma_start3A_180 = arith.constant 0 : i32
      %dma_start3A_181 = tpu.memref_slice %arg7[%run_scoped3A_169, %dma_start3A_180] : memref<160x128xi32, #tpu.memory_space<vmem>> -> memref<1x128xi32, #tpu.memory_space<vmem>>
      %dma_start3A_182 = tpu.memref_squeeze %dma_start3A_181 : memref<1x128xi32, #tpu.memory_space<vmem>> -> memref<128xi32, #tpu.memory_space<vmem>>
      %dma_start3A_183 = arith.constant 0 : i32
      %dma_start3A_184 = arith.constant 0 : i32
      %dma_start3A_185 = tpu.memref_slice %arg9[%dma_start3A_183, %dma_start3A_184] : memref<10112x64xf32, #tpu.memory_space<vmem_shared>> -> memref<10112x64xf32, #tpu.memory_space<vmem_shared>>
      tpu.enqueue_indirect_dma source(%dma_start3A_179 : memref<128x64xf32, #tpu.memory_space<vmem>>) target(%dma_start3A_185 : memref<10112x64xf32, #tpu.memory_space<vmem_shared>>) offsets(%dma_start3A_182 : memref<128xi32, #tpu.memory_space<vmem>>) semaphore(%run_scoped3A_175 : memref<!tpu.dma_semaphore, #tpu.memory_space<semaphore_mem>>) {add = true}
      %dma_wait3A_186 = arith.constant 0 : i32
      %dma_wait3A_187 = arith.constant 0 : i32
      %dma_wait3A_188 = tpu.memref_slice %arg8[%run_scoped3A_168, %dma_wait3A_186, %dma_wait3A_187] : memref<4x128x64xf32, #tpu.memory_space<vmem>> -> memref<1x128x64xf32, #tpu.memory_space<vmem>>
      %dma_wait3A_189 = tpu.memref_squeeze %dma_wait3A_188 : memref<1x128x64xf32, #tpu.memory_space<vmem>> -> memref<128x64xf32, #tpu.memory_space<vmem>>
      %dma_wait3A_190 = arith.constant 0 : i32
      %dma_wait3A_191 = tpu.memref_slice %arg7[%run_scoped3A_169, %dma_wait3A_190] : memref<160x128xi32, #tpu.memory_space<vmem>> -> memref<1x128xi32, #tpu.memory_space<vmem>>
      %dma_wait3A_192 = tpu.memref_squeeze %dma_wait3A_191 : memref<1x128xi32, #tpu.memory_space<vmem>> -> memref<128xi32, #tpu.memory_space<vmem>>
      %dma_wait3A_193 = arith.constant 0 : i32
      %dma_wait3A_194 = arith.constant 0 : i32
      %dma_wait3A_195 = tpu.memref_slice %arg9[%dma_wait3A_193, %dma_wait3A_194] : memref<10112x64xf32, #tpu.memory_space<vmem_shared>> -> memref<10112x64xf32, #tpu.memory_space<vmem_shared>>
      tpu.wait_indirect_dma semaphore(%run_scoped3A_175 : memref<!tpu.dma_semaphore, #tpu.memory_space<semaphore_mem>>) src(%dma_wait3A_189 : memref<128x64xf32, #tpu.memory_space<vmem>>) dst(%dma_wait3A_195 : memref<10112x64xf32, #tpu.memory_space<vmem_shared>>)
      tpu.yield
    }) : () -> ()
    %barrier3A_170 = arith.constant 0 : index
    tpu.barrier barrier_id(%barrier3A_170)
    %mul3A_171 = arith.constant 632 : i32
    %mul3A_172 = arith.muli %arg1, %mul3A_171 : i32
    %mul3A_173 = arith.constant 632 : i32
    %mul3A_174 = arith.muli %arg1, %mul3A_173 : i32
    "tpu.region"() ({
      %run_scoped3A_175 = tpu.sem_alloc : memref<!tpu.dma_semaphore, #tpu.memory_space<semaphore_mem>>
      %dma_start3A_176 = arith.constant 0 : i32
      %dma_start3A_177 = tpu.memref_slice %arg5[%arg0, %mul3A_174, %dma_start3A_176] : memref<2x10112x64xf32, #tpu.memory_space<hbm>> -> memref<1x632x64xf32, #tpu.memory_space<hbm>>
      %dma_start3A_178 = tpu.memref_squeeze %dma_start3A_177 : memref<1x632x64xf32, #tpu.memory_space<hbm>> -> memref<632x64xf32, #tpu.memory_space<hbm>>
      %dma_start3A_179 = arith.constant 0 : i32
      %dma_start3A_180 = tpu.memref_slice %arg9[%mul3A_172, %dma_start3A_179] : memref<10112x64xf32, #tpu.memory_space<vmem_shared>> -> memref<632x64xf32, #tpu.memory_space<vmem_shared>>
      tpu.enqueue_dma source(%dma_start3A_180 : memref<632x64xf32, #tpu.memory_space<vmem_shared>>) target(%dma_start3A_178 : memref<632x64xf32, #tpu.memory_space<hbm>>) target_semaphore(%run_scoped3A_175 : memref<!tpu.dma_semaphore, #tpu.memory_space<semaphore_mem>>)
      %dma_wait3A_181 = arith.constant 0 : i32
      %dma_wait3A_182 = tpu.memref_slice %arg5[%arg0, %mul3A_174, %dma_wait3A_181] : memref<2x10112x64xf32, #tpu.memory_space<hbm>> -> memref<1x632x64xf32, #tpu.memory_space<hbm>>
      %dma_wait3A_183 = tpu.memref_squeeze %dma_wait3A_182 : memref<1x632x64xf32, #tpu.memory_space<hbm>> -> memref<632x64xf32, #tpu.memory_space<hbm>>
      %dma_wait3A_184 = arith.constant 0 : i32
      %dma_wait3A_185 = tpu.memref_slice %arg9[%mul3A_172, %dma_wait3A_184] : memref<10112x64xf32, #tpu.memory_space<vmem_shared>> -> memref<632x64xf32, #tpu.memory_space<vmem_shared>>
      tpu.wait_dma2 semaphore(%run_scoped3A_175 : memref<!tpu.dma_semaphore, #tpu.memory_space<semaphore_mem>>) src(%dma_wait3A_185 : memref<632x64xf32, #tpu.memory_space<vmem_shared>>) dst(%dma_wait3A_183 : memref<632x64xf32, #tpu.memory_space<hbm>>)
      tpu.yield
    }) : () -> ()
    return
  }
}

#map = affine_map<(d0, d1) -> (0, 0, 0)>
#map1 = affine_map<(d0, d1) -> (0, 0)>
module attributes {stable_mosaic.version = 14 : i64} {
  func.func @_prop_body(%arg0: i32, %arg1: i32, %arg2: memref<2x10112x64xf32, #tpu.memory_space<hbm>>, %arg3: memref<2560x128xi32, #tpu.memory_space<hbm>>, %arg4: memref<2560x128xi32, #tpu.memory_space<hbm>>, %arg5: memref<2x10112x64xf32, #tpu.memory_space<hbm>>, %arg6: memref<160x128xi32, #tpu.memory_space<vmem>>, %arg7: memref<160x128xi32, #tpu.memory_space<vmem>>, %arg8: memref<4x128x64xf32, #tpu.memory_space<vmem>>, %arg9: memref<10112x64xf32, #tpu.memory_space<vmem_shared>>, %arg10: memref<4x!tpu.dma_semaphore, #tpu.memory_space<semaphore_mem>>) attributes {dimension_semantics = [#tpu.dimension_semantics<core_parallel>, #tpu.dimension_semantics<subcore_parallel>], iteration_bounds = array<i64: 2, 16>, scalar_prefetch = 0 : i64, scratch_operands = 5 : i64, tpu.core_type = #tpu.core_type<sc_vector_subcore>, window_params = [{transform_indices = #map}, {transform_indices = #map1}, {transform_indices = #map1}, {transform_indices = #map}]} {
    %mul3A = arith.constant 160 : i32
    %mul3A_0 = arith.muli %arg1, %mul3A : i32
    "tpu.region"() ({
      %run_scoped3A_175 = tpu.sem_alloc : memref<!tpu.dma_semaphore, #tpu.memory_space<semaphore_mem>>
      %dma_start3A_176 = arith.constant 0 : i32
      %dma_start3A_177 = tpu.memref_slice %arg3[%mul3A_0, %dma_start3A_176] : memref<2560x128xi32, #tpu.memory_space<hbm>> -> memref<160x128xi32, #tpu.memory_space<hbm>>
      %dma_start3A_178 = arith.constant 0 : i32
      %dma_start3A_179 = tpu.memref_slice %arg3[%mul3A_0, %dma_start3A_178] : memref<2560x128xi32, #tpu.memory_space<hbm>> -> memref<160x128xi32, #tpu.memory_space<hbm>>
      tpu.enqueue_dma source(%dma_start3A_179 : memref<160x128xi32, #tpu.memory_space<hbm>>) target(%arg6 : memref<160x128xi32, #tpu.memory_space<vmem>>) target_semaphore(%run_scoped3A_175 : memref<!tpu.dma_semaphore, #tpu.memory_space<semaphore_mem>>)
      %dma_wait3A_180 = arith.constant 0 : i32
      %dma_wait3A_181 = tpu.memref_slice %arg3[%mul3A_0, %dma_wait3A_180] : memref<2560x128xi32, #tpu.memory_space<hbm>> -> memref<160x128xi32, #tpu.memory_space<hbm>>
      %dma_wait3A_182 = arith.constant 0 : i32
      %dma_wait3A_183 = tpu.memref_slice %arg3[%mul3A_0, %dma_wait3A_182] : memref<2560x128xi32, #tpu.memory_space<hbm>> -> memref<160x128xi32, #tpu.memory_space<hbm>>
      tpu.wait_dma2 semaphore(%run_scoped3A_175 : memref<!tpu.dma_semaphore, #tpu.memory_space<semaphore_mem>>) src(%dma_wait3A_183 : memref<160x128xi32, #tpu.memory_space<hbm>>) dst(%arg6 : memref<160x128xi32, #tpu.memory_space<vmem>>)
      tpu.yield
    }) : () -> ()
    %mul3A_1 = arith.constant 160 : i32
    %mul3A_2 = arith.muli %arg1, %mul3A_1 : i32
    "tpu.region"() ({
      %run_scoped3A_175 = tpu.sem_alloc : memref<!tpu.dma_semaphore, #tpu.memory_space<semaphore_mem>>
      %dma_start3A_176 = arith.constant 0 : i32
      %dma_start3A_177 = tpu.memref_slice %arg4[%mul3A_2, %dma_start3A_176] : memref<2560x128xi32, #tpu.memory_space<hbm>> -> memref<160x128xi32, #tpu.memory_space<hbm>>
      %dma_start3A_178 = arith.constant 0 : i32
      %dma_start3A_179 = tpu.memref_slice %arg4[%mul3A_2, %dma_start3A_178] : memref<2560x128xi32, #tpu.memory_space<hbm>> -> memref<160x128xi32, #tpu.memory_space<hbm>>
      tpu.enqueue_dma source(%dma_start3A_179 : memref<160x128xi32, #tpu.memory_space<hbm>>) target(%arg7 : memref<160x128xi32, #tpu.memory_space<vmem>>) target_semaphore(%run_scoped3A_175 : memref<!tpu.dma_semaphore, #tpu.memory_space<semaphore_mem>>)
      %dma_wait3A_180 = arith.constant 0 : i32
      %dma_wait3A_181 = tpu.memref_slice %arg4[%mul3A_2, %dma_wait3A_180] : memref<2560x128xi32, #tpu.memory_space<hbm>> -> memref<160x128xi32, #tpu.memory_space<hbm>>
      %dma_wait3A_182 = arith.constant 0 : i32
      %dma_wait3A_183 = tpu.memref_slice %arg4[%mul3A_2, %dma_wait3A_182] : memref<2560x128xi32, #tpu.memory_space<hbm>> -> memref<160x128xi32, #tpu.memory_space<hbm>>
      tpu.wait_dma2 semaphore(%run_scoped3A_175 : memref<!tpu.dma_semaphore, #tpu.memory_space<semaphore_mem>>) src(%dma_wait3A_183 : memref<160x128xi32, #tpu.memory_space<hbm>>) dst(%arg7 : memref<160x128xi32, #tpu.memory_space<vmem>>)
      tpu.yield
    }) : () -> ()
    %mul3A_3 = arith.constant 632 : i32
    %mul3A_4 = arith.muli %arg1, %mul3A_3 : i32
    %mul3A_5 = arith.constant 632 : i32
    %mul3A_6 = arith.muli %arg1, %mul3A_5 : i32
    "tpu.region"() ({
      %run_scoped3A_175 = tpu.sem_alloc : memref<!tpu.dma_semaphore, #tpu.memory_space<semaphore_mem>>
      %dma_start3A_176 = arith.constant 0 : i32
      %dma_start3A_177 = tpu.memref_slice %arg9[%mul3A_6, %dma_start3A_176] : memref<10112x64xf32, #tpu.memory_space<vmem_shared>> -> memref<632x64xf32, #tpu.memory_space<vmem_shared>>
      %dma_start3A_178 = arith.constant 0 : i32
      %dma_start3A_179 = arith.constant 0 : i32
      %dma_start3A_180 = tpu.memref_slice %arg2[%arg0, %dma_start3A_178, %dma_start3A_179] : memref<2x10112x64xf32, #tpu.memory_space<hbm>> -> memref<1x10112x64xf32, #tpu.memory_space<hbm>>
      %dma_start3A_181 = tpu.memref_squeeze %dma_start3A_180 : memref<1x10112x64xf32, #tpu.memory_space<hbm>> -> memref<10112x64xf32, #tpu.memory_space<hbm>>
      %dma_start3A_182 = arith.constant 0 : i32
      %dma_start3A_183 = tpu.memref_slice %dma_start3A_181[%mul3A_4, %dma_start3A_182] : memref<10112x64xf32, #tpu.memory_space<hbm>> -> memref<632x64xf32, #tpu.memory_space<hbm>>
      tpu.enqueue_dma source(%dma_start3A_183 : memref<632x64xf32, #tpu.memory_space<hbm>>) target(%dma_start3A_177 : memref<632x64xf32, #tpu.memory_space<vmem_shared>>) target_semaphore(%run_scoped3A_175 : memref<!tpu.dma_semaphore, #tpu.memory_space<semaphore_mem>>)
      %dma_wait3A_184 = arith.constant 0 : i32
      %dma_wait3A_185 = tpu.memref_slice %arg9[%mul3A_6, %dma_wait3A_184] : memref<10112x64xf32, #tpu.memory_space<vmem_shared>> -> memref<632x64xf32, #tpu.memory_space<vmem_shared>>
      %dma_wait3A_186 = arith.constant 0 : i32
      %dma_wait3A_187 = arith.constant 0 : i32
      %dma_wait3A_188 = tpu.memref_slice %arg2[%arg0, %dma_wait3A_186, %dma_wait3A_187] : memref<2x10112x64xf32, #tpu.memory_space<hbm>> -> memref<1x10112x64xf32, #tpu.memory_space<hbm>>
      %dma_wait3A_189 = tpu.memref_squeeze %dma_wait3A_188 : memref<1x10112x64xf32, #tpu.memory_space<hbm>> -> memref<10112x64xf32, #tpu.memory_space<hbm>>
      %dma_wait3A_190 = arith.constant 0 : i32
      %dma_wait3A_191 = tpu.memref_slice %dma_wait3A_189[%mul3A_4, %dma_wait3A_190] : memref<10112x64xf32, #tpu.memory_space<hbm>> -> memref<632x64xf32, #tpu.memory_space<hbm>>
      tpu.wait_dma2 semaphore(%run_scoped3A_175 : memref<!tpu.dma_semaphore, #tpu.memory_space<semaphore_mem>>) src(%dma_wait3A_191 : memref<632x64xf32, #tpu.memory_space<hbm>>) dst(%dma_wait3A_185 : memref<632x64xf32, #tpu.memory_space<vmem_shared>>)
      tpu.yield
    }) : () -> ()
    %barrier3A = arith.constant 0 : index
    tpu.barrier barrier_id(%barrier3A)
    %dma_start3A = arith.constant 0 : i32
    %dma_start3A_7 = arith.constant 0 : i32
    %dma_start3A_8 = arith.constant 0 : i32
    %dma_start3A_9 = arith.constant 0 : i32
    %dma_start3A_10 = arith.constant 0 : i32
    %dma_start3A_11 = tpu.memref_slice %arg8[%dma_start3A_7, %dma_start3A_9, %dma_start3A_10] : memref<4x128x64xf32, #tpu.memory_space<vmem>> -> memref<1x128x64xf32, #tpu.memory_space<vmem>>
    %dma_start3A_12 = tpu.memref_squeeze %dma_start3A_11 : memref<1x128x64xf32, #tpu.memory_space<vmem>> -> memref<128x64xf32, #tpu.memory_space<vmem>>
    %dma_start3A_13 = arith.constant 0 : i32
    %dma_start3A_14 = tpu.memref_slice %arg6[%dma_start3A, %dma_start3A_13] : memref<160x128xi32, #tpu.memory_space<vmem>> -> memref<1x128xi32, #tpu.memory_space<vmem>>
    %dma_start3A_15 = tpu.memref_squeeze %dma_start3A_14 : memref<1x128xi32, #tpu.memory_space<vmem>> -> memref<128xi32, #tpu.memory_space<vmem>>
    %dma_start3A_16 = arith.constant 0 : i32
    %dma_start3A_17 = arith.constant 0 : i32
    %dma_start3A_18 = tpu.memref_slice %arg2[%arg0, %dma_start3A_16, %dma_start3A_17] : memref<2x10112x64xf32, #tpu.memory_space<hbm>> -> memref<1x10112x64xf32, #tpu.memory_space<hbm>>
    %dma_start3A_19 = tpu.memref_squeeze %dma_start3A_18 : memref<1x10112x64xf32, #tpu.memory_space<hbm>> -> memref<10112x64xf32, #tpu.memory_space<hbm>>
    %dma_start3A_20 = arith.constant 0 : i32
    %dma_start3A_21 = arith.constant 0 : i32
    %dma_start3A_22 = tpu.memref_slice %dma_start3A_19[%dma_start3A_20, %dma_start3A_21] : memref<10112x64xf32, #tpu.memory_space<hbm>> -> memref<10112x64xf32, #tpu.memory_space<hbm>>
    %dma_start3A_23 = tpu.memref_slice %arg10[%dma_start3A_8] : memref<4x!tpu.dma_semaphore, #tpu.memory_space<semaphore_mem>> -> memref<1x!tpu.dma_semaphore, #tpu.memory_space<semaphore_mem>>
    %dma_start3A_24 = tpu.memref_squeeze %dma_start3A_23 : memref<1x!tpu.dma_semaphore, #tpu.memory_space<semaphore_mem>> -> memref<!tpu.dma_semaphore, #tpu.memory_space<semaphore_mem>>
    tpu.enqueue_indirect_dma source(%dma_start3A_22 : memref<10112x64xf32, #tpu.memory_space<hbm>>) target(%dma_start3A_12 : memref<128x64xf32, #tpu.memory_space<vmem>>) offsets(%dma_start3A_15 : memref<128xi32, #tpu.memory_space<vmem>>) semaphore(%dma_start3A_24 : memref<!tpu.dma_semaphore, #tpu.memory_space<semaphore_mem>>)
    %dma_start3A_25 = arith.constant 1 : i32
    %dma_start3A_26 = arith.constant 1 : i32
    %dma_start3A_27 = arith.constant 1 : i32
    %dma_start3A_28 = arith.constant 0 : i32
    %dma_start3A_29 = arith.constant 0 : i32
    %dma_start3A_30 = tpu.memref_slice %arg8[%dma_start3A_26, %dma_start3A_28, %dma_start3A_29] : memref<4x128x64xf32, #tpu.memory_space<vmem>> -> memref<1x128x64xf32, #tpu.memory_space<vmem>>
    %dma_start3A_31 = tpu.memref_squeeze %dma_start3A_30 : memref<1x128x64xf32, #tpu.memory_space<vmem>> -> memref<128x64xf32, #tpu.memory_space<vmem>>
    %dma_start3A_32 = arith.constant 0 : i32
    %dma_start3A_33 = tpu.memref_slice %arg6[%dma_start3A_25, %dma_start3A_32] : memref<160x128xi32, #tpu.memory_space<vmem>> -> memref<1x128xi32, #tpu.memory_space<vmem>>
    %dma_start3A_34 = tpu.memref_squeeze %dma_start3A_33 : memref<1x128xi32, #tpu.memory_space<vmem>> -> memref<128xi32, #tpu.memory_space<vmem>>
    %dma_start3A_35 = arith.constant 0 : i32
    %dma_start3A_36 = arith.constant 0 : i32
    %dma_start3A_37 = tpu.memref_slice %arg2[%arg0, %dma_start3A_35, %dma_start3A_36] : memref<2x10112x64xf32, #tpu.memory_space<hbm>> -> memref<1x10112x64xf32, #tpu.memory_space<hbm>>
    %dma_start3A_38 = tpu.memref_squeeze %dma_start3A_37 : memref<1x10112x64xf32, #tpu.memory_space<hbm>> -> memref<10112x64xf32, #tpu.memory_space<hbm>>
    %dma_start3A_39 = arith.constant 0 : i32
    %dma_start3A_40 = arith.constant 0 : i32
    %dma_start3A_41 = tpu.memref_slice %dma_start3A_38[%dma_start3A_39, %dma_start3A_40] : memref<10112x64xf32, #tpu.memory_space<hbm>> -> memref<10112x64xf32, #tpu.memory_space<hbm>>
    %dma_start3A_42 = tpu.memref_slice %arg10[%dma_start3A_27] : memref<4x!tpu.dma_semaphore, #tpu.memory_space<semaphore_mem>> -> memref<1x!tpu.dma_semaphore, #tpu.memory_space<semaphore_mem>>
    %dma_start3A_43 = tpu.memref_squeeze %dma_start3A_42 : memref<1x!tpu.dma_semaphore, #tpu.memory_space<semaphore_mem>> -> memref<!tpu.dma_semaphore, #tpu.memory_space<semaphore_mem>>
    tpu.enqueue_indirect_dma source(%dma_start3A_41 : memref<10112x64xf32, #tpu.memory_space<hbm>>) target(%dma_start3A_31 : memref<128x64xf32, #tpu.memory_space<vmem>>) offsets(%dma_start3A_34 : memref<128xi32, #tpu.memory_space<vmem>>) semaphore(%dma_start3A_43 : memref<!tpu.dma_semaphore, #tpu.memory_space<semaphore_mem>>)
    %dma_start3A_44 = arith.constant 2 : i32
    %dma_start3A_45 = arith.constant 2 : i32
    %dma_start3A_46 = arith.constant 2 : i32
    %dma_start3A_47 = arith.constant 0 : i32
    %dma_start3A_48 = arith.constant 0 : i32
    %dma_start3A_49 = tpu.memref_slice %arg8[%dma_start3A_45, %dma_start3A_47, %dma_start3A_48] : memref<4x128x64xf32, #tpu.memory_space<vmem>> -> memref<1x128x64xf32, #tpu.memory_space<vmem>>
    %dma_start3A_50 = tpu.memref_squeeze %dma_start3A_49 : memref<1x128x64xf32, #tpu.memory_space<vmem>> -> memref<128x64xf32, #tpu.memory_space<vmem>>
    %dma_start3A_51 = arith.constant 0 : i32
    %dma_start3A_52 = tpu.memref_slice %arg6[%dma_start3A_44, %dma_start3A_51] : memref<160x128xi32, #tpu.memory_space<vmem>> -> memref<1x128xi32, #tpu.memory_space<vmem>>
    %dma_start3A_53 = tpu.memref_squeeze %dma_start3A_52 : memref<1x128xi32, #tpu.memory_space<vmem>> -> memref<128xi32, #tpu.memory_space<vmem>>
    %dma_start3A_54 = arith.constant 0 : i32
    %dma_start3A_55 = arith.constant 0 : i32
    %dma_start3A_56 = tpu.memref_slice %arg2[%arg0, %dma_start3A_54, %dma_start3A_55] : memref<2x10112x64xf32, #tpu.memory_space<hbm>> -> memref<1x10112x64xf32, #tpu.memory_space<hbm>>
    %dma_start3A_57 = tpu.memref_squeeze %dma_start3A_56 : memref<1x10112x64xf32, #tpu.memory_space<hbm>> -> memref<10112x64xf32, #tpu.memory_space<hbm>>
    %dma_start3A_58 = arith.constant 0 : i32
    %dma_start3A_59 = arith.constant 0 : i32
    %dma_start3A_60 = tpu.memref_slice %dma_start3A_57[%dma_start3A_58, %dma_start3A_59] : memref<10112x64xf32, #tpu.memory_space<hbm>> -> memref<10112x64xf32, #tpu.memory_space<hbm>>
    %dma_start3A_61 = tpu.memref_slice %arg10[%dma_start3A_46] : memref<4x!tpu.dma_semaphore, #tpu.memory_space<semaphore_mem>> -> memref<1x!tpu.dma_semaphore, #tpu.memory_space<semaphore_mem>>
    %dma_start3A_62 = tpu.memref_squeeze %dma_start3A_61 : memref<1x!tpu.dma_semaphore, #tpu.memory_space<semaphore_mem>> -> memref<!tpu.dma_semaphore, #tpu.memory_space<semaphore_mem>>
    tpu.enqueue_indirect_dma source(%dma_start3A_60 : memref<10112x64xf32, #tpu.memory_space<hbm>>) target(%dma_start3A_50 : memref<128x64xf32, #tpu.memory_space<vmem>>) offsets(%dma_start3A_53 : memref<128xi32, #tpu.memory_space<vmem>>) semaphore(%dma_start3A_62 : memref<!tpu.dma_semaphore, #tpu.memory_space<semaphore_mem>>)
    %dma_start3A_63 = arith.constant 3 : i32
    %dma_start3A_64 = arith.constant 3 : i32
    %dma_start3A_65 = arith.constant 3 : i32
    %dma_start3A_66 = arith.constant 0 : i32
    %dma_start3A_67 = arith.constant 0 : i32
    %dma_start3A_68 = tpu.memref_slice %arg8[%dma_start3A_64, %dma_start3A_66, %dma_start3A_67] : memref<4x128x64xf32, #tpu.memory_space<vmem>> -> memref<1x128x64xf32, #tpu.memory_space<vmem>>
    %dma_start3A_69 = tpu.memref_squeeze %dma_start3A_68 : memref<1x128x64xf32, #tpu.memory_space<vmem>> -> memref<128x64xf32, #tpu.memory_space<vmem>>
    %dma_start3A_70 = arith.constant 0 : i32
    %dma_start3A_71 = tpu.memref_slice %arg6[%dma_start3A_63, %dma_start3A_70] : memref<160x128xi32, #tpu.memory_space<vmem>> -> memref<1x128xi32, #tpu.memory_space<vmem>>
    %dma_start3A_72 = tpu.memref_squeeze %dma_start3A_71 : memref<1x128xi32, #tpu.memory_space<vmem>> -> memref<128xi32, #tpu.memory_space<vmem>>
    %dma_start3A_73 = arith.constant 0 : i32
    %dma_start3A_74 = arith.constant 0 : i32
    %dma_start3A_75 = tpu.memref_slice %arg2[%arg0, %dma_start3A_73, %dma_start3A_74] : memref<2x10112x64xf32, #tpu.memory_space<hbm>> -> memref<1x10112x64xf32, #tpu.memory_space<hbm>>
    %dma_start3A_76 = tpu.memref_squeeze %dma_start3A_75 : memref<1x10112x64xf32, #tpu.memory_space<hbm>> -> memref<10112x64xf32, #tpu.memory_space<hbm>>
    %dma_start3A_77 = arith.constant 0 : i32
    %dma_start3A_78 = arith.constant 0 : i32
    %dma_start3A_79 = tpu.memref_slice %dma_start3A_76[%dma_start3A_77, %dma_start3A_78] : memref<10112x64xf32, #tpu.memory_space<hbm>> -> memref<10112x64xf32, #tpu.memory_space<hbm>>
    %dma_start3A_80 = tpu.memref_slice %arg10[%dma_start3A_65] : memref<4x!tpu.dma_semaphore, #tpu.memory_space<semaphore_mem>> -> memref<1x!tpu.dma_semaphore, #tpu.memory_space<semaphore_mem>>
    %dma_start3A_81 = tpu.memref_squeeze %dma_start3A_80 : memref<1x!tpu.dma_semaphore, #tpu.memory_space<semaphore_mem>> -> memref<!tpu.dma_semaphore, #tpu.memory_space<semaphore_mem>>
    tpu.enqueue_indirect_dma source(%dma_start3A_79 : memref<10112x64xf32, #tpu.memory_space<hbm>>) target(%dma_start3A_69 : memref<128x64xf32, #tpu.memory_space<vmem>>) offsets(%dma_start3A_72 : memref<128xi32, #tpu.memory_space<vmem>>) semaphore(%dma_start3A_81 : memref<!tpu.dma_semaphore, #tpu.memory_space<semaphore_mem>>)
    %scan3A = arith.constant 0 : i32
    %scan3A_82 = arith.constant 0 : i32
    %scan3A_83 = arith.constant 39 : i32
    %scan3A_84 = arith.addi %scan3A_82, %scan3A_83 : i32
    %scan3A_85 = arith.constant 1 : i32
    %scan3A_86 = scf.for %scan3A_175 = %scan3A_82 to %scan3A_84 step %scan3A_85 iter_args(%scan3A_176 = %scan3A) -> (i32)  : i32 {
      %mul3A_177 = arith.constant 4 : i32
      %mul3A_178 = arith.muli %scan3A_175, %mul3A_177 : i32
      %add3A = arith.constant 0 : i32
      %add3A_179 = arith.addi %mul3A_178, %add3A : i32
      %dma_wait3A_180 = arith.constant 0 : i32
      %dma_wait3A_181 = arith.constant 0 : i32
      %dma_wait3A_182 = arith.constant 0 : i32
      %dma_wait3A_183 = arith.constant 0 : i32
      %dma_wait3A_184 = tpu.memref_slice %arg8[%dma_wait3A_180, %dma_wait3A_182, %dma_wait3A_183] : memref<4x128x64xf32, #tpu.memory_space<vmem>> -> memref<1x128x64xf32, #tpu.memory_space<vmem>>
      %dma_wait3A_185 = tpu.memref_squeeze %dma_wait3A_184 : memref<1x128x64xf32, #tpu.memory_space<vmem>> -> memref<128x64xf32, #tpu.memory_space<vmem>>
      %dma_wait3A_186 = arith.constant 0 : i32
      %dma_wait3A_187 = tpu.memref_slice %arg6[%add3A_179, %dma_wait3A_186] : memref<160x128xi32, #tpu.memory_space<vmem>> -> memref<1x128xi32, #tpu.memory_space<vmem>>
      %dma_wait3A_188 = tpu.memref_squeeze %dma_wait3A_187 : memref<1x128xi32, #tpu.memory_space<vmem>> -> memref<128xi32, #tpu.memory_space<vmem>>
      %dma_wait3A_189 = arith.constant 0 : i32
      %dma_wait3A_190 = arith.constant 0 : i32
      %dma_wait3A_191 = tpu.memref_slice %arg2[%arg0, %dma_wait3A_189, %dma_wait3A_190] : memref<2x10112x64xf32, #tpu.memory_space<hbm>> -> memref<1x10112x64xf32, #tpu.memory_space<hbm>>
      %dma_wait3A_192 = tpu.memref_squeeze %dma_wait3A_191 : memref<1x10112x64xf32, #tpu.memory_space<hbm>> -> memref<10112x64xf32, #tpu.memory_space<hbm>>
      %dma_wait3A_193 = arith.constant 0 : i32
      %dma_wait3A_194 = arith.constant 0 : i32
      %dma_wait3A_195 = tpu.memref_slice %dma_wait3A_192[%dma_wait3A_193, %dma_wait3A_194] : memref<10112x64xf32, #tpu.memory_space<hbm>> -> memref<10112x64xf32, #tpu.memory_space<hbm>>
      %dma_wait3A_196 = tpu.memref_slice %arg10[%dma_wait3A_181] : memref<4x!tpu.dma_semaphore, #tpu.memory_space<semaphore_mem>> -> memref<1x!tpu.dma_semaphore, #tpu.memory_space<semaphore_mem>>
      %dma_wait3A_197 = tpu.memref_squeeze %dma_wait3A_196 : memref<1x!tpu.dma_semaphore, #tpu.memory_space<semaphore_mem>> -> memref<!tpu.dma_semaphore, #tpu.memory_space<semaphore_mem>>
      tpu.wait_indirect_dma semaphore(%dma_wait3A_197 : memref<!tpu.dma_semaphore, #tpu.memory_space<semaphore_mem>>) src(%dma_wait3A_195 : memref<10112x64xf32, #tpu.memory_space<hbm>>) dst(%dma_wait3A_185 : memref<128x64xf32, #tpu.memory_space<vmem>>)
      %run_scoped3A_198 = arith.constant 0 : i32
      "tpu.region"() ({
        %run_scoped3A_343 = tpu.sem_alloc : memref<!tpu.dma_semaphore, #tpu.memory_space<semaphore_mem>>
        %dma_start3A_344 = arith.constant 0 : i32
        %dma_start3A_345 = arith.constant 0 : i32
        %dma_start3A_346 = tpu.memref_slice %arg8[%run_scoped3A_198, %dma_start3A_344, %dma_start3A_345] : memref<4x128x64xf32, #tpu.memory_space<vmem>> -> memref<1x128x64xf32, #tpu.memory_space<vmem>>
        %dma_start3A_347 = tpu.memref_squeeze %dma_start3A_346 : memref<1x128x64xf32, #tpu.memory_space<vmem>> -> memref<128x64xf32, #tpu.memory_space<vmem>>
        %dma_start3A_348 = arith.constant 0 : i32
        %dma_start3A_349 = tpu.memref_slice %arg7[%add3A_179, %dma_start3A_348] : memref<160x128xi32, #tpu.memory_space<vmem>> -> memref<1x128xi32, #tpu.memory_space<vmem>>
        %dma_start3A_350 = tpu.memref_squeeze %dma_start3A_349 : memref<1x128xi32, #tpu.memory_space<vmem>> -> memref<128xi32, #tpu.memory_space<vmem>>
        %dma_start3A_351 = arith.constant 0 : i32
        %dma_start3A_352 = arith.constant 0 : i32
        %dma_start3A_353 = tpu.memref_slice %arg9[%dma_start3A_351, %dma_start3A_352] : memref<10112x64xf32, #tpu.memory_space<vmem_shared>> -> memref<10112x64xf32, #tpu.memory_space<vmem_shared>>
        tpu.enqueue_indirect_dma source(%dma_start3A_347 : memref<128x64xf32, #tpu.memory_space<vmem>>) target(%dma_start3A_353 : memref<10112x64xf32, #tpu.memory_space<vmem_shared>>) offsets(%dma_start3A_350 : memref<128xi32, #tpu.memory_space<vmem>>) semaphore(%run_scoped3A_343 : memref<!tpu.dma_semaphore, #tpu.memory_space<semaphore_mem>>) {add = true}
        %dma_wait3A_354 = arith.constant 0 : i32
        %dma_wait3A_355 = arith.constant 0 : i32
        %dma_wait3A_356 = tpu.memref_slice %arg8[%run_scoped3A_198, %dma_wait3A_354, %dma_wait3A_355] : memref<4x128x64xf32, #tpu.memory_space<vmem>> -> memref<1x128x64xf32, #tpu.memory_space<vmem>>
        %dma_wait3A_357 = tpu.memref_squeeze %dma_wait3A_356 : memref<1x128x64xf32, #tpu.memory_space<vmem>> -> memref<128x64xf32, #tpu.memory_space<vmem>>
        %dma_wait3A_358 = arith.constant 0 : i32
        %dma_wait3A_359 = tpu.memref_slice %arg7[%add3A_179, %dma_wait3A_358] : memref<160x128xi32, #tpu.memory_space<vmem>> -> memref<1x128xi32, #tpu.memory_space<vmem>>
        %dma_wait3A_360 = tpu.memref_squeeze %dma_wait3A_359 : memref<1x128xi32, #tpu.memory_space<vmem>> -> memref<128xi32, #tpu.memory_space<vmem>>
        %dma_wait3A_361 = arith.constant 0 : i32
        %dma_wait3A_362 = arith.constant 0 : i32
        %dma_wait3A_363 = tpu.memref_slice %arg9[%dma_wait3A_361, %dma_wait3A_362] : memref<10112x64xf32, #tpu.memory_space<vmem_shared>> -> memref<10112x64xf32, #tpu.memory_space<vmem_shared>>
        tpu.wait_indirect_dma semaphore(%run_scoped3A_343 : memref<!tpu.dma_semaphore, #tpu.memory_space<semaphore_mem>>) src(%dma_wait3A_357 : memref<128x64xf32, #tpu.memory_space<vmem>>) dst(%dma_wait3A_363 : memref<10112x64xf32, #tpu.memory_space<vmem_shared>>)
        tpu.yield
      }) : () -> ()
      %add3A_199 = arith.constant 4 : i32
      %add3A_200 = arith.addi %add3A_179, %add3A_199 : i32
      %dma_start3A_201 = arith.constant 0 : i32
      %dma_start3A_202 = arith.constant 0 : i32
      %dma_start3A_203 = arith.constant 0 : i32
      %dma_start3A_204 = arith.constant 0 : i32
      %dma_start3A_205 = tpu.memref_slice %arg8[%dma_start3A_201, %dma_start3A_203, %dma_start3A_204] : memref<4x128x64xf32, #tpu.memory_space<vmem>> -> memref<1x128x64xf32, #tpu.memory_space<vmem>>
      %dma_start3A_206 = tpu.memref_squeeze %dma_start3A_205 : memref<1x128x64xf32, #tpu.memory_space<vmem>> -> memref<128x64xf32, #tpu.memory_space<vmem>>
      %dma_start3A_207 = arith.constant 0 : i32
      %dma_start3A_208 = tpu.memref_slice %arg6[%add3A_200, %dma_start3A_207] : memref<160x128xi32, #tpu.memory_space<vmem>> -> memref<1x128xi32, #tpu.memory_space<vmem>>
      %dma_start3A_209 = tpu.memref_squeeze %dma_start3A_208 : memref<1x128xi32, #tpu.memory_space<vmem>> -> memref<128xi32, #tpu.memory_space<vmem>>
      %dma_start3A_210 = arith.constant 0 : i32
      %dma_start3A_211 = arith.constant 0 : i32
      %dma_start3A_212 = tpu.memref_slice %arg2[%arg0, %dma_start3A_210, %dma_start3A_211] : memref<2x10112x64xf32, #tpu.memory_space<hbm>> -> memref<1x10112x64xf32, #tpu.memory_space<hbm>>
      %dma_start3A_213 = tpu.memref_squeeze %dma_start3A_212 : memref<1x10112x64xf32, #tpu.memory_space<hbm>> -> memref<10112x64xf32, #tpu.memory_space<hbm>>
      %dma_start3A_214 = arith.constant 0 : i32
      %dma_start3A_215 = arith.constant 0 : i32
      %dma_start3A_216 = tpu.memref_slice %dma_start3A_213[%dma_start3A_214, %dma_start3A_215] : memref<10112x64xf32, #tpu.memory_space<hbm>> -> memref<10112x64xf32, #tpu.memory_space<hbm>>
      %dma_start3A_217 = tpu.memref_slice %arg10[%dma_start3A_202] : memref<4x!tpu.dma_semaphore, #tpu.memory_space<semaphore_mem>> -> memref<1x!tpu.dma_semaphore, #tpu.memory_space<semaphore_mem>>
      %dma_start3A_218 = tpu.memref_squeeze %dma_start3A_217 : memref<1x!tpu.dma_semaphore, #tpu.memory_space<semaphore_mem>> -> memref<!tpu.dma_semaphore, #tpu.memory_space<semaphore_mem>>
      tpu.enqueue_indirect_dma source(%dma_start3A_216 : memref<10112x64xf32, #tpu.memory_space<hbm>>) target(%dma_start3A_206 : memref<128x64xf32, #tpu.memory_space<vmem>>) offsets(%dma_start3A_209 : memref<128xi32, #tpu.memory_space<vmem>>) semaphore(%dma_start3A_218 : memref<!tpu.dma_semaphore, #tpu.memory_space<semaphore_mem>>)
      %add3A_219 = arith.constant 1 : i32
      %add3A_220 = arith.addi %mul3A_178, %add3A_219 : i32
      %dma_wait3A_221 = arith.constant 1 : i32
      %dma_wait3A_222 = arith.constant 1 : i32
      %dma_wait3A_223 = arith.constant 0 : i32
      %dma_wait3A_224 = arith.constant 0 : i32
      %dma_wait3A_225 = tpu.memref_slice %arg8[%dma_wait3A_221, %dma_wait3A_223, %dma_wait3A_224] : memref<4x128x64xf32, #tpu.memory_space<vmem>> -> memref<1x128x64xf32, #tpu.memory_space<vmem>>
      %dma_wait3A_226 = tpu.memref_squeeze %dma_wait3A_225 : memref<1x128x64xf32, #tpu.memory_space<vmem>> -> memref<128x64xf32, #tpu.memory_space<vmem>>
      %dma_wait3A_227 = arith.constant 0 : i32
      %dma_wait3A_228 = tpu.memref_slice %arg6[%add3A_220, %dma_wait3A_227] : memref<160x128xi32, #tpu.memory_space<vmem>> -> memref<1x128xi32, #tpu.memory_space<vmem>>
      %dma_wait3A_229 = tpu.memref_squeeze %dma_wait3A_228 : memref<1x128xi32, #tpu.memory_space<vmem>> -> memref<128xi32, #tpu.memory_space<vmem>>
      %dma_wait3A_230 = arith.constant 0 : i32
      %dma_wait3A_231 = arith.constant 0 : i32
      %dma_wait3A_232 = tpu.memref_slice %arg2[%arg0, %dma_wait3A_230, %dma_wait3A_231] : memref<2x10112x64xf32, #tpu.memory_space<hbm>> -> memref<1x10112x64xf32, #tpu.memory_space<hbm>>
      %dma_wait3A_233 = tpu.memref_squeeze %dma_wait3A_232 : memref<1x10112x64xf32, #tpu.memory_space<hbm>> -> memref<10112x64xf32, #tpu.memory_space<hbm>>
      %dma_wait3A_234 = arith.constant 0 : i32
      %dma_wait3A_235 = arith.constant 0 : i32
      %dma_wait3A_236 = tpu.memref_slice %dma_wait3A_233[%dma_wait3A_234, %dma_wait3A_235] : memref<10112x64xf32, #tpu.memory_space<hbm>> -> memref<10112x64xf32, #tpu.memory_space<hbm>>
      %dma_wait3A_237 = tpu.memref_slice %arg10[%dma_wait3A_222] : memref<4x!tpu.dma_semaphore, #tpu.memory_space<semaphore_mem>> -> memref<1x!tpu.dma_semaphore, #tpu.memory_space<semaphore_mem>>
      %dma_wait3A_238 = tpu.memref_squeeze %dma_wait3A_237 : memref<1x!tpu.dma_semaphore, #tpu.memory_space<semaphore_mem>> -> memref<!tpu.dma_semaphore, #tpu.memory_space<semaphore_mem>>
      tpu.wait_indirect_dma semaphore(%dma_wait3A_238 : memref<!tpu.dma_semaphore, #tpu.memory_space<semaphore_mem>>) src(%dma_wait3A_236 : memref<10112x64xf32, #tpu.memory_space<hbm>>) dst(%dma_wait3A_226 : memref<128x64xf32, #tpu.memory_space<vmem>>)
      %run_scoped3A_239 = arith.constant 1 : i32
      "tpu.region"() ({
        %run_scoped3A_343 = tpu.sem_alloc : memref<!tpu.dma_semaphore, #tpu.memory_space<semaphore_mem>>
        %dma_start3A_344 = arith.constant 0 : i32
        %dma_start3A_345 = arith.constant 0 : i32
        %dma_start3A_346 = tpu.memref_slice %arg8[%run_scoped3A_239, %dma_start3A_344, %dma_start3A_345] : memref<4x128x64xf32, #tpu.memory_space<vmem>> -> memref<1x128x64xf32, #tpu.memory_space<vmem>>
        %dma_start3A_347 = tpu.memref_squeeze %dma_start3A_346 : memref<1x128x64xf32, #tpu.memory_space<vmem>> -> memref<128x64xf32, #tpu.memory_space<vmem>>
        %dma_start3A_348 = arith.constant 0 : i32
        %dma_start3A_349 = tpu.memref_slice %arg7[%add3A_220, %dma_start3A_348] : memref<160x128xi32, #tpu.memory_space<vmem>> -> memref<1x128xi32, #tpu.memory_space<vmem>>
        %dma_start3A_350 = tpu.memref_squeeze %dma_start3A_349 : memref<1x128xi32, #tpu.memory_space<vmem>> -> memref<128xi32, #tpu.memory_space<vmem>>
        %dma_start3A_351 = arith.constant 0 : i32
        %dma_start3A_352 = arith.constant 0 : i32
        %dma_start3A_353 = tpu.memref_slice %arg9[%dma_start3A_351, %dma_start3A_352] : memref<10112x64xf32, #tpu.memory_space<vmem_shared>> -> memref<10112x64xf32, #tpu.memory_space<vmem_shared>>
        tpu.enqueue_indirect_dma source(%dma_start3A_347 : memref<128x64xf32, #tpu.memory_space<vmem>>) target(%dma_start3A_353 : memref<10112x64xf32, #tpu.memory_space<vmem_shared>>) offsets(%dma_start3A_350 : memref<128xi32, #tpu.memory_space<vmem>>) semaphore(%run_scoped3A_343 : memref<!tpu.dma_semaphore, #tpu.memory_space<semaphore_mem>>) {add = true}
        %dma_wait3A_354 = arith.constant 0 : i32
        %dma_wait3A_355 = arith.constant 0 : i32
        %dma_wait3A_356 = tpu.memref_slice %arg8[%run_scoped3A_239, %dma_wait3A_354, %dma_wait3A_355] : memref<4x128x64xf32, #tpu.memory_space<vmem>> -> memref<1x128x64xf32, #tpu.memory_space<vmem>>
        %dma_wait3A_357 = tpu.memref_squeeze %dma_wait3A_356 : memref<1x128x64xf32, #tpu.memory_space<vmem>> -> memref<128x64xf32, #tpu.memory_space<vmem>>
        %dma_wait3A_358 = arith.constant 0 : i32
        %dma_wait3A_359 = tpu.memref_slice %arg7[%add3A_220, %dma_wait3A_358] : memref<160x128xi32, #tpu.memory_space<vmem>> -> memref<1x128xi32, #tpu.memory_space<vmem>>
        %dma_wait3A_360 = tpu.memref_squeeze %dma_wait3A_359 : memref<1x128xi32, #tpu.memory_space<vmem>> -> memref<128xi32, #tpu.memory_space<vmem>>
        %dma_wait3A_361 = arith.constant 0 : i32
        %dma_wait3A_362 = arith.constant 0 : i32
        %dma_wait3A_363 = tpu.memref_slice %arg9[%dma_wait3A_361, %dma_wait3A_362] : memref<10112x64xf32, #tpu.memory_space<vmem_shared>> -> memref<10112x64xf32, #tpu.memory_space<vmem_shared>>
        tpu.wait_indirect_dma semaphore(%run_scoped3A_343 : memref<!tpu.dma_semaphore, #tpu.memory_space<semaphore_mem>>) src(%dma_wait3A_357 : memref<128x64xf32, #tpu.memory_space<vmem>>) dst(%dma_wait3A_363 : memref<10112x64xf32, #tpu.memory_space<vmem_shared>>)
        tpu.yield
      }) : () -> ()
      %add3A_240 = arith.constant 4 : i32
      %add3A_241 = arith.addi %add3A_220, %add3A_240 : i32
      %dma_start3A_242 = arith.constant 1 : i32
      %dma_start3A_243 = arith.constant 1 : i32
      %dma_start3A_244 = arith.constant 0 : i32
      %dma_start3A_245 = arith.constant 0 : i32
      %dma_start3A_246 = tpu.memref_slice %arg8[%dma_start3A_242, %dma_start3A_244, %dma_start3A_245] : memref<4x128x64xf32, #tpu.memory_space<vmem>> -> memref<1x128x64xf32, #tpu.memory_space<vmem>>
      %dma_start3A_247 = tpu.memref_squeeze %dma_start3A_246 : memref<1x128x64xf32, #tpu.memory_space<vmem>> -> memref<128x64xf32, #tpu.memory_space<vmem>>
      %dma_start3A_248 = arith.constant 0 : i32
      %dma_start3A_249 = tpu.memref_slice %arg6[%add3A_241, %dma_start3A_248] : memref<160x128xi32, #tpu.memory_space<vmem>> -> memref<1x128xi32, #tpu.memory_space<vmem>>
      %dma_start3A_250 = tpu.memref_squeeze %dma_start3A_249 : memref<1x128xi32, #tpu.memory_space<vmem>> -> memref<128xi32, #tpu.memory_space<vmem>>
      %dma_start3A_251 = arith.constant 0 : i32
      %dma_start3A_252 = arith.constant 0 : i32
      %dma_start3A_253 = tpu.memref_slice %arg2[%arg0, %dma_start3A_251, %dma_start3A_252] : memref<2x10112x64xf32, #tpu.memory_space<hbm>> -> memref<1x10112x64xf32, #tpu.memory_space<hbm>>
      %dma_start3A_254 = tpu.memref_squeeze %dma_start3A_253 : memref<1x10112x64xf32, #tpu.memory_space<hbm>> -> memref<10112x64xf32, #tpu.memory_space<hbm>>
      %dma_start3A_255 = arith.constant 0 : i32
      %dma_start3A_256 = arith.constant 0 : i32
      %dma_start3A_257 = tpu.memref_slice %dma_start3A_254[%dma_start3A_255, %dma_start3A_256] : memref<10112x64xf32, #tpu.memory_space<hbm>> -> memref<10112x64xf32, #tpu.memory_space<hbm>>
      %dma_start3A_258 = tpu.memref_slice %arg10[%dma_start3A_243] : memref<4x!tpu.dma_semaphore, #tpu.memory_space<semaphore_mem>> -> memref<1x!tpu.dma_semaphore, #tpu.memory_space<semaphore_mem>>
      %dma_start3A_259 = tpu.memref_squeeze %dma_start3A_258 : memref<1x!tpu.dma_semaphore, #tpu.memory_space<semaphore_mem>> -> memref<!tpu.dma_semaphore, #tpu.memory_space<semaphore_mem>>
      tpu.enqueue_indirect_dma source(%dma_start3A_257 : memref<10112x64xf32, #tpu.memory_space<hbm>>) target(%dma_start3A_247 : memref<128x64xf32, #tpu.memory_space<vmem>>) offsets(%dma_start3A_250 : memref<128xi32, #tpu.memory_space<vmem>>) semaphore(%dma_start3A_259 : memref<!tpu.dma_semaphore, #tpu.memory_space<semaphore_mem>>)
      %add3A_260 = arith.constant 2 : i32
      %add3A_261 = arith.addi %mul3A_178, %add3A_260 : i32
      %dma_wait3A_262 = arith.constant 2 : i32
      %dma_wait3A_263 = arith.constant 2 : i32
      %dma_wait3A_264 = arith.constant 0 : i32
      %dma_wait3A_265 = arith.constant 0 : i32
      %dma_wait3A_266 = tpu.memref_slice %arg8[%dma_wait3A_262, %dma_wait3A_264, %dma_wait3A_265] : memref<4x128x64xf32, #tpu.memory_space<vmem>> -> memref<1x128x64xf32, #tpu.memory_space<vmem>>
      %dma_wait3A_267 = tpu.memref_squeeze %dma_wait3A_266 : memref<1x128x64xf32, #tpu.memory_space<vmem>> -> memref<128x64xf32, #tpu.memory_space<vmem>>
      %dma_wait3A_268 = arith.constant 0 : i32
      %dma_wait3A_269 = tpu.memref_slice %arg6[%add3A_261, %dma_wait3A_268] : memref<160x128xi32, #tpu.memory_space<vmem>> -> memref<1x128xi32, #tpu.memory_space<vmem>>
      %dma_wait3A_270 = tpu.memref_squeeze %dma_wait3A_269 : memref<1x128xi32, #tpu.memory_space<vmem>> -> memref<128xi32, #tpu.memory_space<vmem>>
      %dma_wait3A_271 = arith.constant 0 : i32
      %dma_wait3A_272 = arith.constant 0 : i32
      %dma_wait3A_273 = tpu.memref_slice %arg2[%arg0, %dma_wait3A_271, %dma_wait3A_272] : memref<2x10112x64xf32, #tpu.memory_space<hbm>> -> memref<1x10112x64xf32, #tpu.memory_space<hbm>>
      %dma_wait3A_274 = tpu.memref_squeeze %dma_wait3A_273 : memref<1x10112x64xf32, #tpu.memory_space<hbm>> -> memref<10112x64xf32, #tpu.memory_space<hbm>>
      %dma_wait3A_275 = arith.constant 0 : i32
      %dma_wait3A_276 = arith.constant 0 : i32
      %dma_wait3A_277 = tpu.memref_slice %dma_wait3A_274[%dma_wait3A_275, %dma_wait3A_276] : memref<10112x64xf32, #tpu.memory_space<hbm>> -> memref<10112x64xf32, #tpu.memory_space<hbm>>
      %dma_wait3A_278 = tpu.memref_slice %arg10[%dma_wait3A_263] : memref<4x!tpu.dma_semaphore, #tpu.memory_space<semaphore_mem>> -> memref<1x!tpu.dma_semaphore, #tpu.memory_space<semaphore_mem>>
      %dma_wait3A_279 = tpu.memref_squeeze %dma_wait3A_278 : memref<1x!tpu.dma_semaphore, #tpu.memory_space<semaphore_mem>> -> memref<!tpu.dma_semaphore, #tpu.memory_space<semaphore_mem>>
      tpu.wait_indirect_dma semaphore(%dma_wait3A_279 : memref<!tpu.dma_semaphore, #tpu.memory_space<semaphore_mem>>) src(%dma_wait3A_277 : memref<10112x64xf32, #tpu.memory_space<hbm>>) dst(%dma_wait3A_267 : memref<128x64xf32, #tpu.memory_space<vmem>>)
      %run_scoped3A_280 = arith.constant 2 : i32
      "tpu.region"() ({
        %run_scoped3A_343 = tpu.sem_alloc : memref<!tpu.dma_semaphore, #tpu.memory_space<semaphore_mem>>
        %dma_start3A_344 = arith.constant 0 : i32
        %dma_start3A_345 = arith.constant 0 : i32
        %dma_start3A_346 = tpu.memref_slice %arg8[%run_scoped3A_280, %dma_start3A_344, %dma_start3A_345] : memref<4x128x64xf32, #tpu.memory_space<vmem>> -> memref<1x128x64xf32, #tpu.memory_space<vmem>>
        %dma_start3A_347 = tpu.memref_squeeze %dma_start3A_346 : memref<1x128x64xf32, #tpu.memory_space<vmem>> -> memref<128x64xf32, #tpu.memory_space<vmem>>
        %dma_start3A_348 = arith.constant 0 : i32
        %dma_start3A_349 = tpu.memref_slice %arg7[%add3A_261, %dma_start3A_348] : memref<160x128xi32, #tpu.memory_space<vmem>> -> memref<1x128xi32, #tpu.memory_space<vmem>>
        %dma_start3A_350 = tpu.memref_squeeze %dma_start3A_349 : memref<1x128xi32, #tpu.memory_space<vmem>> -> memref<128xi32, #tpu.memory_space<vmem>>
        %dma_start3A_351 = arith.constant 0 : i32
        %dma_start3A_352 = arith.constant 0 : i32
        %dma_start3A_353 = tpu.memref_slice %arg9[%dma_start3A_351, %dma_start3A_352] : memref<10112x64xf32, #tpu.memory_space<vmem_shared>> -> memref<10112x64xf32, #tpu.memory_space<vmem_shared>>
        tpu.enqueue_indirect_dma source(%dma_start3A_347 : memref<128x64xf32, #tpu.memory_space<vmem>>) target(%dma_start3A_353 : memref<10112x64xf32, #tpu.memory_space<vmem_shared>>) offsets(%dma_start3A_350 : memref<128xi32, #tpu.memory_space<vmem>>) semaphore(%run_scoped3A_343 : memref<!tpu.dma_semaphore, #tpu.memory_space<semaphore_mem>>) {add = true}
        %dma_wait3A_354 = arith.constant 0 : i32
        %dma_wait3A_355 = arith.constant 0 : i32
        %dma_wait3A_356 = tpu.memref_slice %arg8[%run_scoped3A_280, %dma_wait3A_354, %dma_wait3A_355] : memref<4x128x64xf32, #tpu.memory_space<vmem>> -> memref<1x128x64xf32, #tpu.memory_space<vmem>>
        %dma_wait3A_357 = tpu.memref_squeeze %dma_wait3A_356 : memref<1x128x64xf32, #tpu.memory_space<vmem>> -> memref<128x64xf32, #tpu.memory_space<vmem>>
        %dma_wait3A_358 = arith.constant 0 : i32
        %dma_wait3A_359 = tpu.memref_slice %arg7[%add3A_261, %dma_wait3A_358] : memref<160x128xi32, #tpu.memory_space<vmem>> -> memref<1x128xi32, #tpu.memory_space<vmem>>
        %dma_wait3A_360 = tpu.memref_squeeze %dma_wait3A_359 : memref<1x128xi32, #tpu.memory_space<vmem>> -> memref<128xi32, #tpu.memory_space<vmem>>
        %dma_wait3A_361 = arith.constant 0 : i32
        %dma_wait3A_362 = arith.constant 0 : i32
        %dma_wait3A_363 = tpu.memref_slice %arg9[%dma_wait3A_361, %dma_wait3A_362] : memref<10112x64xf32, #tpu.memory_space<vmem_shared>> -> memref<10112x64xf32, #tpu.memory_space<vmem_shared>>
        tpu.wait_indirect_dma semaphore(%run_scoped3A_343 : memref<!tpu.dma_semaphore, #tpu.memory_space<semaphore_mem>>) src(%dma_wait3A_357 : memref<128x64xf32, #tpu.memory_space<vmem>>) dst(%dma_wait3A_363 : memref<10112x64xf32, #tpu.memory_space<vmem_shared>>)
        tpu.yield
      }) : () -> ()
      %add3A_281 = arith.constant 4 : i32
      %add3A_282 = arith.addi %add3A_261, %add3A_281 : i32
      %dma_start3A_283 = arith.constant 2 : i32
      %dma_start3A_284 = arith.constant 2 : i32
      %dma_start3A_285 = arith.constant 0 : i32
      %dma_start3A_286 = arith.constant 0 : i32
      %dma_start3A_287 = tpu.memref_slice %arg8[%dma_start3A_283, %dma_start3A_285, %dma_start3A_286] : memref<4x128x64xf32, #tpu.memory_space<vmem>> -> memref<1x128x64xf32, #tpu.memory_space<vmem>>
      %dma_start3A_288 = tpu.memref_squeeze %dma_start3A_287 : memref<1x128x64xf32, #tpu.memory_space<vmem>> -> memref<128x64xf32, #tpu.memory_space<vmem>>
      %dma_start3A_289 = arith.constant 0 : i32
      %dma_start3A_290 = tpu.memref_slice %arg6[%add3A_282, %dma_start3A_289] : memref<160x128xi32, #tpu.memory_space<vmem>> -> memref<1x128xi32, #tpu.memory_space<vmem>>
      %dma_start3A_291 = tpu.memref_squeeze %dma_start3A_290 : memref<1x128xi32, #tpu.memory_space<vmem>> -> memref<128xi32, #tpu.memory_space<vmem>>
      %dma_start3A_292 = arith.constant 0 : i32
      %dma_start3A_293 = arith.constant 0 : i32
      %dma_start3A_294 = tpu.memref_slice %arg2[%arg0, %dma_start3A_292, %dma_start3A_293] : memref<2x10112x64xf32, #tpu.memory_space<hbm>> -> memref<1x10112x64xf32, #tpu.memory_space<hbm>>
      %dma_start3A_295 = tpu.memref_squeeze %dma_start3A_294 : memref<1x10112x64xf32, #tpu.memory_space<hbm>> -> memref<10112x64xf32, #tpu.memory_space<hbm>>
      %dma_start3A_296 = arith.constant 0 : i32
      %dma_start3A_297 = arith.constant 0 : i32
      %dma_start3A_298 = tpu.memref_slice %dma_start3A_295[%dma_start3A_296, %dma_start3A_297] : memref<10112x64xf32, #tpu.memory_space<hbm>> -> memref<10112x64xf32, #tpu.memory_space<hbm>>
      %dma_start3A_299 = tpu.memref_slice %arg10[%dma_start3A_284] : memref<4x!tpu.dma_semaphore, #tpu.memory_space<semaphore_mem>> -> memref<1x!tpu.dma_semaphore, #tpu.memory_space<semaphore_mem>>
      %dma_start3A_300 = tpu.memref_squeeze %dma_start3A_299 : memref<1x!tpu.dma_semaphore, #tpu.memory_space<semaphore_mem>> -> memref<!tpu.dma_semaphore, #tpu.memory_space<semaphore_mem>>
      tpu.enqueue_indirect_dma source(%dma_start3A_298 : memref<10112x64xf32, #tpu.memory_space<hbm>>) target(%dma_start3A_288 : memref<128x64xf32, #tpu.memory_space<vmem>>) offsets(%dma_start3A_291 : memref<128xi32, #tpu.memory_space<vmem>>) semaphore(%dma_start3A_300 : memref<!tpu.dma_semaphore, #tpu.memory_space<semaphore_mem>>)
      %add3A_301 = arith.constant 3 : i32
      %add3A_302 = arith.addi %mul3A_178, %add3A_301 : i32
      %dma_wait3A_303 = arith.constant 3 : i32
      %dma_wait3A_304 = arith.constant 3 : i32
      %dma_wait3A_305 = arith.constant 0 : i32
      %dma_wait3A_306 = arith.constant 0 : i32
      %dma_wait3A_307 = tpu.memref_slice %arg8[%dma_wait3A_303, %dma_wait3A_305, %dma_wait3A_306] : memref<4x128x64xf32, #tpu.memory_space<vmem>> -> memref<1x128x64xf32, #tpu.memory_space<vmem>>
      %dma_wait3A_308 = tpu.memref_squeeze %dma_wait3A_307 : memref<1x128x64xf32, #tpu.memory_space<vmem>> -> memref<128x64xf32, #tpu.memory_space<vmem>>
      %dma_wait3A_309 = arith.constant 0 : i32
      %dma_wait3A_310 = tpu.memref_slice %arg6[%add3A_302, %dma_wait3A_309] : memref<160x128xi32, #tpu.memory_space<vmem>> -> memref<1x128xi32, #tpu.memory_space<vmem>>
      %dma_wait3A_311 = tpu.memref_squeeze %dma_wait3A_310 : memref<1x128xi32, #tpu.memory_space<vmem>> -> memref<128xi32, #tpu.memory_space<vmem>>
      %dma_wait3A_312 = arith.constant 0 : i32
      %dma_wait3A_313 = arith.constant 0 : i32
      %dma_wait3A_314 = tpu.memref_slice %arg2[%arg0, %dma_wait3A_312, %dma_wait3A_313] : memref<2x10112x64xf32, #tpu.memory_space<hbm>> -> memref<1x10112x64xf32, #tpu.memory_space<hbm>>
      %dma_wait3A_315 = tpu.memref_squeeze %dma_wait3A_314 : memref<1x10112x64xf32, #tpu.memory_space<hbm>> -> memref<10112x64xf32, #tpu.memory_space<hbm>>
      %dma_wait3A_316 = arith.constant 0 : i32
      %dma_wait3A_317 = arith.constant 0 : i32
      %dma_wait3A_318 = tpu.memref_slice %dma_wait3A_315[%dma_wait3A_316, %dma_wait3A_317] : memref<10112x64xf32, #tpu.memory_space<hbm>> -> memref<10112x64xf32, #tpu.memory_space<hbm>>
      %dma_wait3A_319 = tpu.memref_slice %arg10[%dma_wait3A_304] : memref<4x!tpu.dma_semaphore, #tpu.memory_space<semaphore_mem>> -> memref<1x!tpu.dma_semaphore, #tpu.memory_space<semaphore_mem>>
      %dma_wait3A_320 = tpu.memref_squeeze %dma_wait3A_319 : memref<1x!tpu.dma_semaphore, #tpu.memory_space<semaphore_mem>> -> memref<!tpu.dma_semaphore, #tpu.memory_space<semaphore_mem>>
      tpu.wait_indirect_dma semaphore(%dma_wait3A_320 : memref<!tpu.dma_semaphore, #tpu.memory_space<semaphore_mem>>) src(%dma_wait3A_318 : memref<10112x64xf32, #tpu.memory_space<hbm>>) dst(%dma_wait3A_308 : memref<128x64xf32, #tpu.memory_space<vmem>>)
      %run_scoped3A_321 = arith.constant 3 : i32
      "tpu.region"() ({
        %run_scoped3A_343 = tpu.sem_alloc : memref<!tpu.dma_semaphore, #tpu.memory_space<semaphore_mem>>
        %dma_start3A_344 = arith.constant 0 : i32
        %dma_start3A_345 = arith.constant 0 : i32
        %dma_start3A_346 = tpu.memref_slice %arg8[%run_scoped3A_321, %dma_start3A_344, %dma_start3A_345] : memref<4x128x64xf32, #tpu.memory_space<vmem>> -> memref<1x128x64xf32, #tpu.memory_space<vmem>>
        %dma_start3A_347 = tpu.memref_squeeze %dma_start3A_346 : memref<1x128x64xf32, #tpu.memory_space<vmem>> -> memref<128x64xf32, #tpu.memory_space<vmem>>
        %dma_start3A_348 = arith.constant 0 : i32
        %dma_start3A_349 = tpu.memref_slice %arg7[%add3A_302, %dma_start3A_348] : memref<160x128xi32, #tpu.memory_space<vmem>> -> memref<1x128xi32, #tpu.memory_space<vmem>>
        %dma_start3A_350 = tpu.memref_squeeze %dma_start3A_349 : memref<1x128xi32, #tpu.memory_space<vmem>> -> memref<128xi32, #tpu.memory_space<vmem>>
        %dma_start3A_351 = arith.constant 0 : i32
        %dma_start3A_352 = arith.constant 0 : i32
        %dma_start3A_353 = tpu.memref_slice %arg9[%dma_start3A_351, %dma_start3A_352] : memref<10112x64xf32, #tpu.memory_space<vmem_shared>> -> memref<10112x64xf32, #tpu.memory_space<vmem_shared>>
        tpu.enqueue_indirect_dma source(%dma_start3A_347 : memref<128x64xf32, #tpu.memory_space<vmem>>) target(%dma_start3A_353 : memref<10112x64xf32, #tpu.memory_space<vmem_shared>>) offsets(%dma_start3A_350 : memref<128xi32, #tpu.memory_space<vmem>>) semaphore(%run_scoped3A_343 : memref<!tpu.dma_semaphore, #tpu.memory_space<semaphore_mem>>) {add = true}
        %dma_wait3A_354 = arith.constant 0 : i32
        %dma_wait3A_355 = arith.constant 0 : i32
        %dma_wait3A_356 = tpu.memref_slice %arg8[%run_scoped3A_321, %dma_wait3A_354, %dma_wait3A_355] : memref<4x128x64xf32, #tpu.memory_space<vmem>> -> memref<1x128x64xf32, #tpu.memory_space<vmem>>
        %dma_wait3A_357 = tpu.memref_squeeze %dma_wait3A_356 : memref<1x128x64xf32, #tpu.memory_space<vmem>> -> memref<128x64xf32, #tpu.memory_space<vmem>>
        %dma_wait3A_358 = arith.constant 0 : i32
        %dma_wait3A_359 = tpu.memref_slice %arg7[%add3A_302, %dma_wait3A_358] : memref<160x128xi32, #tpu.memory_space<vmem>> -> memref<1x128xi32, #tpu.memory_space<vmem>>
        %dma_wait3A_360 = tpu.memref_squeeze %dma_wait3A_359 : memref<1x128xi32, #tpu.memory_space<vmem>> -> memref<128xi32, #tpu.memory_space<vmem>>
        %dma_wait3A_361 = arith.constant 0 : i32
        %dma_wait3A_362 = arith.constant 0 : i32
        %dma_wait3A_363 = tpu.memref_slice %arg9[%dma_wait3A_361, %dma_wait3A_362] : memref<10112x64xf32, #tpu.memory_space<vmem_shared>> -> memref<10112x64xf32, #tpu.memory_space<vmem_shared>>
        tpu.wait_indirect_dma semaphore(%run_scoped3A_343 : memref<!tpu.dma_semaphore, #tpu.memory_space<semaphore_mem>>) src(%dma_wait3A_357 : memref<128x64xf32, #tpu.memory_space<vmem>>) dst(%dma_wait3A_363 : memref<10112x64xf32, #tpu.memory_space<vmem_shared>>)
        tpu.yield
      }) : () -> ()
      %add3A_322 = arith.constant 4 : i32
      %add3A_323 = arith.addi %add3A_302, %add3A_322 : i32
      %dma_start3A_324 = arith.constant 3 : i32
      %dma_start3A_325 = arith.constant 3 : i32
      %dma_start3A_326 = arith.constant 0 : i32
      %dma_start3A_327 = arith.constant 0 : i32
      %dma_start3A_328 = tpu.memref_slice %arg8[%dma_start3A_324, %dma_start3A_326, %dma_start3A_327] : memref<4x128x64xf32, #tpu.memory_space<vmem>> -> memref<1x128x64xf32, #tpu.memory_space<vmem>>
      %dma_start3A_329 = tpu.memref_squeeze %dma_start3A_328 : memref<1x128x64xf32, #tpu.memory_space<vmem>> -> memref<128x64xf32, #tpu.memory_space<vmem>>
      %dma_start3A_330 = arith.constant 0 : i32
      %dma_start3A_331 = tpu.memref_slice %arg6[%add3A_323, %dma_start3A_330] : memref<160x128xi32, #tpu.memory_space<vmem>> -> memref<1x128xi32, #tpu.memory_space<vmem>>
      %dma_start3A_332 = tpu.memref_squeeze %dma_start3A_331 : memref<1x128xi32, #tpu.memory_space<vmem>> -> memref<128xi32, #tpu.memory_space<vmem>>
      %dma_start3A_333 = arith.constant 0 : i32
      %dma_start3A_334 = arith.constant 0 : i32
      %dma_start3A_335 = tpu.memref_slice %arg2[%arg0, %dma_start3A_333, %dma_start3A_334] : memref<2x10112x64xf32, #tpu.memory_space<hbm>> -> memref<1x10112x64xf32, #tpu.memory_space<hbm>>
      %dma_start3A_336 = tpu.memref_squeeze %dma_start3A_335 : memref<1x10112x64xf32, #tpu.memory_space<hbm>> -> memref<10112x64xf32, #tpu.memory_space<hbm>>
      %dma_start3A_337 = arith.constant 0 : i32
      %dma_start3A_338 = arith.constant 0 : i32
      %dma_start3A_339 = tpu.memref_slice %dma_start3A_336[%dma_start3A_337, %dma_start3A_338] : memref<10112x64xf32, #tpu.memory_space<hbm>> -> memref<10112x64xf32, #tpu.memory_space<hbm>>
      %dma_start3A_340 = tpu.memref_slice %arg10[%dma_start3A_325] : memref<4x!tpu.dma_semaphore, #tpu.memory_space<semaphore_mem>> -> memref<1x!tpu.dma_semaphore, #tpu.memory_space<semaphore_mem>>
      %dma_start3A_341 = tpu.memref_squeeze %dma_start3A_340 : memref<1x!tpu.dma_semaphore, #tpu.memory_space<semaphore_mem>> -> memref<!tpu.dma_semaphore, #tpu.memory_space<semaphore_mem>>
      tpu.enqueue_indirect_dma source(%dma_start3A_339 : memref<10112x64xf32, #tpu.memory_space<hbm>>) target(%dma_start3A_329 : memref<128x64xf32, #tpu.memory_space<vmem>>) offsets(%dma_start3A_332 : memref<128xi32, #tpu.memory_space<vmem>>) semaphore(%dma_start3A_341 : memref<!tpu.dma_semaphore, #tpu.memory_space<semaphore_mem>>)
      %scan3A_342 = arith.constant 0 : i32
      scf.yield %scan3A_342 : i32
    }
    %scan3A_87 = arith.constant 39 : i32
    %dma_wait3A = arith.constant 156 : i32
    %dma_wait3A_88 = arith.constant 0 : i32
    %dma_wait3A_89 = arith.constant 0 : i32
    %dma_wait3A_90 = arith.constant 0 : i32
    %dma_wait3A_91 = arith.constant 0 : i32
    %dma_wait3A_92 = tpu.memref_slice %arg8[%dma_wait3A_88, %dma_wait3A_90, %dma_wait3A_91] : memref<4x128x64xf32, #tpu.memory_space<vmem>> -> memref<1x128x64xf32, #tpu.memory_space<vmem>>
    %dma_wait3A_93 = tpu.memref_squeeze %dma_wait3A_92 : memref<1x128x64xf32, #tpu.memory_space<vmem>> -> memref<128x64xf32, #tpu.memory_space<vmem>>
    %dma_wait3A_94 = arith.constant 0 : i32
    %dma_wait3A_95 = tpu.memref_slice %arg6[%dma_wait3A, %dma_wait3A_94] : memref<160x128xi32, #tpu.memory_space<vmem>> -> memref<1x128xi32, #tpu.memory_space<vmem>>
    %dma_wait3A_96 = tpu.memref_squeeze %dma_wait3A_95 : memref<1x128xi32, #tpu.memory_space<vmem>> -> memref<128xi32, #tpu.memory_space<vmem>>
    %dma_wait3A_97 = arith.constant 0 : i32
    %dma_wait3A_98 = arith.constant 0 : i32
    %dma_wait3A_99 = tpu.memref_slice %arg2[%arg0, %dma_wait3A_97, %dma_wait3A_98] : memref<2x10112x64xf32, #tpu.memory_space<hbm>> -> memref<1x10112x64xf32, #tpu.memory_space<hbm>>
    %dma_wait3A_100 = tpu.memref_squeeze %dma_wait3A_99 : memref<1x10112x64xf32, #tpu.memory_space<hbm>> -> memref<10112x64xf32, #tpu.memory_space<hbm>>
    %dma_wait3A_101 = arith.constant 0 : i32
    %dma_wait3A_102 = arith.constant 0 : i32
    %dma_wait3A_103 = tpu.memref_slice %dma_wait3A_100[%dma_wait3A_101, %dma_wait3A_102] : memref<10112x64xf32, #tpu.memory_space<hbm>> -> memref<10112x64xf32, #tpu.memory_space<hbm>>
    %dma_wait3A_104 = tpu.memref_slice %arg10[%dma_wait3A_89] : memref<4x!tpu.dma_semaphore, #tpu.memory_space<semaphore_mem>> -> memref<1x!tpu.dma_semaphore, #tpu.memory_space<semaphore_mem>>
    %dma_wait3A_105 = tpu.memref_squeeze %dma_wait3A_104 : memref<1x!tpu.dma_semaphore, #tpu.memory_space<semaphore_mem>> -> memref<!tpu.dma_semaphore, #tpu.memory_space<semaphore_mem>>
    tpu.wait_indirect_dma semaphore(%dma_wait3A_105 : memref<!tpu.dma_semaphore, #tpu.memory_space<semaphore_mem>>) src(%dma_wait3A_103 : memref<10112x64xf32, #tpu.memory_space<hbm>>) dst(%dma_wait3A_93 : memref<128x64xf32, #tpu.memory_space<vmem>>)
    %run_scoped3A = arith.constant 0 : i32
    %run_scoped3A_106 = arith.constant 156 : i32
    "tpu.region"() ({
      %run_scoped3A_175 = tpu.sem_alloc : memref<!tpu.dma_semaphore, #tpu.memory_space<semaphore_mem>>
      %dma_start3A_176 = arith.constant 0 : i32
      %dma_start3A_177 = arith.constant 0 : i32
      %dma_start3A_178 = tpu.memref_slice %arg8[%run_scoped3A, %dma_start3A_176, %dma_start3A_177] : memref<4x128x64xf32, #tpu.memory_space<vmem>> -> memref<1x128x64xf32, #tpu.memory_space<vmem>>
      %dma_start3A_179 = tpu.memref_squeeze %dma_start3A_178 : memref<1x128x64xf32, #tpu.memory_space<vmem>> -> memref<128x64xf32, #tpu.memory_space<vmem>>
      %dma_start3A_180 = arith.constant 0 : i32
      %dma_start3A_181 = tpu.memref_slice %arg7[%run_scoped3A_106, %dma_start3A_180] : memref<160x128xi32, #tpu.memory_space<vmem>> -> memref<1x128xi32, #tpu.memory_space<vmem>>
      %dma_start3A_182 = tpu.memref_squeeze %dma_start3A_181 : memref<1x128xi32, #tpu.memory_space<vmem>> -> memref<128xi32, #tpu.memory_space<vmem>>
      %dma_start3A_183 = arith.constant 0 : i32
      %dma_start3A_184 = arith.constant 0 : i32
      %dma_start3A_185 = tpu.memref_slice %arg9[%dma_start3A_183, %dma_start3A_184] : memref<10112x64xf32, #tpu.memory_space<vmem_shared>> -> memref<10112x64xf32, #tpu.memory_space<vmem_shared>>
      tpu.enqueue_indirect_dma source(%dma_start3A_179 : memref<128x64xf32, #tpu.memory_space<vmem>>) target(%dma_start3A_185 : memref<10112x64xf32, #tpu.memory_space<vmem_shared>>) offsets(%dma_start3A_182 : memref<128xi32, #tpu.memory_space<vmem>>) semaphore(%run_scoped3A_175 : memref<!tpu.dma_semaphore, #tpu.memory_space<semaphore_mem>>) {add = true}
      %dma_wait3A_186 = arith.constant 0 : i32
      %dma_wait3A_187 = arith.constant 0 : i32
      %dma_wait3A_188 = tpu.memref_slice %arg8[%run_scoped3A, %dma_wait3A_186, %dma_wait3A_187] : memref<4x128x64xf32, #tpu.memory_space<vmem>> -> memref<1x128x64xf32, #tpu.memory_space<vmem>>
      %dma_wait3A_189 = tpu.memref_squeeze %dma_wait3A_188 : memref<1x128x64xf32, #tpu.memory_space<vmem>> -> memref<128x64xf32, #tpu.memory_space<vmem>>
      %dma_wait3A_190 = arith.constant 0 : i32
      %dma_wait3A_191 = tpu.memref_slice %arg7[%run_scoped3A_106, %dma_wait3A_190] : memref<160x128xi32, #tpu.memory_space<vmem>> -> memref<1x128xi32, #tpu.memory_space<vmem>>
      %dma_wait3A_192 = tpu.memref_squeeze %dma_wait3A_191 : memref<1x128xi32, #tpu.memory_space<vmem>> -> memref<128xi32, #tpu.memory_space<vmem>>
      %dma_wait3A_193 = arith.constant 0 : i32
      %dma_wait3A_194 = arith.constant 0 : i32
      %dma_wait3A_195 = tpu.memref_slice %arg9[%dma_wait3A_193, %dma_wait3A_194] : memref<10112x64xf32, #tpu.memory_space<vmem_shared>> -> memref<10112x64xf32, #tpu.memory_space<vmem_shared>>
      tpu.wait_indirect_dma semaphore(%run_scoped3A_175 : memref<!tpu.dma_semaphore, #tpu.memory_space<semaphore_mem>>) src(%dma_wait3A_189 : memref<128x64xf32, #tpu.memory_space<vmem>>) dst(%dma_wait3A_195 : memref<10112x64xf32, #tpu.memory_space<vmem_shared>>)
      tpu.yield
    }) : () -> ()
    %dma_wait3A_107 = arith.constant 157 : i32
    %dma_wait3A_108 = arith.constant 1 : i32
    %dma_wait3A_109 = arith.constant 1 : i32
    %dma_wait3A_110 = arith.constant 0 : i32
    %dma_wait3A_111 = arith.constant 0 : i32
    %dma_wait3A_112 = tpu.memref_slice %arg8[%dma_wait3A_108, %dma_wait3A_110, %dma_wait3A_111] : memref<4x128x64xf32, #tpu.memory_space<vmem>> -> memref<1x128x64xf32, #tpu.memory_space<vmem>>
    %dma_wait3A_113 = tpu.memref_squeeze %dma_wait3A_112 : memref<1x128x64xf32, #tpu.memory_space<vmem>> -> memref<128x64xf32, #tpu.memory_space<vmem>>
    %dma_wait3A_114 = arith.constant 0 : i32
    %dma_wait3A_115 = tpu.memref_slice %arg6[%dma_wait3A_107, %dma_wait3A_114] : memref<160x128xi32, #tpu.memory_space<vmem>> -> memref<1x128xi32, #tpu.memory_space<vmem>>
    %dma_wait3A_116 = tpu.memref_squeeze %dma_wait3A_115 : memref<1x128xi32, #tpu.memory_space<vmem>> -> memref<128xi32, #tpu.memory_space<vmem>>
    %dma_wait3A_117 = arith.constant 0 : i32
    %dma_wait3A_118 = arith.constant 0 : i32
    %dma_wait3A_119 = tpu.memref_slice %arg2[%arg0, %dma_wait3A_117, %dma_wait3A_118] : memref<2x10112x64xf32, #tpu.memory_space<hbm>> -> memref<1x10112x64xf32, #tpu.memory_space<hbm>>
    %dma_wait3A_120 = tpu.memref_squeeze %dma_wait3A_119 : memref<1x10112x64xf32, #tpu.memory_space<hbm>> -> memref<10112x64xf32, #tpu.memory_space<hbm>>
    %dma_wait3A_121 = arith.constant 0 : i32
    %dma_wait3A_122 = arith.constant 0 : i32
    %dma_wait3A_123 = tpu.memref_slice %dma_wait3A_120[%dma_wait3A_121, %dma_wait3A_122] : memref<10112x64xf32, #tpu.memory_space<hbm>> -> memref<10112x64xf32, #tpu.memory_space<hbm>>
    %dma_wait3A_124 = tpu.memref_slice %arg10[%dma_wait3A_109] : memref<4x!tpu.dma_semaphore, #tpu.memory_space<semaphore_mem>> -> memref<1x!tpu.dma_semaphore, #tpu.memory_space<semaphore_mem>>
    %dma_wait3A_125 = tpu.memref_squeeze %dma_wait3A_124 : memref<1x!tpu.dma_semaphore, #tpu.memory_space<semaphore_mem>> -> memref<!tpu.dma_semaphore, #tpu.memory_space<semaphore_mem>>
    tpu.wait_indirect_dma semaphore(%dma_wait3A_125 : memref<!tpu.dma_semaphore, #tpu.memory_space<semaphore_mem>>) src(%dma_wait3A_123 : memref<10112x64xf32, #tpu.memory_space<hbm>>) dst(%dma_wait3A_113 : memref<128x64xf32, #tpu.memory_space<vmem>>)
    %run_scoped3A_126 = arith.constant 1 : i32
    %run_scoped3A_127 = arith.constant 157 : i32
    "tpu.region"() ({
      %run_scoped3A_175 = tpu.sem_alloc : memref<!tpu.dma_semaphore, #tpu.memory_space<semaphore_mem>>
      %dma_start3A_176 = arith.constant 0 : i32
      %dma_start3A_177 = arith.constant 0 : i32
      %dma_start3A_178 = tpu.memref_slice %arg8[%run_scoped3A_126, %dma_start3A_176, %dma_start3A_177] : memref<4x128x64xf32, #tpu.memory_space<vmem>> -> memref<1x128x64xf32, #tpu.memory_space<vmem>>
      %dma_start3A_179 = tpu.memref_squeeze %dma_start3A_178 : memref<1x128x64xf32, #tpu.memory_space<vmem>> -> memref<128x64xf32, #tpu.memory_space<vmem>>
      %dma_start3A_180 = arith.constant 0 : i32
      %dma_start3A_181 = tpu.memref_slice %arg7[%run_scoped3A_127, %dma_start3A_180] : memref<160x128xi32, #tpu.memory_space<vmem>> -> memref<1x128xi32, #tpu.memory_space<vmem>>
      %dma_start3A_182 = tpu.memref_squeeze %dma_start3A_181 : memref<1x128xi32, #tpu.memory_space<vmem>> -> memref<128xi32, #tpu.memory_space<vmem>>
      %dma_start3A_183 = arith.constant 0 : i32
      %dma_start3A_184 = arith.constant 0 : i32
      %dma_start3A_185 = tpu.memref_slice %arg9[%dma_start3A_183, %dma_start3A_184] : memref<10112x64xf32, #tpu.memory_space<vmem_shared>> -> memref<10112x64xf32, #tpu.memory_space<vmem_shared>>
      tpu.enqueue_indirect_dma source(%dma_start3A_179 : memref<128x64xf32, #tpu.memory_space<vmem>>) target(%dma_start3A_185 : memref<10112x64xf32, #tpu.memory_space<vmem_shared>>) offsets(%dma_start3A_182 : memref<128xi32, #tpu.memory_space<vmem>>) semaphore(%run_scoped3A_175 : memref<!tpu.dma_semaphore, #tpu.memory_space<semaphore_mem>>) {add = true}
      %dma_wait3A_186 = arith.constant 0 : i32
      %dma_wait3A_187 = arith.constant 0 : i32
      %dma_wait3A_188 = tpu.memref_slice %arg8[%run_scoped3A_126, %dma_wait3A_186, %dma_wait3A_187] : memref<4x128x64xf32, #tpu.memory_space<vmem>> -> memref<1x128x64xf32, #tpu.memory_space<vmem>>
      %dma_wait3A_189 = tpu.memref_squeeze %dma_wait3A_188 : memref<1x128x64xf32, #tpu.memory_space<vmem>> -> memref<128x64xf32, #tpu.memory_space<vmem>>
      %dma_wait3A_190 = arith.constant 0 : i32
      %dma_wait3A_191 = tpu.memref_slice %arg7[%run_scoped3A_127, %dma_wait3A_190] : memref<160x128xi32, #tpu.memory_space<vmem>> -> memref<1x128xi32, #tpu.memory_space<vmem>>
      %dma_wait3A_192 = tpu.memref_squeeze %dma_wait3A_191 : memref<1x128xi32, #tpu.memory_space<vmem>> -> memref<128xi32, #tpu.memory_space<vmem>>
      %dma_wait3A_193 = arith.constant 0 : i32
      %dma_wait3A_194 = arith.constant 0 : i32
      %dma_wait3A_195 = tpu.memref_slice %arg9[%dma_wait3A_193, %dma_wait3A_194] : memref<10112x64xf32, #tpu.memory_space<vmem_shared>> -> memref<10112x64xf32, #tpu.memory_space<vmem_shared>>
      tpu.wait_indirect_dma semaphore(%run_scoped3A_175 : memref<!tpu.dma_semaphore, #tpu.memory_space<semaphore_mem>>) src(%dma_wait3A_189 : memref<128x64xf32, #tpu.memory_space<vmem>>) dst(%dma_wait3A_195 : memref<10112x64xf32, #tpu.memory_space<vmem_shared>>)
      tpu.yield
    }) : () -> ()
    %dma_wait3A_128 = arith.constant 158 : i32
    %dma_wait3A_129 = arith.constant 2 : i32
    %dma_wait3A_130 = arith.constant 2 : i32
    %dma_wait3A_131 = arith.constant 0 : i32
    %dma_wait3A_132 = arith.constant 0 : i32
    %dma_wait3A_133 = tpu.memref_slice %arg8[%dma_wait3A_129, %dma_wait3A_131, %dma_wait3A_132] : memref<4x128x64xf32, #tpu.memory_space<vmem>> -> memref<1x128x64xf32, #tpu.memory_space<vmem>>
    %dma_wait3A_134 = tpu.memref_squeeze %dma_wait3A_133 : memref<1x128x64xf32, #tpu.memory_space<vmem>> -> memref<128x64xf32, #tpu.memory_space<vmem>>
    %dma_wait3A_135 = arith.constant 0 : i32
    %dma_wait3A_136 = tpu.memref_slice %arg6[%dma_wait3A_128, %dma_wait3A_135] : memref<160x128xi32, #tpu.memory_space<vmem>> -> memref<1x128xi32, #tpu.memory_space<vmem>>
    %dma_wait3A_137 = tpu.memref_squeeze %dma_wait3A_136 : memref<1x128xi32, #tpu.memory_space<vmem>> -> memref<128xi32, #tpu.memory_space<vmem>>
    %dma_wait3A_138 = arith.constant 0 : i32
    %dma_wait3A_139 = arith.constant 0 : i32
    %dma_wait3A_140 = tpu.memref_slice %arg2[%arg0, %dma_wait3A_138, %dma_wait3A_139] : memref<2x10112x64xf32, #tpu.memory_space<hbm>> -> memref<1x10112x64xf32, #tpu.memory_space<hbm>>
    %dma_wait3A_141 = tpu.memref_squeeze %dma_wait3A_140 : memref<1x10112x64xf32, #tpu.memory_space<hbm>> -> memref<10112x64xf32, #tpu.memory_space<hbm>>
    %dma_wait3A_142 = arith.constant 0 : i32
    %dma_wait3A_143 = arith.constant 0 : i32
    %dma_wait3A_144 = tpu.memref_slice %dma_wait3A_141[%dma_wait3A_142, %dma_wait3A_143] : memref<10112x64xf32, #tpu.memory_space<hbm>> -> memref<10112x64xf32, #tpu.memory_space<hbm>>
    %dma_wait3A_145 = tpu.memref_slice %arg10[%dma_wait3A_130] : memref<4x!tpu.dma_semaphore, #tpu.memory_space<semaphore_mem>> -> memref<1x!tpu.dma_semaphore, #tpu.memory_space<semaphore_mem>>
    %dma_wait3A_146 = tpu.memref_squeeze %dma_wait3A_145 : memref<1x!tpu.dma_semaphore, #tpu.memory_space<semaphore_mem>> -> memref<!tpu.dma_semaphore, #tpu.memory_space<semaphore_mem>>
    tpu.wait_indirect_dma semaphore(%dma_wait3A_146 : memref<!tpu.dma_semaphore, #tpu.memory_space<semaphore_mem>>) src(%dma_wait3A_144 : memref<10112x64xf32, #tpu.memory_space<hbm>>) dst(%dma_wait3A_134 : memref<128x64xf32, #tpu.memory_space<vmem>>)
    %run_scoped3A_147 = arith.constant 2 : i32
    %run_scoped3A_148 = arith.constant 158 : i32
    "tpu.region"() ({
      %run_scoped3A_175 = tpu.sem_alloc : memref<!tpu.dma_semaphore, #tpu.memory_space<semaphore_mem>>
      %dma_start3A_176 = arith.constant 0 : i32
      %dma_start3A_177 = arith.constant 0 : i32
      %dma_start3A_178 = tpu.memref_slice %arg8[%run_scoped3A_147, %dma_start3A_176, %dma_start3A_177] : memref<4x128x64xf32, #tpu.memory_space<vmem>> -> memref<1x128x64xf32, #tpu.memory_space<vmem>>
      %dma_start3A_179 = tpu.memref_squeeze %dma_start3A_178 : memref<1x128x64xf32, #tpu.memory_space<vmem>> -> memref<128x64xf32, #tpu.memory_space<vmem>>
      %dma_start3A_180 = arith.constant 0 : i32
      %dma_start3A_181 = tpu.memref_slice %arg7[%run_scoped3A_148, %dma_start3A_180] : memref<160x128xi32, #tpu.memory_space<vmem>> -> memref<1x128xi32, #tpu.memory_space<vmem>>
      %dma_start3A_182 = tpu.memref_squeeze %dma_start3A_181 : memref<1x128xi32, #tpu.memory_space<vmem>> -> memref<128xi32, #tpu.memory_space<vmem>>
      %dma_start3A_183 = arith.constant 0 : i32
      %dma_start3A_184 = arith.constant 0 : i32
      %dma_start3A_185 = tpu.memref_slice %arg9[%dma_start3A_183, %dma_start3A_184] : memref<10112x64xf32, #tpu.memory_space<vmem_shared>> -> memref<10112x64xf32, #tpu.memory_space<vmem_shared>>
      tpu.enqueue_indirect_dma source(%dma_start3A_179 : memref<128x64xf32, #tpu.memory_space<vmem>>) target(%dma_start3A_185 : memref<10112x64xf32, #tpu.memory_space<vmem_shared>>) offsets(%dma_start3A_182 : memref<128xi32, #tpu.memory_space<vmem>>) semaphore(%run_scoped3A_175 : memref<!tpu.dma_semaphore, #tpu.memory_space<semaphore_mem>>) {add = true}
      %dma_wait3A_186 = arith.constant 0 : i32
      %dma_wait3A_187 = arith.constant 0 : i32
      %dma_wait3A_188 = tpu.memref_slice %arg8[%run_scoped3A_147, %dma_wait3A_186, %dma_wait3A_187] : memref<4x128x64xf32, #tpu.memory_space<vmem>> -> memref<1x128x64xf32, #tpu.memory_space<vmem>>
      %dma_wait3A_189 = tpu.memref_squeeze %dma_wait3A_188 : memref<1x128x64xf32, #tpu.memory_space<vmem>> -> memref<128x64xf32, #tpu.memory_space<vmem>>
      %dma_wait3A_190 = arith.constant 0 : i32
      %dma_wait3A_191 = tpu.memref_slice %arg7[%run_scoped3A_148, %dma_wait3A_190] : memref<160x128xi32, #tpu.memory_space<vmem>> -> memref<1x128xi32, #tpu.memory_space<vmem>>
      %dma_wait3A_192 = tpu.memref_squeeze %dma_wait3A_191 : memref<1x128xi32, #tpu.memory_space<vmem>> -> memref<128xi32, #tpu.memory_space<vmem>>
      %dma_wait3A_193 = arith.constant 0 : i32
      %dma_wait3A_194 = arith.constant 0 : i32
      %dma_wait3A_195 = tpu.memref_slice %arg9[%dma_wait3A_193, %dma_wait3A_194] : memref<10112x64xf32, #tpu.memory_space<vmem_shared>> -> memref<10112x64xf32, #tpu.memory_space<vmem_shared>>
      tpu.wait_indirect_dma semaphore(%run_scoped3A_175 : memref<!tpu.dma_semaphore, #tpu.memory_space<semaphore_mem>>) src(%dma_wait3A_189 : memref<128x64xf32, #tpu.memory_space<vmem>>) dst(%dma_wait3A_195 : memref<10112x64xf32, #tpu.memory_space<vmem_shared>>)
      tpu.yield
    }) : () -> ()
    %dma_wait3A_149 = arith.constant 159 : i32
    %dma_wait3A_150 = arith.constant 3 : i32
    %dma_wait3A_151 = arith.constant 3 : i32
    %dma_wait3A_152 = arith.constant 0 : i32
    %dma_wait3A_153 = arith.constant 0 : i32
    %dma_wait3A_154 = tpu.memref_slice %arg8[%dma_wait3A_150, %dma_wait3A_152, %dma_wait3A_153] : memref<4x128x64xf32, #tpu.memory_space<vmem>> -> memref<1x128x64xf32, #tpu.memory_space<vmem>>
    %dma_wait3A_155 = tpu.memref_squeeze %dma_wait3A_154 : memref<1x128x64xf32, #tpu.memory_space<vmem>> -> memref<128x64xf32, #tpu.memory_space<vmem>>
    %dma_wait3A_156 = arith.constant 0 : i32
    %dma_wait3A_157 = tpu.memref_slice %arg6[%dma_wait3A_149, %dma_wait3A_156] : memref<160x128xi32, #tpu.memory_space<vmem>> -> memref<1x128xi32, #tpu.memory_space<vmem>>
    %dma_wait3A_158 = tpu.memref_squeeze %dma_wait3A_157 : memref<1x128xi32, #tpu.memory_space<vmem>> -> memref<128xi32, #tpu.memory_space<vmem>>
    %dma_wait3A_159 = arith.constant 0 : i32
    %dma_wait3A_160 = arith.constant 0 : i32
    %dma_wait3A_161 = tpu.memref_slice %arg2[%arg0, %dma_wait3A_159, %dma_wait3A_160] : memref<2x10112x64xf32, #tpu.memory_space<hbm>> -> memref<1x10112x64xf32, #tpu.memory_space<hbm>>
    %dma_wait3A_162 = tpu.memref_squeeze %dma_wait3A_161 : memref<1x10112x64xf32, #tpu.memory_space<hbm>> -> memref<10112x64xf32, #tpu.memory_space<hbm>>
    %dma_wait3A_163 = arith.constant 0 : i32
    %dma_wait3A_164 = arith.constant 0 : i32
    %dma_wait3A_165 = tpu.memref_slice %dma_wait3A_162[%dma_wait3A_163, %dma_wait3A_164] : memref<10112x64xf32, #tpu.memory_space<hbm>> -> memref<10112x64xf32, #tpu.memory_space<hbm>>
    %dma_wait3A_166 = tpu.memref_slice %arg10[%dma_wait3A_151] : memref<4x!tpu.dma_semaphore, #tpu.memory_space<semaphore_mem>> -> memref<1x!tpu.dma_semaphore, #tpu.memory_space<semaphore_mem>>
    %dma_wait3A_167 = tpu.memref_squeeze %dma_wait3A_166 : memref<1x!tpu.dma_semaphore, #tpu.memory_space<semaphore_mem>> -> memref<!tpu.dma_semaphore, #tpu.memory_space<semaphore_mem>>
    tpu.wait_indirect_dma semaphore(%dma_wait3A_167 : memref<!tpu.dma_semaphore, #tpu.memory_space<semaphore_mem>>) src(%dma_wait3A_165 : memref<10112x64xf32, #tpu.memory_space<hbm>>) dst(%dma_wait3A_155 : memref<128x64xf32, #tpu.memory_space<vmem>>)
    %run_scoped3A_168 = arith.constant 3 : i32
    %run_scoped3A_169 = arith.constant 159 : i32
    "tpu.region"() ({
      %run_scoped3A_175 = tpu.sem_alloc : memref<!tpu.dma_semaphore, #tpu.memory_space<semaphore_mem>>
      %dma_start3A_176 = arith.constant 0 : i32
      %dma_start3A_177 = arith.constant 0 : i32
      %dma_start3A_178 = tpu.memref_slice %arg8[%run_scoped3A_168, %dma_start3A_176, %dma_start3A_177] : memref<4x128x64xf32, #tpu.memory_space<vmem>> -> memref<1x128x64xf32, #tpu.memory_space<vmem>>
      %dma_start3A_179 = tpu.memref_squeeze %dma_start3A_178 : memref<1x128x64xf32, #tpu.memory_space<vmem>> -> memref<128x64xf32, #tpu.memory_space<vmem>>
      %dma_start3A_180 = arith.constant 0 : i32
      %dma_start3A_181 = tpu.memref_slice %arg7[%run_scoped3A_169, %dma_start3A_180] : memref<160x128xi32, #tpu.memory_space<vmem>> -> memref<1x128xi32, #tpu.memory_space<vmem>>
      %dma_start3A_182 = tpu.memref_squeeze %dma_start3A_181 : memref<1x128xi32, #tpu.memory_space<vmem>> -> memref<128xi32, #tpu.memory_space<vmem>>
      %dma_start3A_183 = arith.constant 0 : i32
      %dma_start3A_184 = arith.constant 0 : i32
      %dma_start3A_185 = tpu.memref_slice %arg9[%dma_start3A_183, %dma_start3A_184] : memref<10112x64xf32, #tpu.memory_space<vmem_shared>> -> memref<10112x64xf32, #tpu.memory_space<vmem_shared>>
      tpu.enqueue_indirect_dma source(%dma_start3A_179 : memref<128x64xf32, #tpu.memory_space<vmem>>) target(%dma_start3A_185 : memref<10112x64xf32, #tpu.memory_space<vmem_shared>>) offsets(%dma_start3A_182 : memref<128xi32, #tpu.memory_space<vmem>>) semaphore(%run_scoped3A_175 : memref<!tpu.dma_semaphore, #tpu.memory_space<semaphore_mem>>) {add = true}
      %dma_wait3A_186 = arith.constant 0 : i32
      %dma_wait3A_187 = arith.constant 0 : i32
      %dma_wait3A_188 = tpu.memref_slice %arg8[%run_scoped3A_168, %dma_wait3A_186, %dma_wait3A_187] : memref<4x128x64xf32, #tpu.memory_space<vmem>> -> memref<1x128x64xf32, #tpu.memory_space<vmem>>
      %dma_wait3A_189 = tpu.memref_squeeze %dma_wait3A_188 : memref<1x128x64xf32, #tpu.memory_space<vmem>> -> memref<128x64xf32, #tpu.memory_space<vmem>>
      %dma_wait3A_190 = arith.constant 0 : i32
      %dma_wait3A_191 = tpu.memref_slice %arg7[%run_scoped3A_169, %dma_wait3A_190] : memref<160x128xi32, #tpu.memory_space<vmem>> -> memref<1x128xi32, #tpu.memory_space<vmem>>
      %dma_wait3A_192 = tpu.memref_squeeze %dma_wait3A_191 : memref<1x128xi32, #tpu.memory_space<vmem>> -> memref<128xi32, #tpu.memory_space<vmem>>
      %dma_wait3A_193 = arith.constant 0 : i32
      %dma_wait3A_194 = arith.constant 0 : i32
      %dma_wait3A_195 = tpu.memref_slice %arg9[%dma_wait3A_193, %dma_wait3A_194] : memref<10112x64xf32, #tpu.memory_space<vmem_shared>> -> memref<10112x64xf32, #tpu.memory_space<vmem_shared>>
      tpu.wait_indirect_dma semaphore(%run_scoped3A_175 : memref<!tpu.dma_semaphore, #tpu.memory_space<semaphore_mem>>) src(%dma_wait3A_189 : memref<128x64xf32, #tpu.memory_space<vmem>>) dst(%dma_wait3A_195 : memref<10112x64xf32, #tpu.memory_space<vmem_shared>>)
      tpu.yield
    }) : () -> ()
    %barrier3A_170 = arith.constant 0 : index
    tpu.barrier barrier_id(%barrier3A_170)
    %mul3A_171 = arith.constant 632 : i32
    %mul3A_172 = arith.muli %arg1, %mul3A_171 : i32
    %mul3A_173 = arith.constant 632 : i32
    %mul3A_174 = arith.muli %arg1, %mul3A_173 : i32
    "tpu.region"() ({
      %run_scoped3A_175 = tpu.sem_alloc : memref<!tpu.dma_semaphore, #tpu.memory_space<semaphore_mem>>
      %dma_start3A_176 = arith.constant 0 : i32
      %dma_start3A_177 = tpu.memref_slice %arg5[%arg0, %mul3A_174, %dma_start3A_176] : memref<2x10112x64xf32, #tpu.memory_space<hbm>> -> memref<1x632x64xf32, #tpu.memory_space<hbm>>
      %dma_start3A_178 = tpu.memref_squeeze %dma_start3A_177 : memref<1x632x64xf32, #tpu.memory_space<hbm>> -> memref<632x64xf32, #tpu.memory_space<hbm>>
      %dma_start3A_179 = arith.constant 0 : i32
      %dma_start3A_180 = tpu.memref_slice %arg9[%mul3A_172, %dma_start3A_179] : memref<10112x64xf32, #tpu.memory_space<vmem_shared>> -> memref<632x64xf32, #tpu.memory_space<vmem_shared>>
      tpu.enqueue_dma source(%dma_start3A_180 : memref<632x64xf32, #tpu.memory_space<vmem_shared>>) target(%dma_start3A_178 : memref<632x64xf32, #tpu.memory_space<hbm>>) target_semaphore(%run_scoped3A_175 : memref<!tpu.dma_semaphore, #tpu.memory_space<semaphore_mem>>)
      %dma_wait3A_181 = arith.constant 0 : i32
      %dma_wait3A_182 = tpu.memref_slice %arg5[%arg0, %mul3A_174, %dma_wait3A_181] : memref<2x10112x64xf32, #tpu.memory_space<hbm>> -> memref<1x632x64xf32, #tpu.memory_space<hbm>>
      %dma_wait3A_183 = tpu.memref_squeeze %dma_wait3A_182 : memref<1x632x64xf32, #tpu.memory_space<hbm>> -> memref<632x64xf32, #tpu.memory_space<hbm>>
      %dma_wait3A_184 = arith.constant 0 : i32
      %dma_wait3A_185 = tpu.memref_slice %arg9[%mul3A_172, %dma_wait3A_184] : memref<10112x64xf32, #tpu.memory_space<vmem_shared>> -> memref<632x64xf32, #tpu.memory_space<vmem_shared>>
      tpu.wait_dma2 semaphore(%run_scoped3A_175 : memref<!tpu.dma_semaphore, #tpu.memory_space<semaphore_mem>>) src(%dma_wait3A_185 : memref<632x64xf32, #tpu.memory_space<vmem_shared>>) dst(%dma_wait3A_183 : memref<632x64xf32, #tpu.memory_space<hbm>>)
      tpu.yield
    }) : () -> ()
    return
  }
}

#map = affine_map<(d0, d1) -> (0, 0)>
#map1 = affine_map<(d0, d1) -> (0, 0, 0)>
module attributes {stable_mosaic.version = 14 : i64} {
  func.func @_deg_body(%arg0: i32, %arg1: i32, %arg2: memref<2560x128xi32, #tpu.memory_space<hbm>>, %arg3: memref<10112x8xf32, #tpu.memory_space<hbm>>, %arg4: memref<128x8xf32, #tpu.memory_space<hbm>>, %arg5: memref<2x10112x8xf32, #tpu.memory_space<hbm>>, %arg6: memref<80x128xi32, #tpu.memory_space<vmem>>, %arg7: memref<128x8xf32, #tpu.memory_space<vmem>>, %arg8: memref<10112x8xf32, #tpu.memory_space<vmem_shared>>) attributes {dimension_semantics = [#tpu.dimension_semantics<core_parallel>, #tpu.dimension_semantics<subcore_parallel>], iteration_bounds = array<i64: 2, 16>, scalar_prefetch = 0 : i64, scratch_operands = 3 : i64, tpu.core_type = #tpu.core_type<sc_vector_subcore>, window_params = [{transform_indices = #map}, {transform_indices = #map}, {transform_indices = #map}, {transform_indices = #map1}]} {
    %mul3A = arith.constant 2 : i32
    %mul3A_0 = arith.muli %arg1, %mul3A : i32
    %add3A = arith.addi %mul3A_0, %arg0 : i32
    %mul3A_1 = arith.constant 80 : i32
    %mul3A_2 = arith.muli %add3A, %mul3A_1 : i32
    "tpu.region"() ({
      %run_scoped3A = tpu.sem_alloc : memref<!tpu.dma_semaphore, #tpu.memory_space<semaphore_mem>>
      %dma_start3A = arith.constant 0 : i32
      %dma_start3A_18 = tpu.memref_slice %arg2[%mul3A_2, %dma_start3A] : memref<2560x128xi32, #tpu.memory_space<hbm>> -> memref<80x128xi32, #tpu.memory_space<hbm>>
      %dma_start3A_19 = arith.constant 0 : i32
      %dma_start3A_20 = tpu.memref_slice %arg2[%mul3A_2, %dma_start3A_19] : memref<2560x128xi32, #tpu.memory_space<hbm>> -> memref<80x128xi32, #tpu.memory_space<hbm>>
      tpu.enqueue_dma source(%dma_start3A_20 : memref<80x128xi32, #tpu.memory_space<hbm>>) target(%arg6 : memref<80x128xi32, #tpu.memory_space<vmem>>) target_semaphore(%run_scoped3A : memref<!tpu.dma_semaphore, #tpu.memory_space<semaphore_mem>>)
      %dma_wait3A = arith.constant 0 : i32
      %dma_wait3A_21 = tpu.memref_slice %arg2[%mul3A_2, %dma_wait3A] : memref<2560x128xi32, #tpu.memory_space<hbm>> -> memref<80x128xi32, #tpu.memory_space<hbm>>
      %dma_wait3A_22 = arith.constant 0 : i32
      %dma_wait3A_23 = tpu.memref_slice %arg2[%mul3A_2, %dma_wait3A_22] : memref<2560x128xi32, #tpu.memory_space<hbm>> -> memref<80x128xi32, #tpu.memory_space<hbm>>
      tpu.wait_dma2 semaphore(%run_scoped3A : memref<!tpu.dma_semaphore, #tpu.memory_space<semaphore_mem>>) src(%dma_wait3A_23 : memref<80x128xi32, #tpu.memory_space<hbm>>) dst(%arg6 : memref<80x128xi32, #tpu.memory_space<vmem>>)
      tpu.yield
    }) : () -> ()
    "tpu.region"() ({
      %run_scoped3A = tpu.sem_alloc : memref<!tpu.dma_semaphore, #tpu.memory_space<semaphore_mem>>
      tpu.enqueue_dma source(%arg4 : memref<128x8xf32, #tpu.memory_space<hbm>>) target(%arg7 : memref<128x8xf32, #tpu.memory_space<vmem>>) target_semaphore(%run_scoped3A : memref<!tpu.dma_semaphore, #tpu.memory_space<semaphore_mem>>)
      tpu.wait_dma2 semaphore(%run_scoped3A : memref<!tpu.dma_semaphore, #tpu.memory_space<semaphore_mem>>) src(%arg4 : memref<128x8xf32, #tpu.memory_space<hbm>>) dst(%arg7 : memref<128x8xf32, #tpu.memory_space<vmem>>)
      tpu.yield
    }) : () -> ()
    %mul3A_3 = arith.constant 632 : i32
    %mul3A_4 = arith.muli %arg1, %mul3A_3 : i32
    %mul3A_5 = arith.constant 632 : i32
    %mul3A_6 = arith.muli %arg1, %mul3A_5 : i32
    "tpu.region"() ({
      %run_scoped3A = tpu.sem_alloc : memref<!tpu.dma_semaphore, #tpu.memory_space<semaphore_mem>>
      %dma_start3A = arith.constant 0 : i32
      %dma_start3A_18 = tpu.memref_slice %arg8[%mul3A_6, %dma_start3A] : memref<10112x8xf32, #tpu.memory_space<vmem_shared>> -> memref<632x8xf32, #tpu.memory_space<vmem_shared>>
      %dma_start3A_19 = arith.constant 0 : i32
      %dma_start3A_20 = tpu.memref_slice %arg3[%mul3A_4, %dma_start3A_19] : memref<10112x8xf32, #tpu.memory_space<hbm>> -> memref<632x8xf32, #tpu.memory_space<hbm>>
      tpu.enqueue_dma source(%dma_start3A_20 : memref<632x8xf32, #tpu.memory_space<hbm>>) target(%dma_start3A_18 : memref<632x8xf32, #tpu.memory_space<vmem_shared>>) target_semaphore(%run_scoped3A : memref<!tpu.dma_semaphore, #tpu.memory_space<semaphore_mem>>)
      %dma_wait3A = arith.constant 0 : i32
      %dma_wait3A_21 = tpu.memref_slice %arg8[%mul3A_6, %dma_wait3A] : memref<10112x8xf32, #tpu.memory_space<vmem_shared>> -> memref<632x8xf32, #tpu.memory_space<vmem_shared>>
      %dma_wait3A_22 = arith.constant 0 : i32
      %dma_wait3A_23 = tpu.memref_slice %arg3[%mul3A_4, %dma_wait3A_22] : memref<10112x8xf32, #tpu.memory_space<hbm>> -> memref<632x8xf32, #tpu.memory_space<hbm>>
      tpu.wait_dma2 semaphore(%run_scoped3A : memref<!tpu.dma_semaphore, #tpu.memory_space<semaphore_mem>>) src(%dma_wait3A_23 : memref<632x8xf32, #tpu.memory_space<hbm>>) dst(%dma_wait3A_21 : memref<632x8xf32, #tpu.memory_space<vmem_shared>>)
      tpu.yield
    }) : () -> ()
    %barrier3A = arith.constant 0 : index
    tpu.barrier barrier_id(%barrier3A)
    %scan3A = arith.constant 0 : i32
    %scan3A_7 = arith.constant 0 : i32
    %scan3A_8 = arith.constant 80 : i32
    %scan3A_9 = arith.addi %scan3A_7, %scan3A_8 : i32
    %scan3A_10 = arith.constant 1 : i32
    %scan3A_11 = scf.for %scan3A_18 = %scan3A_7 to %scan3A_9 step %scan3A_10 iter_args(%scan3A_19 = %scan3A) -> (i32)  : i32 {
      "tpu.region"() ({
        %run_scoped3A = tpu.sem_alloc : memref<!tpu.dma_semaphore, #tpu.memory_space<semaphore_mem>>
        %dma_start3A = arith.constant 0 : i32
        %dma_start3A_21 = tpu.memref_slice %arg6[%scan3A_18, %dma_start3A] : memref<80x128xi32, #tpu.memory_space<vmem>> -> memref<1x128xi32, #tpu.memory_space<vmem>>
        %dma_start3A_22 = tpu.memref_squeeze %dma_start3A_21 : memref<1x128xi32, #tpu.memory_space<vmem>> -> memref<128xi32, #tpu.memory_space<vmem>>
        %dma_start3A_23 = arith.constant 0 : i32
        %dma_start3A_24 = arith.constant 0 : i32
        %dma_start3A_25 = tpu.memref_slice %arg8[%dma_start3A_23, %dma_start3A_24] : memref<10112x8xf32, #tpu.memory_space<vmem_shared>> -> memref<10112x8xf32, #tpu.memory_space<vmem_shared>>
        tpu.enqueue_indirect_dma source(%arg7 : memref<128x8xf32, #tpu.memory_space<vmem>>) target(%dma_start3A_25 : memref<10112x8xf32, #tpu.memory_space<vmem_shared>>) offsets(%dma_start3A_22 : memref<128xi32, #tpu.memory_space<vmem>>) semaphore(%run_scoped3A : memref<!tpu.dma_semaphore, #tpu.memory_space<semaphore_mem>>) {add = true}
        %dma_wait3A = arith.constant 0 : i32
        %dma_wait3A_26 = tpu.memref_slice %arg6[%scan3A_18, %dma_wait3A] : memref<80x128xi32, #tpu.memory_space<vmem>> -> memref<1x128xi32, #tpu.memory_space<vmem>>
        %dma_wait3A_27 = tpu.memref_squeeze %dma_wait3A_26 : memref<1x128xi32, #tpu.memory_space<vmem>> -> memref<128xi32, #tpu.memory_space<vmem>>
        %dma_wait3A_28 = arith.constant 0 : i32
        %dma_wait3A_29 = arith.constant 0 : i32
        %dma_wait3A_30 = tpu.memref_slice %arg8[%dma_wait3A_28, %dma_wait3A_29] : memref<10112x8xf32, #tpu.memory_space<vmem_shared>> -> memref<10112x8xf32, #tpu.memory_space<vmem_shared>>
        tpu.wait_indirect_dma semaphore(%run_scoped3A : memref<!tpu.dma_semaphore, #tpu.memory_space<semaphore_mem>>) src(%arg7 : memref<128x8xf32, #tpu.memory_space<vmem>>) dst(%dma_wait3A_30 : memref<10112x8xf32, #tpu.memory_space<vmem_shared>>)
        tpu.yield
      }) : () -> ()
      %scan3A_20 = arith.constant 0 : i32
      scf.yield %scan3A_20 : i32
    }
    %scan3A_12 = arith.constant 80 : i32
    %barrier3A_13 = arith.constant 0 : index
    tpu.barrier barrier_id(%barrier3A_13)
    %mul3A_14 = arith.constant 632 : i32
    %mul3A_15 = arith.muli %arg1, %mul3A_14 : i32
    %mul3A_16 = arith.constant 632 : i32
    %mul3A_17 = arith.muli %arg1, %mul3A_16 : i32
    "tpu.region"() ({
      %run_scoped3A = tpu.sem_alloc : memref<!tpu.dma_semaphore, #tpu.memory_space<semaphore_mem>>
      %dma_start3A = arith.constant 0 : i32
      %dma_start3A_18 = tpu.memref_slice %arg5[%arg0, %mul3A_17, %dma_start3A] : memref<2x10112x8xf32, #tpu.memory_space<hbm>> -> memref<1x632x8xf32, #tpu.memory_space<hbm>>
      %dma_start3A_19 = tpu.memref_squeeze %dma_start3A_18 : memref<1x632x8xf32, #tpu.memory_space<hbm>> -> memref<632x8xf32, #tpu.memory_space<hbm>>
      %dma_start3A_20 = arith.constant 0 : i32
      %dma_start3A_21 = tpu.memref_slice %arg8[%mul3A_15, %dma_start3A_20] : memref<10112x8xf32, #tpu.memory_space<vmem_shared>> -> memref<632x8xf32, #tpu.memory_space<vmem_shared>>
      tpu.enqueue_dma source(%dma_start3A_21 : memref<632x8xf32, #tpu.memory_space<vmem_shared>>) target(%dma_start3A_19 : memref<632x8xf32, #tpu.memory_space<hbm>>) target_semaphore(%run_scoped3A : memref<!tpu.dma_semaphore, #tpu.memory_space<semaphore_mem>>)
      %dma_wait3A = arith.constant 0 : i32
      %dma_wait3A_22 = tpu.memref_slice %arg5[%arg0, %mul3A_17, %dma_wait3A] : memref<2x10112x8xf32, #tpu.memory_space<hbm>> -> memref<1x632x8xf32, #tpu.memory_space<hbm>>
      %dma_wait3A_23 = tpu.memref_squeeze %dma_wait3A_22 : memref<1x632x8xf32, #tpu.memory_space<hbm>> -> memref<632x8xf32, #tpu.memory_space<hbm>>
      %dma_wait3A_24 = arith.constant 0 : i32
      %dma_wait3A_25 = tpu.memref_slice %arg8[%mul3A_15, %dma_wait3A_24] : memref<10112x8xf32, #tpu.memory_space<vmem_shared>> -> memref<632x8xf32, #tpu.memory_space<vmem_shared>>
      tpu.wait_dma2 semaphore(%run_scoped3A : memref<!tpu.dma_semaphore, #tpu.memory_space<semaphore_mem>>) src(%dma_wait3A_25 : memref<632x8xf32, #tpu.memory_space<vmem_shared>>) dst(%dma_wait3A_23 : memref<632x8xf32, #tpu.memory_space<hbm>>)
      tpu.yield
    }) : () -> ()
    return
  }
}

#map = affine_map<(d0, d1) -> (0, 0, 0)>
#map1 = affine_map<(d0, d1) -> (0, 0)>
module attributes {stable_mosaic.version = 14 : i64} {
  func.func @_prop_body(%arg0: i32, %arg1: i32, %arg2: memref<2x10112x64xf32, #tpu.memory_space<hbm>>, %arg3: memref<2560x128xi32, #tpu.memory_space<hbm>>, %arg4: memref<2560x128xi32, #tpu.memory_space<hbm>>, %arg5: memref<2x10112x64xf32, #tpu.memory_space<hbm>>, %arg6: memref<160x128xi32, #tpu.memory_space<vmem>>, %arg7: memref<160x128xi32, #tpu.memory_space<vmem>>, %arg8: memref<4x128x64xf32, #tpu.memory_space<vmem>>, %arg9: memref<10112x64xf32, #tpu.memory_space<vmem_shared>>, %arg10: memref<4x!tpu.dma_semaphore, #tpu.memory_space<semaphore_mem>>) attributes {dimension_semantics = [#tpu.dimension_semantics<core_parallel>, #tpu.dimension_semantics<subcore_parallel>], iteration_bounds = array<i64: 2, 16>, scalar_prefetch = 0 : i64, scratch_operands = 5 : i64, tpu.core_type = #tpu.core_type<sc_vector_subcore>, window_params = [{transform_indices = #map}, {transform_indices = #map1}, {transform_indices = #map1}, {transform_indices = #map}]} {
    %mul3A = arith.constant 160 : i32
    %mul3A_0 = arith.muli %arg1, %mul3A : i32
    "tpu.region"() ({
      %run_scoped3A_175 = tpu.sem_alloc : memref<!tpu.dma_semaphore, #tpu.memory_space<semaphore_mem>>
      %dma_start3A_176 = arith.constant 0 : i32
      %dma_start3A_177 = tpu.memref_slice %arg3[%mul3A_0, %dma_start3A_176] : memref<2560x128xi32, #tpu.memory_space<hbm>> -> memref<160x128xi32, #tpu.memory_space<hbm>>
      %dma_start3A_178 = arith.constant 0 : i32
      %dma_start3A_179 = tpu.memref_slice %arg3[%mul3A_0, %dma_start3A_178] : memref<2560x128xi32, #tpu.memory_space<hbm>> -> memref<160x128xi32, #tpu.memory_space<hbm>>
      tpu.enqueue_dma source(%dma_start3A_179 : memref<160x128xi32, #tpu.memory_space<hbm>>) target(%arg6 : memref<160x128xi32, #tpu.memory_space<vmem>>) target_semaphore(%run_scoped3A_175 : memref<!tpu.dma_semaphore, #tpu.memory_space<semaphore_mem>>)
      %dma_wait3A_180 = arith.constant 0 : i32
      %dma_wait3A_181 = tpu.memref_slice %arg3[%mul3A_0, %dma_wait3A_180] : memref<2560x128xi32, #tpu.memory_space<hbm>> -> memref<160x128xi32, #tpu.memory_space<hbm>>
      %dma_wait3A_182 = arith.constant 0 : i32
      %dma_wait3A_183 = tpu.memref_slice %arg3[%mul3A_0, %dma_wait3A_182] : memref<2560x128xi32, #tpu.memory_space<hbm>> -> memref<160x128xi32, #tpu.memory_space<hbm>>
      tpu.wait_dma2 semaphore(%run_scoped3A_175 : memref<!tpu.dma_semaphore, #tpu.memory_space<semaphore_mem>>) src(%dma_wait3A_183 : memref<160x128xi32, #tpu.memory_space<hbm>>) dst(%arg6 : memref<160x128xi32, #tpu.memory_space<vmem>>)
      tpu.yield
    }) : () -> ()
    %mul3A_1 = arith.constant 160 : i32
    %mul3A_2 = arith.muli %arg1, %mul3A_1 : i32
    "tpu.region"() ({
      %run_scoped3A_175 = tpu.sem_alloc : memref<!tpu.dma_semaphore, #tpu.memory_space<semaphore_mem>>
      %dma_start3A_176 = arith.constant 0 : i32
      %dma_start3A_177 = tpu.memref_slice %arg4[%mul3A_2, %dma_start3A_176] : memref<2560x128xi32, #tpu.memory_space<hbm>> -> memref<160x128xi32, #tpu.memory_space<hbm>>
      %dma_start3A_178 = arith.constant 0 : i32
      %dma_start3A_179 = tpu.memref_slice %arg4[%mul3A_2, %dma_start3A_178] : memref<2560x128xi32, #tpu.memory_space<hbm>> -> memref<160x128xi32, #tpu.memory_space<hbm>>
      tpu.enqueue_dma source(%dma_start3A_179 : memref<160x128xi32, #tpu.memory_space<hbm>>) target(%arg7 : memref<160x128xi32, #tpu.memory_space<vmem>>) target_semaphore(%run_scoped3A_175 : memref<!tpu.dma_semaphore, #tpu.memory_space<semaphore_mem>>)
      %dma_wait3A_180 = arith.constant 0 : i32
      %dma_wait3A_181 = tpu.memref_slice %arg4[%mul3A_2, %dma_wait3A_180] : memref<2560x128xi32, #tpu.memory_space<hbm>> -> memref<160x128xi32, #tpu.memory_space<hbm>>
      %dma_wait3A_182 = arith.constant 0 : i32
      %dma_wait3A_183 = tpu.memref_slice %arg4[%mul3A_2, %dma_wait3A_182] : memref<2560x128xi32, #tpu.memory_space<hbm>> -> memref<160x128xi32, #tpu.memory_space<hbm>>
      tpu.wait_dma2 semaphore(%run_scoped3A_175 : memref<!tpu.dma_semaphore, #tpu.memory_space<semaphore_mem>>) src(%dma_wait3A_183 : memref<160x128xi32, #tpu.memory_space<hbm>>) dst(%arg7 : memref<160x128xi32, #tpu.memory_space<vmem>>)
      tpu.yield
    }) : () -> ()
    %mul3A_3 = arith.constant 632 : i32
    %mul3A_4 = arith.muli %arg1, %mul3A_3 : i32
    %mul3A_5 = arith.constant 632 : i32
    %mul3A_6 = arith.muli %arg1, %mul3A_5 : i32
    "tpu.region"() ({
      %run_scoped3A_175 = tpu.sem_alloc : memref<!tpu.dma_semaphore, #tpu.memory_space<semaphore_mem>>
      %dma_start3A_176 = arith.constant 0 : i32
      %dma_start3A_177 = tpu.memref_slice %arg9[%mul3A_6, %dma_start3A_176] : memref<10112x64xf32, #tpu.memory_space<vmem_shared>> -> memref<632x64xf32, #tpu.memory_space<vmem_shared>>
      %dma_start3A_178 = arith.constant 0 : i32
      %dma_start3A_179 = arith.constant 0 : i32
      %dma_start3A_180 = tpu.memref_slice %arg2[%arg0, %dma_start3A_178, %dma_start3A_179] : memref<2x10112x64xf32, #tpu.memory_space<hbm>> -> memref<1x10112x64xf32, #tpu.memory_space<hbm>>
      %dma_start3A_181 = tpu.memref_squeeze %dma_start3A_180 : memref<1x10112x64xf32, #tpu.memory_space<hbm>> -> memref<10112x64xf32, #tpu.memory_space<hbm>>
      %dma_start3A_182 = arith.constant 0 : i32
      %dma_start3A_183 = tpu.memref_slice %dma_start3A_181[%mul3A_4, %dma_start3A_182] : memref<10112x64xf32, #tpu.memory_space<hbm>> -> memref<632x64xf32, #tpu.memory_space<hbm>>
      tpu.enqueue_dma source(%dma_start3A_183 : memref<632x64xf32, #tpu.memory_space<hbm>>) target(%dma_start3A_177 : memref<632x64xf32, #tpu.memory_space<vmem_shared>>) target_semaphore(%run_scoped3A_175 : memref<!tpu.dma_semaphore, #tpu.memory_space<semaphore_mem>>)
      %dma_wait3A_184 = arith.constant 0 : i32
      %dma_wait3A_185 = tpu.memref_slice %arg9[%mul3A_6, %dma_wait3A_184] : memref<10112x64xf32, #tpu.memory_space<vmem_shared>> -> memref<632x64xf32, #tpu.memory_space<vmem_shared>>
      %dma_wait3A_186 = arith.constant 0 : i32
      %dma_wait3A_187 = arith.constant 0 : i32
      %dma_wait3A_188 = tpu.memref_slice %arg2[%arg0, %dma_wait3A_186, %dma_wait3A_187] : memref<2x10112x64xf32, #tpu.memory_space<hbm>> -> memref<1x10112x64xf32, #tpu.memory_space<hbm>>
      %dma_wait3A_189 = tpu.memref_squeeze %dma_wait3A_188 : memref<1x10112x64xf32, #tpu.memory_space<hbm>> -> memref<10112x64xf32, #tpu.memory_space<hbm>>
      %dma_wait3A_190 = arith.constant 0 : i32
      %dma_wait3A_191 = tpu.memref_slice %dma_wait3A_189[%mul3A_4, %dma_wait3A_190] : memref<10112x64xf32, #tpu.memory_space<hbm>> -> memref<632x64xf32, #tpu.memory_space<hbm>>
      tpu.wait_dma2 semaphore(%run_scoped3A_175 : memref<!tpu.dma_semaphore, #tpu.memory_space<semaphore_mem>>) src(%dma_wait3A_191 : memref<632x64xf32, #tpu.memory_space<hbm>>) dst(%dma_wait3A_185 : memref<632x64xf32, #tpu.memory_space<vmem_shared>>)
      tpu.yield
    }) : () -> ()
    %barrier3A = arith.constant 0 : index
    tpu.barrier barrier_id(%barrier3A)
    %dma_start3A = arith.constant 0 : i32
    %dma_start3A_7 = arith.constant 0 : i32
    %dma_start3A_8 = arith.constant 0 : i32
    %dma_start3A_9 = arith.constant 0 : i32
    %dma_start3A_10 = arith.constant 0 : i32
    %dma_start3A_11 = tpu.memref_slice %arg8[%dma_start3A_7, %dma_start3A_9, %dma_start3A_10] : memref<4x128x64xf32, #tpu.memory_space<vmem>> -> memref<1x128x64xf32, #tpu.memory_space<vmem>>
    %dma_start3A_12 = tpu.memref_squeeze %dma_start3A_11 : memref<1x128x64xf32, #tpu.memory_space<vmem>> -> memref<128x64xf32, #tpu.memory_space<vmem>>
    %dma_start3A_13 = arith.constant 0 : i32
    %dma_start3A_14 = tpu.memref_slice %arg6[%dma_start3A, %dma_start3A_13] : memref<160x128xi32, #tpu.memory_space<vmem>> -> memref<1x128xi32, #tpu.memory_space<vmem>>
    %dma_start3A_15 = tpu.memref_squeeze %dma_start3A_14 : memref<1x128xi32, #tpu.memory_space<vmem>> -> memref<128xi32, #tpu.memory_space<vmem>>
    %dma_start3A_16 = arith.constant 0 : i32
    %dma_start3A_17 = arith.constant 0 : i32
    %dma_start3A_18 = tpu.memref_slice %arg2[%arg0, %dma_start3A_16, %dma_start3A_17] : memref<2x10112x64xf32, #tpu.memory_space<hbm>> -> memref<1x10112x64xf32, #tpu.memory_space<hbm>>
    %dma_start3A_19 = tpu.memref_squeeze %dma_start3A_18 : memref<1x10112x64xf32, #tpu.memory_space<hbm>> -> memref<10112x64xf32, #tpu.memory_space<hbm>>
    %dma_start3A_20 = arith.constant 0 : i32
    %dma_start3A_21 = arith.constant 0 : i32
    %dma_start3A_22 = tpu.memref_slice %dma_start3A_19[%dma_start3A_20, %dma_start3A_21] : memref<10112x64xf32, #tpu.memory_space<hbm>> -> memref<10112x64xf32, #tpu.memory_space<hbm>>
    %dma_start3A_23 = tpu.memref_slice %arg10[%dma_start3A_8] : memref<4x!tpu.dma_semaphore, #tpu.memory_space<semaphore_mem>> -> memref<1x!tpu.dma_semaphore, #tpu.memory_space<semaphore_mem>>
    %dma_start3A_24 = tpu.memref_squeeze %dma_start3A_23 : memref<1x!tpu.dma_semaphore, #tpu.memory_space<semaphore_mem>> -> memref<!tpu.dma_semaphore, #tpu.memory_space<semaphore_mem>>
    tpu.enqueue_indirect_dma source(%dma_start3A_22 : memref<10112x64xf32, #tpu.memory_space<hbm>>) target(%dma_start3A_12 : memref<128x64xf32, #tpu.memory_space<vmem>>) offsets(%dma_start3A_15 : memref<128xi32, #tpu.memory_space<vmem>>) semaphore(%dma_start3A_24 : memref<!tpu.dma_semaphore, #tpu.memory_space<semaphore_mem>>)
    %dma_start3A_25 = arith.constant 1 : i32
    %dma_start3A_26 = arith.constant 1 : i32
    %dma_start3A_27 = arith.constant 1 : i32
    %dma_start3A_28 = arith.constant 0 : i32
    %dma_start3A_29 = arith.constant 0 : i32
    %dma_start3A_30 = tpu.memref_slice %arg8[%dma_start3A_26, %dma_start3A_28, %dma_start3A_29] : memref<4x128x64xf32, #tpu.memory_space<vmem>> -> memref<1x128x64xf32, #tpu.memory_space<vmem>>
    %dma_start3A_31 = tpu.memref_squeeze %dma_start3A_30 : memref<1x128x64xf32, #tpu.memory_space<vmem>> -> memref<128x64xf32, #tpu.memory_space<vmem>>
    %dma_start3A_32 = arith.constant 0 : i32
    %dma_start3A_33 = tpu.memref_slice %arg6[%dma_start3A_25, %dma_start3A_32] : memref<160x128xi32, #tpu.memory_space<vmem>> -> memref<1x128xi32, #tpu.memory_space<vmem>>
    %dma_start3A_34 = tpu.memref_squeeze %dma_start3A_33 : memref<1x128xi32, #tpu.memory_space<vmem>> -> memref<128xi32, #tpu.memory_space<vmem>>
    %dma_start3A_35 = arith.constant 0 : i32
    %dma_start3A_36 = arith.constant 0 : i32
    %dma_start3A_37 = tpu.memref_slice %arg2[%arg0, %dma_start3A_35, %dma_start3A_36] : memref<2x10112x64xf32, #tpu.memory_space<hbm>> -> memref<1x10112x64xf32, #tpu.memory_space<hbm>>
    %dma_start3A_38 = tpu.memref_squeeze %dma_start3A_37 : memref<1x10112x64xf32, #tpu.memory_space<hbm>> -> memref<10112x64xf32, #tpu.memory_space<hbm>>
    %dma_start3A_39 = arith.constant 0 : i32
    %dma_start3A_40 = arith.constant 0 : i32
    %dma_start3A_41 = tpu.memref_slice %dma_start3A_38[%dma_start3A_39, %dma_start3A_40] : memref<10112x64xf32, #tpu.memory_space<hbm>> -> memref<10112x64xf32, #tpu.memory_space<hbm>>
    %dma_start3A_42 = tpu.memref_slice %arg10[%dma_start3A_27] : memref<4x!tpu.dma_semaphore, #tpu.memory_space<semaphore_mem>> -> memref<1x!tpu.dma_semaphore, #tpu.memory_space<semaphore_mem>>
    %dma_start3A_43 = tpu.memref_squeeze %dma_start3A_42 : memref<1x!tpu.dma_semaphore, #tpu.memory_space<semaphore_mem>> -> memref<!tpu.dma_semaphore, #tpu.memory_space<semaphore_mem>>
    tpu.enqueue_indirect_dma source(%dma_start3A_41 : memref<10112x64xf32, #tpu.memory_space<hbm>>) target(%dma_start3A_31 : memref<128x64xf32, #tpu.memory_space<vmem>>) offsets(%dma_start3A_34 : memref<128xi32, #tpu.memory_space<vmem>>) semaphore(%dma_start3A_43 : memref<!tpu.dma_semaphore, #tpu.memory_space<semaphore_mem>>)
    %dma_start3A_44 = arith.constant 2 : i32
    %dma_start3A_45 = arith.constant 2 : i32
    %dma_start3A_46 = arith.constant 2 : i32
    %dma_start3A_47 = arith.constant 0 : i32
    %dma_start3A_48 = arith.constant 0 : i32
    %dma_start3A_49 = tpu.memref_slice %arg8[%dma_start3A_45, %dma_start3A_47, %dma_start3A_48] : memref<4x128x64xf32, #tpu.memory_space<vmem>> -> memref<1x128x64xf32, #tpu.memory_space<vmem>>
    %dma_start3A_50 = tpu.memref_squeeze %dma_start3A_49 : memref<1x128x64xf32, #tpu.memory_space<vmem>> -> memref<128x64xf32, #tpu.memory_space<vmem>>
    %dma_start3A_51 = arith.constant 0 : i32
    %dma_start3A_52 = tpu.memref_slice %arg6[%dma_start3A_44, %dma_start3A_51] : memref<160x128xi32, #tpu.memory_space<vmem>> -> memref<1x128xi32, #tpu.memory_space<vmem>>
    %dma_start3A_53 = tpu.memref_squeeze %dma_start3A_52 : memref<1x128xi32, #tpu.memory_space<vmem>> -> memref<128xi32, #tpu.memory_space<vmem>>
    %dma_start3A_54 = arith.constant 0 : i32
    %dma_start3A_55 = arith.constant 0 : i32
    %dma_start3A_56 = tpu.memref_slice %arg2[%arg0, %dma_start3A_54, %dma_start3A_55] : memref<2x10112x64xf32, #tpu.memory_space<hbm>> -> memref<1x10112x64xf32, #tpu.memory_space<hbm>>
    %dma_start3A_57 = tpu.memref_squeeze %dma_start3A_56 : memref<1x10112x64xf32, #tpu.memory_space<hbm>> -> memref<10112x64xf32, #tpu.memory_space<hbm>>
    %dma_start3A_58 = arith.constant 0 : i32
    %dma_start3A_59 = arith.constant 0 : i32
    %dma_start3A_60 = tpu.memref_slice %dma_start3A_57[%dma_start3A_58, %dma_start3A_59] : memref<10112x64xf32, #tpu.memory_space<hbm>> -> memref<10112x64xf32, #tpu.memory_space<hbm>>
    %dma_start3A_61 = tpu.memref_slice %arg10[%dma_start3A_46] : memref<4x!tpu.dma_semaphore, #tpu.memory_space<semaphore_mem>> -> memref<1x!tpu.dma_semaphore, #tpu.memory_space<semaphore_mem>>
    %dma_start3A_62 = tpu.memref_squeeze %dma_start3A_61 : memref<1x!tpu.dma_semaphore, #tpu.memory_space<semaphore_mem>> -> memref<!tpu.dma_semaphore, #tpu.memory_space<semaphore_mem>>
    tpu.enqueue_indirect_dma source(%dma_start3A_60 : memref<10112x64xf32, #tpu.memory_space<hbm>>) target(%dma_start3A_50 : memref<128x64xf32, #tpu.memory_space<vmem>>) offsets(%dma_start3A_53 : memref<128xi32, #tpu.memory_space<vmem>>) semaphore(%dma_start3A_62 : memref<!tpu.dma_semaphore, #tpu.memory_space<semaphore_mem>>)
    %dma_start3A_63 = arith.constant 3 : i32
    %dma_start3A_64 = arith.constant 3 : i32
    %dma_start3A_65 = arith.constant 3 : i32
    %dma_start3A_66 = arith.constant 0 : i32
    %dma_start3A_67 = arith.constant 0 : i32
    %dma_start3A_68 = tpu.memref_slice %arg8[%dma_start3A_64, %dma_start3A_66, %dma_start3A_67] : memref<4x128x64xf32, #tpu.memory_space<vmem>> -> memref<1x128x64xf32, #tpu.memory_space<vmem>>
    %dma_start3A_69 = tpu.memref_squeeze %dma_start3A_68 : memref<1x128x64xf32, #tpu.memory_space<vmem>> -> memref<128x64xf32, #tpu.memory_space<vmem>>
    %dma_start3A_70 = arith.constant 0 : i32
    %dma_start3A_71 = tpu.memref_slice %arg6[%dma_start3A_63, %dma_start3A_70] : memref<160x128xi32, #tpu.memory_space<vmem>> -> memref<1x128xi32, #tpu.memory_space<vmem>>
    %dma_start3A_72 = tpu.memref_squeeze %dma_start3A_71 : memref<1x128xi32, #tpu.memory_space<vmem>> -> memref<128xi32, #tpu.memory_space<vmem>>
    %dma_start3A_73 = arith.constant 0 : i32
    %dma_start3A_74 = arith.constant 0 : i32
    %dma_start3A_75 = tpu.memref_slice %arg2[%arg0, %dma_start3A_73, %dma_start3A_74] : memref<2x10112x64xf32, #tpu.memory_space<hbm>> -> memref<1x10112x64xf32, #tpu.memory_space<hbm>>
    %dma_start3A_76 = tpu.memref_squeeze %dma_start3A_75 : memref<1x10112x64xf32, #tpu.memory_space<hbm>> -> memref<10112x64xf32, #tpu.memory_space<hbm>>
    %dma_start3A_77 = arith.constant 0 : i32
    %dma_start3A_78 = arith.constant 0 : i32
    %dma_start3A_79 = tpu.memref_slice %dma_start3A_76[%dma_start3A_77, %dma_start3A_78] : memref<10112x64xf32, #tpu.memory_space<hbm>> -> memref<10112x64xf32, #tpu.memory_space<hbm>>
    %dma_start3A_80 = tpu.memref_slice %arg10[%dma_start3A_65] : memref<4x!tpu.dma_semaphore, #tpu.memory_space<semaphore_mem>> -> memref<1x!tpu.dma_semaphore, #tpu.memory_space<semaphore_mem>>
    %dma_start3A_81 = tpu.memref_squeeze %dma_start3A_80 : memref<1x!tpu.dma_semaphore, #tpu.memory_space<semaphore_mem>> -> memref<!tpu.dma_semaphore, #tpu.memory_space<semaphore_mem>>
    tpu.enqueue_indirect_dma source(%dma_start3A_79 : memref<10112x64xf32, #tpu.memory_space<hbm>>) target(%dma_start3A_69 : memref<128x64xf32, #tpu.memory_space<vmem>>) offsets(%dma_start3A_72 : memref<128xi32, #tpu.memory_space<vmem>>) semaphore(%dma_start3A_81 : memref<!tpu.dma_semaphore, #tpu.memory_space<semaphore_mem>>)
    %scan3A = arith.constant 0 : i32
    %scan3A_82 = arith.constant 0 : i32
    %scan3A_83 = arith.constant 39 : i32
    %scan3A_84 = arith.addi %scan3A_82, %scan3A_83 : i32
    %scan3A_85 = arith.constant 1 : i32
    %scan3A_86 = scf.for %scan3A_175 = %scan3A_82 to %scan3A_84 step %scan3A_85 iter_args(%scan3A_176 = %scan3A) -> (i32)  : i32 {
      %mul3A_177 = arith.constant 4 : i32
      %mul3A_178 = arith.muli %scan3A_175, %mul3A_177 : i32
      %add3A = arith.constant 0 : i32
      %add3A_179 = arith.addi %mul3A_178, %add3A : i32
      %dma_wait3A_180 = arith.constant 0 : i32
      %dma_wait3A_181 = arith.constant 0 : i32
      %dma_wait3A_182 = arith.constant 0 : i32
      %dma_wait3A_183 = arith.constant 0 : i32
      %dma_wait3A_184 = tpu.memref_slice %arg8[%dma_wait3A_180, %dma_wait3A_182, %dma_wait3A_183] : memref<4x128x64xf32, #tpu.memory_space<vmem>> -> memref<1x128x64xf32, #tpu.memory_space<vmem>>
      %dma_wait3A_185 = tpu.memref_squeeze %dma_wait3A_184 : memref<1x128x64xf32, #tpu.memory_space<vmem>> -> memref<128x64xf32, #tpu.memory_space<vmem>>
      %dma_wait3A_186 = arith.constant 0 : i32
      %dma_wait3A_187 = tpu.memref_slice %arg6[%add3A_179, %dma_wait3A_186] : memref<160x128xi32, #tpu.memory_space<vmem>> -> memref<1x128xi32, #tpu.memory_space<vmem>>
      %dma_wait3A_188 = tpu.memref_squeeze %dma_wait3A_187 : memref<1x128xi32, #tpu.memory_space<vmem>> -> memref<128xi32, #tpu.memory_space<vmem>>
      %dma_wait3A_189 = arith.constant 0 : i32
      %dma_wait3A_190 = arith.constant 0 : i32
      %dma_wait3A_191 = tpu.memref_slice %arg2[%arg0, %dma_wait3A_189, %dma_wait3A_190] : memref<2x10112x64xf32, #tpu.memory_space<hbm>> -> memref<1x10112x64xf32, #tpu.memory_space<hbm>>
      %dma_wait3A_192 = tpu.memref_squeeze %dma_wait3A_191 : memref<1x10112x64xf32, #tpu.memory_space<hbm>> -> memref<10112x64xf32, #tpu.memory_space<hbm>>
      %dma_wait3A_193 = arith.constant 0 : i32
      %dma_wait3A_194 = arith.constant 0 : i32
      %dma_wait3A_195 = tpu.memref_slice %dma_wait3A_192[%dma_wait3A_193, %dma_wait3A_194] : memref<10112x64xf32, #tpu.memory_space<hbm>> -> memref<10112x64xf32, #tpu.memory_space<hbm>>
      %dma_wait3A_196 = tpu.memref_slice %arg10[%dma_wait3A_181] : memref<4x!tpu.dma_semaphore, #tpu.memory_space<semaphore_mem>> -> memref<1x!tpu.dma_semaphore, #tpu.memory_space<semaphore_mem>>
      %dma_wait3A_197 = tpu.memref_squeeze %dma_wait3A_196 : memref<1x!tpu.dma_semaphore, #tpu.memory_space<semaphore_mem>> -> memref<!tpu.dma_semaphore, #tpu.memory_space<semaphore_mem>>
      tpu.wait_indirect_dma semaphore(%dma_wait3A_197 : memref<!tpu.dma_semaphore, #tpu.memory_space<semaphore_mem>>) src(%dma_wait3A_195 : memref<10112x64xf32, #tpu.memory_space<hbm>>) dst(%dma_wait3A_185 : memref<128x64xf32, #tpu.memory_space<vmem>>)
      %run_scoped3A_198 = arith.constant 0 : i32
      "tpu.region"() ({
        %run_scoped3A_343 = tpu.sem_alloc : memref<!tpu.dma_semaphore, #tpu.memory_space<semaphore_mem>>
        %dma_start3A_344 = arith.constant 0 : i32
        %dma_start3A_345 = arith.constant 0 : i32
        %dma_start3A_346 = tpu.memref_slice %arg8[%run_scoped3A_198, %dma_start3A_344, %dma_start3A_345] : memref<4x128x64xf32, #tpu.memory_space<vmem>> -> memref<1x128x64xf32, #tpu.memory_space<vmem>>
        %dma_start3A_347 = tpu.memref_squeeze %dma_start3A_346 : memref<1x128x64xf32, #tpu.memory_space<vmem>> -> memref<128x64xf32, #tpu.memory_space<vmem>>
        %dma_start3A_348 = arith.constant 0 : i32
        %dma_start3A_349 = tpu.memref_slice %arg7[%add3A_179, %dma_start3A_348] : memref<160x128xi32, #tpu.memory_space<vmem>> -> memref<1x128xi32, #tpu.memory_space<vmem>>
        %dma_start3A_350 = tpu.memref_squeeze %dma_start3A_349 : memref<1x128xi32, #tpu.memory_space<vmem>> -> memref<128xi32, #tpu.memory_space<vmem>>
        %dma_start3A_351 = arith.constant 0 : i32
        %dma_start3A_352 = arith.constant 0 : i32
        %dma_start3A_353 = tpu.memref_slice %arg9[%dma_start3A_351, %dma_start3A_352] : memref<10112x64xf32, #tpu.memory_space<vmem_shared>> -> memref<10112x64xf32, #tpu.memory_space<vmem_shared>>
        tpu.enqueue_indirect_dma source(%dma_start3A_347 : memref<128x64xf32, #tpu.memory_space<vmem>>) target(%dma_start3A_353 : memref<10112x64xf32, #tpu.memory_space<vmem_shared>>) offsets(%dma_start3A_350 : memref<128xi32, #tpu.memory_space<vmem>>) semaphore(%run_scoped3A_343 : memref<!tpu.dma_semaphore, #tpu.memory_space<semaphore_mem>>) {add = true}
        %dma_wait3A_354 = arith.constant 0 : i32
        %dma_wait3A_355 = arith.constant 0 : i32
        %dma_wait3A_356 = tpu.memref_slice %arg8[%run_scoped3A_198, %dma_wait3A_354, %dma_wait3A_355] : memref<4x128x64xf32, #tpu.memory_space<vmem>> -> memref<1x128x64xf32, #tpu.memory_space<vmem>>
        %dma_wait3A_357 = tpu.memref_squeeze %dma_wait3A_356 : memref<1x128x64xf32, #tpu.memory_space<vmem>> -> memref<128x64xf32, #tpu.memory_space<vmem>>
        %dma_wait3A_358 = arith.constant 0 : i32
        %dma_wait3A_359 = tpu.memref_slice %arg7[%add3A_179, %dma_wait3A_358] : memref<160x128xi32, #tpu.memory_space<vmem>> -> memref<1x128xi32, #tpu.memory_space<vmem>>
        %dma_wait3A_360 = tpu.memref_squeeze %dma_wait3A_359 : memref<1x128xi32, #tpu.memory_space<vmem>> -> memref<128xi32, #tpu.memory_space<vmem>>
        %dma_wait3A_361 = arith.constant 0 : i32
        %dma_wait3A_362 = arith.constant 0 : i32
        %dma_wait3A_363 = tpu.memref_slice %arg9[%dma_wait3A_361, %dma_wait3A_362] : memref<10112x64xf32, #tpu.memory_space<vmem_shared>> -> memref<10112x64xf32, #tpu.memory_space<vmem_shared>>
        tpu.wait_indirect_dma semaphore(%run_scoped3A_343 : memref<!tpu.dma_semaphore, #tpu.memory_space<semaphore_mem>>) src(%dma_wait3A_357 : memref<128x64xf32, #tpu.memory_space<vmem>>) dst(%dma_wait3A_363 : memref<10112x64xf32, #tpu.memory_space<vmem_shared>>)
        tpu.yield
      }) : () -> ()
      %add3A_199 = arith.constant 4 : i32
      %add3A_200 = arith.addi %add3A_179, %add3A_199 : i32
      %dma_start3A_201 = arith.constant 0 : i32
      %dma_start3A_202 = arith.constant 0 : i32
      %dma_start3A_203 = arith.constant 0 : i32
      %dma_start3A_204 = arith.constant 0 : i32
      %dma_start3A_205 = tpu.memref_slice %arg8[%dma_start3A_201, %dma_start3A_203, %dma_start3A_204] : memref<4x128x64xf32, #tpu.memory_space<vmem>> -> memref<1x128x64xf32, #tpu.memory_space<vmem>>
      %dma_start3A_206 = tpu.memref_squeeze %dma_start3A_205 : memref<1x128x64xf32, #tpu.memory_space<vmem>> -> memref<128x64xf32, #tpu.memory_space<vmem>>
      %dma_start3A_207 = arith.constant 0 : i32
      %dma_start3A_208 = tpu.memref_slice %arg6[%add3A_200, %dma_start3A_207] : memref<160x128xi32, #tpu.memory_space<vmem>> -> memref<1x128xi32, #tpu.memory_space<vmem>>
      %dma_start3A_209 = tpu.memref_squeeze %dma_start3A_208 : memref<1x128xi32, #tpu.memory_space<vmem>> -> memref<128xi32, #tpu.memory_space<vmem>>
      %dma_start3A_210 = arith.constant 0 : i32
      %dma_start3A_211 = arith.constant 0 : i32
      %dma_start3A_212 = tpu.memref_slice %arg2[%arg0, %dma_start3A_210, %dma_start3A_211] : memref<2x10112x64xf32, #tpu.memory_space<hbm>> -> memref<1x10112x64xf32, #tpu.memory_space<hbm>>
      %dma_start3A_213 = tpu.memref_squeeze %dma_start3A_212 : memref<1x10112x64xf32, #tpu.memory_space<hbm>> -> memref<10112x64xf32, #tpu.memory_space<hbm>>
      %dma_start3A_214 = arith.constant 0 : i32
      %dma_start3A_215 = arith.constant 0 : i32
      %dma_start3A_216 = tpu.memref_slice %dma_start3A_213[%dma_start3A_214, %dma_start3A_215] : memref<10112x64xf32, #tpu.memory_space<hbm>> -> memref<10112x64xf32, #tpu.memory_space<hbm>>
      %dma_start3A_217 = tpu.memref_slice %arg10[%dma_start3A_202] : memref<4x!tpu.dma_semaphore, #tpu.memory_space<semaphore_mem>> -> memref<1x!tpu.dma_semaphore, #tpu.memory_space<semaphore_mem>>
      %dma_start3A_218 = tpu.memref_squeeze %dma_start3A_217 : memref<1x!tpu.dma_semaphore, #tpu.memory_space<semaphore_mem>> -> memref<!tpu.dma_semaphore, #tpu.memory_space<semaphore_mem>>
      tpu.enqueue_indirect_dma source(%dma_start3A_216 : memref<10112x64xf32, #tpu.memory_space<hbm>>) target(%dma_start3A_206 : memref<128x64xf32, #tpu.memory_space<vmem>>) offsets(%dma_start3A_209 : memref<128xi32, #tpu.memory_space<vmem>>) semaphore(%dma_start3A_218 : memref<!tpu.dma_semaphore, #tpu.memory_space<semaphore_mem>>)
      %add3A_219 = arith.constant 1 : i32
      %add3A_220 = arith.addi %mul3A_178, %add3A_219 : i32
      %dma_wait3A_221 = arith.constant 1 : i32
      %dma_wait3A_222 = arith.constant 1 : i32
      %dma_wait3A_223 = arith.constant 0 : i32
      %dma_wait3A_224 = arith.constant 0 : i32
      %dma_wait3A_225 = tpu.memref_slice %arg8[%dma_wait3A_221, %dma_wait3A_223, %dma_wait3A_224] : memref<4x128x64xf32, #tpu.memory_space<vmem>> -> memref<1x128x64xf32, #tpu.memory_space<vmem>>
      %dma_wait3A_226 = tpu.memref_squeeze %dma_wait3A_225 : memref<1x128x64xf32, #tpu.memory_space<vmem>> -> memref<128x64xf32, #tpu.memory_space<vmem>>
      %dma_wait3A_227 = arith.constant 0 : i32
      %dma_wait3A_228 = tpu.memref_slice %arg6[%add3A_220, %dma_wait3A_227] : memref<160x128xi32, #tpu.memory_space<vmem>> -> memref<1x128xi32, #tpu.memory_space<vmem>>
      %dma_wait3A_229 = tpu.memref_squeeze %dma_wait3A_228 : memref<1x128xi32, #tpu.memory_space<vmem>> -> memref<128xi32, #tpu.memory_space<vmem>>
      %dma_wait3A_230 = arith.constant 0 : i32
      %dma_wait3A_231 = arith.constant 0 : i32
      %dma_wait3A_232 = tpu.memref_slice %arg2[%arg0, %dma_wait3A_230, %dma_wait3A_231] : memref<2x10112x64xf32, #tpu.memory_space<hbm>> -> memref<1x10112x64xf32, #tpu.memory_space<hbm>>
      %dma_wait3A_233 = tpu.memref_squeeze %dma_wait3A_232 : memref<1x10112x64xf32, #tpu.memory_space<hbm>> -> memref<10112x64xf32, #tpu.memory_space<hbm>>
      %dma_wait3A_234 = arith.constant 0 : i32
      %dma_wait3A_235 = arith.constant 0 : i32
      %dma_wait3A_236 = tpu.memref_slice %dma_wait3A_233[%dma_wait3A_234, %dma_wait3A_235] : memref<10112x64xf32, #tpu.memory_space<hbm>> -> memref<10112x64xf32, #tpu.memory_space<hbm>>
      %dma_wait3A_237 = tpu.memref_slice %arg10[%dma_wait3A_222] : memref<4x!tpu.dma_semaphore, #tpu.memory_space<semaphore_mem>> -> memref<1x!tpu.dma_semaphore, #tpu.memory_space<semaphore_mem>>
      %dma_wait3A_238 = tpu.memref_squeeze %dma_wait3A_237 : memref<1x!tpu.dma_semaphore, #tpu.memory_space<semaphore_mem>> -> memref<!tpu.dma_semaphore, #tpu.memory_space<semaphore_mem>>
      tpu.wait_indirect_dma semaphore(%dma_wait3A_238 : memref<!tpu.dma_semaphore, #tpu.memory_space<semaphore_mem>>) src(%dma_wait3A_236 : memref<10112x64xf32, #tpu.memory_space<hbm>>) dst(%dma_wait3A_226 : memref<128x64xf32, #tpu.memory_space<vmem>>)
      %run_scoped3A_239 = arith.constant 1 : i32
      "tpu.region"() ({
        %run_scoped3A_343 = tpu.sem_alloc : memref<!tpu.dma_semaphore, #tpu.memory_space<semaphore_mem>>
        %dma_start3A_344 = arith.constant 0 : i32
        %dma_start3A_345 = arith.constant 0 : i32
        %dma_start3A_346 = tpu.memref_slice %arg8[%run_scoped3A_239, %dma_start3A_344, %dma_start3A_345] : memref<4x128x64xf32, #tpu.memory_space<vmem>> -> memref<1x128x64xf32, #tpu.memory_space<vmem>>
        %dma_start3A_347 = tpu.memref_squeeze %dma_start3A_346 : memref<1x128x64xf32, #tpu.memory_space<vmem>> -> memref<128x64xf32, #tpu.memory_space<vmem>>
        %dma_start3A_348 = arith.constant 0 : i32
        %dma_start3A_349 = tpu.memref_slice %arg7[%add3A_220, %dma_start3A_348] : memref<160x128xi32, #tpu.memory_space<vmem>> -> memref<1x128xi32, #tpu.memory_space<vmem>>
        %dma_start3A_350 = tpu.memref_squeeze %dma_start3A_349 : memref<1x128xi32, #tpu.memory_space<vmem>> -> memref<128xi32, #tpu.memory_space<vmem>>
        %dma_start3A_351 = arith.constant 0 : i32
        %dma_start3A_352 = arith.constant 0 : i32
        %dma_start3A_353 = tpu.memref_slice %arg9[%dma_start3A_351, %dma_start3A_352] : memref<10112x64xf32, #tpu.memory_space<vmem_shared>> -> memref<10112x64xf32, #tpu.memory_space<vmem_shared>>
        tpu.enqueue_indirect_dma source(%dma_start3A_347 : memref<128x64xf32, #tpu.memory_space<vmem>>) target(%dma_start3A_353 : memref<10112x64xf32, #tpu.memory_space<vmem_shared>>) offsets(%dma_start3A_350 : memref<128xi32, #tpu.memory_space<vmem>>) semaphore(%run_scoped3A_343 : memref<!tpu.dma_semaphore, #tpu.memory_space<semaphore_mem>>) {add = true}
        %dma_wait3A_354 = arith.constant 0 : i32
        %dma_wait3A_355 = arith.constant 0 : i32
        %dma_wait3A_356 = tpu.memref_slice %arg8[%run_scoped3A_239, %dma_wait3A_354, %dma_wait3A_355] : memref<4x128x64xf32, #tpu.memory_space<vmem>> -> memref<1x128x64xf32, #tpu.memory_space<vmem>>
        %dma_wait3A_357 = tpu.memref_squeeze %dma_wait3A_356 : memref<1x128x64xf32, #tpu.memory_space<vmem>> -> memref<128x64xf32, #tpu.memory_space<vmem>>
        %dma_wait3A_358 = arith.constant 0 : i32
        %dma_wait3A_359 = tpu.memref_slice %arg7[%add3A_220, %dma_wait3A_358] : memref<160x128xi32, #tpu.memory_space<vmem>> -> memref<1x128xi32, #tpu.memory_space<vmem>>
        %dma_wait3A_360 = tpu.memref_squeeze %dma_wait3A_359 : memref<1x128xi32, #tpu.memory_space<vmem>> -> memref<128xi32, #tpu.memory_space<vmem>>
        %dma_wait3A_361 = arith.constant 0 : i32
        %dma_wait3A_362 = arith.constant 0 : i32
        %dma_wait3A_363 = tpu.memref_slice %arg9[%dma_wait3A_361, %dma_wait3A_362] : memref<10112x64xf32, #tpu.memory_space<vmem_shared>> -> memref<10112x64xf32, #tpu.memory_space<vmem_shared>>
        tpu.wait_indirect_dma semaphore(%run_scoped3A_343 : memref<!tpu.dma_semaphore, #tpu.memory_space<semaphore_mem>>) src(%dma_wait3A_357 : memref<128x64xf32, #tpu.memory_space<vmem>>) dst(%dma_wait3A_363 : memref<10112x64xf32, #tpu.memory_space<vmem_shared>>)
        tpu.yield
      }) : () -> ()
      %add3A_240 = arith.constant 4 : i32
      %add3A_241 = arith.addi %add3A_220, %add3A_240 : i32
      %dma_start3A_242 = arith.constant 1 : i32
      %dma_start3A_243 = arith.constant 1 : i32
      %dma_start3A_244 = arith.constant 0 : i32
      %dma_start3A_245 = arith.constant 0 : i32
      %dma_start3A_246 = tpu.memref_slice %arg8[%dma_start3A_242, %dma_start3A_244, %dma_start3A_245] : memref<4x128x64xf32, #tpu.memory_space<vmem>> -> memref<1x128x64xf32, #tpu.memory_space<vmem>>
      %dma_start3A_247 = tpu.memref_squeeze %dma_start3A_246 : memref<1x128x64xf32, #tpu.memory_space<vmem>> -> memref<128x64xf32, #tpu.memory_space<vmem>>
      %dma_start3A_248 = arith.constant 0 : i32
      %dma_start3A_249 = tpu.memref_slice %arg6[%add3A_241, %dma_start3A_248] : memref<160x128xi32, #tpu.memory_space<vmem>> -> memref<1x128xi32, #tpu.memory_space<vmem>>
      %dma_start3A_250 = tpu.memref_squeeze %dma_start3A_249 : memref<1x128xi32, #tpu.memory_space<vmem>> -> memref<128xi32, #tpu.memory_space<vmem>>
      %dma_start3A_251 = arith.constant 0 : i32
      %dma_start3A_252 = arith.constant 0 : i32
      %dma_start3A_253 = tpu.memref_slice %arg2[%arg0, %dma_start3A_251, %dma_start3A_252] : memref<2x10112x64xf32, #tpu.memory_space<hbm>> -> memref<1x10112x64xf32, #tpu.memory_space<hbm>>
      %dma_start3A_254 = tpu.memref_squeeze %dma_start3A_253 : memref<1x10112x64xf32, #tpu.memory_space<hbm>> -> memref<10112x64xf32, #tpu.memory_space<hbm>>
      %dma_start3A_255 = arith.constant 0 : i32
      %dma_start3A_256 = arith.constant 0 : i32
      %dma_start3A_257 = tpu.memref_slice %dma_start3A_254[%dma_start3A_255, %dma_start3A_256] : memref<10112x64xf32, #tpu.memory_space<hbm>> -> memref<10112x64xf32, #tpu.memory_space<hbm>>
      %dma_start3A_258 = tpu.memref_slice %arg10[%dma_start3A_243] : memref<4x!tpu.dma_semaphore, #tpu.memory_space<semaphore_mem>> -> memref<1x!tpu.dma_semaphore, #tpu.memory_space<semaphore_mem>>
      %dma_start3A_259 = tpu.memref_squeeze %dma_start3A_258 : memref<1x!tpu.dma_semaphore, #tpu.memory_space<semaphore_mem>> -> memref<!tpu.dma_semaphore, #tpu.memory_space<semaphore_mem>>
      tpu.enqueue_indirect_dma source(%dma_start3A_257 : memref<10112x64xf32, #tpu.memory_space<hbm>>) target(%dma_start3A_247 : memref<128x64xf32, #tpu.memory_space<vmem>>) offsets(%dma_start3A_250 : memref<128xi32, #tpu.memory_space<vmem>>) semaphore(%dma_start3A_259 : memref<!tpu.dma_semaphore, #tpu.memory_space<semaphore_mem>>)
      %add3A_260 = arith.constant 2 : i32
      %add3A_261 = arith.addi %mul3A_178, %add3A_260 : i32
      %dma_wait3A_262 = arith.constant 2 : i32
      %dma_wait3A_263 = arith.constant 2 : i32
      %dma_wait3A_264 = arith.constant 0 : i32
      %dma_wait3A_265 = arith.constant 0 : i32
      %dma_wait3A_266 = tpu.memref_slice %arg8[%dma_wait3A_262, %dma_wait3A_264, %dma_wait3A_265] : memref<4x128x64xf32, #tpu.memory_space<vmem>> -> memref<1x128x64xf32, #tpu.memory_space<vmem>>
      %dma_wait3A_267 = tpu.memref_squeeze %dma_wait3A_266 : memref<1x128x64xf32, #tpu.memory_space<vmem>> -> memref<128x64xf32, #tpu.memory_space<vmem>>
      %dma_wait3A_268 = arith.constant 0 : i32
      %dma_wait3A_269 = tpu.memref_slice %arg6[%add3A_261, %dma_wait3A_268] : memref<160x128xi32, #tpu.memory_space<vmem>> -> memref<1x128xi32, #tpu.memory_space<vmem>>
      %dma_wait3A_270 = tpu.memref_squeeze %dma_wait3A_269 : memref<1x128xi32, #tpu.memory_space<vmem>> -> memref<128xi32, #tpu.memory_space<vmem>>
      %dma_wait3A_271 = arith.constant 0 : i32
      %dma_wait3A_272 = arith.constant 0 : i32
      %dma_wait3A_273 = tpu.memref_slice %arg2[%arg0, %dma_wait3A_271, %dma_wait3A_272] : memref<2x10112x64xf32, #tpu.memory_space<hbm>> -> memref<1x10112x64xf32, #tpu.memory_space<hbm>>
      %dma_wait3A_274 = tpu.memref_squeeze %dma_wait3A_273 : memref<1x10112x64xf32, #tpu.memory_space<hbm>> -> memref<10112x64xf32, #tpu.memory_space<hbm>>
      %dma_wait3A_275 = arith.constant 0 : i32
      %dma_wait3A_276 = arith.constant 0 : i32
      %dma_wait3A_277 = tpu.memref_slice %dma_wait3A_274[%dma_wait3A_275, %dma_wait3A_276] : memref<10112x64xf32, #tpu.memory_space<hbm>> -> memref<10112x64xf32, #tpu.memory_space<hbm>>
      %dma_wait3A_278 = tpu.memref_slice %arg10[%dma_wait3A_263] : memref<4x!tpu.dma_semaphore, #tpu.memory_space<semaphore_mem>> -> memref<1x!tpu.dma_semaphore, #tpu.memory_space<semaphore_mem>>
      %dma_wait3A_279 = tpu.memref_squeeze %dma_wait3A_278 : memref<1x!tpu.dma_semaphore, #tpu.memory_space<semaphore_mem>> -> memref<!tpu.dma_semaphore, #tpu.memory_space<semaphore_mem>>
      tpu.wait_indirect_dma semaphore(%dma_wait3A_279 : memref<!tpu.dma_semaphore, #tpu.memory_space<semaphore_mem>>) src(%dma_wait3A_277 : memref<10112x64xf32, #tpu.memory_space<hbm>>) dst(%dma_wait3A_267 : memref<128x64xf32, #tpu.memory_space<vmem>>)
      %run_scoped3A_280 = arith.constant 2 : i32
      "tpu.region"() ({
        %run_scoped3A_343 = tpu.sem_alloc : memref<!tpu.dma_semaphore, #tpu.memory_space<semaphore_mem>>
        %dma_start3A_344 = arith.constant 0 : i32
        %dma_start3A_345 = arith.constant 0 : i32
        %dma_start3A_346 = tpu.memref_slice %arg8[%run_scoped3A_280, %dma_start3A_344, %dma_start3A_345] : memref<4x128x64xf32, #tpu.memory_space<vmem>> -> memref<1x128x64xf32, #tpu.memory_space<vmem>>
        %dma_start3A_347 = tpu.memref_squeeze %dma_start3A_346 : memref<1x128x64xf32, #tpu.memory_space<vmem>> -> memref<128x64xf32, #tpu.memory_space<vmem>>
        %dma_start3A_348 = arith.constant 0 : i32
        %dma_start3A_349 = tpu.memref_slice %arg7[%add3A_261, %dma_start3A_348] : memref<160x128xi32, #tpu.memory_space<vmem>> -> memref<1x128xi32, #tpu.memory_space<vmem>>
        %dma_start3A_350 = tpu.memref_squeeze %dma_start3A_349 : memref<1x128xi32, #tpu.memory_space<vmem>> -> memref<128xi32, #tpu.memory_space<vmem>>
        %dma_start3A_351 = arith.constant 0 : i32
        %dma_start3A_352 = arith.constant 0 : i32
        %dma_start3A_353 = tpu.memref_slice %arg9[%dma_start3A_351, %dma_start3A_352] : memref<10112x64xf32, #tpu.memory_space<vmem_shared>> -> memref<10112x64xf32, #tpu.memory_space<vmem_shared>>
        tpu.enqueue_indirect_dma source(%dma_start3A_347 : memref<128x64xf32, #tpu.memory_space<vmem>>) target(%dma_start3A_353 : memref<10112x64xf32, #tpu.memory_space<vmem_shared>>) offsets(%dma_start3A_350 : memref<128xi32, #tpu.memory_space<vmem>>) semaphore(%run_scoped3A_343 : memref<!tpu.dma_semaphore, #tpu.memory_space<semaphore_mem>>) {add = true}
        %dma_wait3A_354 = arith.constant 0 : i32
        %dma_wait3A_355 = arith.constant 0 : i32
        %dma_wait3A_356 = tpu.memref_slice %arg8[%run_scoped3A_280, %dma_wait3A_354, %dma_wait3A_355] : memref<4x128x64xf32, #tpu.memory_space<vmem>> -> memref<1x128x64xf32, #tpu.memory_space<vmem>>
        %dma_wait3A_357 = tpu.memref_squeeze %dma_wait3A_356 : memref<1x128x64xf32, #tpu.memory_space<vmem>> -> memref<128x64xf32, #tpu.memory_space<vmem>>
        %dma_wait3A_358 = arith.constant 0 : i32
        %dma_wait3A_359 = tpu.memref_slice %arg7[%add3A_261, %dma_wait3A_358] : memref<160x128xi32, #tpu.memory_space<vmem>> -> memref<1x128xi32, #tpu.memory_space<vmem>>
        %dma_wait3A_360 = tpu.memref_squeeze %dma_wait3A_359 : memref<1x128xi32, #tpu.memory_space<vmem>> -> memref<128xi32, #tpu.memory_space<vmem>>
        %dma_wait3A_361 = arith.constant 0 : i32
        %dma_wait3A_362 = arith.constant 0 : i32
        %dma_wait3A_363 = tpu.memref_slice %arg9[%dma_wait3A_361, %dma_wait3A_362] : memref<10112x64xf32, #tpu.memory_space<vmem_shared>> -> memref<10112x64xf32, #tpu.memory_space<vmem_shared>>
        tpu.wait_indirect_dma semaphore(%run_scoped3A_343 : memref<!tpu.dma_semaphore, #tpu.memory_space<semaphore_mem>>) src(%dma_wait3A_357 : memref<128x64xf32, #tpu.memory_space<vmem>>) dst(%dma_wait3A_363 : memref<10112x64xf32, #tpu.memory_space<vmem_shared>>)
        tpu.yield
      }) : () -> ()
      %add3A_281 = arith.constant 4 : i32
      %add3A_282 = arith.addi %add3A_261, %add3A_281 : i32
      %dma_start3A_283 = arith.constant 2 : i32
      %dma_start3A_284 = arith.constant 2 : i32
      %dma_start3A_285 = arith.constant 0 : i32
      %dma_start3A_286 = arith.constant 0 : i32
      %dma_start3A_287 = tpu.memref_slice %arg8[%dma_start3A_283, %dma_start3A_285, %dma_start3A_286] : memref<4x128x64xf32, #tpu.memory_space<vmem>> -> memref<1x128x64xf32, #tpu.memory_space<vmem>>
      %dma_start3A_288 = tpu.memref_squeeze %dma_start3A_287 : memref<1x128x64xf32, #tpu.memory_space<vmem>> -> memref<128x64xf32, #tpu.memory_space<vmem>>
      %dma_start3A_289 = arith.constant 0 : i32
      %dma_start3A_290 = tpu.memref_slice %arg6[%add3A_282, %dma_start3A_289] : memref<160x128xi32, #tpu.memory_space<vmem>> -> memref<1x128xi32, #tpu.memory_space<vmem>>
      %dma_start3A_291 = tpu.memref_squeeze %dma_start3A_290 : memref<1x128xi32, #tpu.memory_space<vmem>> -> memref<128xi32, #tpu.memory_space<vmem>>
      %dma_start3A_292 = arith.constant 0 : i32
      %dma_start3A_293 = arith.constant 0 : i32
      %dma_start3A_294 = tpu.memref_slice %arg2[%arg0, %dma_start3A_292, %dma_start3A_293] : memref<2x10112x64xf32, #tpu.memory_space<hbm>> -> memref<1x10112x64xf32, #tpu.memory_space<hbm>>
      %dma_start3A_295 = tpu.memref_squeeze %dma_start3A_294 : memref<1x10112x64xf32, #tpu.memory_space<hbm>> -> memref<10112x64xf32, #tpu.memory_space<hbm>>
      %dma_start3A_296 = arith.constant 0 : i32
      %dma_start3A_297 = arith.constant 0 : i32
      %dma_start3A_298 = tpu.memref_slice %dma_start3A_295[%dma_start3A_296, %dma_start3A_297] : memref<10112x64xf32, #tpu.memory_space<hbm>> -> memref<10112x64xf32, #tpu.memory_space<hbm>>
      %dma_start3A_299 = tpu.memref_slice %arg10[%dma_start3A_284] : memref<4x!tpu.dma_semaphore, #tpu.memory_space<semaphore_mem>> -> memref<1x!tpu.dma_semaphore, #tpu.memory_space<semaphore_mem>>
      %dma_start3A_300 = tpu.memref_squeeze %dma_start3A_299 : memref<1x!tpu.dma_semaphore, #tpu.memory_space<semaphore_mem>> -> memref<!tpu.dma_semaphore, #tpu.memory_space<semaphore_mem>>
      tpu.enqueue_indirect_dma source(%dma_start3A_298 : memref<10112x64xf32, #tpu.memory_space<hbm>>) target(%dma_start3A_288 : memref<128x64xf32, #tpu.memory_space<vmem>>) offsets(%dma_start3A_291 : memref<128xi32, #tpu.memory_space<vmem>>) semaphore(%dma_start3A_300 : memref<!tpu.dma_semaphore, #tpu.memory_space<semaphore_mem>>)
      %add3A_301 = arith.constant 3 : i32
      %add3A_302 = arith.addi %mul3A_178, %add3A_301 : i32
      %dma_wait3A_303 = arith.constant 3 : i32
      %dma_wait3A_304 = arith.constant 3 : i32
      %dma_wait3A_305 = arith.constant 0 : i32
      %dma_wait3A_306 = arith.constant 0 : i32
      %dma_wait3A_307 = tpu.memref_slice %arg8[%dma_wait3A_303, %dma_wait3A_305, %dma_wait3A_306] : memref<4x128x64xf32, #tpu.memory_space<vmem>> -> memref<1x128x64xf32, #tpu.memory_space<vmem>>
      %dma_wait3A_308 = tpu.memref_squeeze %dma_wait3A_307 : memref<1x128x64xf32, #tpu.memory_space<vmem>> -> memref<128x64xf32, #tpu.memory_space<vmem>>
      %dma_wait3A_309 = arith.constant 0 : i32
      %dma_wait3A_310 = tpu.memref_slice %arg6[%add3A_302, %dma_wait3A_309] : memref<160x128xi32, #tpu.memory_space<vmem>> -> memref<1x128xi32, #tpu.memory_space<vmem>>
      %dma_wait3A_311 = tpu.memref_squeeze %dma_wait3A_310 : memref<1x128xi32, #tpu.memory_space<vmem>> -> memref<128xi32, #tpu.memory_space<vmem>>
      %dma_wait3A_312 = arith.constant 0 : i32
      %dma_wait3A_313 = arith.constant 0 : i32
      %dma_wait3A_314 = tpu.memref_slice %arg2[%arg0, %dma_wait3A_312, %dma_wait3A_313] : memref<2x10112x64xf32, #tpu.memory_space<hbm>> -> memref<1x10112x64xf32, #tpu.memory_space<hbm>>
      %dma_wait3A_315 = tpu.memref_squeeze %dma_wait3A_314 : memref<1x10112x64xf32, #tpu.memory_space<hbm>> -> memref<10112x64xf32, #tpu.memory_space<hbm>>
      %dma_wait3A_316 = arith.constant 0 : i32
      %dma_wait3A_317 = arith.constant 0 : i32
      %dma_wait3A_318 = tpu.memref_slice %dma_wait3A_315[%dma_wait3A_316, %dma_wait3A_317] : memref<10112x64xf32, #tpu.memory_space<hbm>> -> memref<10112x64xf32, #tpu.memory_space<hbm>>
      %dma_wait3A_319 = tpu.memref_slice %arg10[%dma_wait3A_304] : memref<4x!tpu.dma_semaphore, #tpu.memory_space<semaphore_mem>> -> memref<1x!tpu.dma_semaphore, #tpu.memory_space<semaphore_mem>>
      %dma_wait3A_320 = tpu.memref_squeeze %dma_wait3A_319 : memref<1x!tpu.dma_semaphore, #tpu.memory_space<semaphore_mem>> -> memref<!tpu.dma_semaphore, #tpu.memory_space<semaphore_mem>>
      tpu.wait_indirect_dma semaphore(%dma_wait3A_320 : memref<!tpu.dma_semaphore, #tpu.memory_space<semaphore_mem>>) src(%dma_wait3A_318 : memref<10112x64xf32, #tpu.memory_space<hbm>>) dst(%dma_wait3A_308 : memref<128x64xf32, #tpu.memory_space<vmem>>)
      %run_scoped3A_321 = arith.constant 3 : i32
      "tpu.region"() ({
        %run_scoped3A_343 = tpu.sem_alloc : memref<!tpu.dma_semaphore, #tpu.memory_space<semaphore_mem>>
        %dma_start3A_344 = arith.constant 0 : i32
        %dma_start3A_345 = arith.constant 0 : i32
        %dma_start3A_346 = tpu.memref_slice %arg8[%run_scoped3A_321, %dma_start3A_344, %dma_start3A_345] : memref<4x128x64xf32, #tpu.memory_space<vmem>> -> memref<1x128x64xf32, #tpu.memory_space<vmem>>
        %dma_start3A_347 = tpu.memref_squeeze %dma_start3A_346 : memref<1x128x64xf32, #tpu.memory_space<vmem>> -> memref<128x64xf32, #tpu.memory_space<vmem>>
        %dma_start3A_348 = arith.constant 0 : i32
        %dma_start3A_349 = tpu.memref_slice %arg7[%add3A_302, %dma_start3A_348] : memref<160x128xi32, #tpu.memory_space<vmem>> -> memref<1x128xi32, #tpu.memory_space<vmem>>
        %dma_start3A_350 = tpu.memref_squeeze %dma_start3A_349 : memref<1x128xi32, #tpu.memory_space<vmem>> -> memref<128xi32, #tpu.memory_space<vmem>>
        %dma_start3A_351 = arith.constant 0 : i32
        %dma_start3A_352 = arith.constant 0 : i32
        %dma_start3A_353 = tpu.memref_slice %arg9[%dma_start3A_351, %dma_start3A_352] : memref<10112x64xf32, #tpu.memory_space<vmem_shared>> -> memref<10112x64xf32, #tpu.memory_space<vmem_shared>>
        tpu.enqueue_indirect_dma source(%dma_start3A_347 : memref<128x64xf32, #tpu.memory_space<vmem>>) target(%dma_start3A_353 : memref<10112x64xf32, #tpu.memory_space<vmem_shared>>) offsets(%dma_start3A_350 : memref<128xi32, #tpu.memory_space<vmem>>) semaphore(%run_scoped3A_343 : memref<!tpu.dma_semaphore, #tpu.memory_space<semaphore_mem>>) {add = true}
        %dma_wait3A_354 = arith.constant 0 : i32
        %dma_wait3A_355 = arith.constant 0 : i32
        %dma_wait3A_356 = tpu.memref_slice %arg8[%run_scoped3A_321, %dma_wait3A_354, %dma_wait3A_355] : memref<4x128x64xf32, #tpu.memory_space<vmem>> -> memref<1x128x64xf32, #tpu.memory_space<vmem>>
        %dma_wait3A_357 = tpu.memref_squeeze %dma_wait3A_356 : memref<1x128x64xf32, #tpu.memory_space<vmem>> -> memref<128x64xf32, #tpu.memory_space<vmem>>
        %dma_wait3A_358 = arith.constant 0 : i32
        %dma_wait3A_359 = tpu.memref_slice %arg7[%add3A_302, %dma_wait3A_358] : memref<160x128xi32, #tpu.memory_space<vmem>> -> memref<1x128xi32, #tpu.memory_space<vmem>>
        %dma_wait3A_360 = tpu.memref_squeeze %dma_wait3A_359 : memref<1x128xi32, #tpu.memory_space<vmem>> -> memref<128xi32, #tpu.memory_space<vmem>>
        %dma_wait3A_361 = arith.constant 0 : i32
        %dma_wait3A_362 = arith.constant 0 : i32
        %dma_wait3A_363 = tpu.memref_slice %arg9[%dma_wait3A_361, %dma_wait3A_362] : memref<10112x64xf32, #tpu.memory_space<vmem_shared>> -> memref<10112x64xf32, #tpu.memory_space<vmem_shared>>
        tpu.wait_indirect_dma semaphore(%run_scoped3A_343 : memref<!tpu.dma_semaphore, #tpu.memory_space<semaphore_mem>>) src(%dma_wait3A_357 : memref<128x64xf32, #tpu.memory_space<vmem>>) dst(%dma_wait3A_363 : memref<10112x64xf32, #tpu.memory_space<vmem_shared>>)
        tpu.yield
      }) : () -> ()
      %add3A_322 = arith.constant 4 : i32
      %add3A_323 = arith.addi %add3A_302, %add3A_322 : i32
      %dma_start3A_324 = arith.constant 3 : i32
      %dma_start3A_325 = arith.constant 3 : i32
      %dma_start3A_326 = arith.constant 0 : i32
      %dma_start3A_327 = arith.constant 0 : i32
      %dma_start3A_328 = tpu.memref_slice %arg8[%dma_start3A_324, %dma_start3A_326, %dma_start3A_327] : memref<4x128x64xf32, #tpu.memory_space<vmem>> -> memref<1x128x64xf32, #tpu.memory_space<vmem>>
      %dma_start3A_329 = tpu.memref_squeeze %dma_start3A_328 : memref<1x128x64xf32, #tpu.memory_space<vmem>> -> memref<128x64xf32, #tpu.memory_space<vmem>>
      %dma_start3A_330 = arith.constant 0 : i32
      %dma_start3A_331 = tpu.memref_slice %arg6[%add3A_323, %dma_start3A_330] : memref<160x128xi32, #tpu.memory_space<vmem>> -> memref<1x128xi32, #tpu.memory_space<vmem>>
      %dma_start3A_332 = tpu.memref_squeeze %dma_start3A_331 : memref<1x128xi32, #tpu.memory_space<vmem>> -> memref<128xi32, #tpu.memory_space<vmem>>
      %dma_start3A_333 = arith.constant 0 : i32
      %dma_start3A_334 = arith.constant 0 : i32
      %dma_start3A_335 = tpu.memref_slice %arg2[%arg0, %dma_start3A_333, %dma_start3A_334] : memref<2x10112x64xf32, #tpu.memory_space<hbm>> -> memref<1x10112x64xf32, #tpu.memory_space<hbm>>
      %dma_start3A_336 = tpu.memref_squeeze %dma_start3A_335 : memref<1x10112x64xf32, #tpu.memory_space<hbm>> -> memref<10112x64xf32, #tpu.memory_space<hbm>>
      %dma_start3A_337 = arith.constant 0 : i32
      %dma_start3A_338 = arith.constant 0 : i32
      %dma_start3A_339 = tpu.memref_slice %dma_start3A_336[%dma_start3A_337, %dma_start3A_338] : memref<10112x64xf32, #tpu.memory_space<hbm>> -> memref<10112x64xf32, #tpu.memory_space<hbm>>
      %dma_start3A_340 = tpu.memref_slice %arg10[%dma_start3A_325] : memref<4x!tpu.dma_semaphore, #tpu.memory_space<semaphore_mem>> -> memref<1x!tpu.dma_semaphore, #tpu.memory_space<semaphore_mem>>
      %dma_start3A_341 = tpu.memref_squeeze %dma_start3A_340 : memref<1x!tpu.dma_semaphore, #tpu.memory_space<semaphore_mem>> -> memref<!tpu.dma_semaphore, #tpu.memory_space<semaphore_mem>>
      tpu.enqueue_indirect_dma source(%dma_start3A_339 : memref<10112x64xf32, #tpu.memory_space<hbm>>) target(%dma_start3A_329 : memref<128x64xf32, #tpu.memory_space<vmem>>) offsets(%dma_start3A_332 : memref<128xi32, #tpu.memory_space<vmem>>) semaphore(%dma_start3A_341 : memref<!tpu.dma_semaphore, #tpu.memory_space<semaphore_mem>>)
      %scan3A_342 = arith.constant 0 : i32
      scf.yield %scan3A_342 : i32
    }
    %scan3A_87 = arith.constant 39 : i32
    %dma_wait3A = arith.constant 156 : i32
    %dma_wait3A_88 = arith.constant 0 : i32
    %dma_wait3A_89 = arith.constant 0 : i32
    %dma_wait3A_90 = arith.constant 0 : i32
    %dma_wait3A_91 = arith.constant 0 : i32
    %dma_wait3A_92 = tpu.memref_slice %arg8[%dma_wait3A_88, %dma_wait3A_90, %dma_wait3A_91] : memref<4x128x64xf32, #tpu.memory_space<vmem>> -> memref<1x128x64xf32, #tpu.memory_space<vmem>>
    %dma_wait3A_93 = tpu.memref_squeeze %dma_wait3A_92 : memref<1x128x64xf32, #tpu.memory_space<vmem>> -> memref<128x64xf32, #tpu.memory_space<vmem>>
    %dma_wait3A_94 = arith.constant 0 : i32
    %dma_wait3A_95 = tpu.memref_slice %arg6[%dma_wait3A, %dma_wait3A_94] : memref<160x128xi32, #tpu.memory_space<vmem>> -> memref<1x128xi32, #tpu.memory_space<vmem>>
    %dma_wait3A_96 = tpu.memref_squeeze %dma_wait3A_95 : memref<1x128xi32, #tpu.memory_space<vmem>> -> memref<128xi32, #tpu.memory_space<vmem>>
    %dma_wait3A_97 = arith.constant 0 : i32
    %dma_wait3A_98 = arith.constant 0 : i32
    %dma_wait3A_99 = tpu.memref_slice %arg2[%arg0, %dma_wait3A_97, %dma_wait3A_98] : memref<2x10112x64xf32, #tpu.memory_space<hbm>> -> memref<1x10112x64xf32, #tpu.memory_space<hbm>>
    %dma_wait3A_100 = tpu.memref_squeeze %dma_wait3A_99 : memref<1x10112x64xf32, #tpu.memory_space<hbm>> -> memref<10112x64xf32, #tpu.memory_space<hbm>>
    %dma_wait3A_101 = arith.constant 0 : i32
    %dma_wait3A_102 = arith.constant 0 : i32
    %dma_wait3A_103 = tpu.memref_slice %dma_wait3A_100[%dma_wait3A_101, %dma_wait3A_102] : memref<10112x64xf32, #tpu.memory_space<hbm>> -> memref<10112x64xf32, #tpu.memory_space<hbm>>
    %dma_wait3A_104 = tpu.memref_slice %arg10[%dma_wait3A_89] : memref<4x!tpu.dma_semaphore, #tpu.memory_space<semaphore_mem>> -> memref<1x!tpu.dma_semaphore, #tpu.memory_space<semaphore_mem>>
    %dma_wait3A_105 = tpu.memref_squeeze %dma_wait3A_104 : memref<1x!tpu.dma_semaphore, #tpu.memory_space<semaphore_mem>> -> memref<!tpu.dma_semaphore, #tpu.memory_space<semaphore_mem>>
    tpu.wait_indirect_dma semaphore(%dma_wait3A_105 : memref<!tpu.dma_semaphore, #tpu.memory_space<semaphore_mem>>) src(%dma_wait3A_103 : memref<10112x64xf32, #tpu.memory_space<hbm>>) dst(%dma_wait3A_93 : memref<128x64xf32, #tpu.memory_space<vmem>>)
    %run_scoped3A = arith.constant 0 : i32
    %run_scoped3A_106 = arith.constant 156 : i32
    "tpu.region"() ({
      %run_scoped3A_175 = tpu.sem_alloc : memref<!tpu.dma_semaphore, #tpu.memory_space<semaphore_mem>>
      %dma_start3A_176 = arith.constant 0 : i32
      %dma_start3A_177 = arith.constant 0 : i32
      %dma_start3A_178 = tpu.memref_slice %arg8[%run_scoped3A, %dma_start3A_176, %dma_start3A_177] : memref<4x128x64xf32, #tpu.memory_space<vmem>> -> memref<1x128x64xf32, #tpu.memory_space<vmem>>
      %dma_start3A_179 = tpu.memref_squeeze %dma_start3A_178 : memref<1x128x64xf32, #tpu.memory_space<vmem>> -> memref<128x64xf32, #tpu.memory_space<vmem>>
      %dma_start3A_180 = arith.constant 0 : i32
      %dma_start3A_181 = tpu.memref_slice %arg7[%run_scoped3A_106, %dma_start3A_180] : memref<160x128xi32, #tpu.memory_space<vmem>> -> memref<1x128xi32, #tpu.memory_space<vmem>>
      %dma_start3A_182 = tpu.memref_squeeze %dma_start3A_181 : memref<1x128xi32, #tpu.memory_space<vmem>> -> memref<128xi32, #tpu.memory_space<vmem>>
      %dma_start3A_183 = arith.constant 0 : i32
      %dma_start3A_184 = arith.constant 0 : i32
      %dma_start3A_185 = tpu.memref_slice %arg9[%dma_start3A_183, %dma_start3A_184] : memref<10112x64xf32, #tpu.memory_space<vmem_shared>> -> memref<10112x64xf32, #tpu.memory_space<vmem_shared>>
      tpu.enqueue_indirect_dma source(%dma_start3A_179 : memref<128x64xf32, #tpu.memory_space<vmem>>) target(%dma_start3A_185 : memref<10112x64xf32, #tpu.memory_space<vmem_shared>>) offsets(%dma_start3A_182 : memref<128xi32, #tpu.memory_space<vmem>>) semaphore(%run_scoped3A_175 : memref<!tpu.dma_semaphore, #tpu.memory_space<semaphore_mem>>) {add = true}
      %dma_wait3A_186 = arith.constant 0 : i32
      %dma_wait3A_187 = arith.constant 0 : i32
      %dma_wait3A_188 = tpu.memref_slice %arg8[%run_scoped3A, %dma_wait3A_186, %dma_wait3A_187] : memref<4x128x64xf32, #tpu.memory_space<vmem>> -> memref<1x128x64xf32, #tpu.memory_space<vmem>>
      %dma_wait3A_189 = tpu.memref_squeeze %dma_wait3A_188 : memref<1x128x64xf32, #tpu.memory_space<vmem>> -> memref<128x64xf32, #tpu.memory_space<vmem>>
      %dma_wait3A_190 = arith.constant 0 : i32
      %dma_wait3A_191 = tpu.memref_slice %arg7[%run_scoped3A_106, %dma_wait3A_190] : memref<160x128xi32, #tpu.memory_space<vmem>> -> memref<1x128xi32, #tpu.memory_space<vmem>>
      %dma_wait3A_192 = tpu.memref_squeeze %dma_wait3A_191 : memref<1x128xi32, #tpu.memory_space<vmem>> -> memref<128xi32, #tpu.memory_space<vmem>>
      %dma_wait3A_193 = arith.constant 0 : i32
      %dma_wait3A_194 = arith.constant 0 : i32
      %dma_wait3A_195 = tpu.memref_slice %arg9[%dma_wait3A_193, %dma_wait3A_194] : memref<10112x64xf32, #tpu.memory_space<vmem_shared>> -> memref<10112x64xf32, #tpu.memory_space<vmem_shared>>
      tpu.wait_indirect_dma semaphore(%run_scoped3A_175 : memref<!tpu.dma_semaphore, #tpu.memory_space<semaphore_mem>>) src(%dma_wait3A_189 : memref<128x64xf32, #tpu.memory_space<vmem>>) dst(%dma_wait3A_195 : memref<10112x64xf32, #tpu.memory_space<vmem_shared>>)
      tpu.yield
    }) : () -> ()
    %dma_wait3A_107 = arith.constant 157 : i32
    %dma_wait3A_108 = arith.constant 1 : i32
    %dma_wait3A_109 = arith.constant 1 : i32
    %dma_wait3A_110 = arith.constant 0 : i32
    %dma_wait3A_111 = arith.constant 0 : i32
    %dma_wait3A_112 = tpu.memref_slice %arg8[%dma_wait3A_108, %dma_wait3A_110, %dma_wait3A_111] : memref<4x128x64xf32, #tpu.memory_space<vmem>> -> memref<1x128x64xf32, #tpu.memory_space<vmem>>
    %dma_wait3A_113 = tpu.memref_squeeze %dma_wait3A_112 : memref<1x128x64xf32, #tpu.memory_space<vmem>> -> memref<128x64xf32, #tpu.memory_space<vmem>>
    %dma_wait3A_114 = arith.constant 0 : i32
    %dma_wait3A_115 = tpu.memref_slice %arg6[%dma_wait3A_107, %dma_wait3A_114] : memref<160x128xi32, #tpu.memory_space<vmem>> -> memref<1x128xi32, #tpu.memory_space<vmem>>
    %dma_wait3A_116 = tpu.memref_squeeze %dma_wait3A_115 : memref<1x128xi32, #tpu.memory_space<vmem>> -> memref<128xi32, #tpu.memory_space<vmem>>
    %dma_wait3A_117 = arith.constant 0 : i32
    %dma_wait3A_118 = arith.constant 0 : i32
    %dma_wait3A_119 = tpu.memref_slice %arg2[%arg0, %dma_wait3A_117, %dma_wait3A_118] : memref<2x10112x64xf32, #tpu.memory_space<hbm>> -> memref<1x10112x64xf32, #tpu.memory_space<hbm>>
    %dma_wait3A_120 = tpu.memref_squeeze %dma_wait3A_119 : memref<1x10112x64xf32, #tpu.memory_space<hbm>> -> memref<10112x64xf32, #tpu.memory_space<hbm>>
    %dma_wait3A_121 = arith.constant 0 : i32
    %dma_wait3A_122 = arith.constant 0 : i32
    %dma_wait3A_123 = tpu.memref_slice %dma_wait3A_120[%dma_wait3A_121, %dma_wait3A_122] : memref<10112x64xf32, #tpu.memory_space<hbm>> -> memref<10112x64xf32, #tpu.memory_space<hbm>>
    %dma_wait3A_124 = tpu.memref_slice %arg10[%dma_wait3A_109] : memref<4x!tpu.dma_semaphore, #tpu.memory_space<semaphore_mem>> -> memref<1x!tpu.dma_semaphore, #tpu.memory_space<semaphore_mem>>
    %dma_wait3A_125 = tpu.memref_squeeze %dma_wait3A_124 : memref<1x!tpu.dma_semaphore, #tpu.memory_space<semaphore_mem>> -> memref<!tpu.dma_semaphore, #tpu.memory_space<semaphore_mem>>
    tpu.wait_indirect_dma semaphore(%dma_wait3A_125 : memref<!tpu.dma_semaphore, #tpu.memory_space<semaphore_mem>>) src(%dma_wait3A_123 : memref<10112x64xf32, #tpu.memory_space<hbm>>) dst(%dma_wait3A_113 : memref<128x64xf32, #tpu.memory_space<vmem>>)
    %run_scoped3A_126 = arith.constant 1 : i32
    %run_scoped3A_127 = arith.constant 157 : i32
    "tpu.region"() ({
      %run_scoped3A_175 = tpu.sem_alloc : memref<!tpu.dma_semaphore, #tpu.memory_space<semaphore_mem>>
      %dma_start3A_176 = arith.constant 0 : i32
      %dma_start3A_177 = arith.constant 0 : i32
      %dma_start3A_178 = tpu.memref_slice %arg8[%run_scoped3A_126, %dma_start3A_176, %dma_start3A_177] : memref<4x128x64xf32, #tpu.memory_space<vmem>> -> memref<1x128x64xf32, #tpu.memory_space<vmem>>
      %dma_start3A_179 = tpu.memref_squeeze %dma_start3A_178 : memref<1x128x64xf32, #tpu.memory_space<vmem>> -> memref<128x64xf32, #tpu.memory_space<vmem>>
      %dma_start3A_180 = arith.constant 0 : i32
      %dma_start3A_181 = tpu.memref_slice %arg7[%run_scoped3A_127, %dma_start3A_180] : memref<160x128xi32, #tpu.memory_space<vmem>> -> memref<1x128xi32, #tpu.memory_space<vmem>>
      %dma_start3A_182 = tpu.memref_squeeze %dma_start3A_181 : memref<1x128xi32, #tpu.memory_space<vmem>> -> memref<128xi32, #tpu.memory_space<vmem>>
      %dma_start3A_183 = arith.constant 0 : i32
      %dma_start3A_184 = arith.constant 0 : i32
      %dma_start3A_185 = tpu.memref_slice %arg9[%dma_start3A_183, %dma_start3A_184] : memref<10112x64xf32, #tpu.memory_space<vmem_shared>> -> memref<10112x64xf32, #tpu.memory_space<vmem_shared>>
      tpu.enqueue_indirect_dma source(%dma_start3A_179 : memref<128x64xf32, #tpu.memory_space<vmem>>) target(%dma_start3A_185 : memref<10112x64xf32, #tpu.memory_space<vmem_shared>>) offsets(%dma_start3A_182 : memref<128xi32, #tpu.memory_space<vmem>>) semaphore(%run_scoped3A_175 : memref<!tpu.dma_semaphore, #tpu.memory_space<semaphore_mem>>) {add = true}
      %dma_wait3A_186 = arith.constant 0 : i32
      %dma_wait3A_187 = arith.constant 0 : i32
      %dma_wait3A_188 = tpu.memref_slice %arg8[%run_scoped3A_126, %dma_wait3A_186, %dma_wait3A_187] : memref<4x128x64xf32, #tpu.memory_space<vmem>> -> memref<1x128x64xf32, #tpu.memory_space<vmem>>
      %dma_wait3A_189 = tpu.memref_squeeze %dma_wait3A_188 : memref<1x128x64xf32, #tpu.memory_space<vmem>> -> memref<128x64xf32, #tpu.memory_space<vmem>>
      %dma_wait3A_190 = arith.constant 0 : i32
      %dma_wait3A_191 = tpu.memref_slice %arg7[%run_scoped3A_127, %dma_wait3A_190] : memref<160x128xi32, #tpu.memory_space<vmem>> -> memref<1x128xi32, #tpu.memory_space<vmem>>
      %dma_wait3A_192 = tpu.memref_squeeze %dma_wait3A_191 : memref<1x128xi32, #tpu.memory_space<vmem>> -> memref<128xi32, #tpu.memory_space<vmem>>
      %dma_wait3A_193 = arith.constant 0 : i32
      %dma_wait3A_194 = arith.constant 0 : i32
      %dma_wait3A_195 = tpu.memref_slice %arg9[%dma_wait3A_193, %dma_wait3A_194] : memref<10112x64xf32, #tpu.memory_space<vmem_shared>> -> memref<10112x64xf32, #tpu.memory_space<vmem_shared>>
      tpu.wait_indirect_dma semaphore(%run_scoped3A_175 : memref<!tpu.dma_semaphore, #tpu.memory_space<semaphore_mem>>) src(%dma_wait3A_189 : memref<128x64xf32, #tpu.memory_space<vmem>>) dst(%dma_wait3A_195 : memref<10112x64xf32, #tpu.memory_space<vmem_shared>>)
      tpu.yield
    }) : () -> ()
    %dma_wait3A_128 = arith.constant 158 : i32
    %dma_wait3A_129 = arith.constant 2 : i32
    %dma_wait3A_130 = arith.constant 2 : i32
    %dma_wait3A_131 = arith.constant 0 : i32
    %dma_wait3A_132 = arith.constant 0 : i32
    %dma_wait3A_133 = tpu.memref_slice %arg8[%dma_wait3A_129, %dma_wait3A_131, %dma_wait3A_132] : memref<4x128x64xf32, #tpu.memory_space<vmem>> -> memref<1x128x64xf32, #tpu.memory_space<vmem>>
    %dma_wait3A_134 = tpu.memref_squeeze %dma_wait3A_133 : memref<1x128x64xf32, #tpu.memory_space<vmem>> -> memref<128x64xf32, #tpu.memory_space<vmem>>
    %dma_wait3A_135 = arith.constant 0 : i32
    %dma_wait3A_136 = tpu.memref_slice %arg6[%dma_wait3A_128, %dma_wait3A_135] : memref<160x128xi32, #tpu.memory_space<vmem>> -> memref<1x128xi32, #tpu.memory_space<vmem>>
    %dma_wait3A_137 = tpu.memref_squeeze %dma_wait3A_136 : memref<1x128xi32, #tpu.memory_space<vmem>> -> memref<128xi32, #tpu.memory_space<vmem>>
    %dma_wait3A_138 = arith.constant 0 : i32
    %dma_wait3A_139 = arith.constant 0 : i32
    %dma_wait3A_140 = tpu.memref_slice %arg2[%arg0, %dma_wait3A_138, %dma_wait3A_139] : memref<2x10112x64xf32, #tpu.memory_space<hbm>> -> memref<1x10112x64xf32, #tpu.memory_space<hbm>>
    %dma_wait3A_141 = tpu.memref_squeeze %dma_wait3A_140 : memref<1x10112x64xf32, #tpu.memory_space<hbm>> -> memref<10112x64xf32, #tpu.memory_space<hbm>>
    %dma_wait3A_142 = arith.constant 0 : i32
    %dma_wait3A_143 = arith.constant 0 : i32
    %dma_wait3A_144 = tpu.memref_slice %dma_wait3A_141[%dma_wait3A_142, %dma_wait3A_143] : memref<10112x64xf32, #tpu.memory_space<hbm>> -> memref<10112x64xf32, #tpu.memory_space<hbm>>
    %dma_wait3A_145 = tpu.memref_slice %arg10[%dma_wait3A_130] : memref<4x!tpu.dma_semaphore, #tpu.memory_space<semaphore_mem>> -> memref<1x!tpu.dma_semaphore, #tpu.memory_space<semaphore_mem>>
    %dma_wait3A_146 = tpu.memref_squeeze %dma_wait3A_145 : memref<1x!tpu.dma_semaphore, #tpu.memory_space<semaphore_mem>> -> memref<!tpu.dma_semaphore, #tpu.memory_space<semaphore_mem>>
    tpu.wait_indirect_dma semaphore(%dma_wait3A_146 : memref<!tpu.dma_semaphore, #tpu.memory_space<semaphore_mem>>) src(%dma_wait3A_144 : memref<10112x64xf32, #tpu.memory_space<hbm>>) dst(%dma_wait3A_134 : memref<128x64xf32, #tpu.memory_space<vmem>>)
    %run_scoped3A_147 = arith.constant 2 : i32
    %run_scoped3A_148 = arith.constant 158 : i32
    "tpu.region"() ({
      %run_scoped3A_175 = tpu.sem_alloc : memref<!tpu.dma_semaphore, #tpu.memory_space<semaphore_mem>>
      %dma_start3A_176 = arith.constant 0 : i32
      %dma_start3A_177 = arith.constant 0 : i32
      %dma_start3A_178 = tpu.memref_slice %arg8[%run_scoped3A_147, %dma_start3A_176, %dma_start3A_177] : memref<4x128x64xf32, #tpu.memory_space<vmem>> -> memref<1x128x64xf32, #tpu.memory_space<vmem>>
      %dma_start3A_179 = tpu.memref_squeeze %dma_start3A_178 : memref<1x128x64xf32, #tpu.memory_space<vmem>> -> memref<128x64xf32, #tpu.memory_space<vmem>>
      %dma_start3A_180 = arith.constant 0 : i32
      %dma_start3A_181 = tpu.memref_slice %arg7[%run_scoped3A_148, %dma_start3A_180] : memref<160x128xi32, #tpu.memory_space<vmem>> -> memref<1x128xi32, #tpu.memory_space<vmem>>
      %dma_start3A_182 = tpu.memref_squeeze %dma_start3A_181 : memref<1x128xi32, #tpu.memory_space<vmem>> -> memref<128xi32, #tpu.memory_space<vmem>>
      %dma_start3A_183 = arith.constant 0 : i32
      %dma_start3A_184 = arith.constant 0 : i32
      %dma_start3A_185 = tpu.memref_slice %arg9[%dma_start3A_183, %dma_start3A_184] : memref<10112x64xf32, #tpu.memory_space<vmem_shared>> -> memref<10112x64xf32, #tpu.memory_space<vmem_shared>>
      tpu.enqueue_indirect_dma source(%dma_start3A_179 : memref<128x64xf32, #tpu.memory_space<vmem>>) target(%dma_start3A_185 : memref<10112x64xf32, #tpu.memory_space<vmem_shared>>) offsets(%dma_start3A_182 : memref<128xi32, #tpu.memory_space<vmem>>) semaphore(%run_scoped3A_175 : memref<!tpu.dma_semaphore, #tpu.memory_space<semaphore_mem>>) {add = true}
      %dma_wait3A_186 = arith.constant 0 : i32
      %dma_wait3A_187 = arith.constant 0 : i32
      %dma_wait3A_188 = tpu.memref_slice %arg8[%run_scoped3A_147, %dma_wait3A_186, %dma_wait3A_187] : memref<4x128x64xf32, #tpu.memory_space<vmem>> -> memref<1x128x64xf32, #tpu.memory_space<vmem>>
      %dma_wait3A_189 = tpu.memref_squeeze %dma_wait3A_188 : memref<1x128x64xf32, #tpu.memory_space<vmem>> -> memref<128x64xf32, #tpu.memory_space<vmem>>
      %dma_wait3A_190 = arith.constant 0 : i32
      %dma_wait3A_191 = tpu.memref_slice %arg7[%run_scoped3A_148, %dma_wait3A_190] : memref<160x128xi32, #tpu.memory_space<vmem>> -> memref<1x128xi32, #tpu.memory_space<vmem>>
      %dma_wait3A_192 = tpu.memref_squeeze %dma_wait3A_191 : memref<1x128xi32, #tpu.memory_space<vmem>> -> memref<128xi32, #tpu.memory_space<vmem>>
      %dma_wait3A_193 = arith.constant 0 : i32
      %dma_wait3A_194 = arith.constant 0 : i32
      %dma_wait3A_195 = tpu.memref_slice %arg9[%dma_wait3A_193, %dma_wait3A_194] : memref<10112x64xf32, #tpu.memory_space<vmem_shared>> -> memref<10112x64xf32, #tpu.memory_space<vmem_shared>>
      tpu.wait_indirect_dma semaphore(%run_scoped3A_175 : memref<!tpu.dma_semaphore, #tpu.memory_space<semaphore_mem>>) src(%dma_wait3A_189 : memref<128x64xf32, #tpu.memory_space<vmem>>) dst(%dma_wait3A_195 : memref<10112x64xf32, #tpu.memory_space<vmem_shared>>)
      tpu.yield
    }) : () -> ()
    %dma_wait3A_149 = arith.constant 159 : i32
    %dma_wait3A_150 = arith.constant 3 : i32
    %dma_wait3A_151 = arith.constant 3 : i32
    %dma_wait3A_152 = arith.constant 0 : i32
    %dma_wait3A_153 = arith.constant 0 : i32
    %dma_wait3A_154 = tpu.memref_slice %arg8[%dma_wait3A_150, %dma_wait3A_152, %dma_wait3A_153] : memref<4x128x64xf32, #tpu.memory_space<vmem>> -> memref<1x128x64xf32, #tpu.memory_space<vmem>>
    %dma_wait3A_155 = tpu.memref_squeeze %dma_wait3A_154 : memref<1x128x64xf32, #tpu.memory_space<vmem>> -> memref<128x64xf32, #tpu.memory_space<vmem>>
    %dma_wait3A_156 = arith.constant 0 : i32
    %dma_wait3A_157 = tpu.memref_slice %arg6[%dma_wait3A_149, %dma_wait3A_156] : memref<160x128xi32, #tpu.memory_space<vmem>> -> memref<1x128xi32, #tpu.memory_space<vmem>>
    %dma_wait3A_158 = tpu.memref_squeeze %dma_wait3A_157 : memref<1x128xi32, #tpu.memory_space<vmem>> -> memref<128xi32, #tpu.memory_space<vmem>>
    %dma_wait3A_159 = arith.constant 0 : i32
    %dma_wait3A_160 = arith.constant 0 : i32
    %dma_wait3A_161 = tpu.memref_slice %arg2[%arg0, %dma_wait3A_159, %dma_wait3A_160] : memref<2x10112x64xf32, #tpu.memory_space<hbm>> -> memref<1x10112x64xf32, #tpu.memory_space<hbm>>
    %dma_wait3A_162 = tpu.memref_squeeze %dma_wait3A_161 : memref<1x10112x64xf32, #tpu.memory_space<hbm>> -> memref<10112x64xf32, #tpu.memory_space<hbm>>
    %dma_wait3A_163 = arith.constant 0 : i32
    %dma_wait3A_164 = arith.constant 0 : i32
    %dma_wait3A_165 = tpu.memref_slice %dma_wait3A_162[%dma_wait3A_163, %dma_wait3A_164] : memref<10112x64xf32, #tpu.memory_space<hbm>> -> memref<10112x64xf32, #tpu.memory_space<hbm>>
    %dma_wait3A_166 = tpu.memref_slice %arg10[%dma_wait3A_151] : memref<4x!tpu.dma_semaphore, #tpu.memory_space<semaphore_mem>> -> memref<1x!tpu.dma_semaphore, #tpu.memory_space<semaphore_mem>>
    %dma_wait3A_167 = tpu.memref_squeeze %dma_wait3A_166 : memref<1x!tpu.dma_semaphore, #tpu.memory_space<semaphore_mem>> -> memref<!tpu.dma_semaphore, #tpu.memory_space<semaphore_mem>>
    tpu.wait_indirect_dma semaphore(%dma_wait3A_167 : memref<!tpu.dma_semaphore, #tpu.memory_space<semaphore_mem>>) src(%dma_wait3A_165 : memref<10112x64xf32, #tpu.memory_space<hbm>>) dst(%dma_wait3A_155 : memref<128x64xf32, #tpu.memory_space<vmem>>)
    %run_scoped3A_168 = arith.constant 3 : i32
    %run_scoped3A_169 = arith.constant 159 : i32
    "tpu.region"() ({
      %run_scoped3A_175 = tpu.sem_alloc : memref<!tpu.dma_semaphore, #tpu.memory_space<semaphore_mem>>
      %dma_start3A_176 = arith.constant 0 : i32
      %dma_start3A_177 = arith.constant 0 : i32
      %dma_start3A_178 = tpu.memref_slice %arg8[%run_scoped3A_168, %dma_start3A_176, %dma_start3A_177] : memref<4x128x64xf32, #tpu.memory_space<vmem>> -> memref<1x128x64xf32, #tpu.memory_space<vmem>>
      %dma_start3A_179 = tpu.memref_squeeze %dma_start3A_178 : memref<1x128x64xf32, #tpu.memory_space<vmem>> -> memref<128x64xf32, #tpu.memory_space<vmem>>
      %dma_start3A_180 = arith.constant 0 : i32
      %dma_start3A_181 = tpu.memref_slice %arg7[%run_scoped3A_169, %dma_start3A_180] : memref<160x128xi32, #tpu.memory_space<vmem>> -> memref<1x128xi32, #tpu.memory_space<vmem>>
      %dma_start3A_182 = tpu.memref_squeeze %dma_start3A_181 : memref<1x128xi32, #tpu.memory_space<vmem>> -> memref<128xi32, #tpu.memory_space<vmem>>
      %dma_start3A_183 = arith.constant 0 : i32
      %dma_start3A_184 = arith.constant 0 : i32
      %dma_start3A_185 = tpu.memref_slice %arg9[%dma_start3A_183, %dma_start3A_184] : memref<10112x64xf32, #tpu.memory_space<vmem_shared>> -> memref<10112x64xf32, #tpu.memory_space<vmem_shared>>
      tpu.enqueue_indirect_dma source(%dma_start3A_179 : memref<128x64xf32, #tpu.memory_space<vmem>>) target(%dma_start3A_185 : memref<10112x64xf32, #tpu.memory_space<vmem_shared>>) offsets(%dma_start3A_182 : memref<128xi32, #tpu.memory_space<vmem>>) semaphore(%run_scoped3A_175 : memref<!tpu.dma_semaphore, #tpu.memory_space<semaphore_mem>>) {add = true}
      %dma_wait3A_186 = arith.constant 0 : i32
      %dma_wait3A_187 = arith.constant 0 : i32
      %dma_wait3A_188 = tpu.memref_slice %arg8[%run_scoped3A_168, %dma_wait3A_186, %dma_wait3A_187] : memref<4x128x64xf32, #tpu.memory_space<vmem>> -> memref<1x128x64xf32, #tpu.memory_space<vmem>>
      %dma_wait3A_189 = tpu.memref_squeeze %dma_wait3A_188 : memref<1x128x64xf32, #tpu.memory_space<vmem>> -> memref<128x64xf32, #tpu.memory_space<vmem>>
      %dma_wait3A_190 = arith.constant 0 : i32
      %dma_wait3A_191 = tpu.memref_slice %arg7[%run_scoped3A_169, %dma_wait3A_190] : memref<160x128xi32, #tpu.memory_space<vmem>> -> memref<1x128xi32, #tpu.memory_space<vmem>>
      %dma_wait3A_192 = tpu.memref_squeeze %dma_wait3A_191 : memref<1x128xi32, #tpu.memory_space<vmem>> -> memref<128xi32, #tpu.memory_space<vmem>>
      %dma_wait3A_193 = arith.constant 0 : i32
      %dma_wait3A_194 = arith.constant 0 : i32
      %dma_wait3A_195 = tpu.memref_slice %arg9[%dma_wait3A_193, %dma_wait3A_194] : memref<10112x64xf32, #tpu.memory_space<vmem_shared>> -> memref<10112x64xf32, #tpu.memory_space<vmem_shared>>
      tpu.wait_indirect_dma semaphore(%run_scoped3A_175 : memref<!tpu.dma_semaphore, #tpu.memory_space<semaphore_mem>>) src(%dma_wait3A_189 : memref<128x64xf32, #tpu.memory_space<vmem>>) dst(%dma_wait3A_195 : memref<10112x64xf32, #tpu.memory_space<vmem_shared>>)
      tpu.yield
    }) : () -> ()
    %barrier3A_170 = arith.constant 0 : index
    tpu.barrier barrier_id(%barrier3A_170)
    %mul3A_171 = arith.constant 632 : i32
    %mul3A_172 = arith.muli %arg1, %mul3A_171 : i32
    %mul3A_173 = arith.constant 632 : i32
    %mul3A_174 = arith.muli %arg1, %mul3A_173 : i32
    "tpu.region"() ({
      %run_scoped3A_175 = tpu.sem_alloc : memref<!tpu.dma_semaphore, #tpu.memory_space<semaphore_mem>>
      %dma_start3A_176 = arith.constant 0 : i32
      %dma_start3A_177 = tpu.memref_slice %arg5[%arg0, %mul3A_174, %dma_start3A_176] : memref<2x10112x64xf32, #tpu.memory_space<hbm>> -> memref<1x632x64xf32, #tpu.memory_space<hbm>>
      %dma_start3A_178 = tpu.memref_squeeze %dma_start3A_177 : memref<1x632x64xf32, #tpu.memory_space<hbm>> -> memref<632x64xf32, #tpu.memory_space<hbm>>
      %dma_start3A_179 = arith.constant 0 : i32
      %dma_start3A_180 = tpu.memref_slice %arg9[%mul3A_172, %dma_start3A_179] : memref<10112x64xf32, #tpu.memory_space<vmem_shared>> -> memref<632x64xf32, #tpu.memory_space<vmem_shared>>
      tpu.enqueue_dma source(%dma_start3A_180 : memref<632x64xf32, #tpu.memory_space<vmem_shared>>) target(%dma_start3A_178 : memref<632x64xf32, #tpu.memory_space<hbm>>) target_semaphore(%run_scoped3A_175 : memref<!tpu.dma_semaphore, #tpu.memory_space<semaphore_mem>>)
      %dma_wait3A_181 = arith.constant 0 : i32
      %dma_wait3A_182 = tpu.memref_slice %arg5[%arg0, %mul3A_174, %dma_wait3A_181] : memref<2x10112x64xf32, #tpu.memory_space<hbm>> -> memref<1x632x64xf32, #tpu.memory_space<hbm>>
      %dma_wait3A_183 = tpu.memref_squeeze %dma_wait3A_182 : memref<1x632x64xf32, #tpu.memory_space<hbm>> -> memref<632x64xf32, #tpu.memory_space<hbm>>
      %dma_wait3A_184 = arith.constant 0 : i32
      %dma_wait3A_185 = tpu.memref_slice %arg9[%mul3A_172, %dma_wait3A_184] : memref<10112x64xf32, #tpu.memory_space<vmem_shared>> -> memref<632x64xf32, #tpu.memory_space<vmem_shared>>
      tpu.wait_dma2 semaphore(%run_scoped3A_175 : memref<!tpu.dma_semaphore, #tpu.memory_space<semaphore_mem>>) src(%dma_wait3A_185 : memref<632x64xf32, #tpu.memory_space<vmem_shared>>) dst(%dma_wait3A_183 : memref<632x64xf32, #tpu.memory_space<hbm>>)
      tpu.yield
    }) : () -> ()
    return
  }
}

#map = affine_map<(d0, d1) -> (0, 0, 0)>
#map1 = affine_map<(d0, d1) -> (0, 0)>
module attributes {stable_mosaic.version = 14 : i64} {
  func.func @_prop_body(%arg0: i32, %arg1: i32, %arg2: memref<2x10112x64xf32, #tpu.memory_space<hbm>>, %arg3: memref<2560x128xi32, #tpu.memory_space<hbm>>, %arg4: memref<2560x128xi32, #tpu.memory_space<hbm>>, %arg5: memref<2x10112x64xf32, #tpu.memory_space<hbm>>, %arg6: memref<160x128xi32, #tpu.memory_space<vmem>>, %arg7: memref<160x128xi32, #tpu.memory_space<vmem>>, %arg8: memref<4x128x64xf32, #tpu.memory_space<vmem>>, %arg9: memref<10112x64xf32, #tpu.memory_space<vmem_shared>>, %arg10: memref<4x!tpu.dma_semaphore, #tpu.memory_space<semaphore_mem>>) attributes {dimension_semantics = [#tpu.dimension_semantics<core_parallel>, #tpu.dimension_semantics<subcore_parallel>], iteration_bounds = array<i64: 2, 16>, scalar_prefetch = 0 : i64, scratch_operands = 5 : i64, tpu.core_type = #tpu.core_type<sc_vector_subcore>, window_params = [{transform_indices = #map}, {transform_indices = #map1}, {transform_indices = #map1}, {transform_indices = #map}]} {
    %mul3A = arith.constant 160 : i32
    %mul3A_0 = arith.muli %arg1, %mul3A : i32
    "tpu.region"() ({
      %run_scoped3A_175 = tpu.sem_alloc : memref<!tpu.dma_semaphore, #tpu.memory_space<semaphore_mem>>
      %dma_start3A_176 = arith.constant 0 : i32
      %dma_start3A_177 = tpu.memref_slice %arg3[%mul3A_0, %dma_start3A_176] : memref<2560x128xi32, #tpu.memory_space<hbm>> -> memref<160x128xi32, #tpu.memory_space<hbm>>
      %dma_start3A_178 = arith.constant 0 : i32
      %dma_start3A_179 = tpu.memref_slice %arg3[%mul3A_0, %dma_start3A_178] : memref<2560x128xi32, #tpu.memory_space<hbm>> -> memref<160x128xi32, #tpu.memory_space<hbm>>
      tpu.enqueue_dma source(%dma_start3A_179 : memref<160x128xi32, #tpu.memory_space<hbm>>) target(%arg6 : memref<160x128xi32, #tpu.memory_space<vmem>>) target_semaphore(%run_scoped3A_175 : memref<!tpu.dma_semaphore, #tpu.memory_space<semaphore_mem>>)
      %dma_wait3A_180 = arith.constant 0 : i32
      %dma_wait3A_181 = tpu.memref_slice %arg3[%mul3A_0, %dma_wait3A_180] : memref<2560x128xi32, #tpu.memory_space<hbm>> -> memref<160x128xi32, #tpu.memory_space<hbm>>
      %dma_wait3A_182 = arith.constant 0 : i32
      %dma_wait3A_183 = tpu.memref_slice %arg3[%mul3A_0, %dma_wait3A_182] : memref<2560x128xi32, #tpu.memory_space<hbm>> -> memref<160x128xi32, #tpu.memory_space<hbm>>
      tpu.wait_dma2 semaphore(%run_scoped3A_175 : memref<!tpu.dma_semaphore, #tpu.memory_space<semaphore_mem>>) src(%dma_wait3A_183 : memref<160x128xi32, #tpu.memory_space<hbm>>) dst(%arg6 : memref<160x128xi32, #tpu.memory_space<vmem>>)
      tpu.yield
    }) : () -> ()
    %mul3A_1 = arith.constant 160 : i32
    %mul3A_2 = arith.muli %arg1, %mul3A_1 : i32
    "tpu.region"() ({
      %run_scoped3A_175 = tpu.sem_alloc : memref<!tpu.dma_semaphore, #tpu.memory_space<semaphore_mem>>
      %dma_start3A_176 = arith.constant 0 : i32
      %dma_start3A_177 = tpu.memref_slice %arg4[%mul3A_2, %dma_start3A_176] : memref<2560x128xi32, #tpu.memory_space<hbm>> -> memref<160x128xi32, #tpu.memory_space<hbm>>
      %dma_start3A_178 = arith.constant 0 : i32
      %dma_start3A_179 = tpu.memref_slice %arg4[%mul3A_2, %dma_start3A_178] : memref<2560x128xi32, #tpu.memory_space<hbm>> -> memref<160x128xi32, #tpu.memory_space<hbm>>
      tpu.enqueue_dma source(%dma_start3A_179 : memref<160x128xi32, #tpu.memory_space<hbm>>) target(%arg7 : memref<160x128xi32, #tpu.memory_space<vmem>>) target_semaphore(%run_scoped3A_175 : memref<!tpu.dma_semaphore, #tpu.memory_space<semaphore_mem>>)
      %dma_wait3A_180 = arith.constant 0 : i32
      %dma_wait3A_181 = tpu.memref_slice %arg4[%mul3A_2, %dma_wait3A_180] : memref<2560x128xi32, #tpu.memory_space<hbm>> -> memref<160x128xi32, #tpu.memory_space<hbm>>
      %dma_wait3A_182 = arith.constant 0 : i32
      %dma_wait3A_183 = tpu.memref_slice %arg4[%mul3A_2, %dma_wait3A_182] : memref<2560x128xi32, #tpu.memory_space<hbm>> -> memref<160x128xi32, #tpu.memory_space<hbm>>
      tpu.wait_dma2 semaphore(%run_scoped3A_175 : memref<!tpu.dma_semaphore, #tpu.memory_space<semaphore_mem>>) src(%dma_wait3A_183 : memref<160x128xi32, #tpu.memory_space<hbm>>) dst(%arg7 : memref<160x128xi32, #tpu.memory_space<vmem>>)
      tpu.yield
    }) : () -> ()
    %mul3A_3 = arith.constant 632 : i32
    %mul3A_4 = arith.muli %arg1, %mul3A_3 : i32
    %mul3A_5 = arith.constant 632 : i32
    %mul3A_6 = arith.muli %arg1, %mul3A_5 : i32
    "tpu.region"() ({
      %run_scoped3A_175 = tpu.sem_alloc : memref<!tpu.dma_semaphore, #tpu.memory_space<semaphore_mem>>
      %dma_start3A_176 = arith.constant 0 : i32
      %dma_start3A_177 = tpu.memref_slice %arg9[%mul3A_6, %dma_start3A_176] : memref<10112x64xf32, #tpu.memory_space<vmem_shared>> -> memref<632x64xf32, #tpu.memory_space<vmem_shared>>
      %dma_start3A_178 = arith.constant 0 : i32
      %dma_start3A_179 = arith.constant 0 : i32
      %dma_start3A_180 = tpu.memref_slice %arg2[%arg0, %dma_start3A_178, %dma_start3A_179] : memref<2x10112x64xf32, #tpu.memory_space<hbm>> -> memref<1x10112x64xf32, #tpu.memory_space<hbm>>
      %dma_start3A_181 = tpu.memref_squeeze %dma_start3A_180 : memref<1x10112x64xf32, #tpu.memory_space<hbm>> -> memref<10112x64xf32, #tpu.memory_space<hbm>>
      %dma_start3A_182 = arith.constant 0 : i32
      %dma_start3A_183 = tpu.memref_slice %dma_start3A_181[%mul3A_4, %dma_start3A_182] : memref<10112x64xf32, #tpu.memory_space<hbm>> -> memref<632x64xf32, #tpu.memory_space<hbm>>
      tpu.enqueue_dma source(%dma_start3A_183 : memref<632x64xf32, #tpu.memory_space<hbm>>) target(%dma_start3A_177 : memref<632x64xf32, #tpu.memory_space<vmem_shared>>) target_semaphore(%run_scoped3A_175 : memref<!tpu.dma_semaphore, #tpu.memory_space<semaphore_mem>>)
      %dma_wait3A_184 = arith.constant 0 : i32
      %dma_wait3A_185 = tpu.memref_slice %arg9[%mul3A_6, %dma_wait3A_184] : memref<10112x64xf32, #tpu.memory_space<vmem_shared>> -> memref<632x64xf32, #tpu.memory_space<vmem_shared>>
      %dma_wait3A_186 = arith.constant 0 : i32
      %dma_wait3A_187 = arith.constant 0 : i32
      %dma_wait3A_188 = tpu.memref_slice %arg2[%arg0, %dma_wait3A_186, %dma_wait3A_187] : memref<2x10112x64xf32, #tpu.memory_space<hbm>> -> memref<1x10112x64xf32, #tpu.memory_space<hbm>>
      %dma_wait3A_189 = tpu.memref_squeeze %dma_wait3A_188 : memref<1x10112x64xf32, #tpu.memory_space<hbm>> -> memref<10112x64xf32, #tpu.memory_space<hbm>>
      %dma_wait3A_190 = arith.constant 0 : i32
      %dma_wait3A_191 = tpu.memref_slice %dma_wait3A_189[%mul3A_4, %dma_wait3A_190] : memref<10112x64xf32, #tpu.memory_space<hbm>> -> memref<632x64xf32, #tpu.memory_space<hbm>>
      tpu.wait_dma2 semaphore(%run_scoped3A_175 : memref<!tpu.dma_semaphore, #tpu.memory_space<semaphore_mem>>) src(%dma_wait3A_191 : memref<632x64xf32, #tpu.memory_space<hbm>>) dst(%dma_wait3A_185 : memref<632x64xf32, #tpu.memory_space<vmem_shared>>)
      tpu.yield
    }) : () -> ()
    %barrier3A = arith.constant 0 : index
    tpu.barrier barrier_id(%barrier3A)
    %dma_start3A = arith.constant 0 : i32
    %dma_start3A_7 = arith.constant 0 : i32
    %dma_start3A_8 = arith.constant 0 : i32
    %dma_start3A_9 = arith.constant 0 : i32
    %dma_start3A_10 = arith.constant 0 : i32
    %dma_start3A_11 = tpu.memref_slice %arg8[%dma_start3A_7, %dma_start3A_9, %dma_start3A_10] : memref<4x128x64xf32, #tpu.memory_space<vmem>> -> memref<1x128x64xf32, #tpu.memory_space<vmem>>
    %dma_start3A_12 = tpu.memref_squeeze %dma_start3A_11 : memref<1x128x64xf32, #tpu.memory_space<vmem>> -> memref<128x64xf32, #tpu.memory_space<vmem>>
    %dma_start3A_13 = arith.constant 0 : i32
    %dma_start3A_14 = tpu.memref_slice %arg6[%dma_start3A, %dma_start3A_13] : memref<160x128xi32, #tpu.memory_space<vmem>> -> memref<1x128xi32, #tpu.memory_space<vmem>>
    %dma_start3A_15 = tpu.memref_squeeze %dma_start3A_14 : memref<1x128xi32, #tpu.memory_space<vmem>> -> memref<128xi32, #tpu.memory_space<vmem>>
    %dma_start3A_16 = arith.constant 0 : i32
    %dma_start3A_17 = arith.constant 0 : i32
    %dma_start3A_18 = tpu.memref_slice %arg2[%arg0, %dma_start3A_16, %dma_start3A_17] : memref<2x10112x64xf32, #tpu.memory_space<hbm>> -> memref<1x10112x64xf32, #tpu.memory_space<hbm>>
    %dma_start3A_19 = tpu.memref_squeeze %dma_start3A_18 : memref<1x10112x64xf32, #tpu.memory_space<hbm>> -> memref<10112x64xf32, #tpu.memory_space<hbm>>
    %dma_start3A_20 = arith.constant 0 : i32
    %dma_start3A_21 = arith.constant 0 : i32
    %dma_start3A_22 = tpu.memref_slice %dma_start3A_19[%dma_start3A_20, %dma_start3A_21] : memref<10112x64xf32, #tpu.memory_space<hbm>> -> memref<10112x64xf32, #tpu.memory_space<hbm>>
    %dma_start3A_23 = tpu.memref_slice %arg10[%dma_start3A_8] : memref<4x!tpu.dma_semaphore, #tpu.memory_space<semaphore_mem>> -> memref<1x!tpu.dma_semaphore, #tpu.memory_space<semaphore_mem>>
    %dma_start3A_24 = tpu.memref_squeeze %dma_start3A_23 : memref<1x!tpu.dma_semaphore, #tpu.memory_space<semaphore_mem>> -> memref<!tpu.dma_semaphore, #tpu.memory_space<semaphore_mem>>
    tpu.enqueue_indirect_dma source(%dma_start3A_22 : memref<10112x64xf32, #tpu.memory_space<hbm>>) target(%dma_start3A_12 : memref<128x64xf32, #tpu.memory_space<vmem>>) offsets(%dma_start3A_15 : memref<128xi32, #tpu.memory_space<vmem>>) semaphore(%dma_start3A_24 : memref<!tpu.dma_semaphore, #tpu.memory_space<semaphore_mem>>)
    %dma_start3A_25 = arith.constant 1 : i32
    %dma_start3A_26 = arith.constant 1 : i32
    %dma_start3A_27 = arith.constant 1 : i32
    %dma_start3A_28 = arith.constant 0 : i32
    %dma_start3A_29 = arith.constant 0 : i32
    %dma_start3A_30 = tpu.memref_slice %arg8[%dma_start3A_26, %dma_start3A_28, %dma_start3A_29] : memref<4x128x64xf32, #tpu.memory_space<vmem>> -> memref<1x128x64xf32, #tpu.memory_space<vmem>>
    %dma_start3A_31 = tpu.memref_squeeze %dma_start3A_30 : memref<1x128x64xf32, #tpu.memory_space<vmem>> -> memref<128x64xf32, #tpu.memory_space<vmem>>
    %dma_start3A_32 = arith.constant 0 : i32
    %dma_start3A_33 = tpu.memref_slice %arg6[%dma_start3A_25, %dma_start3A_32] : memref<160x128xi32, #tpu.memory_space<vmem>> -> memref<1x128xi32, #tpu.memory_space<vmem>>
    %dma_start3A_34 = tpu.memref_squeeze %dma_start3A_33 : memref<1x128xi32, #tpu.memory_space<vmem>> -> memref<128xi32, #tpu.memory_space<vmem>>
    %dma_start3A_35 = arith.constant 0 : i32
    %dma_start3A_36 = arith.constant 0 : i32
    %dma_start3A_37 = tpu.memref_slice %arg2[%arg0, %dma_start3A_35, %dma_start3A_36] : memref<2x10112x64xf32, #tpu.memory_space<hbm>> -> memref<1x10112x64xf32, #tpu.memory_space<hbm>>
    %dma_start3A_38 = tpu.memref_squeeze %dma_start3A_37 : memref<1x10112x64xf32, #tpu.memory_space<hbm>> -> memref<10112x64xf32, #tpu.memory_space<hbm>>
    %dma_start3A_39 = arith.constant 0 : i32
    %dma_start3A_40 = arith.constant 0 : i32
    %dma_start3A_41 = tpu.memref_slice %dma_start3A_38[%dma_start3A_39, %dma_start3A_40] : memref<10112x64xf32, #tpu.memory_space<hbm>> -> memref<10112x64xf32, #tpu.memory_space<hbm>>
    %dma_start3A_42 = tpu.memref_slice %arg10[%dma_start3A_27] : memref<4x!tpu.dma_semaphore, #tpu.memory_space<semaphore_mem>> -> memref<1x!tpu.dma_semaphore, #tpu.memory_space<semaphore_mem>>
    %dma_start3A_43 = tpu.memref_squeeze %dma_start3A_42 : memref<1x!tpu.dma_semaphore, #tpu.memory_space<semaphore_mem>> -> memref<!tpu.dma_semaphore, #tpu.memory_space<semaphore_mem>>
    tpu.enqueue_indirect_dma source(%dma_start3A_41 : memref<10112x64xf32, #tpu.memory_space<hbm>>) target(%dma_start3A_31 : memref<128x64xf32, #tpu.memory_space<vmem>>) offsets(%dma_start3A_34 : memref<128xi32, #tpu.memory_space<vmem>>) semaphore(%dma_start3A_43 : memref<!tpu.dma_semaphore, #tpu.memory_space<semaphore_mem>>)
    %dma_start3A_44 = arith.constant 2 : i32
    %dma_start3A_45 = arith.constant 2 : i32
    %dma_start3A_46 = arith.constant 2 : i32
    %dma_start3A_47 = arith.constant 0 : i32
    %dma_start3A_48 = arith.constant 0 : i32
    %dma_start3A_49 = tpu.memref_slice %arg8[%dma_start3A_45, %dma_start3A_47, %dma_start3A_48] : memref<4x128x64xf32, #tpu.memory_space<vmem>> -> memref<1x128x64xf32, #tpu.memory_space<vmem>>
    %dma_start3A_50 = tpu.memref_squeeze %dma_start3A_49 : memref<1x128x64xf32, #tpu.memory_space<vmem>> -> memref<128x64xf32, #tpu.memory_space<vmem>>
    %dma_start3A_51 = arith.constant 0 : i32
    %dma_start3A_52 = tpu.memref_slice %arg6[%dma_start3A_44, %dma_start3A_51] : memref<160x128xi32, #tpu.memory_space<vmem>> -> memref<1x128xi32, #tpu.memory_space<vmem>>
    %dma_start3A_53 = tpu.memref_squeeze %dma_start3A_52 : memref<1x128xi32, #tpu.memory_space<vmem>> -> memref<128xi32, #tpu.memory_space<vmem>>
    %dma_start3A_54 = arith.constant 0 : i32
    %dma_start3A_55 = arith.constant 0 : i32
    %dma_start3A_56 = tpu.memref_slice %arg2[%arg0, %dma_start3A_54, %dma_start3A_55] : memref<2x10112x64xf32, #tpu.memory_space<hbm>> -> memref<1x10112x64xf32, #tpu.memory_space<hbm>>
    %dma_start3A_57 = tpu.memref_squeeze %dma_start3A_56 : memref<1x10112x64xf32, #tpu.memory_space<hbm>> -> memref<10112x64xf32, #tpu.memory_space<hbm>>
    %dma_start3A_58 = arith.constant 0 : i32
    %dma_start3A_59 = arith.constant 0 : i32
    %dma_start3A_60 = tpu.memref_slice %dma_start3A_57[%dma_start3A_58, %dma_start3A_59] : memref<10112x64xf32, #tpu.memory_space<hbm>> -> memref<10112x64xf32, #tpu.memory_space<hbm>>
    %dma_start3A_61 = tpu.memref_slice %arg10[%dma_start3A_46] : memref<4x!tpu.dma_semaphore, #tpu.memory_space<semaphore_mem>> -> memref<1x!tpu.dma_semaphore, #tpu.memory_space<semaphore_mem>>
    %dma_start3A_62 = tpu.memref_squeeze %dma_start3A_61 : memref<1x!tpu.dma_semaphore, #tpu.memory_space<semaphore_mem>> -> memref<!tpu.dma_semaphore, #tpu.memory_space<semaphore_mem>>
    tpu.enqueue_indirect_dma source(%dma_start3A_60 : memref<10112x64xf32, #tpu.memory_space<hbm>>) target(%dma_start3A_50 : memref<128x64xf32, #tpu.memory_space<vmem>>) offsets(%dma_start3A_53 : memref<128xi32, #tpu.memory_space<vmem>>) semaphore(%dma_start3A_62 : memref<!tpu.dma_semaphore, #tpu.memory_space<semaphore_mem>>)
    %dma_start3A_63 = arith.constant 3 : i32
    %dma_start3A_64 = arith.constant 3 : i32
    %dma_start3A_65 = arith.constant 3 : i32
    %dma_start3A_66 = arith.constant 0 : i32
    %dma_start3A_67 = arith.constant 0 : i32
    %dma_start3A_68 = tpu.memref_slice %arg8[%dma_start3A_64, %dma_start3A_66, %dma_start3A_67] : memref<4x128x64xf32, #tpu.memory_space<vmem>> -> memref<1x128x64xf32, #tpu.memory_space<vmem>>
    %dma_start3A_69 = tpu.memref_squeeze %dma_start3A_68 : memref<1x128x64xf32, #tpu.memory_space<vmem>> -> memref<128x64xf32, #tpu.memory_space<vmem>>
    %dma_start3A_70 = arith.constant 0 : i32
    %dma_start3A_71 = tpu.memref_slice %arg6[%dma_start3A_63, %dma_start3A_70] : memref<160x128xi32, #tpu.memory_space<vmem>> -> memref<1x128xi32, #tpu.memory_space<vmem>>
    %dma_start3A_72 = tpu.memref_squeeze %dma_start3A_71 : memref<1x128xi32, #tpu.memory_space<vmem>> -> memref<128xi32, #tpu.memory_space<vmem>>
    %dma_start3A_73 = arith.constant 0 : i32
    %dma_start3A_74 = arith.constant 0 : i32
    %dma_start3A_75 = tpu.memref_slice %arg2[%arg0, %dma_start3A_73, %dma_start3A_74] : memref<2x10112x64xf32, #tpu.memory_space<hbm>> -> memref<1x10112x64xf32, #tpu.memory_space<hbm>>
    %dma_start3A_76 = tpu.memref_squeeze %dma_start3A_75 : memref<1x10112x64xf32, #tpu.memory_space<hbm>> -> memref<10112x64xf32, #tpu.memory_space<hbm>>
    %dma_start3A_77 = arith.constant 0 : i32
    %dma_start3A_78 = arith.constant 0 : i32
    %dma_start3A_79 = tpu.memref_slice %dma_start3A_76[%dma_start3A_77, %dma_start3A_78] : memref<10112x64xf32, #tpu.memory_space<hbm>> -> memref<10112x64xf32, #tpu.memory_space<hbm>>
    %dma_start3A_80 = tpu.memref_slice %arg10[%dma_start3A_65] : memref<4x!tpu.dma_semaphore, #tpu.memory_space<semaphore_mem>> -> memref<1x!tpu.dma_semaphore, #tpu.memory_space<semaphore_mem>>
    %dma_start3A_81 = tpu.memref_squeeze %dma_start3A_80 : memref<1x!tpu.dma_semaphore, #tpu.memory_space<semaphore_mem>> -> memref<!tpu.dma_semaphore, #tpu.memory_space<semaphore_mem>>
    tpu.enqueue_indirect_dma source(%dma_start3A_79 : memref<10112x64xf32, #tpu.memory_space<hbm>>) target(%dma_start3A_69 : memref<128x64xf32, #tpu.memory_space<vmem>>) offsets(%dma_start3A_72 : memref<128xi32, #tpu.memory_space<vmem>>) semaphore(%dma_start3A_81 : memref<!tpu.dma_semaphore, #tpu.memory_space<semaphore_mem>>)
    %scan3A = arith.constant 0 : i32
    %scan3A_82 = arith.constant 0 : i32
    %scan3A_83 = arith.constant 39 : i32
    %scan3A_84 = arith.addi %scan3A_82, %scan3A_83 : i32
    %scan3A_85 = arith.constant 1 : i32
    %scan3A_86 = scf.for %scan3A_175 = %scan3A_82 to %scan3A_84 step %scan3A_85 iter_args(%scan3A_176 = %scan3A) -> (i32)  : i32 {
      %mul3A_177 = arith.constant 4 : i32
      %mul3A_178 = arith.muli %scan3A_175, %mul3A_177 : i32
      %add3A = arith.constant 0 : i32
      %add3A_179 = arith.addi %mul3A_178, %add3A : i32
      %dma_wait3A_180 = arith.constant 0 : i32
      %dma_wait3A_181 = arith.constant 0 : i32
      %dma_wait3A_182 = arith.constant 0 : i32
      %dma_wait3A_183 = arith.constant 0 : i32
      %dma_wait3A_184 = tpu.memref_slice %arg8[%dma_wait3A_180, %dma_wait3A_182, %dma_wait3A_183] : memref<4x128x64xf32, #tpu.memory_space<vmem>> -> memref<1x128x64xf32, #tpu.memory_space<vmem>>
      %dma_wait3A_185 = tpu.memref_squeeze %dma_wait3A_184 : memref<1x128x64xf32, #tpu.memory_space<vmem>> -> memref<128x64xf32, #tpu.memory_space<vmem>>
      %dma_wait3A_186 = arith.constant 0 : i32
      %dma_wait3A_187 = tpu.memref_slice %arg6[%add3A_179, %dma_wait3A_186] : memref<160x128xi32, #tpu.memory_space<vmem>> -> memref<1x128xi32, #tpu.memory_space<vmem>>
      %dma_wait3A_188 = tpu.memref_squeeze %dma_wait3A_187 : memref<1x128xi32, #tpu.memory_space<vmem>> -> memref<128xi32, #tpu.memory_space<vmem>>
      %dma_wait3A_189 = arith.constant 0 : i32
      %dma_wait3A_190 = arith.constant 0 : i32
      %dma_wait3A_191 = tpu.memref_slice %arg2[%arg0, %dma_wait3A_189, %dma_wait3A_190] : memref<2x10112x64xf32, #tpu.memory_space<hbm>> -> memref<1x10112x64xf32, #tpu.memory_space<hbm>>
      %dma_wait3A_192 = tpu.memref_squeeze %dma_wait3A_191 : memref<1x10112x64xf32, #tpu.memory_space<hbm>> -> memref<10112x64xf32, #tpu.memory_space<hbm>>
      %dma_wait3A_193 = arith.constant 0 : i32
      %dma_wait3A_194 = arith.constant 0 : i32
      %dma_wait3A_195 = tpu.memref_slice %dma_wait3A_192[%dma_wait3A_193, %dma_wait3A_194] : memref<10112x64xf32, #tpu.memory_space<hbm>> -> memref<10112x64xf32, #tpu.memory_space<hbm>>
      %dma_wait3A_196 = tpu.memref_slice %arg10[%dma_wait3A_181] : memref<4x!tpu.dma_semaphore, #tpu.memory_space<semaphore_mem>> -> memref<1x!tpu.dma_semaphore, #tpu.memory_space<semaphore_mem>>
      %dma_wait3A_197 = tpu.memref_squeeze %dma_wait3A_196 : memref<1x!tpu.dma_semaphore, #tpu.memory_space<semaphore_mem>> -> memref<!tpu.dma_semaphore, #tpu.memory_space<semaphore_mem>>
      tpu.wait_indirect_dma semaphore(%dma_wait3A_197 : memref<!tpu.dma_semaphore, #tpu.memory_space<semaphore_mem>>) src(%dma_wait3A_195 : memref<10112x64xf32, #tpu.memory_space<hbm>>) dst(%dma_wait3A_185 : memref<128x64xf32, #tpu.memory_space<vmem>>)
      %run_scoped3A_198 = arith.constant 0 : i32
      "tpu.region"() ({
        %run_scoped3A_343 = tpu.sem_alloc : memref<!tpu.dma_semaphore, #tpu.memory_space<semaphore_mem>>
        %dma_start3A_344 = arith.constant 0 : i32
        %dma_start3A_345 = arith.constant 0 : i32
        %dma_start3A_346 = tpu.memref_slice %arg8[%run_scoped3A_198, %dma_start3A_344, %dma_start3A_345] : memref<4x128x64xf32, #tpu.memory_space<vmem>> -> memref<1x128x64xf32, #tpu.memory_space<vmem>>
        %dma_start3A_347 = tpu.memref_squeeze %dma_start3A_346 : memref<1x128x64xf32, #tpu.memory_space<vmem>> -> memref<128x64xf32, #tpu.memory_space<vmem>>
        %dma_start3A_348 = arith.constant 0 : i32
        %dma_start3A_349 = tpu.memref_slice %arg7[%add3A_179, %dma_start3A_348] : memref<160x128xi32, #tpu.memory_space<vmem>> -> memref<1x128xi32, #tpu.memory_space<vmem>>
        %dma_start3A_350 = tpu.memref_squeeze %dma_start3A_349 : memref<1x128xi32, #tpu.memory_space<vmem>> -> memref<128xi32, #tpu.memory_space<vmem>>
        %dma_start3A_351 = arith.constant 0 : i32
        %dma_start3A_352 = arith.constant 0 : i32
        %dma_start3A_353 = tpu.memref_slice %arg9[%dma_start3A_351, %dma_start3A_352] : memref<10112x64xf32, #tpu.memory_space<vmem_shared>> -> memref<10112x64xf32, #tpu.memory_space<vmem_shared>>
        tpu.enqueue_indirect_dma source(%dma_start3A_347 : memref<128x64xf32, #tpu.memory_space<vmem>>) target(%dma_start3A_353 : memref<10112x64xf32, #tpu.memory_space<vmem_shared>>) offsets(%dma_start3A_350 : memref<128xi32, #tpu.memory_space<vmem>>) semaphore(%run_scoped3A_343 : memref<!tpu.dma_semaphore, #tpu.memory_space<semaphore_mem>>) {add = true}
        %dma_wait3A_354 = arith.constant 0 : i32
        %dma_wait3A_355 = arith.constant 0 : i32
        %dma_wait3A_356 = tpu.memref_slice %arg8[%run_scoped3A_198, %dma_wait3A_354, %dma_wait3A_355] : memref<4x128x64xf32, #tpu.memory_space<vmem>> -> memref<1x128x64xf32, #tpu.memory_space<vmem>>
        %dma_wait3A_357 = tpu.memref_squeeze %dma_wait3A_356 : memref<1x128x64xf32, #tpu.memory_space<vmem>> -> memref<128x64xf32, #tpu.memory_space<vmem>>
        %dma_wait3A_358 = arith.constant 0 : i32
        %dma_wait3A_359 = tpu.memref_slice %arg7[%add3A_179, %dma_wait3A_358] : memref<160x128xi32, #tpu.memory_space<vmem>> -> memref<1x128xi32, #tpu.memory_space<vmem>>
        %dma_wait3A_360 = tpu.memref_squeeze %dma_wait3A_359 : memref<1x128xi32, #tpu.memory_space<vmem>> -> memref<128xi32, #tpu.memory_space<vmem>>
        %dma_wait3A_361 = arith.constant 0 : i32
        %dma_wait3A_362 = arith.constant 0 : i32
        %dma_wait3A_363 = tpu.memref_slice %arg9[%dma_wait3A_361, %dma_wait3A_362] : memref<10112x64xf32, #tpu.memory_space<vmem_shared>> -> memref<10112x64xf32, #tpu.memory_space<vmem_shared>>
        tpu.wait_indirect_dma semaphore(%run_scoped3A_343 : memref<!tpu.dma_semaphore, #tpu.memory_space<semaphore_mem>>) src(%dma_wait3A_357 : memref<128x64xf32, #tpu.memory_space<vmem>>) dst(%dma_wait3A_363 : memref<10112x64xf32, #tpu.memory_space<vmem_shared>>)
        tpu.yield
      }) : () -> ()
      %add3A_199 = arith.constant 4 : i32
      %add3A_200 = arith.addi %add3A_179, %add3A_199 : i32
      %dma_start3A_201 = arith.constant 0 : i32
      %dma_start3A_202 = arith.constant 0 : i32
      %dma_start3A_203 = arith.constant 0 : i32
      %dma_start3A_204 = arith.constant 0 : i32
      %dma_start3A_205 = tpu.memref_slice %arg8[%dma_start3A_201, %dma_start3A_203, %dma_start3A_204] : memref<4x128x64xf32, #tpu.memory_space<vmem>> -> memref<1x128x64xf32, #tpu.memory_space<vmem>>
      %dma_start3A_206 = tpu.memref_squeeze %dma_start3A_205 : memref<1x128x64xf32, #tpu.memory_space<vmem>> -> memref<128x64xf32, #tpu.memory_space<vmem>>
      %dma_start3A_207 = arith.constant 0 : i32
      %dma_start3A_208 = tpu.memref_slice %arg6[%add3A_200, %dma_start3A_207] : memref<160x128xi32, #tpu.memory_space<vmem>> -> memref<1x128xi32, #tpu.memory_space<vmem>>
      %dma_start3A_209 = tpu.memref_squeeze %dma_start3A_208 : memref<1x128xi32, #tpu.memory_space<vmem>> -> memref<128xi32, #tpu.memory_space<vmem>>
      %dma_start3A_210 = arith.constant 0 : i32
      %dma_start3A_211 = arith.constant 0 : i32
      %dma_start3A_212 = tpu.memref_slice %arg2[%arg0, %dma_start3A_210, %dma_start3A_211] : memref<2x10112x64xf32, #tpu.memory_space<hbm>> -> memref<1x10112x64xf32, #tpu.memory_space<hbm>>
      %dma_start3A_213 = tpu.memref_squeeze %dma_start3A_212 : memref<1x10112x64xf32, #tpu.memory_space<hbm>> -> memref<10112x64xf32, #tpu.memory_space<hbm>>
      %dma_start3A_214 = arith.constant 0 : i32
      %dma_start3A_215 = arith.constant 0 : i32
      %dma_start3A_216 = tpu.memref_slice %dma_start3A_213[%dma_start3A_214, %dma_start3A_215] : memref<10112x64xf32, #tpu.memory_space<hbm>> -> memref<10112x64xf32, #tpu.memory_space<hbm>>
      %dma_start3A_217 = tpu.memref_slice %arg10[%dma_start3A_202] : memref<4x!tpu.dma_semaphore, #tpu.memory_space<semaphore_mem>> -> memref<1x!tpu.dma_semaphore, #tpu.memory_space<semaphore_mem>>
      %dma_start3A_218 = tpu.memref_squeeze %dma_start3A_217 : memref<1x!tpu.dma_semaphore, #tpu.memory_space<semaphore_mem>> -> memref<!tpu.dma_semaphore, #tpu.memory_space<semaphore_mem>>
      tpu.enqueue_indirect_dma source(%dma_start3A_216 : memref<10112x64xf32, #tpu.memory_space<hbm>>) target(%dma_start3A_206 : memref<128x64xf32, #tpu.memory_space<vmem>>) offsets(%dma_start3A_209 : memref<128xi32, #tpu.memory_space<vmem>>) semaphore(%dma_start3A_218 : memref<!tpu.dma_semaphore, #tpu.memory_space<semaphore_mem>>)
      %add3A_219 = arith.constant 1 : i32
      %add3A_220 = arith.addi %mul3A_178, %add3A_219 : i32
      %dma_wait3A_221 = arith.constant 1 : i32
      %dma_wait3A_222 = arith.constant 1 : i32
      %dma_wait3A_223 = arith.constant 0 : i32
      %dma_wait3A_224 = arith.constant 0 : i32
      %dma_wait3A_225 = tpu.memref_slice %arg8[%dma_wait3A_221, %dma_wait3A_223, %dma_wait3A_224] : memref<4x128x64xf32, #tpu.memory_space<vmem>> -> memref<1x128x64xf32, #tpu.memory_space<vmem>>
      %dma_wait3A_226 = tpu.memref_squeeze %dma_wait3A_225 : memref<1x128x64xf32, #tpu.memory_space<vmem>> -> memref<128x64xf32, #tpu.memory_space<vmem>>
      %dma_wait3A_227 = arith.constant 0 : i32
      %dma_wait3A_228 = tpu.memref_slice %arg6[%add3A_220, %dma_wait3A_227] : memref<160x128xi32, #tpu.memory_space<vmem>> -> memref<1x128xi32, #tpu.memory_space<vmem>>
      %dma_wait3A_229 = tpu.memref_squeeze %dma_wait3A_228 : memref<1x128xi32, #tpu.memory_space<vmem>> -> memref<128xi32, #tpu.memory_space<vmem>>
      %dma_wait3A_230 = arith.constant 0 : i32
      %dma_wait3A_231 = arith.constant 0 : i32
      %dma_wait3A_232 = tpu.memref_slice %arg2[%arg0, %dma_wait3A_230, %dma_wait3A_231] : memref<2x10112x64xf32, #tpu.memory_space<hbm>> -> memref<1x10112x64xf32, #tpu.memory_space<hbm>>
      %dma_wait3A_233 = tpu.memref_squeeze %dma_wait3A_232 : memref<1x10112x64xf32, #tpu.memory_space<hbm>> -> memref<10112x64xf32, #tpu.memory_space<hbm>>
      %dma_wait3A_234 = arith.constant 0 : i32
      %dma_wait3A_235 = arith.constant 0 : i32
      %dma_wait3A_236 = tpu.memref_slice %dma_wait3A_233[%dma_wait3A_234, %dma_wait3A_235] : memref<10112x64xf32, #tpu.memory_space<hbm>> -> memref<10112x64xf32, #tpu.memory_space<hbm>>
      %dma_wait3A_237 = tpu.memref_slice %arg10[%dma_wait3A_222] : memref<4x!tpu.dma_semaphore, #tpu.memory_space<semaphore_mem>> -> memref<1x!tpu.dma_semaphore, #tpu.memory_space<semaphore_mem>>
      %dma_wait3A_238 = tpu.memref_squeeze %dma_wait3A_237 : memref<1x!tpu.dma_semaphore, #tpu.memory_space<semaphore_mem>> -> memref<!tpu.dma_semaphore, #tpu.memory_space<semaphore_mem>>
      tpu.wait_indirect_dma semaphore(%dma_wait3A_238 : memref<!tpu.dma_semaphore, #tpu.memory_space<semaphore_mem>>) src(%dma_wait3A_236 : memref<10112x64xf32, #tpu.memory_space<hbm>>) dst(%dma_wait3A_226 : memref<128x64xf32, #tpu.memory_space<vmem>>)
      %run_scoped3A_239 = arith.constant 1 : i32
      "tpu.region"() ({
        %run_scoped3A_343 = tpu.sem_alloc : memref<!tpu.dma_semaphore, #tpu.memory_space<semaphore_mem>>
        %dma_start3A_344 = arith.constant 0 : i32
        %dma_start3A_345 = arith.constant 0 : i32
        %dma_start3A_346 = tpu.memref_slice %arg8[%run_scoped3A_239, %dma_start3A_344, %dma_start3A_345] : memref<4x128x64xf32, #tpu.memory_space<vmem>> -> memref<1x128x64xf32, #tpu.memory_space<vmem>>
        %dma_start3A_347 = tpu.memref_squeeze %dma_start3A_346 : memref<1x128x64xf32, #tpu.memory_space<vmem>> -> memref<128x64xf32, #tpu.memory_space<vmem>>
        %dma_start3A_348 = arith.constant 0 : i32
        %dma_start3A_349 = tpu.memref_slice %arg7[%add3A_220, %dma_start3A_348] : memref<160x128xi32, #tpu.memory_space<vmem>> -> memref<1x128xi32, #tpu.memory_space<vmem>>
        %dma_start3A_350 = tpu.memref_squeeze %dma_start3A_349 : memref<1x128xi32, #tpu.memory_space<vmem>> -> memref<128xi32, #tpu.memory_space<vmem>>
        %dma_start3A_351 = arith.constant 0 : i32
        %dma_start3A_352 = arith.constant 0 : i32
        %dma_start3A_353 = tpu.memref_slice %arg9[%dma_start3A_351, %dma_start3A_352] : memref<10112x64xf32, #tpu.memory_space<vmem_shared>> -> memref<10112x64xf32, #tpu.memory_space<vmem_shared>>
        tpu.enqueue_indirect_dma source(%dma_start3A_347 : memref<128x64xf32, #tpu.memory_space<vmem>>) target(%dma_start3A_353 : memref<10112x64xf32, #tpu.memory_space<vmem_shared>>) offsets(%dma_start3A_350 : memref<128xi32, #tpu.memory_space<vmem>>) semaphore(%run_scoped3A_343 : memref<!tpu.dma_semaphore, #tpu.memory_space<semaphore_mem>>) {add = true}
        %dma_wait3A_354 = arith.constant 0 : i32
        %dma_wait3A_355 = arith.constant 0 : i32
        %dma_wait3A_356 = tpu.memref_slice %arg8[%run_scoped3A_239, %dma_wait3A_354, %dma_wait3A_355] : memref<4x128x64xf32, #tpu.memory_space<vmem>> -> memref<1x128x64xf32, #tpu.memory_space<vmem>>
        %dma_wait3A_357 = tpu.memref_squeeze %dma_wait3A_356 : memref<1x128x64xf32, #tpu.memory_space<vmem>> -> memref<128x64xf32, #tpu.memory_space<vmem>>
        %dma_wait3A_358 = arith.constant 0 : i32
        %dma_wait3A_359 = tpu.memref_slice %arg7[%add3A_220, %dma_wait3A_358] : memref<160x128xi32, #tpu.memory_space<vmem>> -> memref<1x128xi32, #tpu.memory_space<vmem>>
        %dma_wait3A_360 = tpu.memref_squeeze %dma_wait3A_359 : memref<1x128xi32, #tpu.memory_space<vmem>> -> memref<128xi32, #tpu.memory_space<vmem>>
        %dma_wait3A_361 = arith.constant 0 : i32
        %dma_wait3A_362 = arith.constant 0 : i32
        %dma_wait3A_363 = tpu.memref_slice %arg9[%dma_wait3A_361, %dma_wait3A_362] : memref<10112x64xf32, #tpu.memory_space<vmem_shared>> -> memref<10112x64xf32, #tpu.memory_space<vmem_shared>>
        tpu.wait_indirect_dma semaphore(%run_scoped3A_343 : memref<!tpu.dma_semaphore, #tpu.memory_space<semaphore_mem>>) src(%dma_wait3A_357 : memref<128x64xf32, #tpu.memory_space<vmem>>) dst(%dma_wait3A_363 : memref<10112x64xf32, #tpu.memory_space<vmem_shared>>)
        tpu.yield
      }) : () -> ()
      %add3A_240 = arith.constant 4 : i32
      %add3A_241 = arith.addi %add3A_220, %add3A_240 : i32
      %dma_start3A_242 = arith.constant 1 : i32
      %dma_start3A_243 = arith.constant 1 : i32
      %dma_start3A_244 = arith.constant 0 : i32
      %dma_start3A_245 = arith.constant 0 : i32
      %dma_start3A_246 = tpu.memref_slice %arg8[%dma_start3A_242, %dma_start3A_244, %dma_start3A_245] : memref<4x128x64xf32, #tpu.memory_space<vmem>> -> memref<1x128x64xf32, #tpu.memory_space<vmem>>
      %dma_start3A_247 = tpu.memref_squeeze %dma_start3A_246 : memref<1x128x64xf32, #tpu.memory_space<vmem>> -> memref<128x64xf32, #tpu.memory_space<vmem>>
      %dma_start3A_248 = arith.constant 0 : i32
      %dma_start3A_249 = tpu.memref_slice %arg6[%add3A_241, %dma_start3A_248] : memref<160x128xi32, #tpu.memory_space<vmem>> -> memref<1x128xi32, #tpu.memory_space<vmem>>
      %dma_start3A_250 = tpu.memref_squeeze %dma_start3A_249 : memref<1x128xi32, #tpu.memory_space<vmem>> -> memref<128xi32, #tpu.memory_space<vmem>>
      %dma_start3A_251 = arith.constant 0 : i32
      %dma_start3A_252 = arith.constant 0 : i32
      %dma_start3A_253 = tpu.memref_slice %arg2[%arg0, %dma_start3A_251, %dma_start3A_252] : memref<2x10112x64xf32, #tpu.memory_space<hbm>> -> memref<1x10112x64xf32, #tpu.memory_space<hbm>>
      %dma_start3A_254 = tpu.memref_squeeze %dma_start3A_253 : memref<1x10112x64xf32, #tpu.memory_space<hbm>> -> memref<10112x64xf32, #tpu.memory_space<hbm>>
      %dma_start3A_255 = arith.constant 0 : i32
      %dma_start3A_256 = arith.constant 0 : i32
      %dma_start3A_257 = tpu.memref_slice %dma_start3A_254[%dma_start3A_255, %dma_start3A_256] : memref<10112x64xf32, #tpu.memory_space<hbm>> -> memref<10112x64xf32, #tpu.memory_space<hbm>>
      %dma_start3A_258 = tpu.memref_slice %arg10[%dma_start3A_243] : memref<4x!tpu.dma_semaphore, #tpu.memory_space<semaphore_mem>> -> memref<1x!tpu.dma_semaphore, #tpu.memory_space<semaphore_mem>>
      %dma_start3A_259 = tpu.memref_squeeze %dma_start3A_258 : memref<1x!tpu.dma_semaphore, #tpu.memory_space<semaphore_mem>> -> memref<!tpu.dma_semaphore, #tpu.memory_space<semaphore_mem>>
      tpu.enqueue_indirect_dma source(%dma_start3A_257 : memref<10112x64xf32, #tpu.memory_space<hbm>>) target(%dma_start3A_247 : memref<128x64xf32, #tpu.memory_space<vmem>>) offsets(%dma_start3A_250 : memref<128xi32, #tpu.memory_space<vmem>>) semaphore(%dma_start3A_259 : memref<!tpu.dma_semaphore, #tpu.memory_space<semaphore_mem>>)
      %add3A_260 = arith.constant 2 : i32
      %add3A_261 = arith.addi %mul3A_178, %add3A_260 : i32
      %dma_wait3A_262 = arith.constant 2 : i32
      %dma_wait3A_263 = arith.constant 2 : i32
      %dma_wait3A_264 = arith.constant 0 : i32
      %dma_wait3A_265 = arith.constant 0 : i32
      %dma_wait3A_266 = tpu.memref_slice %arg8[%dma_wait3A_262, %dma_wait3A_264, %dma_wait3A_265] : memref<4x128x64xf32, #tpu.memory_space<vmem>> -> memref<1x128x64xf32, #tpu.memory_space<vmem>>
      %dma_wait3A_267 = tpu.memref_squeeze %dma_wait3A_266 : memref<1x128x64xf32, #tpu.memory_space<vmem>> -> memref<128x64xf32, #tpu.memory_space<vmem>>
      %dma_wait3A_268 = arith.constant 0 : i32
      %dma_wait3A_269 = tpu.memref_slice %arg6[%add3A_261, %dma_wait3A_268] : memref<160x128xi32, #tpu.memory_space<vmem>> -> memref<1x128xi32, #tpu.memory_space<vmem>>
      %dma_wait3A_270 = tpu.memref_squeeze %dma_wait3A_269 : memref<1x128xi32, #tpu.memory_space<vmem>> -> memref<128xi32, #tpu.memory_space<vmem>>
      %dma_wait3A_271 = arith.constant 0 : i32
      %dma_wait3A_272 = arith.constant 0 : i32
      %dma_wait3A_273 = tpu.memref_slice %arg2[%arg0, %dma_wait3A_271, %dma_wait3A_272] : memref<2x10112x64xf32, #tpu.memory_space<hbm>> -> memref<1x10112x64xf32, #tpu.memory_space<hbm>>
      %dma_wait3A_274 = tpu.memref_squeeze %dma_wait3A_273 : memref<1x10112x64xf32, #tpu.memory_space<hbm>> -> memref<10112x64xf32, #tpu.memory_space<hbm>>
      %dma_wait3A_275 = arith.constant 0 : i32
      %dma_wait3A_276 = arith.constant 0 : i32
      %dma_wait3A_277 = tpu.memref_slice %dma_wait3A_274[%dma_wait3A_275, %dma_wait3A_276] : memref<10112x64xf32, #tpu.memory_space<hbm>> -> memref<10112x64xf32, #tpu.memory_space<hbm>>
      %dma_wait3A_278 = tpu.memref_slice %arg10[%dma_wait3A_263] : memref<4x!tpu.dma_semaphore, #tpu.memory_space<semaphore_mem>> -> memref<1x!tpu.dma_semaphore, #tpu.memory_space<semaphore_mem>>
      %dma_wait3A_279 = tpu.memref_squeeze %dma_wait3A_278 : memref<1x!tpu.dma_semaphore, #tpu.memory_space<semaphore_mem>> -> memref<!tpu.dma_semaphore, #tpu.memory_space<semaphore_mem>>
      tpu.wait_indirect_dma semaphore(%dma_wait3A_279 : memref<!tpu.dma_semaphore, #tpu.memory_space<semaphore_mem>>) src(%dma_wait3A_277 : memref<10112x64xf32, #tpu.memory_space<hbm>>) dst(%dma_wait3A_267 : memref<128x64xf32, #tpu.memory_space<vmem>>)
      %run_scoped3A_280 = arith.constant 2 : i32
      "tpu.region"() ({
        %run_scoped3A_343 = tpu.sem_alloc : memref<!tpu.dma_semaphore, #tpu.memory_space<semaphore_mem>>
        %dma_start3A_344 = arith.constant 0 : i32
        %dma_start3A_345 = arith.constant 0 : i32
        %dma_start3A_346 = tpu.memref_slice %arg8[%run_scoped3A_280, %dma_start3A_344, %dma_start3A_345] : memref<4x128x64xf32, #tpu.memory_space<vmem>> -> memref<1x128x64xf32, #tpu.memory_space<vmem>>
        %dma_start3A_347 = tpu.memref_squeeze %dma_start3A_346 : memref<1x128x64xf32, #tpu.memory_space<vmem>> -> memref<128x64xf32, #tpu.memory_space<vmem>>
        %dma_start3A_348 = arith.constant 0 : i32
        %dma_start3A_349 = tpu.memref_slice %arg7[%add3A_261, %dma_start3A_348] : memref<160x128xi32, #tpu.memory_space<vmem>> -> memref<1x128xi32, #tpu.memory_space<vmem>>
        %dma_start3A_350 = tpu.memref_squeeze %dma_start3A_349 : memref<1x128xi32, #tpu.memory_space<vmem>> -> memref<128xi32, #tpu.memory_space<vmem>>
        %dma_start3A_351 = arith.constant 0 : i32
        %dma_start3A_352 = arith.constant 0 : i32
        %dma_start3A_353 = tpu.memref_slice %arg9[%dma_start3A_351, %dma_start3A_352] : memref<10112x64xf32, #tpu.memory_space<vmem_shared>> -> memref<10112x64xf32, #tpu.memory_space<vmem_shared>>
        tpu.enqueue_indirect_dma source(%dma_start3A_347 : memref<128x64xf32, #tpu.memory_space<vmem>>) target(%dma_start3A_353 : memref<10112x64xf32, #tpu.memory_space<vmem_shared>>) offsets(%dma_start3A_350 : memref<128xi32, #tpu.memory_space<vmem>>) semaphore(%run_scoped3A_343 : memref<!tpu.dma_semaphore, #tpu.memory_space<semaphore_mem>>) {add = true}
        %dma_wait3A_354 = arith.constant 0 : i32
        %dma_wait3A_355 = arith.constant 0 : i32
        %dma_wait3A_356 = tpu.memref_slice %arg8[%run_scoped3A_280, %dma_wait3A_354, %dma_wait3A_355] : memref<4x128x64xf32, #tpu.memory_space<vmem>> -> memref<1x128x64xf32, #tpu.memory_space<vmem>>
        %dma_wait3A_357 = tpu.memref_squeeze %dma_wait3A_356 : memref<1x128x64xf32, #tpu.memory_space<vmem>> -> memref<128x64xf32, #tpu.memory_space<vmem>>
        %dma_wait3A_358 = arith.constant 0 : i32
        %dma_wait3A_359 = tpu.memref_slice %arg7[%add3A_261, %dma_wait3A_358] : memref<160x128xi32, #tpu.memory_space<vmem>> -> memref<1x128xi32, #tpu.memory_space<vmem>>
        %dma_wait3A_360 = tpu.memref_squeeze %dma_wait3A_359 : memref<1x128xi32, #tpu.memory_space<vmem>> -> memref<128xi32, #tpu.memory_space<vmem>>
        %dma_wait3A_361 = arith.constant 0 : i32
        %dma_wait3A_362 = arith.constant 0 : i32
        %dma_wait3A_363 = tpu.memref_slice %arg9[%dma_wait3A_361, %dma_wait3A_362] : memref<10112x64xf32, #tpu.memory_space<vmem_shared>> -> memref<10112x64xf32, #tpu.memory_space<vmem_shared>>
        tpu.wait_indirect_dma semaphore(%run_scoped3A_343 : memref<!tpu.dma_semaphore, #tpu.memory_space<semaphore_mem>>) src(%dma_wait3A_357 : memref<128x64xf32, #tpu.memory_space<vmem>>) dst(%dma_wait3A_363 : memref<10112x64xf32, #tpu.memory_space<vmem_shared>>)
        tpu.yield
      }) : () -> ()
      %add3A_281 = arith.constant 4 : i32
      %add3A_282 = arith.addi %add3A_261, %add3A_281 : i32
      %dma_start3A_283 = arith.constant 2 : i32
      %dma_start3A_284 = arith.constant 2 : i32
      %dma_start3A_285 = arith.constant 0 : i32
      %dma_start3A_286 = arith.constant 0 : i32
      %dma_start3A_287 = tpu.memref_slice %arg8[%dma_start3A_283, %dma_start3A_285, %dma_start3A_286] : memref<4x128x64xf32, #tpu.memory_space<vmem>> -> memref<1x128x64xf32, #tpu.memory_space<vmem>>
      %dma_start3A_288 = tpu.memref_squeeze %dma_start3A_287 : memref<1x128x64xf32, #tpu.memory_space<vmem>> -> memref<128x64xf32, #tpu.memory_space<vmem>>
      %dma_start3A_289 = arith.constant 0 : i32
      %dma_start3A_290 = tpu.memref_slice %arg6[%add3A_282, %dma_start3A_289] : memref<160x128xi32, #tpu.memory_space<vmem>> -> memref<1x128xi32, #tpu.memory_space<vmem>>
      %dma_start3A_291 = tpu.memref_squeeze %dma_start3A_290 : memref<1x128xi32, #tpu.memory_space<vmem>> -> memref<128xi32, #tpu.memory_space<vmem>>
      %dma_start3A_292 = arith.constant 0 : i32
      %dma_start3A_293 = arith.constant 0 : i32
      %dma_start3A_294 = tpu.memref_slice %arg2[%arg0, %dma_start3A_292, %dma_start3A_293] : memref<2x10112x64xf32, #tpu.memory_space<hbm>> -> memref<1x10112x64xf32, #tpu.memory_space<hbm>>
      %dma_start3A_295 = tpu.memref_squeeze %dma_start3A_294 : memref<1x10112x64xf32, #tpu.memory_space<hbm>> -> memref<10112x64xf32, #tpu.memory_space<hbm>>
      %dma_start3A_296 = arith.constant 0 : i32
      %dma_start3A_297 = arith.constant 0 : i32
      %dma_start3A_298 = tpu.memref_slice %dma_start3A_295[%dma_start3A_296, %dma_start3A_297] : memref<10112x64xf32, #tpu.memory_space<hbm>> -> memref<10112x64xf32, #tpu.memory_space<hbm>>
      %dma_start3A_299 = tpu.memref_slice %arg10[%dma_start3A_284] : memref<4x!tpu.dma_semaphore, #tpu.memory_space<semaphore_mem>> -> memref<1x!tpu.dma_semaphore, #tpu.memory_space<semaphore_mem>>
      %dma_start3A_300 = tpu.memref_squeeze %dma_start3A_299 : memref<1x!tpu.dma_semaphore, #tpu.memory_space<semaphore_mem>> -> memref<!tpu.dma_semaphore, #tpu.memory_space<semaphore_mem>>
      tpu.enqueue_indirect_dma source(%dma_start3A_298 : memref<10112x64xf32, #tpu.memory_space<hbm>>) target(%dma_start3A_288 : memref<128x64xf32, #tpu.memory_space<vmem>>) offsets(%dma_start3A_291 : memref<128xi32, #tpu.memory_space<vmem>>) semaphore(%dma_start3A_300 : memref<!tpu.dma_semaphore, #tpu.memory_space<semaphore_mem>>)
      %add3A_301 = arith.constant 3 : i32
      %add3A_302 = arith.addi %mul3A_178, %add3A_301 : i32
      %dma_wait3A_303 = arith.constant 3 : i32
      %dma_wait3A_304 = arith.constant 3 : i32
      %dma_wait3A_305 = arith.constant 0 : i32
      %dma_wait3A_306 = arith.constant 0 : i32
      %dma_wait3A_307 = tpu.memref_slice %arg8[%dma_wait3A_303, %dma_wait3A_305, %dma_wait3A_306] : memref<4x128x64xf32, #tpu.memory_space<vmem>> -> memref<1x128x64xf32, #tpu.memory_space<vmem>>
      %dma_wait3A_308 = tpu.memref_squeeze %dma_wait3A_307 : memref<1x128x64xf32, #tpu.memory_space<vmem>> -> memref<128x64xf32, #tpu.memory_space<vmem>>
      %dma_wait3A_309 = arith.constant 0 : i32
      %dma_wait3A_310 = tpu.memref_slice %arg6[%add3A_302, %dma_wait3A_309] : memref<160x128xi32, #tpu.memory_space<vmem>> -> memref<1x128xi32, #tpu.memory_space<vmem>>
      %dma_wait3A_311 = tpu.memref_squeeze %dma_wait3A_310 : memref<1x128xi32, #tpu.memory_space<vmem>> -> memref<128xi32, #tpu.memory_space<vmem>>
      %dma_wait3A_312 = arith.constant 0 : i32
      %dma_wait3A_313 = arith.constant 0 : i32
      %dma_wait3A_314 = tpu.memref_slice %arg2[%arg0, %dma_wait3A_312, %dma_wait3A_313] : memref<2x10112x64xf32, #tpu.memory_space<hbm>> -> memref<1x10112x64xf32, #tpu.memory_space<hbm>>
      %dma_wait3A_315 = tpu.memref_squeeze %dma_wait3A_314 : memref<1x10112x64xf32, #tpu.memory_space<hbm>> -> memref<10112x64xf32, #tpu.memory_space<hbm>>
      %dma_wait3A_316 = arith.constant 0 : i32
      %dma_wait3A_317 = arith.constant 0 : i32
      %dma_wait3A_318 = tpu.memref_slice %dma_wait3A_315[%dma_wait3A_316, %dma_wait3A_317] : memref<10112x64xf32, #tpu.memory_space<hbm>> -> memref<10112x64xf32, #tpu.memory_space<hbm>>
      %dma_wait3A_319 = tpu.memref_slice %arg10[%dma_wait3A_304] : memref<4x!tpu.dma_semaphore, #tpu.memory_space<semaphore_mem>> -> memref<1x!tpu.dma_semaphore, #tpu.memory_space<semaphore_mem>>
      %dma_wait3A_320 = tpu.memref_squeeze %dma_wait3A_319 : memref<1x!tpu.dma_semaphore, #tpu.memory_space<semaphore_mem>> -> memref<!tpu.dma_semaphore, #tpu.memory_space<semaphore_mem>>
      tpu.wait_indirect_dma semaphore(%dma_wait3A_320 : memref<!tpu.dma_semaphore, #tpu.memory_space<semaphore_mem>>) src(%dma_wait3A_318 : memref<10112x64xf32, #tpu.memory_space<hbm>>) dst(%dma_wait3A_308 : memref<128x64xf32, #tpu.memory_space<vmem>>)
      %run_scoped3A_321 = arith.constant 3 : i32
      "tpu.region"() ({
        %run_scoped3A_343 = tpu.sem_alloc : memref<!tpu.dma_semaphore, #tpu.memory_space<semaphore_mem>>
        %dma_start3A_344 = arith.constant 0 : i32
        %dma_start3A_345 = arith.constant 0 : i32
        %dma_start3A_346 = tpu.memref_slice %arg8[%run_scoped3A_321, %dma_start3A_344, %dma_start3A_345] : memref<4x128x64xf32, #tpu.memory_space<vmem>> -> memref<1x128x64xf32, #tpu.memory_space<vmem>>
        %dma_start3A_347 = tpu.memref_squeeze %dma_start3A_346 : memref<1x128x64xf32, #tpu.memory_space<vmem>> -> memref<128x64xf32, #tpu.memory_space<vmem>>
        %dma_start3A_348 = arith.constant 0 : i32
        %dma_start3A_349 = tpu.memref_slice %arg7[%add3A_302, %dma_start3A_348] : memref<160x128xi32, #tpu.memory_space<vmem>> -> memref<1x128xi32, #tpu.memory_space<vmem>>
        %dma_start3A_350 = tpu.memref_squeeze %dma_start3A_349 : memref<1x128xi32, #tpu.memory_space<vmem>> -> memref<128xi32, #tpu.memory_space<vmem>>
        %dma_start3A_351 = arith.constant 0 : i32
        %dma_start3A_352 = arith.constant 0 : i32
        %dma_start3A_353 = tpu.memref_slice %arg9[%dma_start3A_351, %dma_start3A_352] : memref<10112x64xf32, #tpu.memory_space<vmem_shared>> -> memref<10112x64xf32, #tpu.memory_space<vmem_shared>>
        tpu.enqueue_indirect_dma source(%dma_start3A_347 : memref<128x64xf32, #tpu.memory_space<vmem>>) target(%dma_start3A_353 : memref<10112x64xf32, #tpu.memory_space<vmem_shared>>) offsets(%dma_start3A_350 : memref<128xi32, #tpu.memory_space<vmem>>) semaphore(%run_scoped3A_343 : memref<!tpu.dma_semaphore, #tpu.memory_space<semaphore_mem>>) {add = true}
        %dma_wait3A_354 = arith.constant 0 : i32
        %dma_wait3A_355 = arith.constant 0 : i32
        %dma_wait3A_356 = tpu.memref_slice %arg8[%run_scoped3A_321, %dma_wait3A_354, %dma_wait3A_355] : memref<4x128x64xf32, #tpu.memory_space<vmem>> -> memref<1x128x64xf32, #tpu.memory_space<vmem>>
        %dma_wait3A_357 = tpu.memref_squeeze %dma_wait3A_356 : memref<1x128x64xf32, #tpu.memory_space<vmem>> -> memref<128x64xf32, #tpu.memory_space<vmem>>
        %dma_wait3A_358 = arith.constant 0 : i32
        %dma_wait3A_359 = tpu.memref_slice %arg7[%add3A_302, %dma_wait3A_358] : memref<160x128xi32, #tpu.memory_space<vmem>> -> memref<1x128xi32, #tpu.memory_space<vmem>>
        %dma_wait3A_360 = tpu.memref_squeeze %dma_wait3A_359 : memref<1x128xi32, #tpu.memory_space<vmem>> -> memref<128xi32, #tpu.memory_space<vmem>>
        %dma_wait3A_361 = arith.constant 0 : i32
        %dma_wait3A_362 = arith.constant 0 : i32
        %dma_wait3A_363 = tpu.memref_slice %arg9[%dma_wait3A_361, %dma_wait3A_362] : memref<10112x64xf32, #tpu.memory_space<vmem_shared>> -> memref<10112x64xf32, #tpu.memory_space<vmem_shared>>
        tpu.wait_indirect_dma semaphore(%run_scoped3A_343 : memref<!tpu.dma_semaphore, #tpu.memory_space<semaphore_mem>>) src(%dma_wait3A_357 : memref<128x64xf32, #tpu.memory_space<vmem>>) dst(%dma_wait3A_363 : memref<10112x64xf32, #tpu.memory_space<vmem_shared>>)
        tpu.yield
      }) : () -> ()
      %add3A_322 = arith.constant 4 : i32
      %add3A_323 = arith.addi %add3A_302, %add3A_322 : i32
      %dma_start3A_324 = arith.constant 3 : i32
      %dma_start3A_325 = arith.constant 3 : i32
      %dma_start3A_326 = arith.constant 0 : i32
      %dma_start3A_327 = arith.constant 0 : i32
      %dma_start3A_328 = tpu.memref_slice %arg8[%dma_start3A_324, %dma_start3A_326, %dma_start3A_327] : memref<4x128x64xf32, #tpu.memory_space<vmem>> -> memref<1x128x64xf32, #tpu.memory_space<vmem>>
      %dma_start3A_329 = tpu.memref_squeeze %dma_start3A_328 : memref<1x128x64xf32, #tpu.memory_space<vmem>> -> memref<128x64xf32, #tpu.memory_space<vmem>>
      %dma_start3A_330 = arith.constant 0 : i32
      %dma_start3A_331 = tpu.memref_slice %arg6[%add3A_323, %dma_start3A_330] : memref<160x128xi32, #tpu.memory_space<vmem>> -> memref<1x128xi32, #tpu.memory_space<vmem>>
      %dma_start3A_332 = tpu.memref_squeeze %dma_start3A_331 : memref<1x128xi32, #tpu.memory_space<vmem>> -> memref<128xi32, #tpu.memory_space<vmem>>
      %dma_start3A_333 = arith.constant 0 : i32
      %dma_start3A_334 = arith.constant 0 : i32
      %dma_start3A_335 = tpu.memref_slice %arg2[%arg0, %dma_start3A_333, %dma_start3A_334] : memref<2x10112x64xf32, #tpu.memory_space<hbm>> -> memref<1x10112x64xf32, #tpu.memory_space<hbm>>
      %dma_start3A_336 = tpu.memref_squeeze %dma_start3A_335 : memref<1x10112x64xf32, #tpu.memory_space<hbm>> -> memref<10112x64xf32, #tpu.memory_space<hbm>>
      %dma_start3A_337 = arith.constant 0 : i32
      %dma_start3A_338 = arith.constant 0 : i32
      %dma_start3A_339 = tpu.memref_slice %dma_start3A_336[%dma_start3A_337, %dma_start3A_338] : memref<10112x64xf32, #tpu.memory_space<hbm>> -> memref<10112x64xf32, #tpu.memory_space<hbm>>
      %dma_start3A_340 = tpu.memref_slice %arg10[%dma_start3A_325] : memref<4x!tpu.dma_semaphore, #tpu.memory_space<semaphore_mem>> -> memref<1x!tpu.dma_semaphore, #tpu.memory_space<semaphore_mem>>
      %dma_start3A_341 = tpu.memref_squeeze %dma_start3A_340 : memref<1x!tpu.dma_semaphore, #tpu.memory_space<semaphore_mem>> -> memref<!tpu.dma_semaphore, #tpu.memory_space<semaphore_mem>>
      tpu.enqueue_indirect_dma source(%dma_start3A_339 : memref<10112x64xf32, #tpu.memory_space<hbm>>) target(%dma_start3A_329 : memref<128x64xf32, #tpu.memory_space<vmem>>) offsets(%dma_start3A_332 : memref<128xi32, #tpu.memory_space<vmem>>) semaphore(%dma_start3A_341 : memref<!tpu.dma_semaphore, #tpu.memory_space<semaphore_mem>>)
      %scan3A_342 = arith.constant 0 : i32
      scf.yield %scan3A_342 : i32
    }
    %scan3A_87 = arith.constant 39 : i32
    %dma_wait3A = arith.constant 156 : i32
    %dma_wait3A_88 = arith.constant 0 : i32
    %dma_wait3A_89 = arith.constant 0 : i32
    %dma_wait3A_90 = arith.constant 0 : i32
    %dma_wait3A_91 = arith.constant 0 : i32
    %dma_wait3A_92 = tpu.memref_slice %arg8[%dma_wait3A_88, %dma_wait3A_90, %dma_wait3A_91] : memref<4x128x64xf32, #tpu.memory_space<vmem>> -> memref<1x128x64xf32, #tpu.memory_space<vmem>>
    %dma_wait3A_93 = tpu.memref_squeeze %dma_wait3A_92 : memref<1x128x64xf32, #tpu.memory_space<vmem>> -> memref<128x64xf32, #tpu.memory_space<vmem>>
    %dma_wait3A_94 = arith.constant 0 : i32
    %dma_wait3A_95 = tpu.memref_slice %arg6[%dma_wait3A, %dma_wait3A_94] : memref<160x128xi32, #tpu.memory_space<vmem>> -> memref<1x128xi32, #tpu.memory_space<vmem>>
    %dma_wait3A_96 = tpu.memref_squeeze %dma_wait3A_95 : memref<1x128xi32, #tpu.memory_space<vmem>> -> memref<128xi32, #tpu.memory_space<vmem>>
    %dma_wait3A_97 = arith.constant 0 : i32
    %dma_wait3A_98 = arith.constant 0 : i32
    %dma_wait3A_99 = tpu.memref_slice %arg2[%arg0, %dma_wait3A_97, %dma_wait3A_98] : memref<2x10112x64xf32, #tpu.memory_space<hbm>> -> memref<1x10112x64xf32, #tpu.memory_space<hbm>>
    %dma_wait3A_100 = tpu.memref_squeeze %dma_wait3A_99 : memref<1x10112x64xf32, #tpu.memory_space<hbm>> -> memref<10112x64xf32, #tpu.memory_space<hbm>>
    %dma_wait3A_101 = arith.constant 0 : i32
    %dma_wait3A_102 = arith.constant 0 : i32
    %dma_wait3A_103 = tpu.memref_slice %dma_wait3A_100[%dma_wait3A_101, %dma_wait3A_102] : memref<10112x64xf32, #tpu.memory_space<hbm>> -> memref<10112x64xf32, #tpu.memory_space<hbm>>
    %dma_wait3A_104 = tpu.memref_slice %arg10[%dma_wait3A_89] : memref<4x!tpu.dma_semaphore, #tpu.memory_space<semaphore_mem>> -> memref<1x!tpu.dma_semaphore, #tpu.memory_space<semaphore_mem>>
    %dma_wait3A_105 = tpu.memref_squeeze %dma_wait3A_104 : memref<1x!tpu.dma_semaphore, #tpu.memory_space<semaphore_mem>> -> memref<!tpu.dma_semaphore, #tpu.memory_space<semaphore_mem>>
    tpu.wait_indirect_dma semaphore(%dma_wait3A_105 : memref<!tpu.dma_semaphore, #tpu.memory_space<semaphore_mem>>) src(%dma_wait3A_103 : memref<10112x64xf32, #tpu.memory_space<hbm>>) dst(%dma_wait3A_93 : memref<128x64xf32, #tpu.memory_space<vmem>>)
    %run_scoped3A = arith.constant 0 : i32
    %run_scoped3A_106 = arith.constant 156 : i32
    "tpu.region"() ({
      %run_scoped3A_175 = tpu.sem_alloc : memref<!tpu.dma_semaphore, #tpu.memory_space<semaphore_mem>>
      %dma_start3A_176 = arith.constant 0 : i32
      %dma_start3A_177 = arith.constant 0 : i32
      %dma_start3A_178 = tpu.memref_slice %arg8[%run_scoped3A, %dma_start3A_176, %dma_start3A_177] : memref<4x128x64xf32, #tpu.memory_space<vmem>> -> memref<1x128x64xf32, #tpu.memory_space<vmem>>
      %dma_start3A_179 = tpu.memref_squeeze %dma_start3A_178 : memref<1x128x64xf32, #tpu.memory_space<vmem>> -> memref<128x64xf32, #tpu.memory_space<vmem>>
      %dma_start3A_180 = arith.constant 0 : i32
      %dma_start3A_181 = tpu.memref_slice %arg7[%run_scoped3A_106, %dma_start3A_180] : memref<160x128xi32, #tpu.memory_space<vmem>> -> memref<1x128xi32, #tpu.memory_space<vmem>>
      %dma_start3A_182 = tpu.memref_squeeze %dma_start3A_181 : memref<1x128xi32, #tpu.memory_space<vmem>> -> memref<128xi32, #tpu.memory_space<vmem>>
      %dma_start3A_183 = arith.constant 0 : i32
      %dma_start3A_184 = arith.constant 0 : i32
      %dma_start3A_185 = tpu.memref_slice %arg9[%dma_start3A_183, %dma_start3A_184] : memref<10112x64xf32, #tpu.memory_space<vmem_shared>> -> memref<10112x64xf32, #tpu.memory_space<vmem_shared>>
      tpu.enqueue_indirect_dma source(%dma_start3A_179 : memref<128x64xf32, #tpu.memory_space<vmem>>) target(%dma_start3A_185 : memref<10112x64xf32, #tpu.memory_space<vmem_shared>>) offsets(%dma_start3A_182 : memref<128xi32, #tpu.memory_space<vmem>>) semaphore(%run_scoped3A_175 : memref<!tpu.dma_semaphore, #tpu.memory_space<semaphore_mem>>) {add = true}
      %dma_wait3A_186 = arith.constant 0 : i32
      %dma_wait3A_187 = arith.constant 0 : i32
      %dma_wait3A_188 = tpu.memref_slice %arg8[%run_scoped3A, %dma_wait3A_186, %dma_wait3A_187] : memref<4x128x64xf32, #tpu.memory_space<vmem>> -> memref<1x128x64xf32, #tpu.memory_space<vmem>>
      %dma_wait3A_189 = tpu.memref_squeeze %dma_wait3A_188 : memref<1x128x64xf32, #tpu.memory_space<vmem>> -> memref<128x64xf32, #tpu.memory_space<vmem>>
      %dma_wait3A_190 = arith.constant 0 : i32
      %dma_wait3A_191 = tpu.memref_slice %arg7[%run_scoped3A_106, %dma_wait3A_190] : memref<160x128xi32, #tpu.memory_space<vmem>> -> memref<1x128xi32, #tpu.memory_space<vmem>>
      %dma_wait3A_192 = tpu.memref_squeeze %dma_wait3A_191 : memref<1x128xi32, #tpu.memory_space<vmem>> -> memref<128xi32, #tpu.memory_space<vmem>>
      %dma_wait3A_193 = arith.constant 0 : i32
      %dma_wait3A_194 = arith.constant 0 : i32
      %dma_wait3A_195 = tpu.memref_slice %arg9[%dma_wait3A_193, %dma_wait3A_194] : memref<10112x64xf32, #tpu.memory_space<vmem_shared>> -> memref<10112x64xf32, #tpu.memory_space<vmem_shared>>
      tpu.wait_indirect_dma semaphore(%run_scoped3A_175 : memref<!tpu.dma_semaphore, #tpu.memory_space<semaphore_mem>>) src(%dma_wait3A_189 : memref<128x64xf32, #tpu.memory_space<vmem>>) dst(%dma_wait3A_195 : memref<10112x64xf32, #tpu.memory_space<vmem_shared>>)
      tpu.yield
    }) : () -> ()
    %dma_wait3A_107 = arith.constant 157 : i32
    %dma_wait3A_108 = arith.constant 1 : i32
    %dma_wait3A_109 = arith.constant 1 : i32
    %dma_wait3A_110 = arith.constant 0 : i32
    %dma_wait3A_111 = arith.constant 0 : i32
    %dma_wait3A_112 = tpu.memref_slice %arg8[%dma_wait3A_108, %dma_wait3A_110, %dma_wait3A_111] : memref<4x128x64xf32, #tpu.memory_space<vmem>> -> memref<1x128x64xf32, #tpu.memory_space<vmem>>
    %dma_wait3A_113 = tpu.memref_squeeze %dma_wait3A_112 : memref<1x128x64xf32, #tpu.memory_space<vmem>> -> memref<128x64xf32, #tpu.memory_space<vmem>>
    %dma_wait3A_114 = arith.constant 0 : i32
    %dma_wait3A_115 = tpu.memref_slice %arg6[%dma_wait3A_107, %dma_wait3A_114] : memref<160x128xi32, #tpu.memory_space<vmem>> -> memref<1x128xi32, #tpu.memory_space<vmem>>
    %dma_wait3A_116 = tpu.memref_squeeze %dma_wait3A_115 : memref<1x128xi32, #tpu.memory_space<vmem>> -> memref<128xi32, #tpu.memory_space<vmem>>
    %dma_wait3A_117 = arith.constant 0 : i32
    %dma_wait3A_118 = arith.constant 0 : i32
    %dma_wait3A_119 = tpu.memref_slice %arg2[%arg0, %dma_wait3A_117, %dma_wait3A_118] : memref<2x10112x64xf32, #tpu.memory_space<hbm>> -> memref<1x10112x64xf32, #tpu.memory_space<hbm>>
    %dma_wait3A_120 = tpu.memref_squeeze %dma_wait3A_119 : memref<1x10112x64xf32, #tpu.memory_space<hbm>> -> memref<10112x64xf32, #tpu.memory_space<hbm>>
    %dma_wait3A_121 = arith.constant 0 : i32
    %dma_wait3A_122 = arith.constant 0 : i32
    %dma_wait3A_123 = tpu.memref_slice %dma_wait3A_120[%dma_wait3A_121, %dma_wait3A_122] : memref<10112x64xf32, #tpu.memory_space<hbm>> -> memref<10112x64xf32, #tpu.memory_space<hbm>>
    %dma_wait3A_124 = tpu.memref_slice %arg10[%dma_wait3A_109] : memref<4x!tpu.dma_semaphore, #tpu.memory_space<semaphore_mem>> -> memref<1x!tpu.dma_semaphore, #tpu.memory_space<semaphore_mem>>
    %dma_wait3A_125 = tpu.memref_squeeze %dma_wait3A_124 : memref<1x!tpu.dma_semaphore, #tpu.memory_space<semaphore_mem>> -> memref<!tpu.dma_semaphore, #tpu.memory_space<semaphore_mem>>
    tpu.wait_indirect_dma semaphore(%dma_wait3A_125 : memref<!tpu.dma_semaphore, #tpu.memory_space<semaphore_mem>>) src(%dma_wait3A_123 : memref<10112x64xf32, #tpu.memory_space<hbm>>) dst(%dma_wait3A_113 : memref<128x64xf32, #tpu.memory_space<vmem>>)
    %run_scoped3A_126 = arith.constant 1 : i32
    %run_scoped3A_127 = arith.constant 157 : i32
    "tpu.region"() ({
      %run_scoped3A_175 = tpu.sem_alloc : memref<!tpu.dma_semaphore, #tpu.memory_space<semaphore_mem>>
      %dma_start3A_176 = arith.constant 0 : i32
      %dma_start3A_177 = arith.constant 0 : i32
      %dma_start3A_178 = tpu.memref_slice %arg8[%run_scoped3A_126, %dma_start3A_176, %dma_start3A_177] : memref<4x128x64xf32, #tpu.memory_space<vmem>> -> memref<1x128x64xf32, #tpu.memory_space<vmem>>
      %dma_start3A_179 = tpu.memref_squeeze %dma_start3A_178 : memref<1x128x64xf32, #tpu.memory_space<vmem>> -> memref<128x64xf32, #tpu.memory_space<vmem>>
      %dma_start3A_180 = arith.constant 0 : i32
      %dma_start3A_181 = tpu.memref_slice %arg7[%run_scoped3A_127, %dma_start3A_180] : memref<160x128xi32, #tpu.memory_space<vmem>> -> memref<1x128xi32, #tpu.memory_space<vmem>>
      %dma_start3A_182 = tpu.memref_squeeze %dma_start3A_181 : memref<1x128xi32, #tpu.memory_space<vmem>> -> memref<128xi32, #tpu.memory_space<vmem>>
      %dma_start3A_183 = arith.constant 0 : i32
      %dma_start3A_184 = arith.constant 0 : i32
      %dma_start3A_185 = tpu.memref_slice %arg9[%dma_start3A_183, %dma_start3A_184] : memref<10112x64xf32, #tpu.memory_space<vmem_shared>> -> memref<10112x64xf32, #tpu.memory_space<vmem_shared>>
      tpu.enqueue_indirect_dma source(%dma_start3A_179 : memref<128x64xf32, #tpu.memory_space<vmem>>) target(%dma_start3A_185 : memref<10112x64xf32, #tpu.memory_space<vmem_shared>>) offsets(%dma_start3A_182 : memref<128xi32, #tpu.memory_space<vmem>>) semaphore(%run_scoped3A_175 : memref<!tpu.dma_semaphore, #tpu.memory_space<semaphore_mem>>) {add = true}
      %dma_wait3A_186 = arith.constant 0 : i32
      %dma_wait3A_187 = arith.constant 0 : i32
      %dma_wait3A_188 = tpu.memref_slice %arg8[%run_scoped3A_126, %dma_wait3A_186, %dma_wait3A_187] : memref<4x128x64xf32, #tpu.memory_space<vmem>> -> memref<1x128x64xf32, #tpu.memory_space<vmem>>
      %dma_wait3A_189 = tpu.memref_squeeze %dma_wait3A_188 : memref<1x128x64xf32, #tpu.memory_space<vmem>> -> memref<128x64xf32, #tpu.memory_space<vmem>>
      %dma_wait3A_190 = arith.constant 0 : i32
      %dma_wait3A_191 = tpu.memref_slice %arg7[%run_scoped3A_127, %dma_wait3A_190] : memref<160x128xi32, #tpu.memory_space<vmem>> -> memref<1x128xi32, #tpu.memory_space<vmem>>
      %dma_wait3A_192 = tpu.memref_squeeze %dma_wait3A_191 : memref<1x128xi32, #tpu.memory_space<vmem>> -> memref<128xi32, #tpu.memory_space<vmem>>
      %dma_wait3A_193 = arith.constant 0 : i32
      %dma_wait3A_194 = arith.constant 0 : i32
      %dma_wait3A_195 = tpu.memref_slice %arg9[%dma_wait3A_193, %dma_wait3A_194] : memref<10112x64xf32, #tpu.memory_space<vmem_shared>> -> memref<10112x64xf32, #tpu.memory_space<vmem_shared>>
      tpu.wait_indirect_dma semaphore(%run_scoped3A_175 : memref<!tpu.dma_semaphore, #tpu.memory_space<semaphore_mem>>) src(%dma_wait3A_189 : memref<128x64xf32, #tpu.memory_space<vmem>>) dst(%dma_wait3A_195 : memref<10112x64xf32, #tpu.memory_space<vmem_shared>>)
      tpu.yield
    }) : () -> ()
    %dma_wait3A_128 = arith.constant 158 : i32
    %dma_wait3A_129 = arith.constant 2 : i32
    %dma_wait3A_130 = arith.constant 2 : i32
    %dma_wait3A_131 = arith.constant 0 : i32
    %dma_wait3A_132 = arith.constant 0 : i32
    %dma_wait3A_133 = tpu.memref_slice %arg8[%dma_wait3A_129, %dma_wait3A_131, %dma_wait3A_132] : memref<4x128x64xf32, #tpu.memory_space<vmem>> -> memref<1x128x64xf32, #tpu.memory_space<vmem>>
    %dma_wait3A_134 = tpu.memref_squeeze %dma_wait3A_133 : memref<1x128x64xf32, #tpu.memory_space<vmem>> -> memref<128x64xf32, #tpu.memory_space<vmem>>
    %dma_wait3A_135 = arith.constant 0 : i32
    %dma_wait3A_136 = tpu.memref_slice %arg6[%dma_wait3A_128, %dma_wait3A_135] : memref<160x128xi32, #tpu.memory_space<vmem>> -> memref<1x128xi32, #tpu.memory_space<vmem>>
    %dma_wait3A_137 = tpu.memref_squeeze %dma_wait3A_136 : memref<1x128xi32, #tpu.memory_space<vmem>> -> memref<128xi32, #tpu.memory_space<vmem>>
    %dma_wait3A_138 = arith.constant 0 : i32
    %dma_wait3A_139 = arith.constant 0 : i32
    %dma_wait3A_140 = tpu.memref_slice %arg2[%arg0, %dma_wait3A_138, %dma_wait3A_139] : memref<2x10112x64xf32, #tpu.memory_space<hbm>> -> memref<1x10112x64xf32, #tpu.memory_space<hbm>>
    %dma_wait3A_141 = tpu.memref_squeeze %dma_wait3A_140 : memref<1x10112x64xf32, #tpu.memory_space<hbm>> -> memref<10112x64xf32, #tpu.memory_space<hbm>>
    %dma_wait3A_142 = arith.constant 0 : i32
    %dma_wait3A_143 = arith.constant 0 : i32
    %dma_wait3A_144 = tpu.memref_slice %dma_wait3A_141[%dma_wait3A_142, %dma_wait3A_143] : memref<10112x64xf32, #tpu.memory_space<hbm>> -> memref<10112x64xf32, #tpu.memory_space<hbm>>
    %dma_wait3A_145 = tpu.memref_slice %arg10[%dma_wait3A_130] : memref<4x!tpu.dma_semaphore, #tpu.memory_space<semaphore_mem>> -> memref<1x!tpu.dma_semaphore, #tpu.memory_space<semaphore_mem>>
    %dma_wait3A_146 = tpu.memref_squeeze %dma_wait3A_145 : memref<1x!tpu.dma_semaphore, #tpu.memory_space<semaphore_mem>> -> memref<!tpu.dma_semaphore, #tpu.memory_space<semaphore_mem>>
    tpu.wait_indirect_dma semaphore(%dma_wait3A_146 : memref<!tpu.dma_semaphore, #tpu.memory_space<semaphore_mem>>) src(%dma_wait3A_144 : memref<10112x64xf32, #tpu.memory_space<hbm>>) dst(%dma_wait3A_134 : memref<128x64xf32, #tpu.memory_space<vmem>>)
    %run_scoped3A_147 = arith.constant 2 : i32
    %run_scoped3A_148 = arith.constant 158 : i32
    "tpu.region"() ({
      %run_scoped3A_175 = tpu.sem_alloc : memref<!tpu.dma_semaphore, #tpu.memory_space<semaphore_mem>>
      %dma_start3A_176 = arith.constant 0 : i32
      %dma_start3A_177 = arith.constant 0 : i32
      %dma_start3A_178 = tpu.memref_slice %arg8[%run_scoped3A_147, %dma_start3A_176, %dma_start3A_177] : memref<4x128x64xf32, #tpu.memory_space<vmem>> -> memref<1x128x64xf32, #tpu.memory_space<vmem>>
      %dma_start3A_179 = tpu.memref_squeeze %dma_start3A_178 : memref<1x128x64xf32, #tpu.memory_space<vmem>> -> memref<128x64xf32, #tpu.memory_space<vmem>>
      %dma_start3A_180 = arith.constant 0 : i32
      %dma_start3A_181 = tpu.memref_slice %arg7[%run_scoped3A_148, %dma_start3A_180] : memref<160x128xi32, #tpu.memory_space<vmem>> -> memref<1x128xi32, #tpu.memory_space<vmem>>
      %dma_start3A_182 = tpu.memref_squeeze %dma_start3A_181 : memref<1x128xi32, #tpu.memory_space<vmem>> -> memref<128xi32, #tpu.memory_space<vmem>>
      %dma_start3A_183 = arith.constant 0 : i32
      %dma_start3A_184 = arith.constant 0 : i32
      %dma_start3A_185 = tpu.memref_slice %arg9[%dma_start3A_183, %dma_start3A_184] : memref<10112x64xf32, #tpu.memory_space<vmem_shared>> -> memref<10112x64xf32, #tpu.memory_space<vmem_shared>>
      tpu.enqueue_indirect_dma source(%dma_start3A_179 : memref<128x64xf32, #tpu.memory_space<vmem>>) target(%dma_start3A_185 : memref<10112x64xf32, #tpu.memory_space<vmem_shared>>) offsets(%dma_start3A_182 : memref<128xi32, #tpu.memory_space<vmem>>) semaphore(%run_scoped3A_175 : memref<!tpu.dma_semaphore, #tpu.memory_space<semaphore_mem>>) {add = true}
      %dma_wait3A_186 = arith.constant 0 : i32
      %dma_wait3A_187 = arith.constant 0 : i32
      %dma_wait3A_188 = tpu.memref_slice %arg8[%run_scoped3A_147, %dma_wait3A_186, %dma_wait3A_187] : memref<4x128x64xf32, #tpu.memory_space<vmem>> -> memref<1x128x64xf32, #tpu.memory_space<vmem>>
      %dma_wait3A_189 = tpu.memref_squeeze %dma_wait3A_188 : memref<1x128x64xf32, #tpu.memory_space<vmem>> -> memref<128x64xf32, #tpu.memory_space<vmem>>
      %dma_wait3A_190 = arith.constant 0 : i32
      %dma_wait3A_191 = tpu.memref_slice %arg7[%run_scoped3A_148, %dma_wait3A_190] : memref<160x128xi32, #tpu.memory_space<vmem>> -> memref<1x128xi32, #tpu.memory_space<vmem>>
      %dma_wait3A_192 = tpu.memref_squeeze %dma_wait3A_191 : memref<1x128xi32, #tpu.memory_space<vmem>> -> memref<128xi32, #tpu.memory_space<vmem>>
      %dma_wait3A_193 = arith.constant 0 : i32
      %dma_wait3A_194 = arith.constant 0 : i32
      %dma_wait3A_195 = tpu.memref_slice %arg9[%dma_wait3A_193, %dma_wait3A_194] : memref<10112x64xf32, #tpu.memory_space<vmem_shared>> -> memref<10112x64xf32, #tpu.memory_space<vmem_shared>>
      tpu.wait_indirect_dma semaphore(%run_scoped3A_175 : memref<!tpu.dma_semaphore, #tpu.memory_space<semaphore_mem>>) src(%dma_wait3A_189 : memref<128x64xf32, #tpu.memory_space<vmem>>) dst(%dma_wait3A_195 : memref<10112x64xf32, #tpu.memory_space<vmem_shared>>)
      tpu.yield
    }) : () -> ()
    %dma_wait3A_149 = arith.constant 159 : i32
    %dma_wait3A_150 = arith.constant 3 : i32
    %dma_wait3A_151 = arith.constant 3 : i32
    %dma_wait3A_152 = arith.constant 0 : i32
    %dma_wait3A_153 = arith.constant 0 : i32
    %dma_wait3A_154 = tpu.memref_slice %arg8[%dma_wait3A_150, %dma_wait3A_152, %dma_wait3A_153] : memref<4x128x64xf32, #tpu.memory_space<vmem>> -> memref<1x128x64xf32, #tpu.memory_space<vmem>>
    %dma_wait3A_155 = tpu.memref_squeeze %dma_wait3A_154 : memref<1x128x64xf32, #tpu.memory_space<vmem>> -> memref<128x64xf32, #tpu.memory_space<vmem>>
    %dma_wait3A_156 = arith.constant 0 : i32
    %dma_wait3A_157 = tpu.memref_slice %arg6[%dma_wait3A_149, %dma_wait3A_156] : memref<160x128xi32, #tpu.memory_space<vmem>> -> memref<1x128xi32, #tpu.memory_space<vmem>>
    %dma_wait3A_158 = tpu.memref_squeeze %dma_wait3A_157 : memref<1x128xi32, #tpu.memory_space<vmem>> -> memref<128xi32, #tpu.memory_space<vmem>>
    %dma_wait3A_159 = arith.constant 0 : i32
    %dma_wait3A_160 = arith.constant 0 : i32
    %dma_wait3A_161 = tpu.memref_slice %arg2[%arg0, %dma_wait3A_159, %dma_wait3A_160] : memref<2x10112x64xf32, #tpu.memory_space<hbm>> -> memref<1x10112x64xf32, #tpu.memory_space<hbm>>
    %dma_wait3A_162 = tpu.memref_squeeze %dma_wait3A_161 : memref<1x10112x64xf32, #tpu.memory_space<hbm>> -> memref<10112x64xf32, #tpu.memory_space<hbm>>
    %dma_wait3A_163 = arith.constant 0 : i32
    %dma_wait3A_164 = arith.constant 0 : i32
    %dma_wait3A_165 = tpu.memref_slice %dma_wait3A_162[%dma_wait3A_163, %dma_wait3A_164] : memref<10112x64xf32, #tpu.memory_space<hbm>> -> memref<10112x64xf32, #tpu.memory_space<hbm>>
    %dma_wait3A_166 = tpu.memref_slice %arg10[%dma_wait3A_151] : memref<4x!tpu.dma_semaphore, #tpu.memory_space<semaphore_mem>> -> memref<1x!tpu.dma_semaphore, #tpu.memory_space<semaphore_mem>>
    %dma_wait3A_167 = tpu.memref_squeeze %dma_wait3A_166 : memref<1x!tpu.dma_semaphore, #tpu.memory_space<semaphore_mem>> -> memref<!tpu.dma_semaphore, #tpu.memory_space<semaphore_mem>>
    tpu.wait_indirect_dma semaphore(%dma_wait3A_167 : memref<!tpu.dma_semaphore, #tpu.memory_space<semaphore_mem>>) src(%dma_wait3A_165 : memref<10112x64xf32, #tpu.memory_space<hbm>>) dst(%dma_wait3A_155 : memref<128x64xf32, #tpu.memory_space<vmem>>)
    %run_scoped3A_168 = arith.constant 3 : i32
    %run_scoped3A_169 = arith.constant 159 : i32
    "tpu.region"() ({
      %run_scoped3A_175 = tpu.sem_alloc : memref<!tpu.dma_semaphore, #tpu.memory_space<semaphore_mem>>
      %dma_start3A_176 = arith.constant 0 : i32
      %dma_start3A_177 = arith.constant 0 : i32
      %dma_start3A_178 = tpu.memref_slice %arg8[%run_scoped3A_168, %dma_start3A_176, %dma_start3A_177] : memref<4x128x64xf32, #tpu.memory_space<vmem>> -> memref<1x128x64xf32, #tpu.memory_space<vmem>>
      %dma_start3A_179 = tpu.memref_squeeze %dma_start3A_178 : memref<1x128x64xf32, #tpu.memory_space<vmem>> -> memref<128x64xf32, #tpu.memory_space<vmem>>
      %dma_start3A_180 = arith.constant 0 : i32
      %dma_start3A_181 = tpu.memref_slice %arg7[%run_scoped3A_169, %dma_start3A_180] : memref<160x128xi32, #tpu.memory_space<vmem>> -> memref<1x128xi32, #tpu.memory_space<vmem>>
      %dma_start3A_182 = tpu.memref_squeeze %dma_start3A_181 : memref<1x128xi32, #tpu.memory_space<vmem>> -> memref<128xi32, #tpu.memory_space<vmem>>
      %dma_start3A_183 = arith.constant 0 : i32
      %dma_start3A_184 = arith.constant 0 : i32
      %dma_start3A_185 = tpu.memref_slice %arg9[%dma_start3A_183, %dma_start3A_184] : memref<10112x64xf32, #tpu.memory_space<vmem_shared>> -> memref<10112x64xf32, #tpu.memory_space<vmem_shared>>
      tpu.enqueue_indirect_dma source(%dma_start3A_179 : memref<128x64xf32, #tpu.memory_space<vmem>>) target(%dma_start3A_185 : memref<10112x64xf32, #tpu.memory_space<vmem_shared>>) offsets(%dma_start3A_182 : memref<128xi32, #tpu.memory_space<vmem>>) semaphore(%run_scoped3A_175 : memref<!tpu.dma_semaphore, #tpu.memory_space<semaphore_mem>>) {add = true}
      %dma_wait3A_186 = arith.constant 0 : i32
      %dma_wait3A_187 = arith.constant 0 : i32
      %dma_wait3A_188 = tpu.memref_slice %arg8[%run_scoped3A_168, %dma_wait3A_186, %dma_wait3A_187] : memref<4x128x64xf32, #tpu.memory_space<vmem>> -> memref<1x128x64xf32, #tpu.memory_space<vmem>>
      %dma_wait3A_189 = tpu.memref_squeeze %dma_wait3A_188 : memref<1x128x64xf32, #tpu.memory_space<vmem>> -> memref<128x64xf32, #tpu.memory_space<vmem>>
      %dma_wait3A_190 = arith.constant 0 : i32
      %dma_wait3A_191 = tpu.memref_slice %arg7[%run_scoped3A_169, %dma_wait3A_190] : memref<160x128xi32, #tpu.memory_space<vmem>> -> memref<1x128xi32, #tpu.memory_space<vmem>>
      %dma_wait3A_192 = tpu.memref_squeeze %dma_wait3A_191 : memref<1x128xi32, #tpu.memory_space<vmem>> -> memref<128xi32, #tpu.memory_space<vmem>>
      %dma_wait3A_193 = arith.constant 0 : i32
      %dma_wait3A_194 = arith.constant 0 : i32
      %dma_wait3A_195 = tpu.memref_slice %arg9[%dma_wait3A_193, %dma_wait3A_194] : memref<10112x64xf32, #tpu.memory_space<vmem_shared>> -> memref<10112x64xf32, #tpu.memory_space<vmem_shared>>
      tpu.wait_indirect_dma semaphore(%run_scoped3A_175 : memref<!tpu.dma_semaphore, #tpu.memory_space<semaphore_mem>>) src(%dma_wait3A_189 : memref<128x64xf32, #tpu.memory_space<vmem>>) dst(%dma_wait3A_195 : memref<10112x64xf32, #tpu.memory_space<vmem_shared>>)
      tpu.yield
    }) : () -> ()
    %barrier3A_170 = arith.constant 0 : index
    tpu.barrier barrier_id(%barrier3A_170)
    %mul3A_171 = arith.constant 632 : i32
    %mul3A_172 = arith.muli %arg1, %mul3A_171 : i32
    %mul3A_173 = arith.constant 632 : i32
    %mul3A_174 = arith.muli %arg1, %mul3A_173 : i32
    "tpu.region"() ({
      %run_scoped3A_175 = tpu.sem_alloc : memref<!tpu.dma_semaphore, #tpu.memory_space<semaphore_mem>>
      %dma_start3A_176 = arith.constant 0 : i32
      %dma_start3A_177 = tpu.memref_slice %arg5[%arg0, %mul3A_174, %dma_start3A_176] : memref<2x10112x64xf32, #tpu.memory_space<hbm>> -> memref<1x632x64xf32, #tpu.memory_space<hbm>>
      %dma_start3A_178 = tpu.memref_squeeze %dma_start3A_177 : memref<1x632x64xf32, #tpu.memory_space<hbm>> -> memref<632x64xf32, #tpu.memory_space<hbm>>
      %dma_start3A_179 = arith.constant 0 : i32
      %dma_start3A_180 = tpu.memref_slice %arg9[%mul3A_172, %dma_start3A_179] : memref<10112x64xf32, #tpu.memory_space<vmem_shared>> -> memref<632x64xf32, #tpu.memory_space<vmem_shared>>
      tpu.enqueue_dma source(%dma_start3A_180 : memref<632x64xf32, #tpu.memory_space<vmem_shared>>) target(%dma_start3A_178 : memref<632x64xf32, #tpu.memory_space<hbm>>) target_semaphore(%run_scoped3A_175 : memref<!tpu.dma_semaphore, #tpu.memory_space<semaphore_mem>>)
      %dma_wait3A_181 = arith.constant 0 : i32
      %dma_wait3A_182 = tpu.memref_slice %arg5[%arg0, %mul3A_174, %dma_wait3A_181] : memref<2x10112x64xf32, #tpu.memory_space<hbm>> -> memref<1x632x64xf32, #tpu.memory_space<hbm>>
      %dma_wait3A_183 = tpu.memref_squeeze %dma_wait3A_182 : memref<1x632x64xf32, #tpu.memory_space<hbm>> -> memref<632x64xf32, #tpu.memory_space<hbm>>
      %dma_wait3A_184 = arith.constant 0 : i32
      %dma_wait3A_185 = tpu.memref_slice %arg9[%mul3A_172, %dma_wait3A_184] : memref<10112x64xf32, #tpu.memory_space<vmem_shared>> -> memref<632x64xf32, #tpu.memory_space<vmem_shared>>
      tpu.wait_dma2 semaphore(%run_scoped3A_175 : memref<!tpu.dma_semaphore, #tpu.memory_space<semaphore_mem>>) src(%dma_wait3A_185 : memref<632x64xf32, #tpu.memory_space<vmem_shared>>) dst(%dma_wait3A_183 : memref<632x64xf32, #tpu.memory_space<hbm>>)
      tpu.yield
    }) : () -> ()
    return
  }
}

module attributes {stable_mosaic.version = 14 : i64} {
  func.func @_pre_body(%arg0: memref<10000x128xf32, #tpu.memory_space<vmem>>, %arg1: memref<2x10112x8xf32, #tpu.memory_space<vmem>>, %arg2: memref<2x10112x64xf32, #tpu.memory_space<vmem>>, %arg3: memref<10112x1xf32, #tpu.memory_space<vmem>>, %arg4: memref<10112x1xf32, #tpu.memory_space<vmem>>) attributes {dimension_semantics = [], scalar_prefetch = 0 : i64, scratch_operands = 0 : i64, tpu.core_type = #tpu.core_type<tc>} {
    %get3A = arith.constant 0 : index
    %get3A_0 = arith.constant 0 : index
    %get3A_1 = arith.constant 0 : index
    %get3A_2 = vector.load %arg1[%get3A, %get3A_0, %get3A_1] : memref<2x10112x8xf32, #tpu.memory_space<vmem>>, vector<1x10112x1xf32>
    %get3A_3 = vector.shape_cast %get3A_2 : vector<1x10112x1xf32> to vector<10112x1xf32>
    %get3A_4 = arith.constant 1 : index
    %get3A_5 = arith.constant 0 : index
    %get3A_6 = arith.constant 0 : index
    %get3A_7 = vector.load %arg1[%get3A_4, %get3A_5, %get3A_6] : memref<2x10112x8xf32, #tpu.memory_space<vmem>>, vector<1x10112x1xf32>
    %get3A_8 = vector.shape_cast %get3A_7 : vector<1x10112x1xf32> to vector<10112x1xf32>
    %add3A = arith.addf %get3A_3, %get3A_8 : vector<10112x1xf32>
    %add3A_9 = arith.constant 1.000000e+00 : f32
    %add3A_10 = vector.broadcast %add3A_9 : f32 to vector<10112x1xf32>
    %add3A_11 = arith.addf %add3A, %add3A_10 : vector<10112x1xf32>
    %gt3A = arith.constant 0.000000e+00 : f32
    %gt3A_12 = vector.broadcast %gt3A : f32 to vector<10112x1xf32>
    %gt3A_13 = arith.cmpf ogt, %add3A_11, %gt3A_12 : vector<10112x1xf32>
    %rsqrt3A = math.rsqrt %add3A_11 : vector<10112x1xf32>
    %jit3A = arith.constant 0.000000e+00 : f32
    %broadcast_in_dim3A = vector.broadcast %jit3A : f32 to vector<10112x1xf32>
    %select_n3A = arith.select %gt3A_13, %rsqrt3A, %broadcast_in_dim3A : vector<10112x1xi1>, vector<10112x1xf32>
    %swap3A = arith.constant 0 : index
    %swap3A_14 = arith.constant 0 : index
    %swap3A_15 = vector.load %arg3[%swap3A, %swap3A_14] : memref<10112x1xf32, #tpu.memory_space<vmem>>, vector<10112x1xf32>
    tpu.vector_store %arg3[%swap3A, %swap3A_14], %select_n3A {strides = array<i32>} : memref<10112x1xf32, #tpu.memory_space<vmem>>, vector<10112x1xf32>,
    %mul3A = arith.mulf %select_n3A, %select_n3A : vector<10112x1xf32>
    %swap3A_16 = arith.constant 0 : index
    %swap3A_17 = arith.constant 0 : index
    %swap3A_18 = vector.load %arg4[%swap3A_16, %swap3A_17] : memref<10112x1xf32, #tpu.memory_space<vmem>>, vector<10112x1xf32>
    tpu.vector_store %arg4[%swap3A_16, %swap3A_17], %mul3A {strides = array<i32>} : memref<10112x1xf32, #tpu.memory_space<vmem>>, vector<10112x1xf32>,
    %get3A_19 = arith.constant 0 : index
    %get3A_20 = arith.constant 0 : index
    %get3A_21 = vector.load %arg0[%get3A_19, %get3A_20] : memref<10000x128xf32, #tpu.memory_space<vmem>>, vector<10000x128xf32>
    %slice3A = vector.extract_strided_slice %select_n3A {offsets = [0, 0], sizes = [10000, 1], strides = [1, 1]} : vector<10112x1xf32> to vector<10000x1xf32>
    %mul3A_22 = vector.broadcast %slice3A : vector<10000x1xf32> to vector<10000x128xf32>
    %mul3A_23 = arith.mulf %get3A_21, %mul3A_22 : vector<10000x128xf32>
    %slice3A_24 = vector.extract_strided_slice %mul3A_23 {offsets = [0, 0], sizes = [10000, 64], strides = [1, 1]} : vector<10000x128xf32> to vector<10000x64xf32>
    %swap3A_25 = arith.constant 0 : index
    %swap3A_26 = arith.constant 0 : index
    %swap3A_27 = arith.constant 0 : index
    %swap3A_28 = vector.load %arg2[%swap3A_25, %swap3A_26, %swap3A_27] : memref<2x10112x64xf32, #tpu.memory_space<vmem>>, vector<1x10000x64xf32>
    %swap3A_29 = vector.shape_cast %swap3A_28 : vector<1x10000x64xf32> to vector<10000x64xf32>
    %swap3A_30 = vector.shape_cast %slice3A_24 : vector<10000x64xf32> to vector<1x10000x64xf32>
    tpu.vector_store %arg2[%swap3A_25, %swap3A_26, %swap3A_27], %swap3A_30 {strides = array<i32>} : memref<2x10112x64xf32, #tpu.memory_space<vmem>>, vector<1x10000x64xf32>,
    %slice3A_31 = vector.extract_strided_slice %mul3A_23 {offsets = [0, 64], sizes = [10000, 64], strides = [1, 1]} : vector<10000x128xf32> to vector<10000x64xf32>
    %swap3A_32 = arith.constant 1 : index
    %swap3A_33 = arith.constant 0 : index
    %swap3A_34 = arith.constant 0 : index
    %swap3A_35 = vector.load %arg2[%swap3A_32, %swap3A_33, %swap3A_34] : memref<2x10112x64xf32, #tpu.memory_space<vmem>>, vector<1x10000x64xf32>
    %swap3A_36 = vector.shape_cast %swap3A_35 : vector<1x10000x64xf32> to vector<10000x64xf32>
    %swap3A_37 = vector.shape_cast %slice3A_31 : vector<10000x64xf32> to vector<1x10000x64xf32>
    tpu.vector_store %arg2[%swap3A_32, %swap3A_33, %swap3A_34], %swap3A_37 {strides = array<i32>} : memref<2x10112x64xf32, #tpu.memory_space<vmem>>, vector<1x10000x64xf32>,
    %broadcast_in_dim3A_38 = arith.constant 0.000000e+00 : f32
    %broadcast_in_dim3A_39 = vector.broadcast %broadcast_in_dim3A_38 : f32 to vector<112x64xf32>
    %swap3A_40 = arith.constant 0 : index
    %swap3A_41 = arith.constant 10000 : index
    %swap3A_42 = arith.constant 0 : index
    %swap3A_43 = vector.load %arg2[%swap3A_40, %swap3A_41, %swap3A_42] : memref<2x10112x64xf32, #tpu.memory_space<vmem>>, vector<1x112x64xf32>
    %swap3A_44 = vector.shape_cast %swap3A_43 : vector<1x112x64xf32> to vector<112x64xf32>
    %swap3A_45 = vector.shape_cast %broadcast_in_dim3A_39 : vector<112x64xf32> to vector<1x112x64xf32>
    tpu.vector_store %arg2[%swap3A_40, %swap3A_41, %swap3A_42], %swap3A_45 {strides = array<i32>} : memref<2x10112x64xf32, #tpu.memory_space<vmem>>, vector<1x112x64xf32>,
    %broadcast_in_dim3A_46 = arith.constant 0.000000e+00 : f32
    %broadcast_in_dim3A_47 = vector.broadcast %broadcast_in_dim3A_46 : f32 to vector<112x64xf32>
    %swap3A_48 = arith.constant 1 : index
    %swap3A_49 = arith.constant 10000 : index
    %swap3A_50 = arith.constant 0 : index
    %swap3A_51 = vector.load %arg2[%swap3A_48, %swap3A_49, %swap3A_50] : memref<2x10112x64xf32, #tpu.memory_space<vmem>>, vector<1x112x64xf32>
    %swap3A_52 = vector.shape_cast %swap3A_51 : vector<1x112x64xf32> to vector<112x64xf32>
    %swap3A_53 = vector.shape_cast %broadcast_in_dim3A_47 : vector<112x64xf32> to vector<1x112x64xf32>
    tpu.vector_store %arg2[%swap3A_48, %swap3A_49, %swap3A_50], %swap3A_53 {strides = array<i32>} : memref<2x10112x64xf32, #tpu.memory_space<vmem>>, vector<1x112x64xf32>,
    return
  }
}

module attributes {stable_mosaic.version = 14 : i64} {
  func.func @_mid_body(%arg0: memref<2x10112x64xf32, #tpu.memory_space<vmem>>, %arg1: memref<10112x1xf32, #tpu.memory_space<vmem>>, %arg2: memref<2x10112x64xf32, #tpu.memory_space<vmem>>) attributes {dimension_semantics = [], scalar_prefetch = 0 : i64, scratch_operands = 0 : i64, tpu.core_type = #tpu.core_type<tc>} {
    %get3A = arith.constant 0 : index
    %get3A_0 = arith.constant 0 : index
    %get3A_1 = arith.constant 0 : index
    %get3A_2 = vector.load %arg0[%get3A, %get3A_0, %get3A_1] : memref<2x10112x64xf32, #tpu.memory_space<vmem>>, vector<1x10112x64xf32>
    %get3A_3 = vector.shape_cast %get3A_2 : vector<1x10112x64xf32> to vector<10112x64xf32>
    %get3A_4 = arith.constant 0 : index
    %get3A_5 = arith.constant 0 : index
    %get3A_6 = vector.load %arg1[%get3A_4, %get3A_5] : memref<10112x1xf32, #tpu.memory_space<vmem>>, vector<10112x1xf32>
    %mul3A = vector.broadcast %get3A_6 : vector<10112x1xf32> to vector<10112x64xf32>
    %mul3A_7 = arith.mulf %get3A_3, %mul3A : vector<10112x64xf32>
    %swap3A = arith.constant 0 : index
    %swap3A_8 = arith.constant 0 : index
    %swap3A_9 = arith.constant 0 : index
    %swap3A_10 = vector.load %arg2[%swap3A, %swap3A_8, %swap3A_9] : memref<2x10112x64xf32, #tpu.memory_space<vmem>>, vector<1x10112x64xf32>
    %swap3A_11 = vector.shape_cast %swap3A_10 : vector<1x10112x64xf32> to vector<10112x64xf32>
    %swap3A_12 = vector.shape_cast %mul3A_7 : vector<10112x64xf32> to vector<1x10112x64xf32>
    tpu.vector_store %arg2[%swap3A, %swap3A_8, %swap3A_9], %swap3A_12 {strides = array<i32>} : memref<2x10112x64xf32, #tpu.memory_space<vmem>>, vector<1x10112x64xf32>,
    %get3A_13 = arith.constant 1 : index
    %get3A_14 = arith.constant 0 : index
    %get3A_15 = arith.constant 0 : index
    %get3A_16 = vector.load %arg0[%get3A_13, %get3A_14, %get3A_15] : memref<2x10112x64xf32, #tpu.memory_space<vmem>>, vector<1x10112x64xf32>
    %get3A_17 = vector.shape_cast %get3A_16 : vector<1x10112x64xf32> to vector<10112x64xf32>
    %get3A_18 = arith.constant 0 : index
    %get3A_19 = arith.constant 0 : index
    %get3A_20 = vector.load %arg1[%get3A_18, %get3A_19] : memref<10112x1xf32, #tpu.memory_space<vmem>>, vector<10112x1xf32>
    %mul3A_21 = vector.broadcast %get3A_20 : vector<10112x1xf32> to vector<10112x64xf32>
    %mul3A_22 = arith.mulf %get3A_17, %mul3A_21 : vector<10112x64xf32>
    %swap3A_23 = arith.constant 1 : index
    %swap3A_24 = arith.constant 0 : index
    %swap3A_25 = arith.constant 0 : index
    %swap3A_26 = vector.load %arg2[%swap3A_23, %swap3A_24, %swap3A_25] : memref<2x10112x64xf32, #tpu.memory_space<vmem>>, vector<1x10112x64xf32>
    %swap3A_27 = vector.shape_cast %swap3A_26 : vector<1x10112x64xf32> to vector<10112x64xf32>
    %swap3A_28 = vector.shape_cast %mul3A_22 : vector<10112x64xf32> to vector<1x10112x64xf32>
    tpu.vector_store %arg2[%swap3A_23, %swap3A_24, %swap3A_25], %swap3A_28 {strides = array<i32>} : memref<2x10112x64xf32, #tpu.memory_space<vmem>>, vector<1x10112x64xf32>,
    return
  }
}

module attributes {stable_mosaic.version = 14 : i64} {
  func.func @_mm1_body(%arg0: memref<2x10112x64xf32, #tpu.memory_space<vmem>>, %arg1: memref<10112x1xf32, #tpu.memory_space<vmem>>, %arg2: memref<128x128xf32, #tpu.memory_space<vmem>>, %arg3: memref<1x128xf32, #tpu.memory_space<vmem>>, %arg4: memref<2x10112x64xf32, #tpu.memory_space<vmem>>) attributes {dimension_semantics = [], scalar_prefetch = 0 : i64, scratch_operands = 0 : i64, tpu.core_type = #tpu.core_type<tc>} {
    %get3A = arith.constant 0 : index
    %get3A_0 = arith.constant 0 : index
    %get3A_1 = arith.constant 0 : index
    %get3A_2 = vector.load %arg0[%get3A, %get3A_0, %get3A_1] : memref<2x10112x64xf32, #tpu.memory_space<vmem>>, vector<1x10112x64xf32>
    %get3A_3 = vector.shape_cast %get3A_2 : vector<1x10112x64xf32> to vector<10112x64xf32>
    %get3A_4 = arith.constant 1 : index
    %get3A_5 = arith.constant 0 : index
    %get3A_6 = arith.constant 0 : index
    %get3A_7 = vector.load %arg0[%get3A_4, %get3A_5, %get3A_6] : memref<2x10112x64xf32, #tpu.memory_space<vmem>>, vector<1x10112x64xf32>
    %get3A_8 = vector.shape_cast %get3A_7 : vector<1x10112x64xf32> to vector<10112x64xf32>
    %concatenate3A = tpu.concatenate %get3A_3, %get3A_8 in 1 : vector<10112x64xf32>, vector<10112x64xf32> -> vector<10112x128xf32>
    %get3A_9 = arith.constant 0 : index
    %get3A_10 = arith.constant 0 : index
    %get3A_11 = vector.load %arg1[%get3A_9, %get3A_10] : memref<10112x1xf32, #tpu.memory_space<vmem>>, vector<10112x1xf32>
    %mul3A = vector.broadcast %get3A_11 : vector<10112x1xf32> to vector<10112x128xf32>
    %mul3A_12 = arith.mulf %concatenate3A, %mul3A : vector<10112x128xf32>
    %get3A_13 = arith.constant 0 : index
    %get3A_14 = arith.constant 0 : index
    %get3A_15 = vector.load %arg2[%get3A_13, %get3A_14] : memref<128x128xf32, #tpu.memory_space<vmem>>, vector<128x128xf32>
    %dot_general3A = arith.constant dense<0.000000e+00> : vector<10112x128xf32>
    %dot_general3A_16 = tpu.matmul %mul3A_12, %get3A_15, %dot_general3A {dimension_numbers = #tpu.dot_dimension_numbers<[1], [0], [0], [1], [0, 0, 1, 1], [], []>, transpose_lhs_hint = false} : vector<10112x128xf32>, vector<128x128xf32>, vector<10112x128xf32> -> vector<10112x128xf32>
    %get3A_17 = arith.constant 0 : index
    %get3A_18 = arith.constant 0 : index
    %get3A_19 = vector.load %arg3[%get3A_17, %get3A_18] : memref<1x128xf32, #tpu.memory_space<vmem>>, vector<1x128xf32>
    %add3A = vector.broadcast %get3A_19 : vector<1x128xf32> to vector<10112x128xf32>
    %add3A_20 = arith.addf %dot_general3A_16, %add3A : vector<10112x128xf32>
    %max3A = arith.constant 0.000000e+00 : f32
    %max3A_21 = vector.broadcast %max3A : f32 to vector<10112x128xf32>
    %max3A_22 = arith.maximumf %add3A_20, %max3A_21 : vector<10112x128xf32>
    %get3A_23 = arith.constant 0 : index
    %get3A_24 = arith.constant 0 : index
    %get3A_25 = vector.load %arg1[%get3A_23, %get3A_24] : memref<10112x1xf32, #tpu.memory_space<vmem>>, vector<10112x1xf32>
    %mul3A_26 = vector.broadcast %get3A_25 : vector<10112x1xf32> to vector<10112x128xf32>
    %mul3A_27 = arith.mulf %max3A_22, %mul3A_26 : vector<10112x128xf32>
    %slice3A = vector.extract_strided_slice %mul3A_27 {offsets = [0, 0], sizes = [10112, 64], strides = [1, 1]} : vector<10112x128xf32> to vector<10112x64xf32>
    %swap3A = arith.constant 0 : index
    %swap3A_28 = arith.constant 0 : index
    %swap3A_29 = arith.constant 0 : index
    %swap3A_30 = vector.load %arg4[%swap3A, %swap3A_28, %swap3A_29] : memref<2x10112x64xf32, #tpu.memory_space<vmem>>, vector<1x10112x64xf32>
    %swap3A_31 = vector.shape_cast %swap3A_30 : vector<1x10112x64xf32> to vector<10112x64xf32>
    %swap3A_32 = vector.shape_cast %slice3A : vector<10112x64xf32> to vector<1x10112x64xf32>
    tpu.vector_store %arg4[%swap3A, %swap3A_28, %swap3A_29], %swap3A_32 {strides = array<i32>} : memref<2x10112x64xf32, #tpu.memory_space<vmem>>, vector<1x10112x64xf32>,
    %slice3A_33 = vector.extract_strided_slice %mul3A_27 {offsets = [0, 64], sizes = [10112, 64], strides = [1, 1]} : vector<10112x128xf32> to vector<10112x64xf32>
    %swap3A_34 = arith.constant 1 : index
    %swap3A_35 = arith.constant 0 : index
    %swap3A_36 = arith.constant 0 : index
    %swap3A_37 = vector.load %arg4[%swap3A_34, %swap3A_35, %swap3A_36] : memref<2x10112x64xf32, #tpu.memory_space<vmem>>, vector<1x10112x64xf32>
    %swap3A_38 = vector.shape_cast %swap3A_37 : vector<1x10112x64xf32> to vector<10112x64xf32>
    %swap3A_39 = vector.shape_cast %slice3A_33 : vector<10112x64xf32> to vector<1x10112x64xf32>
    tpu.vector_store %arg4[%swap3A_34, %swap3A_35, %swap3A_36], %swap3A_39 {strides = array<i32>} : memref<2x10112x64xf32, #tpu.memory_space<vmem>>, vector<1x10112x64xf32>,
    return
  }
}

module attributes {stable_mosaic.version = 14 : i64} {
  func.func @_mm2_body(%arg0: memref<2x10112x64xf32, #tpu.memory_space<vmem>>, %arg1: memref<10112x1xf32, #tpu.memory_space<vmem>>, %arg2: memref<128x128xf32, #tpu.memory_space<vmem>>, %arg3: memref<1x128xf32, #tpu.memory_space<vmem>>, %arg4: memref<10000x128xf32, #tpu.memory_space<vmem>>) attributes {dimension_semantics = [], scalar_prefetch = 0 : i64, scratch_operands = 0 : i64, tpu.core_type = #tpu.core_type<tc>} {
    %get3A = arith.constant 0 : index
    %get3A_0 = arith.constant 0 : index
    %get3A_1 = arith.constant 0 : index
    %get3A_2 = vector.load %arg0[%get3A, %get3A_0, %get3A_1] : memref<2x10112x64xf32, #tpu.memory_space<vmem>>, vector<1x10112x64xf32>
    %get3A_3 = vector.shape_cast %get3A_2 : vector<1x10112x64xf32> to vector<10112x64xf32>
    %slice3A = vector.extract_strided_slice %get3A_3 {offsets = [0, 0], sizes = [10000, 64], strides = [1, 1]} : vector<10112x64xf32> to vector<10000x64xf32>
    %get3A_4 = arith.constant 1 : index
    %get3A_5 = arith.constant 0 : index
    %get3A_6 = arith.constant 0 : index
    %get3A_7 = vector.load %arg0[%get3A_4, %get3A_5, %get3A_6] : memref<2x10112x64xf32, #tpu.memory_space<vmem>>, vector<1x10112x64xf32>
    %get3A_8 = vector.shape_cast %get3A_7 : vector<1x10112x64xf32> to vector<10112x64xf32>
    %slice3A_9 = vector.extract_strided_slice %get3A_8 {offsets = [0, 0], sizes = [10000, 64], strides = [1, 1]} : vector<10112x64xf32> to vector<10000x64xf32>
    %concatenate3A = tpu.concatenate %slice3A, %slice3A_9 in 1 : vector<10000x64xf32>, vector<10000x64xf32> -> vector<10000x128xf32>
    %get3A_10 = arith.constant 0 : index
    %get3A_11 = arith.constant 0 : index
    %get3A_12 = vector.load %arg1[%get3A_10, %get3A_11] : memref<10112x1xf32, #tpu.memory_space<vmem>>, vector<10000x1xf32>
    %mul3A = vector.broadcast %get3A_12 : vector<10000x1xf32> to vector<10000x128xf32>
    %mul3A_13 = arith.mulf %concatenate3A, %mul3A : vector<10000x128xf32>
    %get3A_14 = arith.constant 0 : index
    %get3A_15 = arith.constant 0 : index
    %get3A_16 = vector.load %arg2[%get3A_14, %get3A_15] : memref<128x128xf32, #tpu.memory_space<vmem>>, vector<128x128xf32>
    %dot_general3A = arith.constant dense<0.000000e+00> : vector<10000x128xf32>
    %dot_general3A_17 = tpu.matmul %mul3A_13, %get3A_16, %dot_general3A {dimension_numbers = #tpu.dot_dimension_numbers<[1], [0], [0], [1], [0, 0, 1, 1], [], []>, transpose_lhs_hint = false} : vector<10000x128xf32>, vector<128x128xf32>, vector<10000x128xf32> -> vector<10000x128xf32>
    %get3A_18 = arith.constant 0 : index
    %get3A_19 = arith.constant 0 : index
    %get3A_20 = vector.load %arg3[%get3A_18, %get3A_19] : memref<1x128xf32, #tpu.memory_space<vmem>>, vector<1x128xf32>
    %add3A = vector.broadcast %get3A_20 : vector<1x128xf32> to vector<10000x128xf32>
    %add3A_21 = arith.addf %dot_general3A_17, %add3A : vector<10000x128xf32>
    %swap3A = arith.constant 0 : index
    %swap3A_22 = arith.constant 0 : index
    %swap3A_23 = vector.load %arg4[%swap3A, %swap3A_22] : memref<10000x128xf32, #tpu.memory_space<vmem>>, vector<10000x128xf32>
    tpu.vector_store %arg4[%swap3A, %swap3A_22], %add3A_21 {strides = array<i32>} : memref<10000x128xf32, #tpu.memory_space<vmem>>, vector<10000x128xf32>,
    return
  }
}

</mosaic_0001>

<sc_bundles>
// kernel: kernel.12.cloned.1.call-start
scs
__scs_entry_jumppad:
0x0: {  	(pc) =	sbr.rel $0x88, $3  }
0x1: {  	(tag) =	ssettag $0x0;
	lr =	simm.s32 $0x1  }
0x2: {  	[smem:$0x3F9B] =	sst lr;
	_ =	strace $0xD0000000  }
0x3: {  	_ = 	snop  }
0x4: {  	_ = 	snop  }
0x5: {  	_ = 	snop  }
0x6: {  	_ = 	snop  }
0x7: {  	_ = 	snop  }
__scs_overlays_trampoline_lowered:
0x8: {  	[smem:$0x3FAA] =	sst s0  }
0x9: {  	[smem:$0x3FAB] =	sst s1  }
0xa: {  	[smem:$0x3FAC] =	sst s2  }
0xb: {  	[smem:$0x3FAD] =	sst s3  }
0xc: {  	[smem:$0x3FAE] =	sst s4  }
0xd: {  	[smem:$0x3FAF] =	sst s5  }
0xe: {  	[smem:$0x3FB0] =	sst s6  }
0xf: {  	[smem:$0x3FB1] =	sst s7  }
0x10: {  	[smem:$0x3FB2] =	sst s8  }
0x11: {  	[smem:$0x3FB3] =	sst s9;
	s0 =	simm.s32 @!p0 $0x0  }
0x12: {  	s1 =	sld [smem:$0x3F99];
	s0 =	simm.s32 @p0 $0x1  }
0x13: {  	[smem:$0x3FB4] =	sst s0;
	s0 =	simm.s32 @!p1 $0x0  }
0x14: {  	s2 =	sld [smem:$0x3F98];
	s0 =	simm.s32 @p1 $0x1  }
0x15: {  	[smem:$0x3FB5] =	sst s0;
	s0 =	simm.s32 @!p2 $0x0  }
0x16: {  	s3 =	sld [smem:$0x3FDB];
	s0 =	simm.s32 @p2 $0x1  }
0x17: {  	s4 =	simm.s32 $0x1BF5;
	[smem:$0x3FB7] =	sst s0  }
0x18: {  	s0 =	sld [smem:$0x3F9A];
	_ =	swait.ge [sflag:s4], $0x0  }
0x19: {  	s7 =	sld [smem:$0x3F9B]  }
0x1a: {  	s8 =	sadd.s32 $0xFFFFE003, lr  }
0x1b: {  	s9 =	sadd.s32 $0xFFFFFEF7, lr;
	s5 =	simm.s32 $0xFFFFFFFF;
	p2 =	slt.u32 s8, $0xFFFFF086  }
0x1c: {  	p1 =	slt.u32 s9, $0xF7A;
	s5 =	simm.s32 @!p2 $0x0  }
0x1d: {  	s5 =	simm.s32 @p1 $0x1;
	p0 =	seq.s32 s7, s2  }
0x1e: {  	s7 =	smul.u32 @!p0 $0xF7A, s2;
	p2 =	seq.s32 @!p0 s5, $0x0  }
0x1f: {  	s9 =	smul.u32 $0xF7A, s1;
	s8 =	simm.s32 @!p0 $0x1BF5;
	p2 =	por !p2, p0  }
0x20: {  	[sflag:s8] =	ssyncset.s32 @!p0 $0xFFFFF086;
	s6 =	sadd.s32 @!p0 s3, s7;
	s7 =	simm.s32 @!p0 $0x108  }
0x21: {  	s3 =	sadd.s32 s3, s9;
	s6 =	sadd.s32 @!p0 $0x88, s6;
	s7 =	simm.s32 @p2 $0x1082  }
0x22: {  	[simem:s7], [sflag:s8] =	dma.local @!p0 [hbm:s6], $0xF7A  }
0x23: {  	s9 =	sor.u32 $0xD0000000, s2;
	s6 =	simm.s32 $0x108;
	_ =	swait.ge @!p0 [sflag:s8], $0x0  }
0x24: {  	s3 =	sadd.s32 $0x88, s3;
	s6 =	simm.s32 @!p1 $0x1082;
	[sflag:s4] =	ssyncset.s32 $0xFFFFF086  }
0x25: {  	[simem:s6], [sflag:s4] =	dma.local [hbm:s3], $0xF7A  }
0x26: {  	[smem:$0x3F9B] =	sst s1;
	(tag) =	ssettag s2;
	_ =	strace s9  }
0x27: {  	s1 =	sld [smem:$0x3FAB]  }
0x28: {  	s2 =	sld [smem:$0x3FAC]  }
0x29: {  	s4 =	sld [smem:$0x3FAE]  }
0x2a: {  	p0 =	seq.s32 s5, $0x0;
	s5 =	sld [smem:$0x3FAF]  }
0x2b: {  	s6 =	sld [smem:$0x3FB0]  }
0x2c: {  	s7 =	sld [smem:$0x3FB1]  }
0x2d: {  	s3 =	simm.s32 $0x108;
	s8 =	sld [smem:$0x3FB2]  }
0x2e: {  	s3 =	simm.s32 @!p0 $0x1082;
	s9 =	sld [smem:$0x3FB3]  }
0x2f: {  	lr =	sadd.s32 s0, s3;
	s0 =	sld [smem:$0x3FAA]  }
0x30: {  	s3 =	sld [smem:$0x3FAD]  }
0x31: {  	[smem:$0x3FB6] =	sst s10  }
0x32: {  	s10 =	sld [smem:$0x3FB4];
	_ =	sdelay $0x3  }
0x33: {  	p0 =	seq.s32 s10, $0x1;
	s10 =	sld [smem:$0x3FB6];
	_ =	sdelay $0x3  }
0x34: {  	[smem:$0x3FB6] =	sst s10  }
0x35: {  	s10 =	sld [smem:$0x3FB5];
	_ =	sdelay $0x3  }
0x36: {  	p1 =	seq.s32 s10, $0x1;
	s10 =	sld [smem:$0x3FB6];
	_ =	sdelay $0x3  }
0x37: {  	[smem:$0x3FB6] =	sst s10  }
0x38: {  	s10 =	sld [smem:$0x3FB7]  }
0x39: {  	_ = 	snop;
	(pc) =	sbr.ind lr, $3  }
0x3a: {  	_ = 	snop  }
0x3b: {  	_ = 	snop  }
0x3c: {  	p2 =	seq.s32 s10, $0x1;
	s10 =	sld [smem:$0x3FB6]  }
0x3d: {  	_ =	shalt  }
0x3e: {  	_ =	shalt  }
0x3f: {  	_ =	shalt  }
0x40: {  	_ =	shalt  }
0x41: {  	_ =	shalt  }
0x42: {  	_ =	shalt  }
0x43: {  	_ =	shalt  }
0x44: {  	_ =	shalt  }
0x45: {  	_ =	shalt  }
0x46: {  	_ =	shalt  }
0x47: {  	_ =	shalt  }
0x48: {  	_ =	shalt  }
0x49: {  	_ =	shalt  }
0x4a: {  	_ =	shalt  }
0x4b: {  	_ =	shalt  }
0x4c: {  	_ =	shalt  }
0x4d: {  	_ =	shalt  }
0x4e: {  	_ =	shalt  }
0x4f: {  	_ =	shalt  }
0x50: {  	_ =	shalt  }
0x51: {  	_ =	shalt  }
0x52: {  	_ =	shalt  }
0x53: {  	_ =	shalt  }
0x54: {  	_ =	shalt  }
0x55: {  	_ =	shalt  }
0x56: {  	_ =	shalt  }
0x57: {  	_ =	shalt  }
0x58: {  	_ =	shalt  }
0x59: {  	_ =	shalt  }
0x5a: {  	_ =	shalt  }
0x5b: {  	_ =	shalt  }
0x5c: {  	_ =	shalt  }
0x5d: {  	_ =	shalt  }
0x5e: {  	_ =	shalt  }
0x5f: {  	_ =	shalt  }
0x60: {  	_ =	shalt  }
0x61: {  	_ =	shalt  }
0x62: {  	_ =	shalt  }
0x63: {  	_ =	shalt  }
0x64: {  	_ =	shalt  }
0x65: {  	_ =	shalt  }
0x66: {  	_ =	shalt  }
0x67: {  	_ =	shalt  }
0x68: {  	_ =	shalt  }
0x69: {  	_ =	shalt  }
0x6a: {  	_ =	shalt  }
0x6b: {  	_ =	shalt  }
0x6c: {  	_ =	shalt  }
0x6d: {  	_ =	shalt  }
0x6e: {  	_ =	shalt  }
0x6f: {  	_ =	shalt  }
0x70: {  	_ =	shalt  }
0x71: {  	_ =	shalt  }
0x72: {  	_ =	shalt  }
0x73: {  	_ =	shalt  }
0x74: {  	_ =	shalt  }
0x75: {  	_ =	shalt  }
0x76: {  	_ =	shalt  }
0x77: {  	_ =	shalt  }
0x78: {  	_ =	shalt  }
0x79: {  	_ =	shalt  }
0x7a: {  	_ =	shalt  }
0x7b: {  	_ =	shalt  }
0x7c: {  	_ =	shalt  }
0x7d: {  	_ =	shalt  }
0x7e: {  	_ =	shalt  }
0x7f: {  	_ =	shalt  }
0x80: {  	_ =	shalt  }
0x81: {  	_ =	shalt  }
0x82: {  	_ =	shalt  }
0x83: {  	_ =	shalt  }
0x84: {  	_ =	shalt  }
0x85: {  	_ =	shalt  }
0x86: {  	_ =	shalt  }
0x87: {  	_ =	shalt  }
.Lfunc_end0:
.L_simem_size_0:
called_computation_lowered:
.L_overlay_start_0:
0x88: {  	s2 =	sld [smem:$0x3FD9]  }
0x89: {  	s3 =	sld [smem:$0x3FFE];
	_ =	sdelay $0x1  }
0x8a: {  	s1 =	srdreg.scid  }
0x8b: {  	s0 =	sand.u32 $0x1, s1  }
0x8c: {  	s17 =	sshll.u32 s0, $0xA;
	s2 =	sadd.s32 s3, s2  }
0x8d: {  	s2 =	sadd.s32 s2, s17  }
0x8e: {  	[smem:$0x3FC2] =	sst s2  }
0x8f: {  	_ = 	snop  }
0x90: {  	s2 =	sld [smem:$0x3FD0];
	(tm) =	ssettm $0x1  }
0x91: {  	s18 =	sld [smem:$0x3FFB];
	_ =	sdelay $0x3  }
0x92: {  	_ =	strace s18  }
0x93: {  	s3 =	sld [smem:$0x3FFC];
	_ =	sdelay $0x3  }
0x94: {  	_ =	strace s3  }
0x95: {  	s3 =	sld [smem:$0x3FFD];
	_ =	sdelay $0x3  }
0x96: {  	_ =	strace s3  }
0x97: {  	_ =	strace $0x8FFFFFFF  }
0x98: {  	s19 =	sld [smem:$0x3FDB];
	_ =	sdelay $0x1  }
0x99: {  	s4 =	simm.s32 $_scs_section_size  }
0x9a: {  	s5 =	simm.s32 $_size__tile_overlayer_lowered;
	s6 =	simm.s32 $_tile_overlayer_lowered  }
0x9b: {  	s22 =	simm.s32 $0x1BFF;
	s21 =	sshll.u32 s6, $0x1;
	s3 =	sadd.s32 s4, s19  }
0x9c: {  	s7 =	simm.s32 $0x0;
	s20 =	sshll.u32 s5, $0x1;
	s5 =	sadd.s32 s21, s3  }
0x9d: {  	[timem:s7], [sflag:s22] =	dma.local [hbm:s5], s20  }
0x9e: {  	_ =	swait.ge [sflag:s22], s20  }
0x9f: {  	s4 =	ssub.s32 $0x0, s20;
	[sflag:s22] =	ssyncset.done $0x0  }
0xa0: {  	[sflag:s22] =	ssyncadd.s32 s4;
	_ =	sdelay $0x1  }
0xa1: {  	s23 =	simm.s32 $0x1B8B  }
0xa2: {  	_ =	swait.ge [sflag:s23], $0x1  }
0xa3: {  	[sflag:s23] =	ssyncset.done $0x0  }
0xa4: {  	s25 =	simm.s32 $0x1B8E;
	s24 =	sld [smem:$0x3FFE];
	[sflag:s23] =	ssyncadd.s32 $0xFFFFFFFF  }
0xa5: {  	s26 =	simm.s32 $execute0_lowered;
	[smem:$0x3FD2] =	sst s25  }
0xa6: {  	s5 =	sshll.u32 s26, $0x1;
	_ =	strace $0x80000046;
	[dreg:$0x1] =	wrdreg $0xFFFFFFFF  }
0xa7: {  	s28 =	simm.s32 $_size_execute0_lowered;
	s3 =	sadd.s32 s3, s5;
	[dreg:$0x0] =	wrdreg $0x0  }
0xa8: {  	s5 =	sshll.u32 s28, $0x1;
	[dreg:$0x2] =	wrdreg s3  }
0xa9: {  	[dreg:$0x3] =	wrdreg s5  }
0xaa: {  	[dreg:$0x4] =	wrdreg $0xC0  }
0xab: {  	_ =	task [dreg:s7], $0x5FFFF  }
0xac: {  	[dreg:$0x1] =	wrdreg $0xFFFFFFFF  }
0xad: {  	[dreg:$0x0] =	wrdreg $0x60  }
0xae: {  	[dreg:$0x2] =	wrdreg s2  }
0xaf: {  	[dreg:$0x3] =	wrdreg s24  }
0xb0: {  	[dreg:$0x4] =	wrdreg $0x2C000  }
0xb1: {  	[dreg:$0x5] =	wrdreg $0x9  }
0xb2: {  	_ =	task.clear_ibuf [dreg:s7], $0x6FFFF;
	_ =	strace $0x90000046  }
0xb3: {  	s29 =	simm.s32 $0x9;
	_ =	strace $0x80000048  }
0xb4: {  	_ =	swait.ge [sflag:s29], $0x1  }
0xb5: {  	[sflag:s29] =	ssyncadd.s32 $0xFFFFFFFF  }
0xb6: {  	_ =	strace $0x90000048  }
0xb7: {  	_ =	sfence  }
0xb8: {  	s30 =	sld [smem:$0x0];
	_ =	sdelay $0x2  }
0xb9: {  	s31 =	sshll.u32 s1, $0xD;
	s1 =	sshrl.u32 s1, $0x2  }
0xba: {  	s3 =	sand.u32 $0x4000, s31;
	s1 =	sadd.s32 s1, s30  }
0xbb: {  	s0 =	sor.u32 s3, s0;
	s1 =	sshll.u32 s1, $0x11  }
0xbc: {  	s0 =	sor.u32 s1, s0  }
0xbd: {  	s0 =	sadd.s32 $0x8F2B, s0  }
0xbe: {  	[sflag:s0] =	ssyncadd.remote.s32 $0x1  }
0xbf: {  	_ =	sfence.sel $0xFFFF  }
0xc0: {  	[dreg:$0x0] =	wrdreg $0xFFFFFFFF;
	(pc) =	sbr.abs _section_cstart, $3  }
0xc1: {  	[dreg:$0x1] =	wrdreg $0xFFFFFFFF  }
0xc2: {  	_ =	task.clear_ibuf [dreg:s7], $0x2FFFF;
	_ =	strace $0x9FFFFFFF  }
0xc3: {  	(tm) =	ssettm $0x7FFFFFFF  }
tec
execute0_lowered:
.L_overlay_start_1:
0x0: {  	(tag) =	ssettag $0x1  }
0x1: {  	s5 =	rddreg [dreg:$0x0]  }
0x2: {  	s6 =	rddreg [dreg:$0x1]  }
0x3: {  	s2 =	rddreg [dreg:$0x2];
	s0 =	stileid.u32  }
0x4: {  	s4 =	srdreg.scid;
	s1 =	rddreg [dreg:$0x3]  }
0x5: {  	s3 =	simm.s32 $0x0;
	s13 =	simm.s32 $0x80;
	s14 =	simm.s32 $0x0  }
0x6: {  	s7 =	smul.u32 $0x13C0, s0;
	s4 =	sand.u32 $0x1, s4;
	[smem:$0x7FF] =	sst s3  }
0x7: {  	s10 =	sshll.u32 s0, $0x1;
	s31 =	sshll.u32 s0, $0x6;
	s9 =	smul.u32 $0x13C00, s4  }
0x8: {  	_ =	strace $0x80000047;
	s11 =	ssub.s32 $0x2, s4;
	s4 =	sor.u32 s4, s10  }
0x9: {  	s8 =	sshrl.u32 s7, $0x3;
	s29 =	sshrl.u32 s11, $0x1;
	s12 =	smul.u32 $0x500, s4  }
0xa: {  	s4 =	sadd.s32 $0x1E00, s6;
	s30 =	sadd.s32 s7, s2;
	s8 =	sadd.s32 s8, s6  }
0xb: {  	s9 =	sadd.s32 s7, s9;
	s10 =	ssub.s32 s11, s29;
	s11 =	sor.u32 $0x1C01, s31  }
0xc: {  	s9 =	sshrl.u32 s9, $0x3;
	s5 =	sadd.s32 s5, s12;
	s12 =	sshrl.u32 s30, $0x3  }
0xd: {  	s9 =	sadd.s32 s9, s6;
	s6 =	sadd.s32 $0x2000, s8;
	s8 =	smax.u32 s10, $0x1  }
0xe: {  	s10 =	simm.s32 $0x2800;
	s7 =	sadd.s32 $0x4800, s9;
	s9 =	simm.s32 $0x1  }
.LBB2_1:
0xf: {  	[tilespmem:s3], [sflag:$0x1] =	stream.linear.gather [hbm4b:s5+s3], $0x2800, $0x38;
	[tilespmem:$0x3FC0] =	vst v63  }
0x10: {  	_ =	swait.ge [sflag:s9], $0x2800  }
0x11: {  	[sflag:s9] =	ssyncset.done $0x0  }
0x12: {  	[sflag:s9] =	ssyncadd.s32 $0xFFFFD800  }
0x13: {  	[tilespmem:s10], [sflag:$0x1] =	stream.linear.gather [hbm4b:s4+s3], $0x400, $0x38;
	[tilespmem:$0x3FC0] =	vst v63  }
0x14: {  	_ =	swait.ge [sflag:s9], $0x400  }
0x15: {  	[sflag:s9] =	ssyncset.done $0x0  }
0x16: {  	[sflag:s9] =	ssyncadd.s32 $0xFFFFFC00  }
0x17: {  	[spmem:s12], [sflag:s11] =	dma.local [hbm:s6], $0x278  }
0x18: {  	_ =	swait.ge [sflag:s9], $0x278  }
0x19: {  	[sflag:s9] =	ssyncset.done $0x0  }
0x1a: {  	[sflag:s9] =	ssyncadd.s32 $0xFFFFFD88  }
0x1b: {  	s15 =	simm.s32 $0x0;
	[bflag:$0x0] =	sbarrier.arrive $0xFFFF  }
0x1c: {  	[spmem:s2] =	stream.indirect.scatter.add.f32 [tilespmem:s10], [sflag:$0x1], $0x8, s15, s13, $0xb8;
	[tilespmem:$0x3FC0] =	vst v63  }
0x1d: {  	_ =	swait.ge [sflag:s9], $0x400  }
0x1e: {  	s15 =	simm.s32 $0x200;
	[sflag:s9] =	ssyncset.done $0x0  }
.LBB2_2:
0x1f: {  	s16 =	sshra.s32 s15, $0x2;
	[sflag:s9] =	ssyncadd.s32 $0xFFFFFC00;
	p0 =	sne.s32 s15, $0x9E00  }
0x20: {  	[spmem:s2] =	stream.indirect.scatter.add.f32 [tilespmem:s10], [sflag:$0x1], $0x8, s16, s13, $0xb8;
	[tilespmem:$0x3FC0] =	vst v63  }
.Ltmp0:
0x21: {  	_ = 	snop;
	(pc) =	sbr.rel @p0 .LBB2_2-.Ltmp0, $4  }
0x22: {  	_ = 	snop  }
0x23: {  	s15 =	sadd.s32 $0x200, s15  }
0x24: {  	_ =	swait.ge [sflag:s9], $0x400  }
0x25: {  	[sflag:s9] =	ssyncset.done $0x0  }
0x26: {  	s14 =	sadd.s32 $0x1, s14  }
0x27: {  	[sflag:s9] =	ssyncadd.s32 $0xFFFFFC00;
	p0 =	sne.s32 s14, s8  }
.Ltmp1:
0x28: {  	[bflag:$0x0] =	sbarrier.arrive $0xFFFF;
	(pc) =	sbr.rel @p0 .LBB2_1-.Ltmp1, $4  }
0x29: {  	[hbm:s7], [sflag:s11] =	dma.local [spmem:s12], $0x278  }
0x2a: {  	_ =	swait.ge [sflag:s9], $0x278  }
0x2b: {  	[sflag:s9] =	ssyncset.done $0x0  }
0x2c: {  	[sflag:s9] =	ssyncadd.s32 $0xFFFFFD88  }
0x2d: {  	_ =	sfence.sel $0x180000  }
0x2e: {  	[bflag:$0x0] =	sbarrier.arrive $0xFFFF  }
0x2f: {  	p0 =	sne.s32 s0, $0x0;
	_ =	strace $0x90000047  }
0x30: {  	s0 =	sadd.s32 @!p0 $0x100000, s1;
	[bflag:$0x2] =	sbarrier.arrive $0xFFFF  }
0x31: {  	[sflag:s0] =	ssyncadd.tile.s32 @!p0 $0x1;
	_ =	shalt  }
.Lfunc_end2:
_tile_overlayer_lowered:
.L_overlay_start_2:
0x32: {  	(tag) =	ssettag $0x2  }
0x33: {  	s0 =	rddreg [dreg:$0x0];
	s2 =	stileid.u32  }
0x34: {  	s1 =	rddreg [dreg:$0x1];
	p0 =	sne.s32 s2, $0x0  }
0x35: {  	s3 =	rddreg [dreg:$0x2];
	[bflag:$0x3] =	sbarrier.arrive $0xFFFF;
	s2 =	simm.s32 @!p0 $0x1C01  }
0x36: {  	[timem:s3], [sflag:s2] =	dma.local @!p0 [hbm:s0], s1  }
0x37: {  	s0 =	simm.s32 @!p0 $0x1  }
0x38: {  	_ =	swait.ge @!p0 [sflag:s0], s1  }
0x39: {  	s1 =	ssub.s32 @!p0 $0x0, s1;
	[sflag:s0] =	ssyncset.done @!p0 $0x0  }
0x3a: {  	[sflag:s0] =	ssyncadd.s32 @!p0 s1  }
0x3b: {  	[bflag:$0x3] =	sbarrier.arrive $0xFFFF  }
0x3c: {  	_ =	shalt  }

// kernel: kernel.15.cloned.1.call-start
scs
__scs_entry_jumppad:
0x0: {  	(pc) =	sbr.rel $0x88, $3  }
0x1: {  	(tag) =	ssettag $0x0;
	lr =	simm.s32 $0x1  }
0x2: {  	[smem:$0x3F9B] =	sst lr;
	_ =	strace $0xD0000000  }
0x3: {  	_ = 	snop  }
0x4: {  	_ = 	snop  }
0x5: {  	_ = 	snop  }
0x6: {  	_ = 	snop  }
0x7: {  	_ = 	snop  }
__scs_overlays_trampoline_lowered:
0x8: {  	[smem:$0x3FAA] =	sst s0  }
0x9: {  	[smem:$0x3FAB] =	sst s1  }
0xa: {  	[smem:$0x3FAC] =	sst s2  }
0xb: {  	[smem:$0x3FAD] =	sst s3  }
0xc: {  	[smem:$0x3FAE] =	sst s4  }
0xd: {  	[smem:$0x3FAF] =	sst s5  }
0xe: {  	[smem:$0x3FB0] =	sst s6  }
0xf: {  	[smem:$0x3FB1] =	sst s7  }
0x10: {  	[smem:$0x3FB2] =	sst s8  }
0x11: {  	[smem:$0x3FB3] =	sst s9;
	s0 =	simm.s32 @!p0 $0x0  }
0x12: {  	s1 =	sld [smem:$0x3F99];
	s0 =	simm.s32 @p0 $0x1  }
0x13: {  	[smem:$0x3FB4] =	sst s0;
	s0 =	simm.s32 @!p1 $0x0  }
0x14: {  	s2 =	sld [smem:$0x3F98];
	s0 =	simm.s32 @p1 $0x1  }
0x15: {  	[smem:$0x3FB5] =	sst s0;
	s0 =	simm.s32 @!p2 $0x0  }
0x16: {  	s3 =	sld [smem:$0x3FDB];
	s0 =	simm.s32 @p2 $0x1  }
0x17: {  	s4 =	simm.s32 $0x1BF5;
	[smem:$0x3FB7] =	sst s0  }
0x18: {  	s0 =	sld [smem:$0x3F9A];
	_ =	swait.ge [sflag:s4], $0x0  }
0x19: {  	s7 =	sld [smem:$0x3F9B]  }
0x1a: {  	s8 =	sadd.s32 $0xFFFFE003, lr  }
0x1b: {  	s9 =	sadd.s32 $0xFFFFFEF7, lr;
	s5 =	simm.s32 $0xFFFFFFFF;
	p2 =	slt.u32 s8, $0xFFFFF086  }
0x1c: {  	p1 =	slt.u32 s9, $0xF7A;
	s5 =	simm.s32 @!p2 $0x0  }
0x1d: {  	s5 =	simm.s32 @p1 $0x1;
	p0 =	seq.s32 s7, s2  }
0x1e: {  	s7 =	smul.u32 @!p0 $0xF7A, s2;
	p2 =	seq.s32 @!p0 s5, $0x0  }
0x1f: {  	s9 =	smul.u32 $0xF7A, s1;
	s8 =	simm.s32 @!p0 $0x1BF5;
	p2 =	por !p2, p0  }
0x20: {  	[sflag:s8] =	ssyncset.s32 @!p0 $0xFFFFF086;
	s6 =	sadd.s32 @!p0 s3, s7;
	s7 =	simm.s32 @!p0 $0x108  }
0x21: {  	s3 =	sadd.s32 s3, s9;
	s6 =	sadd.s32 @!p0 $0x88, s6;
	s7 =	simm.s32 @p2 $0x1082  }
0x22: {  	[simem:s7], [sflag:s8] =	dma.local @!p0 [hbm:s6], $0xF7A  }
0x23: {  	s9 =	sor.u32 $0xD0000000, s2;
	s6 =	simm.s32 $0x108;
	_ =	swait.ge @!p0 [sflag:s8], $0x0  }
0x24: {  	s3 =	sadd.s32 $0x88, s3;
	s6 =	simm.s32 @!p1 $0x1082;
	[sflag:s4] =	ssyncset.s32 $0xFFFFF086  }
0x25: {  	[simem:s6], [sflag:s4] =	dma.local [hbm:s3], $0xF7A  }
0x26: {  	[smem:$0x3F9B] =	sst s1;
	(tag) =	ssettag s2;
	_ =	strace s9  }
0x27: {  	s1 =	sld [smem:$0x3FAB]  }
0x28: {  	s2 =	sld [smem:$0x3FAC]  }
0x29: {  	s4 =	sld [smem:$0x3FAE]  }
0x2a: {  	p0 =	seq.s32 s5, $0x0;
	s5 =	sld [smem:$0x3FAF]  }
0x2b: {  	s6 =	sld [smem:$0x3FB0]  }
0x2c: {  	s7 =	sld [smem:$0x3FB1]  }
0x2d: {  	s3 =	simm.s32 $0x108;
	s8 =	sld [smem:$0x3FB2]  }
0x2e: {  	s3 =	simm.s32 @!p0 $0x1082;
	s9 =	sld [smem:$0x3FB3]  }
0x2f: {  	lr =	sadd.s32 s0, s3;
	s0 =	sld [smem:$0x3FAA]  }
0x30: {  	s3 =	sld [smem:$0x3FAD]  }
0x31: {  	[smem:$0x3FB6] =	sst s10  }
0x32: {  	s10 =	sld [smem:$0x3FB4];
	_ =	sdelay $0x3  }
0x33: {  	p0 =	seq.s32 s10, $0x1;
	s10 =	sld [smem:$0x3FB6];
	_ =	sdelay $0x3  }
0x34: {  	[smem:$0x3FB6] =	sst s10  }
0x35: {  	s10 =	sld [smem:$0x3FB5];
	_ =	sdelay $0x3  }
0x36: {  	p1 =	seq.s32 s10, $0x1;
	s10 =	sld [smem:$0x3FB6];
	_ =	sdelay $0x3  }
0x37: {  	[smem:$0x3FB6] =	sst s10  }
0x38: {  	s10 =	sld [smem:$0x3FB7]  }
0x39: {  	_ = 	snop;
	(pc) =	sbr.ind lr, $3  }
0x3a: {  	_ = 	snop  }
0x3b: {  	_ = 	snop  }
0x3c: {  	p2 =	seq.s32 s10, $0x1;
	s10 =	sld [smem:$0x3FB6]  }
0x3d: {  	_ =	shalt  }
0x3e: {  	_ =	shalt  }
0x3f: {  	_ =	shalt  }
0x40: {  	_ =	shalt  }
0x41: {  	_ =	shalt  }
0x42: {  	_ =	shalt  }
0x43: {  	_ =	shalt  }
0x44: {  	_ =	shalt  }
0x45: {  	_ =	shalt  }
0x46: {  	_ =	shalt  }
0x47: {  	_ =	shalt  }
0x48: {  	_ =	shalt  }
0x49: {  	_ =	shalt  }
0x4a: {  	_ =	shalt  }
0x4b: {  	_ =	shalt  }
0x4c: {  	_ =	shalt  }
0x4d: {  	_ =	shalt  }
0x4e: {  	_ =	shalt  }
0x4f: {  	_ =	shalt  }
0x50: {  	_ =	shalt  }
0x51: {  	_ =	shalt  }
0x52: {  	_ =	shalt  }
0x53: {  	_ =	shalt  }
0x54: {  	_ =	shalt  }
0x55: {  	_ =	shalt  }
0x56: {  	_ =	shalt  }
0x57: {  	_ =	shalt  }
0x58: {  	_ =	shalt  }
0x59: {  	_ =	shalt  }
0x5a: {  	_ =	shalt  }
0x5b: {  	_ =	shalt  }
0x5c: {  	_ =	shalt  }
0x5d: {  	_ =	shalt  }
0x5e: {  	_ =	shalt  }
0x5f: {  	_ =	shalt  }
0x60: {  	_ =	shalt  }
0x61: {  	_ =	shalt  }
0x62: {  	_ =	shalt  }
0x63: {  	_ =	shalt  }
0x64: {  	_ =	shalt  }
0x65: {  	_ =	shalt  }
0x66: {  	_ =	shalt  }
0x67: {  	_ =	shalt  }
0x68: {  	_ =	shalt  }
0x69: {  	_ =	shalt  }
0x6a: {  	_ =	shalt  }
0x6b: {  	_ =	shalt  }
0x6c: {  	_ =	shalt  }
0x6d: {  	_ =	shalt  }
0x6e: {  	_ =	shalt  }
0x6f: {  	_ =	shalt  }
0x70: {  	_ =	shalt  }
0x71: {  	_ =	shalt  }
0x72: {  	_ =	shalt  }
0x73: {  	_ =	shalt  }
0x74: {  	_ =	shalt  }
0x75: {  	_ =	shalt  }
0x76: {  	_ =	shalt  }
0x77: {  	_ =	shalt  }
0x78: {  	_ =	shalt  }
0x79: {  	_ =	shalt  }
0x7a: {  	_ =	shalt  }
0x7b: {  	_ =	shalt  }
0x7c: {  	_ =	shalt  }
0x7d: {  	_ =	shalt  }
0x7e: {  	_ =	shalt  }
0x7f: {  	_ =	shalt  }
0x80: {  	_ =	shalt  }
0x81: {  	_ =	shalt  }
0x82: {  	_ =	shalt  }
0x83: {  	_ =	shalt  }
0x84: {  	_ =	shalt  }
0x85: {  	_ =	shalt  }
0x86: {  	_ =	shalt  }
0x87: {  	_ =	shalt  }
.Lfunc_end0:
.L_simem_size_0:
called_computation.1_lowered:
.L_overlay_start_0:
0x88: {  	s2 =	sld [smem:$0x3FD9]  }
0x89: {  	s3 =	sld [smem:$0x3FFE];
	_ =	sdelay $0x1  }
0x8a: {  	s1 =	srdreg.scid  }
0x8b: {  	s0 =	sand.u32 $0x1, s1  }
0x8c: {  	s17 =	sshll.u32 s0, $0xA;
	s2 =	sadd.s32 s3, s2  }
0x8d: {  	s2 =	sadd.s32 s2, s17  }
0x8e: {  	[smem:$0x3FC2] =	sst s2  }
0x8f: {  	_ = 	snop  }
0x90: {  	s2 =	sld [smem:$0x3FD0];
	(tm) =	ssettm $0x1  }
0x91: {  	s18 =	sld [smem:$0x3FFB];
	_ =	sdelay $0x3  }
0x92: {  	_ =	strace s18  }
0x93: {  	s3 =	sld [smem:$0x3FFC];
	_ =	sdelay $0x3  }
0x94: {  	_ =	strace s3  }
0x95: {  	s3 =	sld [smem:$0x3FFD];
	_ =	sdelay $0x3  }
0x96: {  	_ =	strace s3  }
0x97: {  	_ =	strace $0x8FFFFFFF  }
0x98: {  	s19 =	sld [smem:$0x3FDB];
	_ =	sdelay $0x1  }
0x99: {  	s4 =	simm.s32 $_scs_section_size  }
0x9a: {  	s5 =	simm.s32 $_size__tile_overlayer_lowered;
	s6 =	simm.s32 $_tile_overlayer_lowered  }
0x9b: {  	s22 =	simm.s32 $0x1BFF;
	s21 =	sshll.u32 s6, $0x1;
	s3 =	sadd.s32 s4, s19  }
0x9c: {  	s7 =	simm.s32 $0x0;
	s20 =	sshll.u32 s5, $0x1;
	s5 =	sadd.s32 s21, s3  }
0x9d: {  	[timem:s7], [sflag:s22] =	dma.local [hbm:s5], s20  }
0x9e: {  	_ =	swait.ge [sflag:s22], s20  }
0x9f: {  	s4 =	ssub.s32 $0x0, s20;
	[sflag:s22] =	ssyncset.done $0x0  }
0xa0: {  	[sflag:s22] =	ssyncadd.s32 s4;
	_ =	sdelay $0x1  }
0xa1: {  	s23 =	simm.s32 $0x1B8B  }
0xa2: {  	_ =	swait.ge [sflag:s23], $0x1  }
0xa3: {  	[sflag:s23] =	ssyncset.done $0x0  }
0xa4: {  	s25 =	simm.s32 $0x1B8E;
	s24 =	sld [smem:$0x3FFE];
	[sflag:s23] =	ssyncadd.s32 $0xFFFFFFFF  }
0xa5: {  	s26 =	simm.s32 $execute0_lowered;
	[smem:$0x3FD2] =	sst s25  }
0xa6: {  	s5 =	sshll.u32 s26, $0x1;
	_ =	strace $0x80000049;
	[dreg:$0x1] =	wrdreg $0xFFFFFFFF  }
0xa7: {  	s28 =	simm.s32 $_size_execute0_lowered;
	s3 =	sadd.s32 s3, s5;
	[dreg:$0x0] =	wrdreg $0x0  }
0xa8: {  	s5 =	sshll.u32 s28, $0x1;
	[dreg:$0x2] =	wrdreg s3  }
0xa9: {  	[dreg:$0x3] =	wrdreg s5  }
0xaa: {  	[dreg:$0x4] =	wrdreg $0xC0  }
0xab: {  	_ =	task [dreg:s7], $0x5FFFF  }
0xac: {  	[dreg:$0x1] =	wrdreg $0xFFFFFFFF  }
0xad: {  	[dreg:$0x0] =	wrdreg $0x60  }
0xae: {  	[dreg:$0x2] =	wrdreg s24  }
0xaf: {  	[dreg:$0x3] =	wrdreg s2  }
0xb0: {  	[dreg:$0x4] =	wrdreg $0x120000  }
0xb1: {  	[dreg:$0x5] =	wrdreg $0x9  }
0xb2: {  	_ =	task.clear_ibuf [dreg:s7], $0x6FFFF;
	_ =	strace $0x90000049  }
0xb3: {  	s29 =	simm.s32 $0x9;
	_ =	strace $0x8000004B  }
0xb4: {  	_ =	swait.ge [sflag:s29], $0x1  }
0xb5: {  	[sflag:s29] =	ssyncadd.s32 $0xFFFFFFFF  }
0xb6: {  	_ =	strace $0x9000004B  }
0xb7: {  	_ =	sfence  }
0xb8: {  	s30 =	sld [smem:$0x0];
	_ =	sdelay $0x2  }
0xb9: {  	s31 =	sshll.u32 s1, $0xD;
	s1 =	sshrl.u32 s1, $0x2  }
0xba: {  	s3 =	sand.u32 $0x4000, s31;
	s1 =	sadd.s32 s1, s30  }
0xbb: {  	s0 =	sor.u32 s3, s0;
	s1 =	sshll.u32 s1, $0x11  }
0xbc: {  	s0 =	sor.u32 s1, s0  }
0xbd: {  	s0 =	sadd.s32 $0x8F2B, s0  }
0xbe: {  	[sflag:s0] =	ssyncadd.remote.s32 $0x1  }
0xbf: {  	_ =	sfence.sel $0xFFFF  }
0xc0: {  	[dreg:$0x0] =	wrdreg $0xFFFFFFFF;
	(pc) =	sbr.abs _section_cstart, $3  }
0xc1: {  	[dreg:$0x1] =	wrdreg $0xFFFFFFFF  }
0xc2: {  	_ =	task.clear_ibuf [dreg:s7], $0x2FFFF;
	_ =	strace $0x9FFFFFFF  }
0xc3: {  	(tm) =	ssettm $0x7FFFFFFF  }
tec
execute0_lowered:
.L_overlay_start_1:
0x0: {  	(tag) =	ssettag $0x1  }
0x1: {  	s0 =	rddreg [dreg:$0x0]  }
0x2: {  	s5 =	rddreg [dreg:$0x1]  }
0x3: {  	s1 =	rddreg [dreg:$0x2];
	s2 =	srdreg.scid;
	s3 =	simm.s32 $0x0  }
0x4: {  	s25 =	stileid.u32;
	s14 =	simm.s32 $0x80;
	s15 =	simm.s32 $0xA000  }
0x5: {  	s16 =	simm.s32 $0xC000;
	s17 =	simm.s32 $0x100;
	s18 =	simm.s32 $0xE000  }
0x6: {  	s19 =	simm.s32 $0x180;
	s20 =	simm.s32 $0x10000;
	s21 =	simm.s32 $0x1  }
0x7: {  	s22 =	simm.s32 $0x2;
	s23 =	simm.s32 $0x3;
	s24 =	simm.s32 $0x4  }
0x8: {  	s28 =	simm.s32 $0x9F00;
	s29 =	simm.s32 $0x9F80;
	s30 =	simm.s32 $0x0  }
0x9: {  	s4 =	sand.u32 $0x1, s2;
	[smem:$0x7FF] =	sst s3;
	s7 =	smul.u32 $0x9E00, s25  }
0xa: {  	s9 =	smul.u32 $0xA00, s25;
	s31 =	sshll.u32 s25, $0x6;
	s25 =	simm.s32 $0x9E00  }
0xb: {  	s6 =	smul.u32 $0x9E000, s4;
	_ =	strace $0x8000004A;
	s4 =	ssub.s32 $0x2, s4  }
0xc: {  	s10 =	sadd.s32 s9, s0;
	s26 =	sshrl.u32 s4, $0x1;
	s5 =	sadd.s32 s5, s9  }
0xd: {  	s13 =	sadd.s32 s7, s1;
	s12 =	sshrl.u32 s7, $0x3;
	s9 =	simm.s32 $0x5  }
0xe: {  	s8 =	sshrl.u32 s6, $0x3;
	s6 =	sadd.s32 s7, s6;
	s11 =	ssub.s32 s4, s26  }
0xf: {  	s4 =	sadd.s32 $0x9800, s10;
	s10 =	simm.s32 $0x5000;
	s13 =	sshrl.u32 s13, $0x3  }
0x10: {  	s26 =	simm.s32 $0x9E80;
	s8 =	sadd.s32 s8, s0;
	s6 =	sshrl.u32 s6, $0x3  }
0x11: {  	s0 =	sadd.s32 s6, s0;
	s6 =	sadd.s32 $0x13800, s8;
	s8 =	smax.u32 s11, $0x1  }
0x12: {  	s7 =	sadd.s32 $0x3B000, s0;
	s11 =	sadd.s32 s12, s6;
	s12 =	sor.u32 $0x1C05, s31  }
.LBB2_1:
0x13: {  	[tilespmem:s3], [sflag:$0x5] =	stream.linear.gather [hbm4b:s4+s3], $0x5000, $0x38;
	[tilespmem:$0x1BE00] =	vst v63  }
0x14: {  	_ =	swait.ge [sflag:s9], $0x5000  }
0x15: {  	[sflag:s9] =	ssyncset.done $0x0  }
0x16: {  	[sflag:s9] =	ssyncadd.s32 $0xFFFFB000  }
0x17: {  	[tilespmem:s10], [sflag:$0x5] =	stream.linear.gather [hbm4b:s5+s3], $0x5000, $0x38;
	[tilespmem:$0x1BE00] =	vst v63  }
0x18: {  	_ =	swait.ge [sflag:s9], $0x5000  }
0x19: {  	[sflag:s9] =	ssyncset.done $0x0  }
0x1a: {  	[sflag:s9] =	ssyncadd.s32 $0xFFFFB000  }
0x1b: {  	[spmem:s13], [sflag:s12] =	dma.local [hbm:s11], $0x13C0  }
0x1c: {  	_ =	swait.ge [sflag:s9], $0x13C0  }
0x1d: {  	[sflag:s9] =	ssyncset.done $0x0  }
0x1e: {  	[sflag:s9] =	ssyncadd.s32 $0xFFFFEC40  }
0x1f: {  	[bflag:$0x0] =	sbarrier.arrive $0xFFFF  }
0x20: {  	[tilespmem:s15], [sflag:$0x1] =	stream.indirect.gather [hbm4b:s6+s14], $0x40, s3, s14, $0xb8;
	[tilespmem:$0x1BE00] =	vst v63  }
0x21: {  	_ = 	snop  }
0x22: {  	[tilespmem:s16], [sflag:$0x2] =	stream.indirect.gather [hbm4b:s6+s14], $0x40, s14, s14, $0xb8;
	[tilespmem:$0x1BE00] =	vst v63  }
0x23: {  	_ = 	snop  }
0x24: {  	[tilespmem:s18], [sflag:$0x3] =	stream.indirect.gather [hbm4b:s6+s14], $0x40, s17, s14, $0xb8;
	[tilespmem:$0x1BE00] =	vst v63  }
0x25: {  	_ = 	snop  }
0x26: {  	[tilespmem:s20], [sflag:$0x4] =	stream.indirect.gather [hbm4b:s6+s14], $0x40, s19, s14, $0xb8;
	[tilespmem:$0x1BE00] =	vst v63  }
0x27: {  	_ =	swait.ge [sflag:s21], $0x2000  }
0x28: {  	[sflag:s21] =	ssyncset.done $0x0  }
0x29: {  	s0 =	simm.s32 $0x5000;
	[sflag:s21] =	ssyncadd.s32 $0xFFFFE000  }
0x2a: {  	[spmem:s1] =	stream.indirect.scatter.add.f32 [tilespmem:s15], [sflag:$0x5], $0x40, s0, s14, $0xb8;
	[tilespmem:$0x1BE00] =	vst v63  }
0x2b: {  	_ =	swait.ge [sflag:s9], $0x2000  }
0x2c: {  	[sflag:s9] =	ssyncset.done $0x0  }
0x2d: {  	s2 =	simm.s32 $0x200;
	[sflag:s9] =	ssyncadd.s32 $0xFFFFE000  }
0x2e: {  	[tilespmem:s15], [sflag:$0x1] =	stream.indirect.gather [hbm4b:s6+s14], $0x40, s2, s14, $0xb8;
	[tilespmem:$0x1BE00] =	vst v63  }
0x2f: {  	_ =	swait.ge [sflag:s22], $0x2000  }
0x30: {  	[sflag:s22] =	ssyncset.done $0x0  }
0x31: {  	s2 =	simm.s32 $0x5080;
	[sflag:s22] =	ssyncadd.s32 $0xFFFFE000  }
0x32: {  	[spmem:s1] =	stream.indirect.scatter.add.f32 [tilespmem:s16], [sflag:$0x5], $0x40, s2, s14, $0xb8;
	[tilespmem:$0x1BE00] =	vst v63  }
0x33: {  	_ =	swait.ge [sflag:s9], $0x2000  }
0x34: {  	[sflag:s9] =	ssyncset.done $0x0  }
0x35: {  	s2 =	simm.s32 $0x280;
	[sflag:s9] =	ssyncadd.s32 $0xFFFFE000  }
0x36: {  	[tilespmem:s16], [sflag:$0x2] =	stream.indirect.gather [hbm4b:s6+s14], $0x40, s2, s14, $0xb8;
	[tilespmem:$0x1BE00] =	vst v63  }
0x37: {  	_ =	swait.ge [sflag:s23], $0x2000  }
0x38: {  	[sflag:s23] =	ssyncset.done $0x0  }
0x39: {  	s2 =	simm.s32 $0x5100;
	[sflag:s23] =	ssyncadd.s32 $0xFFFFE000  }
0x3a: {  	[spmem:s1] =	stream.indirect.scatter.add.f32 [tilespmem:s18], [sflag:$0x5], $0x40, s2, s14, $0xb8;
	[tilespmem:$0x1BE00] =	vst v63  }
0x3b: {  	_ =	swait.ge [sflag:s9], $0x2000  }
0x3c: {  	[sflag:s9] =	ssyncset.done $0x0  }
0x3d: {  	s2 =	simm.s32 $0x300;
	[sflag:s9] =	ssyncadd.s32 $0xFFFFE000  }
0x3e: {  	[tilespmem:s18], [sflag:$0x3] =	stream.indirect.gather [hbm4b:s6+s14], $0x40, s2, s14, $0xb8;
	[tilespmem:$0x1BE00] =	vst v63  }
0x3f: {  	_ =	swait.ge [sflag:s24], $0x2000  }
0x40: {  	[sflag:s24] =	ssyncset.done $0x0  }
0x41: {  	s2 =	simm.s32 $0x5180;
	[sflag:s24] =	ssyncadd.s32 $0xFFFFE000  }
0x42: {  	[spmem:s1] =	stream.indirect.scatter.add.f32 [tilespmem:s20], [sflag:$0x5], $0x40, s2, s14, $0xb8;
	[tilespmem:$0x1BE00] =	vst v63  }
0x43: {  	_ =	swait.ge [sflag:s9], $0x2000  }
0x44: {  	[sflag:s9] =	ssyncset.done $0x0  }
0x45: {  	s31 =	simm.s32 $0x800;
	s0 =	simm.s32 $0x380;
	[sflag:s9] =	ssyncadd.s32 $0xFFFFE000  }
.LBB2_2:
0x46: {  	[tilespmem:s20], [sflag:$0x4] =	stream.indirect.gather [hbm4b:s6+s14], $0x40, s0, s14, $0xb8;
	[tilespmem:$0x1BE00] =	vst v63  }
0x47: {  	s0 =	smov.u32 s31  }
0x48: {  	p0 =	sne.s32 s31, $0x13000;
	s31 =	sadd.s32 $0x800, s31;
	_ =	swait.ge [sflag:s21], $0x2000  }
0x49: {  	s0 =	sshra.s32 s0, $0x2;
	[sflag:s21] =	ssyncset.done $0x0  }
0x4a: {  	s2 =	sadd.s32 $0x5000, s0;
	[sflag:s21] =	ssyncadd.s32 $0xFFFFE000  }
0x4b: {  	[spmem:s1] =	stream.indirect.scatter.add.f32 [tilespmem:s15], [sflag:$0x5], $0x40, s2, s14, $0xb8;
	[tilespmem:$0x1BE00] =	vst v63  }
0x4c: {  	_ =	swait.ge [sflag:s9], $0x2000  }
0x4d: {  	[sflag:s9] =	ssyncset.done $0x0  }
0x4e: {  	s2 =	sadd.s32 $0x200, s0;
	[sflag:s9] =	ssyncadd.s32 $0xFFFFE000  }
0x4f: {  	[tilespmem:s15], [sflag:$0x1] =	stream.indirect.gather [hbm4b:s6+s14], $0x40, s2, s14, $0xb8;
	[tilespmem:$0x1BE00] =	vst v63  }
0x50: {  	_ =	swait.ge [sflag:s22], $0x2000  }
0x51: {  	[sflag:s22] =	ssyncset.done $0x0  }
0x52: {  	s2 =	sadd.s32 $0x5080, s0;
	[sflag:s22] =	ssyncadd.s32 $0xFFFFE000  }
0x53: {  	[spmem:s1] =	stream.indirect.scatter.add.f32 [tilespmem:s16], [sflag:$0x5], $0x40, s2, s14, $0xb8;
	[tilespmem:$0x1BE00] =	vst v63  }
0x54: {  	_ =	swait.ge [sflag:s9], $0x2000  }
0x55: {  	[sflag:s9] =	ssyncset.done $0x0  }
0x56: {  	s2 =	sadd.s32 $0x280, s0;
	[sflag:s9] =	ssyncadd.s32 $0xFFFFE000  }
0x57: {  	[tilespmem:s16], [sflag:$0x2] =	stream.indirect.gather [hbm4b:s6+s14], $0x40, s2, s14, $0xb8;
	[tilespmem:$0x1BE00] =	vst v63  }
0x58: {  	_ =	swait.ge [sflag:s23], $0x2000  }
0x59: {  	[sflag:s23] =	ssyncset.done $0x0  }
0x5a: {  	s2 =	sadd.s32 $0x5100, s0;
	[sflag:s23] =	ssyncadd.s32 $0xFFFFE000  }
0x5b: {  	[spmem:s1] =	stream.indirect.scatter.add.f32 [tilespmem:s18], [sflag:$0x5], $0x40, s2, s14, $0xb8;
	[tilespmem:$0x1BE00] =	vst v63  }
0x5c: {  	_ =	swait.ge [sflag:s9], $0x2000  }
0x5d: {  	[sflag:s9] =	ssyncset.done $0x0  }
0x5e: {  	s2 =	sadd.s32 $0x300, s0;
	[sflag:s9] =	ssyncadd.s32 $0xFFFFE000  }
0x5f: {  	[tilespmem:s18], [sflag:$0x3] =	stream.indirect.gather [hbm4b:s6+s14], $0x40, s2, s14, $0xb8;
	[tilespmem:$0x1BE00] =	vst v63  }
0x60: {  	_ =	swait.ge [sflag:s24], $0x2000  }
0x61: {  	[sflag:s24] =	ssyncset.done $0x0  }
.Ltmp0:
0x62: {  	s2 =	sadd.s32 $0x5180, s0;
	[sflag:s24] =	ssyncadd.s32 $0xFFFFE000;
	(pc) =	sbr.rel @p0 .LBB2_2-.Ltmp0, $4  }
0x63: {  	[spmem:s1] =	stream.indirect.scatter.add.f32 [tilespmem:s20], [sflag:$0x5], $0x40, s2, s14, $0xb8;
	[tilespmem:$0x1BE00] =	vst v63  }
0x64: {  	_ =	swait.ge [sflag:s9], $0x2000  }
0x65: {  	[sflag:s9] =	ssyncset.done $0x0  }
0x66: {  	s0 =	sadd.s32 $0x380, s0;
	[sflag:s9] =	ssyncadd.s32 $0xFFFFE000  }
0x67: {  	[tilespmem:s20], [sflag:$0x4] =	stream.indirect.gather [hbm4b:s6+s14], $0x40, s0, s14, $0xb8;
	[tilespmem:$0x1BE00] =	vst v63  }
0x68: {  	_ =	swait.ge [sflag:s21], $0x2000  }
0x69: {  	[sflag:s21] =	ssyncset.done $0x0  }
0x6a: {  	[sflag:s21] =	ssyncadd.s32 $0xFFFFE000  }
0x6b: {  	[spmem:s1] =	stream.indirect.scatter.add.f32 [tilespmem:s15], [sflag:$0x5], $0x40, s25, s14, $0xb8;
	[tilespmem:$0x1BE00] =	vst v63  }
0x6c: {  	_ =	swait.ge [sflag:s9], $0x2000  }
0x6d: {  	[sflag:s9] =	ssyncset.done $0x0  }
0x6e: {  	[sflag:s9] =	ssyncadd.s32 $0xFFFFE000  }
0x6f: {  	_ =	swait.ge [sflag:s22], $0x2000  }
0x70: {  	[sflag:s22] =	ssyncset.done $0x0  }
0x71: {  	[sflag:s22] =	ssyncadd.s32 $0xFFFFE000  }
0x72: {  	[spmem:s1] =	stream.indirect.scatter.add.f32 [tilespmem:s16], [sflag:$0x5], $0x40, s26, s14, $0xb8;
	[tilespmem:$0x1BE00] =	vst v63  }
0x73: {  	_ =	swait.ge [sflag:s9], $0x2000  }
0x74: {  	[sflag:s9] =	ssyncset.done $0x0  }
0x75: {  	[sflag:s9] =	ssyncadd.s32 $0xFFFFE000  }
0x76: {  	_ =	swait.ge [sflag:s23], $0x2000  }
0x77: {  	[sflag:s23] =	ssyncset.done $0x0  }
0x78: {  	[sflag:s23] =	ssyncadd.s32 $0xFFFFE000  }
0x79: {  	[spmem:s1] =	stream.indirect.scatter.add.f32 [tilespmem:s18], [sflag:$0x5], $0x40, s28, s14, $0xb8;
	[tilespmem:$0x1BE00] =	vst v63  }
0x7a: {  	_ =	swait.ge [sflag:s9], $0x2000  }
0x7b: {  	[sflag:s9] =	ssyncset.done $0x0  }
0x7c: {  	[sflag:s9] =	ssyncadd.s32 $0xFFFFE000  }
0x7d: {  	_ =	swait.ge [sflag:s24], $0x2000  }
0x7e: {  	[sflag:s24] =	ssyncset.done $0x0  }
0x7f: {  	[sflag:s24] =	ssyncadd.s32 $0xFFFFE000  }
0x80: {  	[spmem:s1] =	stream.indirect.scatter.add.f32 [tilespmem:s20], [sflag:$0x5], $0x40, s29, s14, $0xb8;
	[tilespmem:$0x1BE00] =	vst v63  }
0x81: {  	_ =	swait.ge [sflag:s9], $0x2000  }
0x82: {  	s30 =	sadd.s32 $0x1, s30;
	[sflag:s9] =	ssyncset.done $0x0  }
0x83: {  	p0 =	sne.s32 s30, s8;
	[sflag:s9] =	ssyncadd.s32 $0xFFFFE000  }
.Ltmp1:
0x84: {  	[bflag:$0x0] =	sbarrier.arrive $0xFFFF;
	(pc) =	sbr.rel @p0 .LBB2_1-.Ltmp1, $4  }
0x85: {  	[hbm:s7], [sflag:s12] =	dma.local [spmem:s13], $0x13C0  }
0x86: {  	_ =	swait.ge [sflag:s9], $0x13C0  }
0x87: {  	[sflag:s9] =	ssyncset.done $0x0  }
0x88: {  	[sflag:s9] =	ssyncadd.s32 $0xFFFFEC40  }
0x89: {  	_ =	sfence.sel $0x180000  }
0x8a: {  	[bflag:$0x0] =	sbarrier.arrive $0xFFFF  }
0x8b: {  	_ =	strace $0x9000004A  }
0x8c: {  	s0 =	stileid.u32;
	[bflag:$0x2] =	sbarrier.arrive $0xFFFF  }
0x8d: {  	p0 =	sne.s32 s0, $0x0;
	s0 =	rddreg [dreg:$0x3]  }
0x8e: {  	s0 =	sadd.s32 @!p0 $0x100000, s0  }
0x8f: {  	[sflag:s0] =	ssyncadd.tile.s32 @!p0 $0x1;
	_ =	shalt  }
.Lfunc_end2:
_tile_overlayer_lowered:
.L_overlay_start_2:
0x90: {  	(tag) =	ssettag $0x2  }
0x91: {  	s0 =	rddreg [dreg:$0x0];
	s2 =	stileid.u32  }
0x92: {  	s1 =	rddreg [dreg:$0x1];
	p0 =	sne.s32 s2, $0x0  }
0x93: {  	s3 =	rddreg [dreg:$0x2];
	[bflag:$0x3] =	sbarrier.arrive $0xFFFF;
	s2 =	simm.s32 @!p0 $0x1C05  }
0x94: {  	[timem:s3], [sflag:s2] =	dma.local @!p0 [hbm:s0], s1  }
0x95: {  	s0 =	simm.s32 @!p0 $0x5  }
0x96: {  	_ =	swait.ge @!p0 [sflag:s0], s1  }
0x97: {  	s1 =	ssub.s32 @!p0 $0x0, s1;
	[sflag:s0] =	ssyncset.done @!p0 $0x0  }
0x98: {  	[sflag:s0] =	ssyncadd.s32 @!p0 s1  }
0x99: {  	[bflag:$0x3] =	sbarrier.arrive $0xFFFF  }
0x9a: {  	_ =	shalt  }

// kernel: kernel.18.cloned.1.call-start
scs
__scs_entry_jumppad:
0x0: {  	(pc) =	sbr.rel $0x88, $3  }
0x1: {  	(tag) =	ssettag $0x0;
	lr =	simm.s32 $0x1  }
0x2: {  	[smem:$0x3F9B] =	sst lr;
	_ =	strace $0xD0000000  }
0x3: {  	_ = 	snop  }
0x4: {  	_ = 	snop  }
0x5: {  	_ = 	snop  }
0x6: {  	_ = 	snop  }
0x7: {  	_ = 	snop  }
__scs_overlays_trampoline_lowered:
0x8: {  	[smem:$0x3FAA] =	sst s0  }
0x9: {  	[smem:$0x3FAB] =	sst s1  }
0xa: {  	[smem:$0x3FAC] =	sst s2  }
0xb: {  	[smem:$0x3FAD] =	sst s3  }
0xc: {  	[smem:$0x3FAE] =	sst s4  }
0xd: {  	[smem:$0x3FAF] =	sst s5  }
0xe: {  	[smem:$0x3FB0] =	sst s6  }
0xf: {  	[smem:$0x3FB1] =	sst s7  }
0x10: {  	[smem:$0x3FB2] =	sst s8  }
0x11: {  	[smem:$0x3FB3] =	sst s9;
	s0 =	simm.s32 @!p0 $0x0  }
0x12: {  	s1 =	sld [smem:$0x3F99];
	s0 =	simm.s32 @p0 $0x1  }
0x13: {  	[smem:$0x3FB4] =	sst s0;
	s0 =	simm.s32 @!p1 $0x0  }
0x14: {  	s2 =	sld [smem:$0x3F98];
	s0 =	simm.s32 @p1 $0x1  }
0x15: {  	[smem:$0x3FB5] =	sst s0;
	s0 =	simm.s32 @!p2 $0x0  }
0x16: {  	s3 =	sld [smem:$0x3FDB];
	s0 =	simm.s32 @p2 $0x1  }
0x17: {  	s4 =	simm.s32 $0x1BF5;
	[smem:$0x3FB7] =	sst s0  }
0x18: {  	s0 =	sld [smem:$0x3F9A];
	_ =	swait.ge [sflag:s4], $0x0  }
0x19: {  	s7 =	sld [smem:$0x3F9B]  }
0x1a: {  	s8 =	sadd.s32 $0xFFFFE003, lr  }
0x1b: {  	s9 =	sadd.s32 $0xFFFFFEF7, lr;
	s5 =	simm.s32 $0xFFFFFFFF;
	p2 =	slt.u32 s8, $0xFFFFF086  }
0x1c: {  	p1 =	slt.u32 s9, $0xF7A;
	s5 =	simm.s32 @!p2 $0x0  }
0x1d: {  	s5 =	simm.s32 @p1 $0x1;
	p0 =	seq.s32 s7, s2  }
0x1e: {  	s7 =	smul.u32 @!p0 $0xF7A, s2;
	p2 =	seq.s32 @!p0 s5, $0x0  }
0x1f: {  	s9 =	smul.u32 $0xF7A, s1;
	s8 =	simm.s32 @!p0 $0x1BF5;
	p2 =	por !p2, p0  }
0x20: {  	[sflag:s8] =	ssyncset.s32 @!p0 $0xFFFFF086;
	s6 =	sadd.s32 @!p0 s3, s7;
	s7 =	simm.s32 @!p0 $0x108  }
0x21: {  	s3 =	sadd.s32 s3, s9;
	s6 =	sadd.s32 @!p0 $0x88, s6;
	s7 =	simm.s32 @p2 $0x1082  }
0x22: {  	[simem:s7], [sflag:s8] =	dma.local @!p0 [hbm:s6], $0xF7A  }
0x23: {  	s9 =	sor.u32 $0xD0000000, s2;
	s6 =	simm.s32 $0x108;
	_ =	swait.ge @!p0 [sflag:s8], $0x0  }
0x24: {  	s3 =	sadd.s32 $0x88, s3;
	s6 =	simm.s32 @!p1 $0x1082;
	[sflag:s4] =	ssyncset.s32 $0xFFFFF086  }
0x25: {  	[simem:s6], [sflag:s4] =	dma.local [hbm:s3], $0xF7A  }
0x26: {  	[smem:$0x3F9B] =	sst s1;
	(tag) =	ssettag s2;
	_ =	strace s9  }
0x27: {  	s1 =	sld [smem:$0x3FAB]  }
0x28: {  	s2 =	sld [smem:$0x3FAC]  }
0x29: {  	s4 =	sld [smem:$0x3FAE]  }
0x2a: {  	p0 =	seq.s32 s5, $0x0;
	s5 =	sld [smem:$0x3FAF]  }
0x2b: {  	s6 =	sld [smem:$0x3FB0]  }
0x2c: {  	s7 =	sld [smem:$0x3FB1]  }
0x2d: {  	s3 =	simm.s32 $0x108;
	s8 =	sld [smem:$0x3FB2]  }
0x2e: {  	s3 =	simm.s32 @!p0 $0x1082;
	s9 =	sld [smem:$0x3FB3]  }
0x2f: {  	lr =	sadd.s32 s0, s3;
	s0 =	sld [smem:$0x3FAA]  }
0x30: {  	s3 =	sld [smem:$0x3FAD]  }
0x31: {  	[smem:$0x3FB6] =	sst s10  }
0x32: {  	s10 =	sld [smem:$0x3FB4];
	_ =	sdelay $0x3  }
0x33: {  	p0 =	seq.s32 s10, $0x1;
	s10 =	sld [smem:$0x3FB6];
	_ =	sdelay $0x3  }
0x34: {  	[smem:$0x3FB6] =	sst s10  }
0x35: {  	s10 =	sld [smem:$0x3FB5];
	_ =	sdelay $0x3  }
0x36: {  	p1 =	seq.s32 s10, $0x1;
	s10 =	sld [smem:$0x3FB6];
	_ =	sdelay $0x3  }
0x37: {  	[smem:$0x3FB6] =	sst s10  }
0x38: {  	s10 =	sld [smem:$0x3FB7]  }
0x39: {  	_ = 	snop;
	(pc) =	sbr.ind lr, $3  }
0x3a: {  	_ = 	snop  }
0x3b: {  	_ = 	snop  }
0x3c: {  	p2 =	seq.s32 s10, $0x1;
	s10 =	sld [smem:$0x3FB6]  }
0x3d: {  	_ =	shalt  }
0x3e: {  	_ =	shalt  }
0x3f: {  	_ =	shalt  }
0x40: {  	_ =	shalt  }
0x41: {  	_ =	shalt  }
0x42: {  	_ =	shalt  }
0x43: {  	_ =	shalt  }
0x44: {  	_ =	shalt  }
0x45: {  	_ =	shalt  }
0x46: {  	_ =	shalt  }
0x47: {  	_ =	shalt  }
0x48: {  	_ =	shalt  }
0x49: {  	_ =	shalt  }
0x4a: {  	_ =	shalt  }
0x4b: {  	_ =	shalt  }
0x4c: {  	_ =	shalt  }
0x4d: {  	_ =	shalt  }
0x4e: {  	_ =	shalt  }
0x4f: {  	_ =	shalt  }
0x50: {  	_ =	shalt  }
0x51: {  	_ =	shalt  }
0x52: {  	_ =	shalt  }
0x53: {  	_ =	shalt  }
0x54: {  	_ =	shalt  }
0x55: {  	_ =	shalt  }
0x56: {  	_ =	shalt  }
0x57: {  	_ =	shalt  }
0x58: {  	_ =	shalt  }
0x59: {  	_ =	shalt  }
0x5a: {  	_ =	shalt  }
0x5b: {  	_ =	shalt  }
0x5c: {  	_ =	shalt  }
0x5d: {  	_ =	shalt  }
0x5e: {  	_ =	shalt  }
0x5f: {  	_ =	shalt  }
0x60: {  	_ =	shalt  }
0x61: {  	_ =	shalt  }
0x62: {  	_ =	shalt  }
0x63: {  	_ =	shalt  }
0x64: {  	_ =	shalt  }
0x65: {  	_ =	shalt  }
0x66: {  	_ =	shalt  }
0x67: {  	_ =	shalt  }
0x68: {  	_ =	shalt  }
0x69: {  	_ =	shalt  }
0x6a: {  	_ =	shalt  }
0x6b: {  	_ =	shalt  }
0x6c: {  	_ =	shalt  }
0x6d: {  	_ =	shalt  }
0x6e: {  	_ =	shalt  }
0x6f: {  	_ =	shalt  }
0x70: {  	_ =	shalt  }
0x71: {  	_ =	shalt  }
0x72: {  	_ =	shalt  }
0x73: {  	_ =	shalt  }
0x74: {  	_ =	shalt  }
0x75: {  	_ =	shalt  }
0x76: {  	_ =	shalt  }
0x77: {  	_ =	shalt  }
0x78: {  	_ =	shalt  }
0x79: {  	_ =	shalt  }
0x7a: {  	_ =	shalt  }
0x7b: {  	_ =	shalt  }
0x7c: {  	_ =	shalt  }
0x7d: {  	_ =	shalt  }
0x7e: {  	_ =	shalt  }
0x7f: {  	_ =	shalt  }
0x80: {  	_ =	shalt  }
0x81: {  	_ =	shalt  }
0x82: {  	_ =	shalt  }
0x83: {  	_ =	shalt  }
0x84: {  	_ =	shalt  }
0x85: {  	_ =	shalt  }
0x86: {  	_ =	shalt  }
0x87: {  	_ =	shalt  }
.Lfunc_end0:
.L_simem_size_0:
called_computation.2_lowered:
.L_overlay_start_0:
0x88: {  	s2 =	sld [smem:$0x3FD9]  }
0x89: {  	s3 =	sld [smem:$0x3FFE];
	_ =	sdelay $0x1  }
0x8a: {  	s1 =	srdreg.scid  }
0x8b: {  	s0 =	sand.u32 $0x1, s1  }
0x8c: {  	s17 =	sshll.u32 s0, $0xA;
	s2 =	sadd.s32 s3, s2  }
0x8d: {  	s2 =	sadd.s32 s2, s17  }
0x8e: {  	[smem:$0x3FC2] =	sst s2  }
0x8f: {  	_ = 	snop  }
0x90: {  	s2 =	sld [smem:$0x3FD0];
	(tm) =	ssettm $0x1  }
0x91: {  	s18 =	sld [smem:$0x3FFB];
	_ =	sdelay $0x3  }
0x92: {  	_ =	strace s18  }
0x93: {  	s3 =	sld [smem:$0x3FFC];
	_ =	sdelay $0x3  }
0x94: {  	_ =	strace s3  }
0x95: {  	s3 =	sld [smem:$0x3FFD];
	_ =	sdelay $0x3  }
0x96: {  	_ =	strace s3  }
0x97: {  	_ =	strace $0x8FFFFFFF  }
0x98: {  	s19 =	sld [smem:$0x3FDB];
	_ =	sdelay $0x1  }
0x99: {  	s4 =	simm.s32 $_scs_section_size  }
0x9a: {  	s5 =	simm.s32 $_size__tile_overlayer_lowered;
	s6 =	simm.s32 $_tile_overlayer_lowered  }
0x9b: {  	s22 =	simm.s32 $0x1BFF;
	s21 =	sshll.u32 s6, $0x1;
	s3 =	sadd.s32 s4, s19  }
0x9c: {  	s7 =	simm.s32 $0x0;
	s20 =	sshll.u32 s5, $0x1;
	s5 =	sadd.s32 s21, s3  }
0x9d: {  	[timem:s7], [sflag:s22] =	dma.local [hbm:s5], s20  }
0x9e: {  	_ =	swait.ge [sflag:s22], s20  }
0x9f: {  	s4 =	ssub.s32 $0x0, s20;
	[sflag:s22] =	ssyncset.done $0x0  }
0xa0: {  	[sflag:s22] =	ssyncadd.s32 s4;
	_ =	sdelay $0x1  }
0xa1: {  	s23 =	simm.s32 $0x1B8B  }
0xa2: {  	_ =	swait.ge [sflag:s23], $0x1  }
0xa3: {  	[sflag:s23] =	ssyncset.done $0x0  }
0xa4: {  	s25 =	simm.s32 $0x1B8E;
	s24 =	sld [smem:$0x3FFE];
	[sflag:s23] =	ssyncadd.s32 $0xFFFFFFFF  }
0xa5: {  	s26 =	simm.s32 $execute0_lowered;
	[smem:$0x3FD2] =	sst s25  }
0xa6: {  	s5 =	sshll.u32 s26, $0x1;
	_ =	strace $0x8000004C;
	[dreg:$0x1] =	wrdreg $0xFFFFFFFF  }
0xa7: {  	s28 =	simm.s32 $_size_execute0_lowered;
	s3 =	sadd.s32 s3, s5;
	[dreg:$0x0] =	wrdreg $0x0  }
0xa8: {  	s5 =	sshll.u32 s28, $0x1;
	[dreg:$0x2] =	wrdreg s3  }
0xa9: {  	[dreg:$0x3] =	wrdreg s5  }
0xaa: {  	[dreg:$0x4] =	wrdreg $0xC0  }
0xab: {  	_ =	task [dreg:s7], $0x5FFFF  }
0xac: {  	[dreg:$0x1] =	wrdreg $0xFFFFFFFF  }
0xad: {  	[dreg:$0x0] =	wrdreg $0x60  }
0xae: {  	[dreg:$0x2] =	wrdreg s24  }
0xaf: {  	[dreg:$0x3] =	wrdreg s2  }
0xb0: {  	[dreg:$0x4] =	wrdreg $0x120000  }
0xb1: {  	[dreg:$0x5] =	wrdreg $0x9  }
0xb2: {  	_ =	task.clear_ibuf [dreg:s7], $0x6FFFF;
	_ =	strace $0x9000004C  }
0xb3: {  	s29 =	simm.s32 $0x9;
	_ =	strace $0x8000004E  }
0xb4: {  	_ =	swait.ge [sflag:s29], $0x1  }
0xb5: {  	[sflag:s29] =	ssyncadd.s32 $0xFFFFFFFF  }
0xb6: {  	_ =	strace $0x9000004E  }
0xb7: {  	_ =	sfence  }
0xb8: {  	s30 =	sld [smem:$0x0];
	_ =	sdelay $0x2  }
0xb9: {  	s31 =	sshll.u32 s1, $0xD;
	s1 =	sshrl.u32 s1, $0x2  }
0xba: {  	s3 =	sand.u32 $0x4000, s31;
	s1 =	sadd.s32 s1, s30  }
0xbb: {  	s0 =	sor.u32 s3, s0;
	s1 =	sshll.u32 s1, $0x11  }
0xbc: {  	s0 =	sor.u32 s1, s0  }
0xbd: {  	s0 =	sadd.s32 $0x8F2B, s0  }
0xbe: {  	[sflag:s0] =	ssyncadd.remote.s32 $0x1  }
0xbf: {  	_ =	sfence.sel $0xFFFF  }
0xc0: {  	[dreg:$0x0] =	wrdreg $0xFFFFFFFF;
	(pc) =	sbr.abs _section_cstart, $3  }
0xc1: {  	[dreg:$0x1] =	wrdreg $0xFFFFFFFF  }
0xc2: {  	_ =	task.clear_ibuf [dreg:s7], $0x2FFFF;
	_ =	strace $0x9FFFFFFF  }
0xc3: {  	(tm) =	ssettm $0x7FFFFFFF  }
tec
execute0_lowered:
.L_overlay_start_1:
0x0: {  	(tag) =	ssettag $0x1  }
0x1: {  	s0 =	rddreg [dreg:$0x0]  }
0x2: {  	s5 =	rddreg [dreg:$0x1]  }
0x3: {  	s1 =	rddreg [dreg:$0x2];
	s2 =	srdreg.scid;
	s3 =	simm.s32 $0x0  }
0x4: {  	s25 =	stileid.u32;
	s14 =	simm.s32 $0x80;
	s15 =	simm.s32 $0xA000  }
0x5: {  	s16 =	simm.s32 $0xC000;
	s17 =	simm.s32 $0x100;
	s18 =	simm.s32 $0xE000  }
0x6: {  	s19 =	simm.s32 $0x180;
	s20 =	simm.s32 $0x10000;
	s21 =	simm.s32 $0x1  }
0x7: {  	s22 =	simm.s32 $0x2;
	s23 =	simm.s32 $0x3;
	s24 =	simm.s32 $0x4  }
0x8: {  	s28 =	simm.s32 $0x9F00;
	s29 =	simm.s32 $0x9F80;
	s30 =	simm.s32 $0x0  }
0x9: {  	s4 =	sand.u32 $0x1, s2;
	[smem:$0x7FF] =	sst s3;
	s7 =	smul.u32 $0x9E00, s25  }
0xa: {  	s9 =	smul.u32 $0xA00, s25;
	s31 =	sshll.u32 s25, $0x6;
	s25 =	simm.s32 $0x9E00  }
0xb: {  	s6 =	smul.u32 $0x9E000, s4;
	_ =	strace $0x8000004D;
	s4 =	ssub.s32 $0x2, s4  }
0xc: {  	s10 =	sadd.s32 s9, s0;
	s26 =	sshrl.u32 s4, $0x1;
	s5 =	sadd.s32 s5, s9  }
0xd: {  	s13 =	sadd.s32 s7, s1;
	s12 =	sshrl.u32 s7, $0x3;
	s9 =	simm.s32 $0x5  }
0xe: {  	s8 =	sshrl.u32 s6, $0x3;
	s6 =	sadd.s32 s7, s6;
	s11 =	ssub.s32 s4, s26  }
0xf: {  	s4 =	sadd.s32 $0x9800, s10;
	s10 =	simm.s32 $0x5000;
	s13 =	sshrl.u32 s13, $0x3  }
0x10: {  	s26 =	simm.s32 $0x9E80;
	s8 =	sadd.s32 s8, s0;
	s6 =	sshrl.u32 s6, $0x3  }
0x11: {  	s0 =	sadd.s32 s6, s0;
	s6 =	sadd.s32 $0x13800, s8;
	s8 =	smax.u32 s11, $0x1  }
0x12: {  	s7 =	sadd.s32 $0x3B000, s0;
	s11 =	sadd.s32 s12, s6;
	s12 =	sor.u32 $0x1C05, s31  }
.LBB2_1:
0x13: {  	[tilespmem:s3], [sflag:$0x5] =	stream.linear.gather [hbm4b:s4+s3], $0x5000, $0x38;
	[tilespmem:$0x1BE00] =	vst v63  }
0x14: {  	_ =	swait.ge [sflag:s9], $0x5000  }
0x15: {  	[sflag:s9] =	ssyncset.done $0x0  }
0x16: {  	[sflag:s9] =	ssyncadd.s32 $0xFFFFB000  }
0x17: {  	[tilespmem:s10], [sflag:$0x5] =	stream.linear.gather [hbm4b:s5+s3], $0x5000, $0x38;
	[tilespmem:$0x1BE00] =	vst v63  }
0x18: {  	_ =	swait.ge [sflag:s9], $0x5000  }
0x19: {  	[sflag:s9] =	ssyncset.done $0x0  }
0x1a: {  	[sflag:s9] =	ssyncadd.s32 $0xFFFFB000  }
0x1b: {  	[spmem:s13], [sflag:s12] =	dma.local [hbm:s11], $0x13C0  }
0x1c: {  	_ =	swait.ge [sflag:s9], $0x13C0  }
0x1d: {  	[sflag:s9] =	ssyncset.done $0x0  }
0x1e: {  	[sflag:s9] =	ssyncadd.s32 $0xFFFFEC40  }
0x1f: {  	[bflag:$0x0] =	sbarrier.arrive $0xFFFF  }
0x20: {  	[tilespmem:s15], [sflag:$0x1] =	stream.indirect.gather [hbm4b:s6+s14], $0x40, s3, s14, $0xb8;
	[tilespmem:$0x1BE00] =	vst v63  }
0x21: {  	_ = 	snop  }
0x22: {  	[tilespmem:s16], [sflag:$0x2] =	stream.indirect.gather [hbm4b:s6+s14], $0x40, s14, s14, $0xb8;
	[tilespmem:$0x1BE00] =	vst v63  }
0x23: {  	_ = 	snop  }
0x24: {  	[tilespmem:s18], [sflag:$0x3] =	stream.indirect.gather [hbm4b:s6+s14], $0x40, s17, s14, $0xb8;
	[tilespmem:$0x1BE00] =	vst v63  }
0x25: {  	_ = 	snop  }
0x26: {  	[tilespmem:s20], [sflag:$0x4] =	stream.indirect.gather [hbm4b:s6+s14], $0x40, s19, s14, $0xb8;
	[tilespmem:$0x1BE00] =	vst v63  }
0x27: {  	_ =	swait.ge [sflag:s21], $0x2000  }
0x28: {  	[sflag:s21] =	ssyncset.done $0x0  }
0x29: {  	s0 =	simm.s32 $0x5000;
	[sflag:s21] =	ssyncadd.s32 $0xFFFFE000  }
0x2a: {  	[spmem:s1] =	stream.indirect.scatter.add.f32 [tilespmem:s15], [sflag:$0x5], $0x40, s0, s14, $0xb8;
	[tilespmem:$0x1BE00] =	vst v63  }
0x2b: {  	_ =	swait.ge [sflag:s9], $0x2000  }
0x2c: {  	[sflag:s9] =	ssyncset.done $0x0  }
0x2d: {  	s2 =	simm.s32 $0x200;
	[sflag:s9] =	ssyncadd.s32 $0xFFFFE000  }
0x2e: {  	[tilespmem:s15], [sflag:$0x1] =	stream.indirect.gather [hbm4b:s6+s14], $0x40, s2, s14, $0xb8;
	[tilespmem:$0x1BE00] =	vst v63  }
0x2f: {  	_ =	swait.ge [sflag:s22], $0x2000  }
0x30: {  	[sflag:s22] =	ssyncset.done $0x0  }
0x31: {  	s2 =	simm.s32 $0x5080;
	[sflag:s22] =	ssyncadd.s32 $0xFFFFE000  }
0x32: {  	[spmem:s1] =	stream.indirect.scatter.add.f32 [tilespmem:s16], [sflag:$0x5], $0x40, s2, s14, $0xb8;
	[tilespmem:$0x1BE00] =	vst v63  }
0x33: {  	_ =	swait.ge [sflag:s9], $0x2000  }
0x34: {  	[sflag:s9] =	ssyncset.done $0x0  }
0x35: {  	s2 =	simm.s32 $0x280;
	[sflag:s9] =	ssyncadd.s32 $0xFFFFE000  }
0x36: {  	[tilespmem:s16], [sflag:$0x2] =	stream.indirect.gather [hbm4b:s6+s14], $0x40, s2, s14, $0xb8;
	[tilespmem:$0x1BE00] =	vst v63  }
0x37: {  	_ =	swait.ge [sflag:s23], $0x2000  }
0x38: {  	[sflag:s23] =	ssyncset.done $0x0  }
0x39: {  	s2 =	simm.s32 $0x5100;
	[sflag:s23] =	ssyncadd.s32 $0xFFFFE000  }
0x3a: {  	[spmem:s1] =	stream.indirect.scatter.add.f32 [tilespmem:s18], [sflag:$0x5], $0x40, s2, s14, $0xb8;
	[tilespmem:$0x1BE00] =	vst v63  }
0x3b: {  	_ =	swait.ge [sflag:s9], $0x2000  }
0x3c: {  	[sflag:s9] =	ssyncset.done $0x0  }
0x3d: {  	s2 =	simm.s32 $0x300;
	[sflag:s9] =	ssyncadd.s32 $0xFFFFE000  }
0x3e: {  	[tilespmem:s18], [sflag:$0x3] =	stream.indirect.gather [hbm4b:s6+s14], $0x40, s2, s14, $0xb8;
	[tilespmem:$0x1BE00] =	vst v63  }
0x3f: {  	_ =	swait.ge [sflag:s24], $0x2000  }
0x40: {  	[sflag:s24] =	ssyncset.done $0x0  }
0x41: {  	s2 =	simm.s32 $0x5180;
	[sflag:s24] =	ssyncadd.s32 $0xFFFFE000  }
0x42: {  	[spmem:s1] =	stream.indirect.scatter.add.f32 [tilespmem:s20], [sflag:$0x5], $0x40, s2, s14, $0xb8;
	[tilespmem:$0x1BE00] =	vst v63  }
0x43: {  	_ =	swait.ge [sflag:s9], $0x2000  }
0x44: {  	[sflag:s9] =	ssyncset.done $0x0  }
0x45: {  	s31 =	simm.s32 $0x800;
	s0 =	simm.s32 $0x380;
	[sflag:s9] =	ssyncadd.s32 $0xFFFFE000  }
.LBB2_2:
0x46: {  	[tilespmem:s20], [sflag:$0x4] =	stream.indirect.gather [hbm4b:s6+s14], $0x40, s0, s14, $0xb8;
	[tilespmem:$0x1BE00] =	vst v63  }
0x47: {  	s0 =	smov.u32 s31  }
0x48: {  	p0 =	sne.s32 s31, $0x13000;
	s31 =	sadd.s32 $0x800, s31;
	_ =	swait.ge [sflag:s21], $0x2000  }
0x49: {  	s0 =	sshra.s32 s0, $0x2;
	[sflag:s21] =	ssyncset.done $0x0  }
0x4a: {  	s2 =	sadd.s32 $0x5000, s0;
	[sflag:s21] =	ssyncadd.s32 $0xFFFFE000  }
0x4b: {  	[spmem:s1] =	stream.indirect.scatter.add.f32 [tilespmem:s15], [sflag:$0x5], $0x40, s2, s14, $0xb8;
	[tilespmem:$0x1BE00] =	vst v63  }
0x4c: {  	_ =	swait.ge [sflag:s9], $0x2000  }
0x4d: {  	[sflag:s9] =	ssyncset.done $0x0  }
0x4e: {  	s2 =	sadd.s32 $0x200, s0;
	[sflag:s9] =	ssyncadd.s32 $0xFFFFE000  }
0x4f: {  	[tilespmem:s15], [sflag:$0x1] =	stream.indirect.gather [hbm4b:s6+s14], $0x40, s2, s14, $0xb8;
	[tilespmem:$0x1BE00] =	vst v63  }
0x50: {  	_ =	swait.ge [sflag:s22], $0x2000  }
0x51: {  	[sflag:s22] =	ssyncset.done $0x0  }
0x52: {  	s2 =	sadd.s32 $0x5080, s0;
	[sflag:s22] =	ssyncadd.s32 $0xFFFFE000  }
0x53: {  	[spmem:s1] =	stream.indirect.scatter.add.f32 [tilespmem:s16], [sflag:$0x5], $0x40, s2, s14, $0xb8;
	[tilespmem:$0x1BE00] =	vst v63  }
0x54: {  	_ =	swait.ge [sflag:s9], $0x2000  }
0x55: {  	[sflag:s9] =	ssyncset.done $0x0  }
0x56: {  	s2 =	sadd.s32 $0x280, s0;
	[sflag:s9] =	ssyncadd.s32 $0xFFFFE000  }
0x57: {  	[tilespmem:s16], [sflag:$0x2] =	stream.indirect.gather [hbm4b:s6+s14], $0x40, s2, s14, $0xb8;
	[tilespmem:$0x1BE00] =	vst v63  }
0x58: {  	_ =	swait.ge [sflag:s23], $0x2000  }
0x59: {  	[sflag:s23] =	ssyncset.done $0x0  }
0x5a: {  	s2 =	sadd.s32 $0x5100, s0;
	[sflag:s23] =	ssyncadd.s32 $0xFFFFE000  }
0x5b: {  	[spmem:s1] =	stream.indirect.scatter.add.f32 [tilespmem:s18], [sflag:$0x5], $0x40, s2, s14, $0xb8;
	[tilespmem:$0x1BE00] =	vst v63  }
0x5c: {  	_ =	swait.ge [sflag:s9], $0x2000  }
0x5d: {  	[sflag:s9] =	ssyncset.done $0x0  }
0x5e: {  	s2 =	sadd.s32 $0x300, s0;
	[sflag:s9] =	ssyncadd.s32 $0xFFFFE000  }
0x5f: {  	[tilespmem:s18], [sflag:$0x3] =	stream.indirect.gather [hbm4b:s6+s14], $0x40, s2, s14, $0xb8;
	[tilespmem:$0x1BE00] =	vst v63  }
0x60: {  	_ =	swait.ge [sflag:s24], $0x2000  }
0x61: {  	[sflag:s24] =	ssyncset.done $0x0  }
.Ltmp0:
0x62: {  	s2 =	sadd.s32 $0x5180, s0;
	[sflag:s24] =	ssyncadd.s32 $0xFFFFE000;
	(pc) =	sbr.rel @p0 .LBB2_2-.Ltmp0, $4  }
0x63: {  	[spmem:s1] =	stream.indirect.scatter.add.f32 [tilespmem:s20], [sflag:$0x5], $0x40, s2, s14, $0xb8;
	[tilespmem:$0x1BE00] =	vst v63  }
0x64: {  	_ =	swait.ge [sflag:s9], $0x2000  }
0x65: {  	[sflag:s9] =	ssyncset.done $0x0  }
0x66: {  	s0 =	sadd.s32 $0x380, s0;
	[sflag:s9] =	ssyncadd.s32 $0xFFFFE000  }
0x67: {  	[tilespmem:s20], [sflag:$0x4] =	stream.indirect.gather [hbm4b:s6+s14], $0x40, s0, s14, $0xb8;
	[tilespmem:$0x1BE00] =	vst v63  }
0x68: {  	_ =	swait.ge [sflag:s21], $0x2000  }
0x69: {  	[sflag:s21] =	ssyncset.done $0x0  }
0x6a: {  	[sflag:s21] =	ssyncadd.s32 $0xFFFFE000  }
0x6b: {  	[spmem:s1] =	stream.indirect.scatter.add.f32 [tilespmem:s15], [sflag:$0x5], $0x40, s25, s14, $0xb8;
	[tilespmem:$0x1BE00] =	vst v63  }
0x6c: {  	_ =	swait.ge [sflag:s9], $0x2000  }
0x6d: {  	[sflag:s9] =	ssyncset.done $0x0  }
0x6e: {  	[sflag:s9] =	ssyncadd.s32 $0xFFFFE000  }
0x6f: {  	_ =	swait.ge [sflag:s22], $0x2000  }
0x70: {  	[sflag:s22] =	ssyncset.done $0x0  }
0x71: {  	[sflag:s22] =	ssyncadd.s32 $0xFFFFE000  }
0x72: {  	[spmem:s1] =	stream.indirect.scatter.add.f32 [tilespmem:s16], [sflag:$0x5], $0x40, s26, s14, $0xb8;
	[tilespmem:$0x1BE00] =	vst v63  }
0x73: {  	_ =	swait.ge [sflag:s9], $0x2000  }
0x74: {  	[sflag:s9] =	ssyncset.done $0x0  }
0x75: {  	[sflag:s9] =	ssyncadd.s32 $0xFFFFE000  }
0x76: {  	_ =	swait.ge [sflag:s23], $0x2000  }
0x77: {  	[sflag:s23] =	ssyncset.done $0x0  }
0x78: {  	[sflag:s23] =	ssyncadd.s32 $0xFFFFE000  }
0x79: {  	[spmem:s1] =	stream.indirect.scatter.add.f32 [tilespmem:s18], [sflag:$0x5], $0x40, s28, s14, $0xb8;
	[tilespmem:$0x1BE00] =	vst v63  }
0x7a: {  	_ =	swait.ge [sflag:s9], $0x2000  }
0x7b: {  	[sflag:s9] =	ssyncset.done $0x0  }
0x7c: {  	[sflag:s9] =	ssyncadd.s32 $0xFFFFE000  }
0x7d: {  	_ =	swait.ge [sflag:s24], $0x2000  }
0x7e: {  	[sflag:s24] =	ssyncset.done $0x0  }
0x7f: {  	[sflag:s24] =	ssyncadd.s32 $0xFFFFE000  }
0x80: {  	[spmem:s1] =	stream.indirect.scatter.add.f32 [tilespmem:s20], [sflag:$0x5], $0x40, s29, s14, $0xb8;
	[tilespmem:$0x1BE00] =	vst v63  }
0x81: {  	_ =	swait.ge [sflag:s9], $0x2000  }
0x82: {  	s30 =	sadd.s32 $0x1, s30;
	[sflag:s9] =	ssyncset.done $0x0  }
0x83: {  	p0 =	sne.s32 s30, s8;
	[sflag:s9] =	ssyncadd.s32 $0xFFFFE000  }
.Ltmp1:
0x84: {  	[bflag:$0x0] =	sbarrier.arrive $0xFFFF;
	(pc) =	sbr.rel @p0 .LBB2_1-.Ltmp1, $4  }
0x85: {  	[hbm:s7], [sflag:s12] =	dma.local [spmem:s13], $0x13C0  }
0x86: {  	_ =	swait.ge [sflag:s9], $0x13C0  }
0x87: {  	[sflag:s9] =	ssyncset.done $0x0  }
0x88: {  	[sflag:s9] =	ssyncadd.s32 $0xFFFFEC40  }
0x89: {  	_ =	sfence.sel $0x180000  }
0x8a: {  	[bflag:$0x0] =	sbarrier.arrive $0xFFFF  }
0x8b: {  	_ =	strace $0x9000004D  }
0x8c: {  	s0 =	stileid.u32;
	[bflag:$0x2] =	sbarrier.arrive $0xFFFF  }
0x8d: {  	p0 =	sne.s32 s0, $0x0;
	s0 =	rddreg [dreg:$0x3]  }
0x8e: {  	s0 =	sadd.s32 @!p0 $0x100000, s0  }
0x8f: {  	[sflag:s0] =	ssyncadd.tile.s32 @!p0 $0x1;
	_ =	shalt  }
.Lfunc_end2:
_tile_overlayer_lowered:
.L_overlay_start_2:
0x90: {  	(tag) =	ssettag $0x2  }
0x91: {  	s0 =	rddreg [dreg:$0x0];
	s2 =	stileid.u32  }
0x92: {  	s1 =	rddreg [dreg:$0x1];
	p0 =	sne.s32 s2, $0x0  }
0x93: {  	s3 =	rddreg [dreg:$0x2];
	[bflag:$0x3] =	sbarrier.arrive $0xFFFF;
	s2 =	simm.s32 @!p0 $0x1C05  }
0x94: {  	[timem:s3], [sflag:s2] =	dma.local @!p0 [hbm:s0], s1  }
0x95: {  	s0 =	simm.s32 @!p0 $0x5  }
0x96: {  	_ =	swait.ge @!p0 [sflag:s0], s1  }
0x97: {  	s1 =	ssub.s32 @!p0 $0x0, s1;
	[sflag:s0] =	ssyncset.done @!p0 $0x0  }
0x98: {  	[sflag:s0] =	ssyncadd.s32 @!p0 s1  }
0x99: {  	[bflag:$0x3] =	sbarrier.arrive $0xFFFF  }
0x9a: {  	_ =	shalt  }

// kernel: kernel.21.cloned.1.call-start
scs
__scs_entry_jumppad:
0x0: {  	(pc) =	sbr.rel $0x88, $3  }
0x1: {  	(tag) =	ssettag $0x0;
	lr =	simm.s32 $0x1  }
0x2: {  	[smem:$0x3F9B] =	sst lr;
	_ =	strace $0xD0000000  }
0x3: {  	_ = 	snop  }
0x4: {  	_ = 	snop  }
0x5: {  	_ = 	snop  }
0x6: {  	_ = 	snop  }
0x7: {  	_ = 	snop  }
__scs_overlays_trampoline_lowered:
0x8: {  	[smem:$0x3FAA] =	sst s0  }
0x9: {  	[smem:$0x3FAB] =	sst s1  }
0xa: {  	[smem:$0x3FAC] =	sst s2  }
0xb: {  	[smem:$0x3FAD] =	sst s3  }
0xc: {  	[smem:$0x3FAE] =	sst s4  }
0xd: {  	[smem:$0x3FAF] =	sst s5  }
0xe: {  	[smem:$0x3FB0] =	sst s6  }
0xf: {  	[smem:$0x3FB1] =	sst s7  }
0x10: {  	[smem:$0x3FB2] =	sst s8  }
0x11: {  	[smem:$0x3FB3] =	sst s9;
	s0 =	simm.s32 @!p0 $0x0  }
0x12: {  	s1 =	sld [smem:$0x3F99];
	s0 =	simm.s32 @p0 $0x1  }
0x13: {  	[smem:$0x3FB4] =	sst s0;
	s0 =	simm.s32 @!p1 $0x0  }
0x14: {  	s2 =	sld [smem:$0x3F98];
	s0 =	simm.s32 @p1 $0x1  }
0x15: {  	[smem:$0x3FB5] =	sst s0;
	s0 =	simm.s32 @!p2 $0x0  }
0x16: {  	s3 =	sld [smem:$0x3FDB];
	s0 =	simm.s32 @p2 $0x1  }
0x17: {  	s4 =	simm.s32 $0x1BF5;
	[smem:$0x3FB7] =	sst s0  }
0x18: {  	s0 =	sld [smem:$0x3F9A];
	_ =	swait.ge [sflag:s4], $0x0  }
0x19: {  	s7 =	sld [smem:$0x3F9B]  }
0x1a: {  	s8 =	sadd.s32 $0xFFFFE003, lr  }
0x1b: {  	s9 =	sadd.s32 $0xFFFFFEF7, lr;
	s5 =	simm.s32 $0xFFFFFFFF;
	p2 =	slt.u32 s8, $0xFFFFF086  }
0x1c: {  	p1 =	slt.u32 s9, $0xF7A;
	s5 =	simm.s32 @!p2 $0x0  }
0x1d: {  	s5 =	simm.s32 @p1 $0x1;
	p0 =	seq.s32 s7, s2  }
0x1e: {  	s7 =	smul.u32 @!p0 $0xF7A, s2;
	p2 =	seq.s32 @!p0 s5, $0x0  }
0x1f: {  	s9 =	smul.u32 $0xF7A, s1;
	s8 =	simm.s32 @!p0 $0x1BF5;
	p2 =	por !p2, p0  }
0x20: {  	[sflag:s8] =	ssyncset.s32 @!p0 $0xFFFFF086;
	s6 =	sadd.s32 @!p0 s3, s7;
	s7 =	simm.s32 @!p0 $0x108  }
0x21: {  	s3 =	sadd.s32 s3, s9;
	s6 =	sadd.s32 @!p0 $0x88, s6;
	s7 =	simm.s32 @p2 $0x1082  }
0x22: {  	[simem:s7], [sflag:s8] =	dma.local @!p0 [hbm:s6], $0xF7A  }
0x23: {  	s9 =	sor.u32 $0xD0000000, s2;
	s6 =	simm.s32 $0x108;
	_ =	swait.ge @!p0 [sflag:s8], $0x0  }
0x24: {  	s3 =	sadd.s32 $0x88, s3;
	s6 =	simm.s32 @!p1 $0x1082;
	[sflag:s4] =	ssyncset.s32 $0xFFFFF086  }
0x25: {  	[simem:s6], [sflag:s4] =	dma.local [hbm:s3], $0xF7A  }
0x26: {  	[smem:$0x3F9B] =	sst s1;
	(tag) =	ssettag s2;
	_ =	strace s9  }
0x27: {  	s1 =	sld [smem:$0x3FAB]  }
0x28: {  	s2 =	sld [smem:$0x3FAC]  }
0x29: {  	s4 =	sld [smem:$0x3FAE]  }
0x2a: {  	p0 =	seq.s32 s5, $0x0;
	s5 =	sld [smem:$0x3FAF]  }
0x2b: {  	s6 =	sld [smem:$0x3FB0]  }
0x2c: {  	s7 =	sld [smem:$0x3FB1]  }
0x2d: {  	s3 =	simm.s32 $0x108;
	s8 =	sld [smem:$0x3FB2]  }
0x2e: {  	s3 =	simm.s32 @!p0 $0x1082;
	s9 =	sld [smem:$0x3FB3]  }
0x2f: {  	lr =	sadd.s32 s0, s3;
	s0 =	sld [smem:$0x3FAA]  }
0x30: {  	s3 =	sld [smem:$0x3FAD]  }
0x31: {  	[smem:$0x3FB6] =	sst s10  }
0x32: {  	s10 =	sld [smem:$0x3FB4];
	_ =	sdelay $0x3  }
0x33: {  	p0 =	seq.s32 s10, $0x1;
	s10 =	sld [smem:$0x3FB6];
	_ =	sdelay $0x3  }
0x34: {  	[smem:$0x3FB6] =	sst s10  }
0x35: {  	s10 =	sld [smem:$0x3FB5];
	_ =	sdelay $0x3  }
0x36: {  	p1 =	seq.s32 s10, $0x1;
	s10 =	sld [smem:$0x3FB6];
	_ =	sdelay $0x3  }
0x37: {  	[smem:$0x3FB6] =	sst s10  }
0x38: {  	s10 =	sld [smem:$0x3FB7]  }
0x39: {  	_ = 	snop;
	(pc) =	sbr.ind lr, $3  }
0x3a: {  	_ = 	snop  }
0x3b: {  	_ = 	snop  }
0x3c: {  	p2 =	seq.s32 s10, $0x1;
	s10 =	sld [smem:$0x3FB6]  }
0x3d: {  	_ =	shalt  }
0x3e: {  	_ =	shalt  }
0x3f: {  	_ =	shalt  }
0x40: {  	_ =	shalt  }
0x41: {  	_ =	shalt  }
0x42: {  	_ =	shalt  }
0x43: {  	_ =	shalt  }
0x44: {  	_ =	shalt  }
0x45: {  	_ =	shalt  }
0x46: {  	_ =	shalt  }
0x47: {  	_ =	shalt  }
0x48: {  	_ =	shalt  }
0x49: {  	_ =	shalt  }
0x4a: {  	_ =	shalt  }
0x4b: {  	_ =	shalt  }
0x4c: {  	_ =	shalt  }
0x4d: {  	_ =	shalt  }
0x4e: {  	_ =	shalt  }
0x4f: {  	_ =	shalt  }
0x50: {  	_ =	shalt  }
0x51: {  	_ =	shalt  }
0x52: {  	_ =	shalt  }
0x53: {  	_ =	shalt  }
0x54: {  	_ =	shalt  }
0x55: {  	_ =	shalt  }
0x56: {  	_ =	shalt  }
0x57: {  	_ =	shalt  }
0x58: {  	_ =	shalt  }
0x59: {  	_ =	shalt  }
0x5a: {  	_ =	shalt  }
0x5b: {  	_ =	shalt  }
0x5c: {  	_ =	shalt  }
0x5d: {  	_ =	shalt  }
0x5e: {  	_ =	shalt  }
0x5f: {  	_ =	shalt  }
0x60: {  	_ =	shalt  }
0x61: {  	_ =	shalt  }
0x62: {  	_ =	shalt  }
0x63: {  	_ =	shalt  }
0x64: {  	_ =	shalt  }
0x65: {  	_ =	shalt  }
0x66: {  	_ =	shalt  }
0x67: {  	_ =	shalt  }
0x68: {  	_ =	shalt  }
0x69: {  	_ =	shalt  }
0x6a: {  	_ =	shalt  }
0x6b: {  	_ =	shalt  }
0x6c: {  	_ =	shalt  }
0x6d: {  	_ =	shalt  }
0x6e: {  	_ =	shalt  }
0x6f: {  	_ =	shalt  }
0x70: {  	_ =	shalt  }
0x71: {  	_ =	shalt  }
0x72: {  	_ =	shalt  }
0x73: {  	_ =	shalt  }
0x74: {  	_ =	shalt  }
0x75: {  	_ =	shalt  }
0x76: {  	_ =	shalt  }
0x77: {  	_ =	shalt  }
0x78: {  	_ =	shalt  }
0x79: {  	_ =	shalt  }
0x7a: {  	_ =	shalt  }
0x7b: {  	_ =	shalt  }
0x7c: {  	_ =	shalt  }
0x7d: {  	_ =	shalt  }
0x7e: {  	_ =	shalt  }
0x7f: {  	_ =	shalt  }
0x80: {  	_ =	shalt  }
0x81: {  	_ =	shalt  }
0x82: {  	_ =	shalt  }
0x83: {  	_ =	shalt  }
0x84: {  	_ =	shalt  }
0x85: {  	_ =	shalt  }
0x86: {  	_ =	shalt  }
0x87: {  	_ =	shalt  }
.Lfunc_end0:
.L_simem_size_0:
called_computation.3_lowered:
.L_overlay_start_0:
0x88: {  	s2 =	sld [smem:$0x3FD9]  }
0x89: {  	s3 =	sld [smem:$0x3FFE];
	_ =	sdelay $0x1  }
0x8a: {  	s1 =	srdreg.scid  }
0x8b: {  	s0 =	sand.u32 $0x1, s1  }
0x8c: {  	s17 =	sshll.u32 s0, $0xA;
	s2 =	sadd.s32 s3, s2  }
0x8d: {  	s2 =	sadd.s32 s2, s17  }
0x8e: {  	[smem:$0x3FC2] =	sst s2  }
0x8f: {  	_ = 	snop  }
0x90: {  	s2 =	sld [smem:$0x3FD0];
	(tm) =	ssettm $0x1  }
0x91: {  	s18 =	sld [smem:$0x3FFB];
	_ =	sdelay $0x3  }
0x92: {  	_ =	strace s18  }
0x93: {  	s3 =	sld [smem:$0x3FFC];
	_ =	sdelay $0x3  }
0x94: {  	_ =	strace s3  }
0x95: {  	s3 =	sld [smem:$0x3FFD];
	_ =	sdelay $0x3  }
0x96: {  	_ =	strace s3  }
0x97: {  	_ =	strace $0x8FFFFFFF  }
0x98: {  	s19 =	sld [smem:$0x3FDB];
	_ =	sdelay $0x1  }
0x99: {  	s4 =	simm.s32 $_scs_section_size  }
0x9a: {  	s5 =	simm.s32 $_size__tile_overlayer_lowered;
	s6 =	simm.s32 $_tile_overlayer_lowered  }
0x9b: {  	s22 =	simm.s32 $0x1BFF;
	s21 =	sshll.u32 s6, $0x1;
	s3 =	sadd.s32 s4, s19  }
0x9c: {  	s7 =	simm.s32 $0x0;
	s20 =	sshll.u32 s5, $0x1;
	s5 =	sadd.s32 s21, s3  }
0x9d: {  	[timem:s7], [sflag:s22] =	dma.local [hbm:s5], s20  }
0x9e: {  	_ =	swait.ge [sflag:s22], s20  }
0x9f: {  	s4 =	ssub.s32 $0x0, s20;
	[sflag:s22] =	ssyncset.done $0x0  }
0xa0: {  	[sflag:s22] =	ssyncadd.s32 s4;
	_ =	sdelay $0x1  }
0xa1: {  	s23 =	simm.s32 $0x1B8B  }
0xa2: {  	_ =	swait.ge [sflag:s23], $0x1  }
0xa3: {  	[sflag:s23] =	ssyncset.done $0x0  }
0xa4: {  	s25 =	simm.s32 $0x1B8E;
	s24 =	sld [smem:$0x3FFE];
	[sflag:s23] =	ssyncadd.s32 $0xFFFFFFFF  }
0xa5: {  	s26 =	simm.s32 $execute0_lowered;
	[smem:$0x3FD2] =	sst s25  }
0xa6: {  	s5 =	sshll.u32 s26, $0x1;
	_ =	strace $0x8000004F;
	[dreg:$0x1] =	wrdreg $0xFFFFFFFF  }
0xa7: {  	s28 =	simm.s32 $_size_execute0_lowered;
	s3 =	sadd.s32 s3, s5;
	[dreg:$0x0] =	wrdreg $0x0  }
0xa8: {  	s5 =	sshll.u32 s28, $0x1;
	[dreg:$0x2] =	wrdreg s3  }
0xa9: {  	[dreg:$0x3] =	wrdreg s5  }
0xaa: {  	[dreg:$0x4] =	wrdreg $0xC0  }
0xab: {  	_ =	task [dreg:s7], $0x5FFFF  }
0xac: {  	[dreg:$0x1] =	wrdreg $0xFFFFFFFF  }
0xad: {  	[dreg:$0x0] =	wrdreg $0x60  }
0xae: {  	[dreg:$0x2] =	wrdreg s24  }
0xaf: {  	[dreg:$0x3] =	wrdreg s2  }
0xb0: {  	[dreg:$0x4] =	wrdreg $0x120000  }
0xb1: {  	[dreg:$0x5] =	wrdreg $0x9  }
0xb2: {  	_ =	task.clear_ibuf [dreg:s7], $0x6FFFF;
	_ =	strace $0x9000004F  }
0xb3: {  	s29 =	simm.s32 $0x9;
	_ =	strace $0x80000051  }
0xb4: {  	_ =	swait.ge [sflag:s29], $0x1  }
0xb5: {  	[sflag:s29] =	ssyncadd.s32 $0xFFFFFFFF  }
0xb6: {  	_ =	strace $0x90000051  }
0xb7: {  	_ =	sfence  }
0xb8: {  	s30 =	sld [smem:$0x0];
	_ =	sdelay $0x2  }
0xb9: {  	s31 =	sshll.u32 s1, $0xD;
	s1 =	sshrl.u32 s1, $0x2  }
0xba: {  	s3 =	sand.u32 $0x4000, s31;
	s1 =	sadd.s32 s1, s30  }
0xbb: {  	s0 =	sor.u32 s3, s0;
	s1 =	sshll.u32 s1, $0x11  }
0xbc: {  	s0 =	sor.u32 s1, s0  }
0xbd: {  	s0 =	sadd.s32 $0x8F2B, s0  }
0xbe: {  	[sflag:s0] =	ssyncadd.remote.s32 $0x1  }
0xbf: {  	_ =	sfence.sel $0xFFFF  }
0xc0: {  	[dreg:$0x0] =	wrdreg $0xFFFFFFFF;
	(pc) =	sbr.abs _section_cstart, $3  }
0xc1: {  	[dreg:$0x1] =	wrdreg $0xFFFFFFFF  }
0xc2: {  	_ =	task.clear_ibuf [dreg:s7], $0x2FFFF;
	_ =	strace $0x9FFFFFFF  }
0xc3: {  	(tm) =	ssettm $0x7FFFFFFF  }
tec
execute0_lowered:
.L_overlay_start_1:
0x0: {  	(tag) =	ssettag $0x1  }
0x1: {  	s0 =	rddreg [dreg:$0x0]  }
0x2: {  	s5 =	rddreg [dreg:$0x1]  }
0x3: {  	s1 =	rddreg [dreg:$0x2];
	s2 =	srdreg.scid;
	s3 =	simm.s32 $0x0  }
0x4: {  	s25 =	stileid.u32;
	s14 =	simm.s32 $0x80;
	s15 =	simm.s32 $0xA000  }
0x5: {  	s16 =	simm.s32 $0xC000;
	s17 =	simm.s32 $0x100;
	s18 =	simm.s32 $0xE000  }
0x6: {  	s19 =	simm.s32 $0x180;
	s20 =	simm.s32 $0x10000;
	s21 =	simm.s32 $0x1  }
0x7: {  	s22 =	simm.s32 $0x2;
	s23 =	simm.s32 $0x3;
	s24 =	simm.s32 $0x4  }
0x8: {  	s28 =	simm.s32 $0x9F00;
	s29 =	simm.s32 $0x9F80;
	s30 =	simm.s32 $0x0  }
0x9: {  	s4 =	sand.u32 $0x1, s2;
	[smem:$0x7FF] =	sst s3;
	s7 =	smul.u32 $0x9E00, s25  }
0xa: {  	s9 =	smul.u32 $0xA00, s25;
	s31 =	sshll.u32 s25, $0x6;
	s25 =	simm.s32 $0x9E00  }
0xb: {  	s6 =	smul.u32 $0x9E000, s4;
	_ =	strace $0x80000050;
	s4 =	ssub.s32 $0x2, s4  }
0xc: {  	s10 =	sadd.s32 s9, s0;
	s26 =	sshrl.u32 s4, $0x1;
	s5 =	sadd.s32 s5, s9  }
0xd: {  	s13 =	sadd.s32 s7, s1;
	s12 =	sshrl.u32 s7, $0x3;
	s9 =	simm.s32 $0x5  }
0xe: {  	s8 =	sshrl.u32 s6, $0x3;
	s6 =	sadd.s32 s7, s6;
	s11 =	ssub.s32 s4, s26  }
0xf: {  	s4 =	sadd.s32 $0x9800, s10;
	s10 =	simm.s32 $0x5000;
	s13 =	sshrl.u32 s13, $0x3  }
0x10: {  	s26 =	simm.s32 $0x9E80;
	s8 =	sadd.s32 s8, s0;
	s6 =	sshrl.u32 s6, $0x3  }
0x11: {  	s0 =	sadd.s32 s6, s0;
	s6 =	sadd.s32 $0x13800, s8;
	s8 =	smax.u32 s11, $0x1  }
0x12: {  	s7 =	sadd.s32 $0x3B000, s0;
	s11 =	sadd.s32 s12, s6;
	s12 =	sor.u32 $0x1C05, s31  }
.LBB2_1:
0x13: {  	[tilespmem:s3], [sflag:$0x5] =	stream.linear.gather [hbm4b:s4+s3], $0x5000, $0x38;
	[tilespmem:$0x1BE00] =	vst v63  }
0x14: {  	_ =	swait.ge [sflag:s9], $0x5000  }
0x15: {  	[sflag:s9] =	ssyncset.done $0x0  }
0x16: {  	[sflag:s9] =	ssyncadd.s32 $0xFFFFB000  }
0x17: {  	[tilespmem:s10], [sflag:$0x5] =	stream.linear.gather [hbm4b:s5+s3], $0x5000, $0x38;
	[tilespmem:$0x1BE00] =	vst v63  }
0x18: {  	_ =	swait.ge [sflag:s9], $0x5000  }
0x19: {  	[sflag:s9] =	ssyncset.done $0x0  }
0x1a: {  	[sflag:s9] =	ssyncadd.s32 $0xFFFFB000  }
0x1b: {  	[spmem:s13], [sflag:s12] =	dma.local [hbm:s11], $0x13C0  }
0x1c: {  	_ =	swait.ge [sflag:s9], $0x13C0  }
0x1d: {  	[sflag:s9] =	ssyncset.done $0x0  }
0x1e: {  	[sflag:s9] =	ssyncadd.s32 $0xFFFFEC40  }
0x1f: {  	[bflag:$0x0] =	sbarrier.arrive $0xFFFF  }
0x20: {  	[tilespmem:s15], [sflag:$0x1] =	stream.indirect.gather [hbm4b:s6+s14], $0x40, s3, s14, $0xb8;
	[tilespmem:$0x1BE00] =	vst v63  }
0x21: {  	_ = 	snop  }
0x22: {  	[tilespmem:s16], [sflag:$0x2] =	stream.indirect.gather [hbm4b:s6+s14], $0x40, s14, s14, $0xb8;
	[tilespmem:$0x1BE00] =	vst v63  }
0x23: {  	_ = 	snop  }
0x24: {  	[tilespmem:s18], [sflag:$0x3] =	stream.indirect.gather [hbm4b:s6+s14], $0x40, s17, s14, $0xb8;
	[tilespmem:$0x1BE00] =	vst v63  }
0x25: {  	_ = 	snop  }
0x26: {  	[tilespmem:s20], [sflag:$0x4] =	stream.indirect.gather [hbm4b:s6+s14], $0x40, s19, s14, $0xb8;
	[tilespmem:$0x1BE00] =	vst v63  }
0x27: {  	_ =	swait.ge [sflag:s21], $0x2000  }
0x28: {  	[sflag:s21] =	ssyncset.done $0x0  }
0x29: {  	s0 =	simm.s32 $0x5000;
	[sflag:s21] =	ssyncadd.s32 $0xFFFFE000  }
0x2a: {  	[spmem:s1] =	stream.indirect.scatter.add.f32 [tilespmem:s15], [sflag:$0x5], $0x40, s0, s14, $0xb8;
	[tilespmem:$0x1BE00] =	vst v63  }
0x2b: {  	_ =	swait.ge [sflag:s9], $0x2000  }
0x2c: {  	[sflag:s9] =	ssyncset.done $0x0  }
0x2d: {  	s2 =	simm.s32 $0x200;
	[sflag:s9] =	ssyncadd.s32 $0xFFFFE000  }
0x2e: {  	[tilespmem:s15], [sflag:$0x1] =	stream.indirect.gather [hbm4b:s6+s14], $0x40, s2, s14, $0xb8;
	[tilespmem:$0x1BE00] =	vst v63  }
0x2f: {  	_ =	swait.ge [sflag:s22], $0x2000  }
0x30: {  	[sflag:s22] =	ssyncset.done $0x0  }
0x31: {  	s2 =	simm.s32 $0x5080;
	[sflag:s22] =	ssyncadd.s32 $0xFFFFE000  }
0x32: {  	[spmem:s1] =	stream.indirect.scatter.add.f32 [tilespmem:s16], [sflag:$0x5], $0x40, s2, s14, $0xb8;
	[tilespmem:$0x1BE00] =	vst v63  }
0x33: {  	_ =	swait.ge [sflag:s9], $0x2000  }
0x34: {  	[sflag:s9] =	ssyncset.done $0x0  }
0x35: {  	s2 =	simm.s32 $0x280;
	[sflag:s9] =	ssyncadd.s32 $0xFFFFE000  }
0x36: {  	[tilespmem:s16], [sflag:$0x2] =	stream.indirect.gather [hbm4b:s6+s14], $0x40, s2, s14, $0xb8;
	[tilespmem:$0x1BE00] =	vst v63  }
0x37: {  	_ =	swait.ge [sflag:s23], $0x2000  }
0x38: {  	[sflag:s23] =	ssyncset.done $0x0  }
0x39: {  	s2 =	simm.s32 $0x5100;
	[sflag:s23] =	ssyncadd.s32 $0xFFFFE000  }
0x3a: {  	[spmem:s1] =	stream.indirect.scatter.add.f32 [tilespmem:s18], [sflag:$0x5], $0x40, s2, s14, $0xb8;
	[tilespmem:$0x1BE00] =	vst v63  }
0x3b: {  	_ =	swait.ge [sflag:s9], $0x2000  }
0x3c: {  	[sflag:s9] =	ssyncset.done $0x0  }
0x3d: {  	s2 =	simm.s32 $0x300;
	[sflag:s9] =	ssyncadd.s32 $0xFFFFE000  }
0x3e: {  	[tilespmem:s18], [sflag:$0x3] =	stream.indirect.gather [hbm4b:s6+s14], $0x40, s2, s14, $0xb8;
	[tilespmem:$0x1BE00] =	vst v63  }
0x3f: {  	_ =	swait.ge [sflag:s24], $0x2000  }
0x40: {  	[sflag:s24] =	ssyncset.done $0x0  }
0x41: {  	s2 =	simm.s32 $0x5180;
	[sflag:s24] =	ssyncadd.s32 $0xFFFFE000  }
0x42: {  	[spmem:s1] =	stream.indirect.scatter.add.f32 [tilespmem:s20], [sflag:$0x5], $0x40, s2, s14, $0xb8;
	[tilespmem:$0x1BE00] =	vst v63  }
0x43: {  	_ =	swait.ge [sflag:s9], $0x2000  }
0x44: {  	[sflag:s9] =	ssyncset.done $0x0  }
0x45: {  	s31 =	simm.s32 $0x800;
	s0 =	simm.s32 $0x380;
	[sflag:s9] =	ssyncadd.s32 $0xFFFFE000  }
.LBB2_2:
0x46: {  	[tilespmem:s20], [sflag:$0x4] =	stream.indirect.gather [hbm4b:s6+s14], $0x40, s0, s14, $0xb8;
	[tilespmem:$0x1BE00] =	vst v63  }
0x47: {  	s0 =	smov.u32 s31  }
0x48: {  	p0 =	sne.s32 s31, $0x13000;
	s31 =	sadd.s32 $0x800, s31;
	_ =	swait.ge [sflag:s21], $0x2000  }
0x49: {  	s0 =	sshra.s32 s0, $0x2;
	[sflag:s21] =	ssyncset.done $0x0  }
0x4a: {  	s2 =	sadd.s32 $0x5000, s0;
	[sflag:s21] =	ssyncadd.s32 $0xFFFFE000  }
0x4b: {  	[spmem:s1] =	stream.indirect.scatter.add.f32 [tilespmem:s15], [sflag:$0x5], $0x40, s2, s14, $0xb8;
	[tilespmem:$0x1BE00] =	vst v63  }
0x4c: {  	_ =	swait.ge [sflag:s9], $0x2000  }
0x4d: {  	[sflag:s9] =	ssyncset.done $0x0  }
0x4e: {  	s2 =	sadd.s32 $0x200, s0;
	[sflag:s9] =	ssyncadd.s32 $0xFFFFE000  }
0x4f: {  	[tilespmem:s15], [sflag:$0x1] =	stream.indirect.gather [hbm4b:s6+s14], $0x40, s2, s14, $0xb8;
	[tilespmem:$0x1BE00] =	vst v63  }
0x50: {  	_ =	swait.ge [sflag:s22], $0x2000  }
0x51: {  	[sflag:s22] =	ssyncset.done $0x0  }
0x52: {  	s2 =	sadd.s32 $0x5080, s0;
	[sflag:s22] =	ssyncadd.s32 $0xFFFFE000  }
0x53: {  	[spmem:s1] =	stream.indirect.scatter.add.f32 [tilespmem:s16], [sflag:$0x5], $0x40, s2, s14, $0xb8;
	[tilespmem:$0x1BE00] =	vst v63  }
0x54: {  	_ =	swait.ge [sflag:s9], $0x2000  }
0x55: {  	[sflag:s9] =	ssyncset.done $0x0  }
0x56: {  	s2 =	sadd.s32 $0x280, s0;
	[sflag:s9] =	ssyncadd.s32 $0xFFFFE000  }
0x57: {  	[tilespmem:s16], [sflag:$0x2] =	stream.indirect.gather [hbm4b:s6+s14], $0x40, s2, s14, $0xb8;
	[tilespmem:$0x1BE00] =	vst v63  }
0x58: {  	_ =	swait.ge [sflag:s23], $0x2000  }
0x59: {  	[sflag:s23] =	ssyncset.done $0x0  }
0x5a: {  	s2 =	sadd.s32 $0x5100, s0;
	[sflag:s23] =	ssyncadd.s32 $0xFFFFE000  }
0x5b: {  	[spmem:s1] =	stream.indirect.scatter.add.f32 [tilespmem:s18], [sflag:$0x5], $0x40, s2, s14, $0xb8;
	[tilespmem:$0x1BE00] =	vst v63  }
0x5c: {  	_ =	swait.ge [sflag:s9], $0x2000  }
0x5d: {  	[sflag:s9] =	ssyncset.done $0x0  }
0x5e: {  	s2 =	sadd.s32 $0x300, s0;
	[sflag:s9] =	ssyncadd.s32 $0xFFFFE000  }
0x5f: {  	[tilespmem:s18], [sflag:$0x3] =	stream.indirect.gather [hbm4b:s6+s14], $0x40, s2, s14, $0xb8;
	[tilespmem:$0x1BE00] =	vst v63  }
0x60: {  	_ =	swait.ge [sflag:s24], $0x2000  }
0x61: {  	[sflag:s24] =	ssyncset.done $0x0  }
.Ltmp0:
0x62: {  	s2 =	sadd.s32 $0x5180, s0;
	[sflag:s24] =	ssyncadd.s32 $0xFFFFE000;
	(pc) =	sbr.rel @p0 .LBB2_2-.Ltmp0, $4  }
0x63: {  	[spmem:s1] =	stream.indirect.scatter.add.f32 [tilespmem:s20], [sflag:$0x5], $0x40, s2, s14, $0xb8;
	[tilespmem:$0x1BE00] =	vst v63  }
0x64: {  	_ =	swait.ge [sflag:s9], $0x2000  }
0x65: {  	[sflag:s9] =	ssyncset.done $0x0  }
0x66: {  	s0 =	sadd.s32 $0x380, s0;
	[sflag:s9] =	ssyncadd.s32 $0xFFFFE000  }
0x67: {  	[tilespmem:s20], [sflag:$0x4] =	stream.indirect.gather [hbm4b:s6+s14], $0x40, s0, s14, $0xb8;
	[tilespmem:$0x1BE00] =	vst v63  }
0x68: {  	_ =	swait.ge [sflag:s21], $0x2000  }
0x69: {  	[sflag:s21] =	ssyncset.done $0x0  }
0x6a: {  	[sflag:s21] =	ssyncadd.s32 $0xFFFFE000  }
0x6b: {  	[spmem:s1] =	stream.indirect.scatter.add.f32 [tilespmem:s15], [sflag:$0x5], $0x40, s25, s14, $0xb8;
	[tilespmem:$0x1BE00] =	vst v63  }
0x6c: {  	_ =	swait.ge [sflag:s9], $0x2000  }
0x6d: {  	[sflag:s9] =	ssyncset.done $0x0  }
0x6e: {  	[sflag:s9] =	ssyncadd.s32 $0xFFFFE000  }
0x6f: {  	_ =	swait.ge [sflag:s22], $0x2000  }
0x70: {  	[sflag:s22] =	ssyncset.done $0x0  }
0x71: {  	[sflag:s22] =	ssyncadd.s32 $0xFFFFE000  }
0x72: {  	[spmem:s1] =	stream.indirect.scatter.add.f32 [tilespmem:s16], [sflag:$0x5], $0x40, s26, s14, $0xb8;
	[tilespmem:$0x1BE00] =	vst v63  }
0x73: {  	_ =	swait.ge [sflag:s9], $0x2000  }
0x74: {  	[sflag:s9] =	ssyncset.done $0x0  }
0x75: {  	[sflag:s9] =	ssyncadd.s32 $0xFFFFE000  }
0x76: {  	_ =	swait.ge [sflag:s23], $0x2000  }
0x77: {  	[sflag:s23] =	ssyncset.done $0x0  }
0x78: {  	[sflag:s23] =	ssyncadd.s32 $0xFFFFE000  }
0x79: {  	[spmem:s1] =	stream.indirect.scatter.add.f32 [tilespmem:s18], [sflag:$0x5], $0x40, s28, s14, $0xb8;
	[tilespmem:$0x1BE00] =	vst v63  }
0x7a: {  	_ =	swait.ge [sflag:s9], $0x2000  }
0x7b: {  	[sflag:s9] =	ssyncset.done $0x0  }
0x7c: {  	[sflag:s9] =	ssyncadd.s32 $0xFFFFE000  }
0x7d: {  	_ =	swait.ge [sflag:s24], $0x2000  }
0x7e: {  	[sflag:s24] =	ssyncset.done $0x0  }
0x7f: {  	[sflag:s24] =	ssyncadd.s32 $0xFFFFE000  }
0x80: {  	[spmem:s1] =	stream.indirect.scatter.add.f32 [tilespmem:s20], [sflag:$0x5], $0x40, s29, s14, $0xb8;
	[tilespmem:$0x1BE00] =	vst v63  }
0x81: {  	_ =	swait.ge [sflag:s9], $0x2000  }
0x82: {  	s30 =	sadd.s32 $0x1, s30;
	[sflag:s9] =	ssyncset.done $0x0  }
0x83: {  	p0 =	sne.s32 s30, s8;
	[sflag:s9] =	ssyncadd.s32 $0xFFFFE000  }
.Ltmp1:
0x84: {  	[bflag:$0x0] =	sbarrier.arrive $0xFFFF;
	(pc) =	sbr.rel @p0 .LBB2_1-.Ltmp1, $4  }
0x85: {  	[hbm:s7], [sflag:s12] =	dma.local [spmem:s13], $0x13C0  }
0x86: {  	_ =	swait.ge [sflag:s9], $0x13C0  }
0x87: {  	[sflag:s9] =	ssyncset.done $0x0  }
0x88: {  	[sflag:s9] =	ssyncadd.s32 $0xFFFFEC40  }
0x89: {  	_ =	sfence.sel $0x180000  }
0x8a: {  	[bflag:$0x0] =	sbarrier.arrive $0xFFFF  }
0x8b: {  	_ =	strace $0x90000050  }
0x8c: {  	s0 =	stileid.u32;
	[bflag:$0x2] =	sbarrier.arrive $0xFFFF  }
0x8d: {  	p0 =	sne.s32 s0, $0x0;
	s0 =	rddreg [dreg:$0x3]  }
0x8e: {  	s0 =	sadd.s32 @!p0 $0x100000, s0  }
0x8f: {  	[sflag:s0] =	ssyncadd.tile.s32 @!p0 $0x1;
	_ =	shalt  }
.Lfunc_end2:
_tile_overlayer_lowered:
.L_overlay_start_2:
0x90: {  	(tag) =	ssettag $0x2  }
0x91: {  	s0 =	rddreg [dreg:$0x0];
	s2 =	stileid.u32  }
0x92: {  	s1 =	rddreg [dreg:$0x1];
	p0 =	sne.s32 s2, $0x0  }
0x93: {  	s3 =	rddreg [dreg:$0x2];
	[bflag:$0x3] =	sbarrier.arrive $0xFFFF;
	s2 =	simm.s32 @!p0 $0x1C05  }
0x94: {  	[timem:s3], [sflag:s2] =	dma.local @!p0 [hbm:s0], s1  }
0x95: {  	s0 =	simm.s32 @!p0 $0x5  }
0x96: {  	_ =	swait.ge @!p0 [sflag:s0], s1  }
0x97: {  	s1 =	ssub.s32 @!p0 $0x0, s1;
	[sflag:s0] =	ssyncset.done @!p0 $0x0  }
0x98: {  	[sflag:s0] =	ssyncadd.s32 @!p0 s1  }
0x99: {  	[bflag:$0x3] =	sbarrier.arrive $0xFFFF  }
0x9a: {  	_ =	shalt  }

// kernel: kernel.24.cloned.1.call-start
scs
__scs_entry_jumppad:
0x0: {  	(pc) =	sbr.rel $0x88, $3  }
0x1: {  	(tag) =	ssettag $0x0;
	lr =	simm.s32 $0x1  }
0x2: {  	[smem:$0x3F9B] =	sst lr;
	_ =	strace $0xD0000000  }
0x3: {  	_ = 	snop  }
0x4: {  	_ = 	snop  }
0x5: {  	_ = 	snop  }
0x6: {  	_ = 	snop  }
0x7: {  	_ = 	snop  }
__scs_overlays_trampoline_lowered:
0x8: {  	[smem:$0x3FAA] =	sst s0  }
0x9: {  	[smem:$0x3FAB] =	sst s1  }
0xa: {  	[smem:$0x3FAC] =	sst s2  }
0xb: {  	[smem:$0x3FAD] =	sst s3  }
0xc: {  	[smem:$0x3FAE] =	sst s4  }
0xd: {  	[smem:$0x3FAF] =	sst s5  }
0xe: {  	[smem:$0x3FB0] =	sst s6  }
0xf: {  	[smem:$0x3FB1] =	sst s7  }
0x10: {  	[smem:$0x3FB2] =	sst s8  }
0x11: {  	[smem:$0x3FB3] =	sst s9;
	s0 =	simm.s32 @!p0 $0x0  }
0x12: {  	s1 =	sld [smem:$0x3F99];
	s0 =	simm.s32 @p0 $0x1  }
0x13: {  	[smem:$0x3FB4] =	sst s0;
	s0 =	simm.s32 @!p1 $0x0  }
0x14: {  	s2 =	sld [smem:$0x3F98];
	s0 =	simm.s32 @p1 $0x1  }
0x15: {  	[smem:$0x3FB5] =	sst s0;
	s0 =	simm.s32 @!p2 $0x0  }
0x16: {  	s3 =	sld [smem:$0x3FDB];
	s0 =	simm.s32 @p2 $0x1  }
0x17: {  	s4 =	simm.s32 $0x1BF5;
	[smem:$0x3FB7] =	sst s0  }
0x18: {  	s0 =	sld [smem:$0x3F9A];
	_ =	swait.ge [sflag:s4], $0x0  }
0x19: {  	s7 =	sld [smem:$0x3F9B]  }
0x1a: {  	s8 =	sadd.s32 $0xFFFFE003, lr  }
0x1b: {  	s9 =	sadd.s32 $0xFFFFFEF7, lr;
	s5 =	simm.s32 $0xFFFFFFFF;
	p2 =	slt.u32 s8, $0xFFFFF086  }
0x1c: {  	p1 =	slt.u32 s9, $0xF7A;
	s5 =	simm.s32 @!p2 $0x0  }
0x1d: {  	s5 =	simm.s32 @p1 $0x1;
	p0 =	seq.s32 s7, s2  }
0x1e: {  	s7 =	smul.u32 @!p0 $0xF7A, s2;
	p2 =	seq.s32 @!p0 s5, $0x0  }
0x1f: {  	s9 =	smul.u32 $0xF7A, s1;
	s8 =	simm.s32 @!p0 $0x1BF5;
	p2 =	por !p2, p0  }
0x20: {  	[sflag:s8] =	ssyncset.s32 @!p0 $0xFFFFF086;
	s6 =	sadd.s32 @!p0 s3, s7;
	s7 =	simm.s32 @!p0 $0x108  }
0x21: {  	s3 =	sadd.s32 s3, s9;
	s6 =	sadd.s32 @!p0 $0x88, s6;
	s7 =	simm.s32 @p2 $0x1082  }
0x22: {  	[simem:s7], [sflag:s8] =	dma.local @!p0 [hbm:s6], $0xF7A  }
0x23: {  	s9 =	sor.u32 $0xD0000000, s2;
	s6 =	simm.s32 $0x108;
	_ =	swait.ge @!p0 [sflag:s8], $0x0  }
0x24: {  	s3 =	sadd.s32 $0x88, s3;
	s6 =	simm.s32 @!p1 $0x1082;
	[sflag:s4] =	ssyncset.s32 $0xFFFFF086  }
0x25: {  	[simem:s6], [sflag:s4] =	dma.local [hbm:s3], $0xF7A  }
0x26: {  	[smem:$0x3F9B] =	sst s1;
	(tag) =	ssettag s2;
	_ =	strace s9  }
0x27: {  	s1 =	sld [smem:$0x3FAB]  }
0x28: {  	s2 =	sld [smem:$0x3FAC]  }
0x29: {  	s4 =	sld [smem:$0x3FAE]  }
0x2a: {  	p0 =	seq.s32 s5, $0x0;
	s5 =	sld [smem:$0x3FAF]  }
0x2b: {  	s6 =	sld [smem:$0x3FB0]  }
0x2c: {  	s7 =	sld [smem:$0x3FB1]  }
0x2d: {  	s3 =	simm.s32 $0x108;
	s8 =	sld [smem:$0x3FB2]  }
0x2e: {  	s3 =	simm.s32 @!p0 $0x1082;
	s9 =	sld [smem:$0x3FB3]  }
0x2f: {  	lr =	sadd.s32 s0, s3;
	s0 =	sld [smem:$0x3FAA]  }
0x30: {  	s3 =	sld [smem:$0x3FAD]  }
0x31: {  	[smem:$0x3FB6] =	sst s10  }
0x32: {  	s10 =	sld [smem:$0x3FB4];
	_ =	sdelay $0x3  }
0x33: {  	p0 =	seq.s32 s10, $0x1;
	s10 =	sld [smem:$0x3FB6];
	_ =	sdelay $0x3  }
0x34: {  	[smem:$0x3FB6] =	sst s10  }
0x35: {  	s10 =	sld [smem:$0x3FB5];
	_ =	sdelay $0x3  }
0x36: {  	p1 =	seq.s32 s10, $0x1;
	s10 =	sld [smem:$0x3FB6];
	_ =	sdelay $0x3  }
0x37: {  	[smem:$0x3FB6] =	sst s10  }
0x38: {  	s10 =	sld [smem:$0x3FB7]  }
0x39: {  	_ = 	snop;
	(pc) =	sbr.ind lr, $3  }
0x3a: {  	_ = 	snop  }
0x3b: {  	_ = 	snop  }
0x3c: {  	p2 =	seq.s32 s10, $0x1;
	s10 =	sld [smem:$0x3FB6]  }
0x3d: {  	_ =	shalt  }
0x3e: {  	_ =	shalt  }
0x3f: {  	_ =	shalt  }
0x40: {  	_ =	shalt  }
0x41: {  	_ =	shalt  }
0x42: {  	_ =	shalt  }
0x43: {  	_ =	shalt  }
0x44: {  	_ =	shalt  }
0x45: {  	_ =	shalt  }
0x46: {  	_ =	shalt  }
0x47: {  	_ =	shalt  }
0x48: {  	_ =	shalt  }
0x49: {  	_ =	shalt  }
0x4a: {  	_ =	shalt  }
0x4b: {  	_ =	shalt  }
0x4c: {  	_ =	shalt  }
0x4d: {  	_ =	shalt  }
0x4e: {  	_ =	shalt  }
0x4f: {  	_ =	shalt  }
0x50: {  	_ =	shalt  }
0x51: {  	_ =	shalt  }
0x52: {  	_ =	shalt  }
0x53: {  	_ =	shalt  }
0x54: {  	_ =	shalt  }
0x55: {  	_ =	shalt  }
0x56: {  	_ =	shalt  }
0x57: {  	_ =	shalt  }
0x58: {  	_ =	shalt  }
0x59: {  	_ =	shalt  }
0x5a: {  	_ =	shalt  }
0x5b: {  	_ =	shalt  }
0x5c: {  	_ =	shalt  }
0x5d: {  	_ =	shalt  }
0x5e: {  	_ =	shalt  }
0x5f: {  	_ =	shalt  }
0x60: {  	_ =	shalt  }
0x61: {  	_ =	shalt  }
0x62: {  	_ =	shalt  }
0x63: {  	_ =	shalt  }
0x64: {  	_ =	shalt  }
0x65: {  	_ =	shalt  }
0x66: {  	_ =	shalt  }
0x67: {  	_ =	shalt  }
0x68: {  	_ =	shalt  }
0x69: {  	_ =	shalt  }
0x6a: {  	_ =	shalt  }
0x6b: {  	_ =	shalt  }
0x6c: {  	_ =	shalt  }
0x6d: {  	_ =	shalt  }
0x6e: {  	_ =	shalt  }
0x6f: {  	_ =	shalt  }
0x70: {  	_ =	shalt  }
0x71: {  	_ =	shalt  }
0x72: {  	_ =	shalt  }
0x73: {  	_ =	shalt  }
0x74: {  	_ =	shalt  }
0x75: {  	_ =	shalt  }
0x76: {  	_ =	shalt  }
0x77: {  	_ =	shalt  }
0x78: {  	_ =	shalt  }
0x79: {  	_ =	shalt  }
0x7a: {  	_ =	shalt  }
0x7b: {  	_ =	shalt  }
0x7c: {  	_ =	shalt  }
0x7d: {  	_ =	shalt  }
0x7e: {  	_ =	shalt  }
0x7f: {  	_ =	shalt  }
0x80: {  	_ =	shalt  }
0x81: {  	_ =	shalt  }
0x82: {  	_ =	shalt  }
0x83: {  	_ =	shalt  }
0x84: {  	_ =	shalt  }
0x85: {  	_ =	shalt  }
0x86: {  	_ =	shalt  }
0x87: {  	_ =	shalt  }
.Lfunc_end0:
.L_simem_size_0:
called_computation.4_lowered:
.L_overlay_start_0:
0x88: {  	s2 =	sld [smem:$0x3FD9]  }
0x89: {  	s3 =	sld [smem:$0x3FFE];
	_ =	sdelay $0x1  }
0x8a: {  	s1 =	srdreg.scid  }
0x8b: {  	s0 =	sand.u32 $0x1, s1  }
0x8c: {  	s17 =	sshll.u32 s0, $0xA;
	s2 =	sadd.s32 s3, s2  }
0x8d: {  	s2 =	sadd.s32 s2, s17  }
0x8e: {  	[smem:$0x3FC2] =	sst s2  }
0x8f: {  	_ = 	snop  }
0x90: {  	s2 =	sld [smem:$0x3FD0];
	(tm) =	ssettm $0x1  }
0x91: {  	s18 =	sld [smem:$0x3FFB];
	_ =	sdelay $0x3  }
0x92: {  	_ =	strace s18  }
0x93: {  	s3 =	sld [smem:$0x3FFC];
	_ =	sdelay $0x3  }
0x94: {  	_ =	strace s3  }
0x95: {  	s3 =	sld [smem:$0x3FFD];
	_ =	sdelay $0x3  }
0x96: {  	_ =	strace s3  }
0x97: {  	_ =	strace $0x8FFFFFFF  }
0x98: {  	s19 =	sld [smem:$0x3FDB];
	_ =	sdelay $0x1  }
0x99: {  	s4 =	simm.s32 $_scs_section_size  }
0x9a: {  	s5 =	simm.s32 $_size__tile_overlayer_lowered;
	s6 =	simm.s32 $_tile_overlayer_lowered  }
0x9b: {  	s22 =	simm.s32 $0x1BFF;
	s21 =	sshll.u32 s6, $0x1;
	s3 =	sadd.s32 s4, s19  }
0x9c: {  	s7 =	simm.s32 $0x0;
	s20 =	sshll.u32 s5, $0x1;
	s5 =	sadd.s32 s21, s3  }
0x9d: {  	[timem:s7], [sflag:s22] =	dma.local [hbm:s5], s20  }
0x9e: {  	_ =	swait.ge [sflag:s22], s20  }
0x9f: {  	s4 =	ssub.s32 $0x0, s20;
	[sflag:s22] =	ssyncset.done $0x0  }
0xa0: {  	[sflag:s22] =	ssyncadd.s32 s4;
	_ =	sdelay $0x1  }
0xa1: {  	s23 =	simm.s32 $0x1B8B  }
0xa2: {  	_ =	swait.ge [sflag:s23], $0x1  }
0xa3: {  	[sflag:s23] =	ssyncset.done $0x0  }
0xa4: {  	s25 =	simm.s32 $0x1B8E;
	s24 =	sld [smem:$0x3FFE];
	[sflag:s23] =	ssyncadd.s32 $0xFFFFFFFF  }
0xa5: {  	s26 =	simm.s32 $execute0_lowered;
	[smem:$0x3FD2] =	sst s25  }
0xa6: {  	s5 =	sshll.u32 s26, $0x1;
	_ =	strace $0x80000052;
	[dreg:$0x1] =	wrdreg $0xFFFFFFFF  }
0xa7: {  	s28 =	simm.s32 $_size_execute0_lowered;
	s3 =	sadd.s32 s3, s5;
	[dreg:$0x0] =	wrdreg $0x0  }
0xa8: {  	s5 =	sshll.u32 s28, $0x1;
	[dreg:$0x2] =	wrdreg s3  }
0xa9: {  	[dreg:$0x3] =	wrdreg s5  }
0xaa: {  	[dreg:$0x4] =	wrdreg $0xC0  }
0xab: {  	_ =	task [dreg:s7], $0x5FFFF  }
0xac: {  	[dreg:$0x1] =	wrdreg $0xFFFFFFFF  }
0xad: {  	[dreg:$0x0] =	wrdreg $0x60  }
0xae: {  	[dreg:$0x2] =	wrdreg s24  }
0xaf: {  	[dreg:$0x3] =	wrdreg s2  }
0xb0: {  	[dreg:$0x4] =	wrdreg $0x120000  }
0xb1: {  	[dreg:$0x5] =	wrdreg $0x9  }
0xb2: {  	_ =	task.clear_ibuf [dreg:s7], $0x6FFFF;
	_ =	strace $0x90000052  }
0xb3: {  	s29 =	simm.s32 $0x9;
	_ =	strace $0x80000054  }
0xb4: {  	_ =	swait.ge [sflag:s29], $0x1  }
0xb5: {  	[sflag:s29] =	ssyncadd.s32 $0xFFFFFFFF  }
0xb6: {  	_ =	strace $0x90000054  }
0xb7: {  	_ =	sfence  }
0xb8: {  	s30 =	sld [smem:$0x0];
	_ =	sdelay $0x2  }
0xb9: {  	s31 =	sshll.u32 s1, $0xD;
	s1 =	sshrl.u32 s1, $0x2  }
0xba: {  	s3 =	sand.u32 $0x4000, s31;
	s1 =	sadd.s32 s1, s30  }
0xbb: {  	s0 =	sor.u32 s3, s0;
	s1 =	sshll.u32 s1, $0x11  }
0xbc: {  	s0 =	sor.u32 s1, s0  }
0xbd: {  	s0 =	sadd.s32 $0x8F2B, s0  }
0xbe: {  	[sflag:s0] =	ssyncadd.remote.s32 $0x1  }
0xbf: {  	_ =	sfence.sel $0xFFFF  }
0xc0: {  	[dreg:$0x0] =	wrdreg $0xFFFFFFFF;
	(pc) =	sbr.abs _section_cstart, $3  }
0xc1: {  	[dreg:$0x1] =	wrdreg $0xFFFFFFFF  }
0xc2: {  	_ =	task.clear_ibuf [dreg:s7], $0x2FFFF;
	_ =	strace $0x9FFFFFFF  }
0xc3: {  	(tm) =	ssettm $0x7FFFFFFF  }
tec
execute0_lowered:
.L_overlay_start_1:
0x0: {  	(tag) =	ssettag $0x1  }
0x1: {  	s0 =	rddreg [dreg:$0x0]  }
0x2: {  	s5 =	rddreg [dreg:$0x1]  }
0x3: {  	s1 =	rddreg [dreg:$0x2];
	s2 =	srdreg.scid;
	s3 =	simm.s32 $0x0  }
0x4: {  	s25 =	stileid.u32;
	s14 =	simm.s32 $0x80;
	s15 =	simm.s32 $0xA000  }
0x5: {  	s16 =	simm.s32 $0xC000;
	s17 =	simm.s32 $0x100;
	s18 =	simm.s32 $0xE000  }
0x6: {  	s19 =	simm.s32 $0x180;
	s20 =	simm.s32 $0x10000;
	s21 =	simm.s32 $0x1  }
0x7: {  	s22 =	simm.s32 $0x2;
	s23 =	simm.s32 $0x3;
	s24 =	simm.s32 $0x4  }
0x8: {  	s28 =	simm.s32 $0x9F00;
	s29 =	simm.s32 $0x9F80;
	s30 =	simm.s32 $0x0  }
0x9: {  	s4 =	sand.u32 $0x1, s2;
	[smem:$0x7FF] =	sst s3;
	s7 =	smul.u32 $0x9E00, s25  }
0xa: {  	s9 =	smul.u32 $0xA00, s25;
	s31 =	sshll.u32 s25, $0x6;
	s25 =	simm.s32 $0x9E00  }
0xb: {  	s6 =	smul.u32 $0x9E000, s4;
	_ =	strace $0x80000053;
	s4 =	ssub.s32 $0x2, s4  }
0xc: {  	s10 =	sadd.s32 s9, s0;
	s26 =	sshrl.u32 s4, $0x1;
	s5 =	sadd.s32 s5, s9  }
0xd: {  	s13 =	sadd.s32 s7, s1;
	s12 =	sshrl.u32 s7, $0x3;
	s9 =	simm.s32 $0x5  }
0xe: {  	s8 =	sshrl.u32 s6, $0x3;
	s6 =	sadd.s32 s7, s6;
	s11 =	ssub.s32 s4, s26  }
0xf: {  	s4 =	sadd.s32 $0x9800, s10;
	s10 =	simm.s32 $0x5000;
	s13 =	sshrl.u32 s13, $0x3  }
0x10: {  	s26 =	simm.s32 $0x9E80;
	s8 =	sadd.s32 s8, s0;
	s6 =	sshrl.u32 s6, $0x3  }
0x11: {  	s0 =	sadd.s32 s6, s0;
	s6 =	sadd.s32 $0x13800, s8;
	s8 =	smax.u32 s11, $0x1  }
0x12: {  	s7 =	sadd.s32 $0x3B000, s0;
	s11 =	sadd.s32 s12, s6;
	s12 =	sor.u32 $0x1C05, s31  }
.LBB2_1:
0x13: {  	[tilespmem:s3], [sflag:$0x5] =	stream.linear.gather [hbm4b:s4+s3], $0x5000, $0x38;
	[tilespmem:$0x1BE00] =	vst v63  }
0x14: {  	_ =	swait.ge [sflag:s9], $0x5000  }
0x15: {  	[sflag:s9] =	ssyncset.done $0x0  }
0x16: {  	[sflag:s9] =	ssyncadd.s32 $0xFFFFB000  }
0x17: {  	[tilespmem:s10], [sflag:$0x5] =	stream.linear.gather [hbm4b:s5+s3], $0x5000, $0x38;
	[tilespmem:$0x1BE00] =	vst v63  }
0x18: {  	_ =	swait.ge [sflag:s9], $0x5000  }
0x19: {  	[sflag:s9] =	ssyncset.done $0x0  }
0x1a: {  	[sflag:s9] =	ssyncadd.s32 $0xFFFFB000  }
0x1b: {  	[spmem:s13], [sflag:s12] =	dma.local [hbm:s11], $0x13C0  }
0x1c: {  	_ =	swait.ge [sflag:s9], $0x13C0  }
0x1d: {  	[sflag:s9] =	ssyncset.done $0x0  }
0x1e: {  	[sflag:s9] =	ssyncadd.s32 $0xFFFFEC40  }
0x1f: {  	[bflag:$0x0] =	sbarrier.arrive $0xFFFF  }
0x20: {  	[tilespmem:s15], [sflag:$0x1] =	stream.indirect.gather [hbm4b:s6+s14], $0x40, s3, s14, $0xb8;
	[tilespmem:$0x1BE00] =	vst v63  }
0x21: {  	_ = 	snop  }
0x22: {  	[tilespmem:s16], [sflag:$0x2] =	stream.indirect.gather [hbm4b:s6+s14], $0x40, s14, s14, $0xb8;
	[tilespmem:$0x1BE00] =	vst v63  }
0x23: {  	_ = 	snop  }
0x24: {  	[tilespmem:s18], [sflag:$0x3] =	stream.indirect.gather [hbm4b:s6+s14], $0x40, s17, s14, $0xb8;
	[tilespmem:$0x1BE00] =	vst v63  }
0x25: {  	_ = 	snop  }
0x26: {  	[tilespmem:s20], [sflag:$0x4] =	stream.indirect.gather [hbm4b:s6+s14], $0x40, s19, s14, $0xb8;
	[tilespmem:$0x1BE00] =	vst v63  }
0x27: {  	_ =	swait.ge [sflag:s21], $0x2000  }
0x28: {  	[sflag:s21] =	ssyncset.done $0x0  }
0x29: {  	s0 =	simm.s32 $0x5000;
	[sflag:s21] =	ssyncadd.s32 $0xFFFFE000  }
0x2a: {  	[spmem:s1] =	stream.indirect.scatter.add.f32 [tilespmem:s15], [sflag:$0x5], $0x40, s0, s14, $0xb8;
	[tilespmem:$0x1BE00] =	vst v63  }
0x2b: {  	_ =	swait.ge [sflag:s9], $0x2000  }
0x2c: {  	[sflag:s9] =	ssyncset.done $0x0  }
0x2d: {  	s2 =	simm.s32 $0x200;
	[sflag:s9] =	ssyncadd.s32 $0xFFFFE000  }
0x2e: {  	[tilespmem:s15], [sflag:$0x1] =	stream.indirect.gather [hbm4b:s6+s14], $0x40, s2, s14, $0xb8;
	[tilespmem:$0x1BE00] =	vst v63  }
0x2f: {  	_ =	swait.ge [sflag:s22], $0x2000  }
0x30: {  	[sflag:s22] =	ssyncset.done $0x0  }
0x31: {  	s2 =	simm.s32 $0x5080;
	[sflag:s22] =	ssyncadd.s32 $0xFFFFE000  }
0x32: {  	[spmem:s1] =	stream.indirect.scatter.add.f32 [tilespmem:s16], [sflag:$0x5], $0x40, s2, s14, $0xb8;
	[tilespmem:$0x1BE00] =	vst v63  }
0x33: {  	_ =	swait.ge [sflag:s9], $0x2000  }
0x34: {  	[sflag:s9] =	ssyncset.done $0x0  }
0x35: {  	s2 =	simm.s32 $0x280;
	[sflag:s9] =	ssyncadd.s32 $0xFFFFE000  }
0x36: {  	[tilespmem:s16], [sflag:$0x2] =	stream.indirect.gather [hbm4b:s6+s14], $0x40, s2, s14, $0xb8;
	[tilespmem:$0x1BE00] =	vst v63  }
0x37: {  	_ =	swait.ge [sflag:s23], $0x2000  }
0x38: {  	[sflag:s23] =	ssyncset.done $0x0  }
0x39: {  	s2 =	simm.s32 $0x5100;
	[sflag:s23] =	ssyncadd.s32 $0xFFFFE000  }
0x3a: {  	[spmem:s1] =	stream.indirect.scatter.add.f32 [tilespmem:s18], [sflag:$0x5], $0x40, s2, s14, $0xb8;
	[tilespmem:$0x1BE00] =	vst v63  }
0x3b: {  	_ =	swait.ge [sflag:s9], $0x2000  }
0x3c: {  	[sflag:s9] =	ssyncset.done $0x0  }
0x3d: {  	s2 =	simm.s32 $0x300;
	[sflag:s9] =	ssyncadd.s32 $0xFFFFE000  }
0x3e: {  	[tilespmem:s18], [sflag:$0x3] =	stream.indirect.gather [hbm4b:s6+s14], $0x40, s2, s14, $0xb8;
	[tilespmem:$0x1BE00] =	vst v63  }
0x3f: {  	_ =	swait.ge [sflag:s24], $0x2000  }
0x40: {  	[sflag:s24] =	ssyncset.done $0x0  }
0x41: {  	s2 =	simm.s32 $0x5180;
	[sflag:s24] =	ssyncadd.s32 $0xFFFFE000  }
0x42: {  	[spmem:s1] =	stream.indirect.scatter.add.f32 [tilespmem:s20], [sflag:$0x5], $0x40, s2, s14, $0xb8;
	[tilespmem:$0x1BE00] =	vst v63  }
0x43: {  	_ =	swait.ge [sflag:s9], $0x2000  }
0x44: {  	[sflag:s9] =	ssyncset.done $0x0  }
0x45: {  	s31 =	simm.s32 $0x800;
	s0 =	simm.s32 $0x380;
	[sflag:s9] =	ssyncadd.s32 $0xFFFFE000  }
.LBB2_2:
0x46: {  	[tilespmem:s20], [sflag:$0x4] =	stream.indirect.gather [hbm4b:s6+s14], $0x40, s0, s14, $0xb8;
	[tilespmem:$0x1BE00] =	vst v63  }
0x47: {  	s0 =	smov.u32 s31  }
0x48: {  	p0 =	sne.s32 s31, $0x13000;
	s31 =	sadd.s32 $0x800, s31;
	_ =	swait.ge [sflag:s21], $0x2000  }
0x49: {  	s0 =	sshra.s32 s0, $0x2;
	[sflag:s21] =	ssyncset.done $0x0  }
0x4a: {  	s2 =	sadd.s32 $0x5000, s0;
	[sflag:s21] =	ssyncadd.s32 $0xFFFFE000  }
0x4b: {  	[spmem:s1] =	stream.indirect.scatter.add.f32 [tilespmem:s15], [sflag:$0x5], $0x40, s2, s14, $0xb8;
	[tilespmem:$0x1BE00] =	vst v63  }
0x4c: {  	_ =	swait.ge [sflag:s9], $0x2000  }
0x4d: {  	[sflag:s9] =	ssyncset.done $0x0  }
0x4e: {  	s2 =	sadd.s32 $0x200, s0;
	[sflag:s9] =	ssyncadd.s32 $0xFFFFE000  }
0x4f: {  	[tilespmem:s15], [sflag:$0x1] =	stream.indirect.gather [hbm4b:s6+s14], $0x40, s2, s14, $0xb8;
	[tilespmem:$0x1BE00] =	vst v63  }
0x50: {  	_ =	swait.ge [sflag:s22], $0x2000  }
0x51: {  	[sflag:s22] =	ssyncset.done $0x0  }
0x52: {  	s2 =	sadd.s32 $0x5080, s0;
	[sflag:s22] =	ssyncadd.s32 $0xFFFFE000  }
0x53: {  	[spmem:s1] =	stream.indirect.scatter.add.f32 [tilespmem:s16], [sflag:$0x5], $0x40, s2, s14, $0xb8;
	[tilespmem:$0x1BE00] =	vst v63  }
0x54: {  	_ =	swait.ge [sflag:s9], $0x2000  }
0x55: {  	[sflag:s9] =	ssyncset.done $0x0  }
0x56: {  	s2 =	sadd.s32 $0x280, s0;
	[sflag:s9] =	ssyncadd.s32 $0xFFFFE000  }
0x57: {  	[tilespmem:s16], [sflag:$0x2] =	stream.indirect.gather [hbm4b:s6+s14], $0x40, s2, s14, $0xb8;
	[tilespmem:$0x1BE00] =	vst v63  }
0x58: {  	_ =	swait.ge [sflag:s23], $0x2000  }
0x59: {  	[sflag:s23] =	ssyncset.done $0x0  }
0x5a: {  	s2 =	sadd.s32 $0x5100, s0;
	[sflag:s23] =	ssyncadd.s32 $0xFFFFE000  }
0x5b: {  	[spmem:s1] =	stream.indirect.scatter.add.f32 [tilespmem:s18], [sflag:$0x5], $0x40, s2, s14, $0xb8;
	[tilespmem:$0x1BE00] =	vst v63  }
0x5c: {  	_ =	swait.ge [sflag:s9], $0x2000  }
0x5d: {  	[sflag:s9] =	ssyncset.done $0x0  }
0x5e: {  	s2 =	sadd.s32 $0x300, s0;
	[sflag:s9] =	ssyncadd.s32 $0xFFFFE000  }
0x5f: {  	[tilespmem:s18], [sflag:$0x3] =	stream.indirect.gather [hbm4b:s6+s14], $0x40, s2, s14, $0xb8;
	[tilespmem:$0x1BE00] =	vst v63  }
0x60: {  	_ =	swait.ge [sflag:s24], $0x2000  }
0x61: {  	[sflag:s24] =	ssyncset.done $0x0  }
.Ltmp0:
0x62: {  	s2 =	sadd.s32 $0x5180, s0;
	[sflag:s24] =	ssyncadd.s32 $0xFFFFE000;
	(pc) =	sbr.rel @p0 .LBB2_2-.Ltmp0, $4  }
0x63: {  	[spmem:s1] =	stream.indirect.scatter.add.f32 [tilespmem:s20], [sflag:$0x5], $0x40, s2, s14, $0xb8;
	[tilespmem:$0x1BE00] =	vst v63  }
0x64: {  	_ =	swait.ge [sflag:s9], $0x2000  }
0x65: {  	[sflag:s9] =	ssyncset.done $0x0  }
0x66: {  	s0 =	sadd.s32 $0x380, s0;
	[sflag:s9] =	ssyncadd.s32 $0xFFFFE000  }
0x67: {  	[tilespmem:s20], [sflag:$0x4] =	stream.indirect.gather [hbm4b:s6+s14], $0x40, s0, s14, $0xb8;
	[tilespmem:$0x1BE00] =	vst v63  }
0x68: {  	_ =	swait.ge [sflag:s21], $0x2000  }
0x69: {  	[sflag:s21] =	ssyncset.done $0x0  }
0x6a: {  	[sflag:s21] =	ssyncadd.s32 $0xFFFFE000  }
0x6b: {  	[spmem:s1] =	stream.indirect.scatter.add.f32 [tilespmem:s15], [sflag:$0x5], $0x40, s25, s14, $0xb8;
	[tilespmem:$0x1BE00] =	vst v63  }
0x6c: {  	_ =	swait.ge [sflag:s9], $0x2000  }
0x6d: {  	[sflag:s9] =	ssyncset.done $0x0  }
0x6e: {  	[sflag:s9] =	ssyncadd.s32 $0xFFFFE000  }
0x6f: {  	_ =	swait.ge [sflag:s22], $0x2000  }
0x70: {  	[sflag:s22] =	ssyncset.done $0x0  }
0x71: {  	[sflag:s22] =	ssyncadd.s32 $0xFFFFE000  }
0x72: {  	[spmem:s1] =	stream.indirect.scatter.add.f32 [tilespmem:s16], [sflag:$0x5], $0x40, s26, s14, $0xb8;
	[tilespmem:$0x1BE00] =	vst v63  }
0x73: {  	_ =	swait.ge [sflag:s9], $0x2000  }
0x74: {  	[sflag:s9] =	ssyncset.done $0x0  }
0x75: {  	[sflag:s9] =	ssyncadd.s32 $0xFFFFE000  }
0x76: {  	_ =	swait.ge [sflag:s23], $0x2000  }
0x77: {  	[sflag:s23] =	ssyncset.done $0x0  }
0x78: {  	[sflag:s23] =	ssyncadd.s32 $0xFFFFE000  }
0x79: {  	[spmem:s1] =	stream.indirect.scatter.add.f32 [tilespmem:s18], [sflag:$0x5], $0x40, s28, s14, $0xb8;
	[tilespmem:$0x1BE00] =	vst v63  }
0x7a: {  	_ =	swait.ge [sflag:s9], $0x2000  }
0x7b: {  	[sflag:s9] =	ssyncset.done $0x0  }
0x7c: {  	[sflag:s9] =	ssyncadd.s32 $0xFFFFE000  }
0x7d: {  	_ =	swait.ge [sflag:s24], $0x2000  }
0x7e: {  	[sflag:s24] =	ssyncset.done $0x0  }
0x7f: {  	[sflag:s24] =	ssyncadd.s32 $0xFFFFE000  }
0x80: {  	[spmem:s1] =	stream.indirect.scatter.add.f32 [tilespmem:s20], [sflag:$0x5], $0x40, s29, s14, $0xb8;
	[tilespmem:$0x1BE00] =	vst v63  }
0x81: {  	_ =	swait.ge [sflag:s9], $0x2000  }
0x82: {  	s30 =	sadd.s32 $0x1, s30;
	[sflag:s9] =	ssyncset.done $0x0  }
0x83: {  	p0 =	sne.s32 s30, s8;
	[sflag:s9] =	ssyncadd.s32 $0xFFFFE000  }
.Ltmp1:
0x84: {  	[bflag:$0x0] =	sbarrier.arrive $0xFFFF;
	(pc) =	sbr.rel @p0 .LBB2_1-.Ltmp1, $4  }
0x85: {  	[hbm:s7], [sflag:s12] =	dma.local [spmem:s13], $0x13C0  }
0x86: {  	_ =	swait.ge [sflag:s9], $0x13C0  }
0x87: {  	[sflag:s9] =	ssyncset.done $0x0  }
0x88: {  	[sflag:s9] =	ssyncadd.s32 $0xFFFFEC40  }
0x89: {  	_ =	sfence.sel $0x180000  }
0x8a: {  	[bflag:$0x0] =	sbarrier.arrive $0xFFFF  }
0x8b: {  	_ =	strace $0x90000053  }
0x8c: {  	s0 =	stileid.u32;
	[bflag:$0x2] =	sbarrier.arrive $0xFFFF  }
0x8d: {  	p0 =	sne.s32 s0, $0x0;
	s0 =	rddreg [dreg:$0x3]  }
0x8e: {  	s0 =	sadd.s32 @!p0 $0x100000, s0  }
0x8f: {  	[sflag:s0] =	ssyncadd.tile.s32 @!p0 $0x1;
	_ =	shalt  }
.Lfunc_end2:
_tile_overlayer_lowered:
.L_overlay_start_2:
0x90: {  	(tag) =	ssettag $0x2  }
0x91: {  	s0 =	rddreg [dreg:$0x0];
	s2 =	stileid.u32  }
0x92: {  	s1 =	rddreg [dreg:$0x1];
	p0 =	sne.s32 s2, $0x0  }
0x93: {  	s3 =	rddreg [dreg:$0x2];
	[bflag:$0x3] =	sbarrier.arrive $0xFFFF;
	s2 =	simm.s32 @!p0 $0x1C05  }
0x94: {  	[timem:s3], [sflag:s2] =	dma.local @!p0 [hbm:s0], s1  }
0x95: {  	s0 =	simm.s32 @!p0 $0x5  }
0x96: {  	_ =	swait.ge @!p0 [sflag:s0], s1  }
0x97: {  	s1 =	ssub.s32 @!p0 $0x0, s1;
	[sflag:s0] =	ssyncset.done @!p0 $0x0  }
0x98: {  	[sflag:s0] =	ssyncadd.s32 @!p0 s1  }
0x99: {  	[bflag:$0x3] =	sbarrier.arrive $0xFFFF  }
0x9a: {  	_ =	shalt  }

</sc_bundles>
